<compile_context>
chip_gen: v7x
topology: tpu7x:2x2x1
jax: 0.10.2.dev20260603
libtpu: 0.0.44.dev20260713+nightly
codegen_flags: <defaults>
</compile_context>

<pallas_src>
import functools

import jax
import jax.numpy as jnp
from jax import lax
from jax.experimental import pallas as pl
from jax.experimental.pallas import tpu as pltpu
from jax.experimental.pallas import tpu_sc as plsc

NC = 2
NS = 16
NW = NC * NS
CH = 128
LANES = 16
BN = 1000


def _edge_lin_body(ea, we1, be1, we2, be2, ef1, ef2):
    a = ea[...]
    ef1[...] = jnp.dot(a, we1[...], preferred_element_type=jnp.float32) + be1[...]
    ef2[...] = jnp.dot(a, we2[...], preferred_element_type=jnp.float32) + be2[...]


def _edge_lin(ea_pad, We1, be1, We2, be2, BE):
    EP, DE = ea_pad.shape
    DF = We1.shape[1]
    H = We2.shape[1]
    return pl.pallas_call(
        _edge_lin_body,
        grid=(EP // BE,),
        in_specs=[
            pl.BlockSpec((BE, DE), lambda i: (i, 0)),
            pl.BlockSpec((DE, DF), lambda i: (0, 0)),
            pl.BlockSpec((1, DF), lambda i: (0, 0)),
            pl.BlockSpec((DE, H), lambda i: (0, 0)),
            pl.BlockSpec((1, H), lambda i: (0, 0)),
        ],
        out_specs=[
            pl.BlockSpec((BE, DF), lambda i: (i, 0)),
            pl.BlockSpec((BE, H), lambda i: (i, 0)),
        ],
        out_shape=[
            jax.ShapeDtypeStruct((EP, DF), jnp.float32),
            jax.ShapeDtypeStruct((EP, H), jnp.float32),
        ],
    )(ea_pad, We1, be1.reshape(1, -1), We2, be2.reshape(1, -1))


def _sc_conv(x, srcw, dstw, efw, zrows, NP):
    D = x.shape[1]
    CPW, CHB = srcw.shape[1], srcw.shape[2]
    stripe = NP // NS
    mesh = plsc.VectorSubcoreMesh(core_axis_name="c", subcore_axis_name="s",
                                  num_cores=NC, num_subcores=NS)

    @functools.partial(
        pl.kernel,
        out_type=jax.ShapeDtypeStruct((NC, NP, D), jnp.float32),
        mesh=mesh,
        compiler_params=pltpu.CompilerParams(use_tc_tiling_on_sc=False),
        scratch_types=[
            pltpu.VMEM((CPW, CHB), jnp.int32),
            pltpu.VMEM((CHB,), jnp.int32),
            pltpu.VMEM((CHB,), jnp.int32),
            pltpu.VMEM((CHB, D), jnp.float32),
            pltpu.VMEM((CHB, D), jnp.float32),
            pltpu.VMEM((CHB, D), jnp.float32),
            pltpu.VMEM((CHB, D), jnp.float32),
            pltpu.VMEM_SHARED((NP, D), jnp.float32),
            pltpu.SemaphoreType.DMA,
            pltpu.SemaphoreType.DMA,
            pltpu.SemaphoreType.DMA,
            pltpu.SemaphoreType.DMA,
            pltpu.SemaphoreType.DMA,
            pltpu.SemaphoreType.DMA,
        ],
    )
    def conv(x_hbm, src_hbm, dst_hbm, ef_hbm, z_hbm, out_hbm,
             src_all, dstb0, dstb1, rows0, rows1, ef0, ef1, acc,
             semr0, semr1, seme0, seme1, semd0, semd1):
        c = lax.axis_index("c")
        s = lax.axis_index("s")
        wid = c * NS + s
        zvec = jnp.zeros((LANES,), jnp.float32)
        rows = (rows0, rows1)
        efs = (ef0, ef1)
        dsts = (dstb0, dstb1)
        semr = (semr0, semr1)
        seme = (seme0, seme1)
        semd = (semd0, semd1)

        pltpu.sync_copy(src_hbm.at[wid], src_all)
        pltpu.sync_copy(z_hbm, acc.at[pl.ds(s * stripe, stripe)])
        plsc.subcore_barrier()

        ABL_EF = False

        def issue(j, b):
            pltpu.async_copy(x_hbm.at[src_all.at[j]], rows[b], semr[b])
            if not ABL_EF:
                pltpu.async_copy(ef_hbm.at[wid, j], efs[b], seme[b])
            pltpu.async_copy(dst_hbm.at[wid, j], dsts[b], semd[b])

        def wait(j, b):
            pltpu.make_async_copy(x_hbm.at[src_all.at[j]], rows[b], semr[b]).wait()
            if not ABL_EF:
                pltpu.make_async_copy(ef_hbm.at[wid, j], efs[b], seme[b]).wait()
            pltpu.make_async_copy(dst_hbm.at[wid, j], dsts[b], semd[b]).wait()

        def process(b):
            rv, ev = rows[b], efs[b]

            @pl.loop(0, CHB, unroll=4)
            def _edge(r):
                for k in range(D // LANES):
                    sl = pl.ds(k * LANES, LANES)
                    rv[r, sl] = jnp.maximum(rv[r, sl] + ev[r, sl], zvec)

            pltpu.sync_copy(rv, acc.at[dsts[b]], add=True)

        NPAIRS = CPW // 2
        issue(0, 0)

        @pl.loop(0, NPAIRS)
        def _pair(p):
            j0 = 2 * p
            issue(j0 + 1, 1)
            wait(j0, 0)
            process(0)

            @pl.when(p + 1 < NPAIRS)
            def _():
                issue(j0 + 2, 0)

            wait(j0 + 1, 1)
            process(1)

        plsc.subcore_barrier()
        pltpu.sync_copy(acc.at[pl.ds(s * stripe, stripe)],
                        out_hbm.at[c, pl.ds(s * stripe, stripe)])

    return conv(x, srcw, dstw, efw, zrows)


def _relu(v):
    return jnp.maximum(v, 0.0)


def _mlp1_body(x, a0, a1, wa, ba, wb, bb, out):
    m = x[...] + a0[...] + a1[...]
    t = _relu(jnp.dot(m, wa[...], preferred_element_type=jnp.float32) + ba[...])
    out[...] = _relu(jnp.dot(t, wb[...], preferred_element_type=jnp.float32) + bb[...])


def _node_mlp1(x, a0, a1, W1a, b1a, W1b, b1b):
    n_nodes, DF = x.shape
    H = W1a.shape[1]
    return pl.pallas_call(
        _mlp1_body,
        grid=(n_nodes // BN,),
        in_specs=[
            pl.BlockSpec((BN, DF), lambda i: (i, 0)),
            pl.BlockSpec((BN, DF), lambda i: (i, 0)),
            pl.BlockSpec((BN, DF), lambda i: (i, 0)),
            pl.BlockSpec((DF, H), lambda i: (0, 0)),
            pl.BlockSpec((1, H), lambda i: (0, 0)),
            pl.BlockSpec((H, H), lambda i: (0, 0)),
            pl.BlockSpec((1, H), lambda i: (0, 0)),
        ],
        out_specs=pl.BlockSpec((BN, H), lambda i: (i, 0)),
        out_shape=jax.ShapeDtypeStruct((n_nodes, H), jnp.float32),
    )(x, a0, a1, W1a, b1a.reshape(1, -1), W1b, b1b.reshape(1, -1))


def _mlp2_body(G, h, a0, a1, w2a, b2a, w2b, b2b, wr1, br1, wr2, br2, batch,
               pi_out, pooled_out, acc):
    m = h[...] + a0[...] + a1[...]
    t = _relu(jnp.dot(m, w2a[...], preferred_element_type=jnp.float32) + b2a[...])
    t = _relu(jnp.dot(t, w2b[...], preferred_element_type=jnp.float32) + b2b[...])
    r = _relu(jnp.dot(t, wr1[...], preferred_element_type=jnp.float32) + br1[...])
    z = jnp.dot(r, wr2[...], preferred_element_type=jnp.float32) + br2[...]
    pi = jax.nn.sigmoid(z[:, 0])
    pi_out[0, 0, :] = pi
    b = batch[0, 0, :]
    onehot = (b[:, None] == lax.broadcasted_iota(jnp.int32, (b.shape[0], G), 1))
    contrib = jnp.sum(jnp.where(onehot, pi[:, None], 0.0), axis=0)

    @pl.when(pl.program_id(0) == 0)
    def _():
        acc[...] = jnp.zeros_like(acc)

    acc[...] += contrib[None, :]
    pooled_out[...] = acc[...]


def _node_mlp2(h, a0, a1, W2a, b2a, W2b, b2b, Wr1, br1, Wr2, br2, batch3, G):
    n_nodes, H = h.shape
    HR = Wr1.shape[1]
    nb = n_nodes // BN
    return pl.pallas_call(
        functools.partial(_mlp2_body, G),
        grid=(nb,),
        in_specs=[
            pl.BlockSpec((BN, H), lambda i: (i, 0)),
            pl.BlockSpec((BN, H), lambda i: (i, 0)),
            pl.BlockSpec((BN, H), lambda i: (i, 0)),
            pl.BlockSpec((H, H), lambda i: (0, 0)),
            pl.BlockSpec((1, H), lambda i: (0, 0)),
            pl.BlockSpec((H, H), lambda i: (0, 0)),
            pl.BlockSpec((1, H), lambda i: (0, 0)),
            pl.BlockSpec((H, HR), lambda i: (0, 0)),
            pl.BlockSpec((1, HR), lambda i: (0, 0)),
            pl.BlockSpec((HR, 1), lambda i: (0, 0)),
            pl.BlockSpec((1, 1), lambda i: (0, 0)),
            pl.BlockSpec((1, 1, BN), lambda i: (i, 0, 0)),
        ],
        out_specs=[
            pl.BlockSpec((1, 1, BN), lambda i: (i, 0, 0)),
            pl.BlockSpec((1, G), lambda i: (0, 0)),
        ],
        out_shape=[
            jax.ShapeDtypeStruct((nb, 1, BN), jnp.float32),
            jax.ShapeDtypeStruct((1, G), jnp.float32),
        ],
        scratch_shapes=[pltpu.VMEM((1, G), jnp.float32)],
    )(h, a0, a1, W2a, b2a.reshape(1, -1), W2b, b2b.reshape(1, -1),
      Wr1, br1.reshape(1, -1), Wr2, br2.reshape(1, -1), batch3)


def _final_body(G, pi, batch, btot, pooled, out):
    p = pi[0, 0, :]
    b = batch[0, 0, :]
    onehot = (b[:, None] == lax.broadcasted_iota(jnp.int32, (b.shape[0], G), 1))
    B_b = jnp.sum(jnp.where(onehot, btot[...], 0.0), axis=1)
    exp_b = jnp.sum(jnp.where(onehot, pooled[...], 0.0), axis=1)
    ratio = jnp.minimum(B_b / (exp_b + 1e-12), 1.0)
    out[0, 0, :] = p * ratio


def _finalize(pi3, batch3, B_total, pooled, G):
    nb = pi3.shape[0]
    return pl.pallas_call(
        functools.partial(_final_body, G),
        grid=(nb,),
        in_specs=[
            pl.BlockSpec((1, 1, BN), lambda i: (i, 0, 0)),
            pl.BlockSpec((1, 1, BN), lambda i: (i, 0, 0)),
            pl.BlockSpec((1, G), lambda i: (0, 0)),
            pl.BlockSpec((1, G), lambda i: (0, 0)),
        ],
        out_specs=pl.BlockSpec((1, 1, BN), lambda i: (i, 0, 0)),
        out_shape=jax.ShapeDtypeStruct((nb, 1, BN), jnp.float32),
    )(pi3, batch3, B_total.reshape(1, G), pooled)


def kernel(x, edge_index, edge_attr, batch, B_total,
           We1, be1, W1a, b1a, W1b, b1b,
           We2, be2, W2a, b2a, W2b, b2b,
           Wr1, br1, Wr2, br2):
    n_nodes, DF = x.shape
    E = edge_index.shape[1]
    DE = edge_attr.shape[1]
    H = W1a.shape[1]
    G = B_total.shape[0]

    CPW = -(-E // (NW * CH))
    CPW += CPW % 2
    EP = NW * CPW * CH
    NP = ((n_nodes + 1 + 127) // 128) * 128

    pad = EP - E
    src = jnp.concatenate([edge_index[0], jnp.zeros((pad,), jnp.int32)])
    dst = jnp.concatenate([edge_index[1],
                           jnp.full((pad,), n_nodes, jnp.int32)])
    ea_pad = jnp.concatenate(
        [edge_attr, jnp.zeros((pad, DE), jnp.float32)], axis=0)
    CH1, CH2 = 64, 128
    CPW1, CPW2 = EP // (NW * CH1), EP // (NW * CH2)
    srcw1 = src.reshape(NW, CPW1, CH1)
    dstw1 = dst.reshape(NW, CPW1, CH1)
    srcw2 = src.reshape(NW, CPW2, CH2)
    dstw2 = dst.reshape(NW, CPW2, CH2)

    ef1, ef2 = _edge_lin(ea_pad, We1, be1, We2, be2, BE=NW * CH)
    ef1w = ef1.reshape(NW, CPW1, CH1, DF)
    ef2w = ef2.reshape(NW, CPW2, CH2, H)

    z128 = jnp.zeros((NP // NS, DF), jnp.float32)
    z64 = jnp.zeros((NP // NS, H), jnp.float32)

    agg1 = _sc_conv(x, srcw1, dstw1, ef1w, z128, NP)
    h1 = _node_mlp1(x, agg1[0, :n_nodes], agg1[1, :n_nodes],
                    W1a, b1a, W1b, b1b)

    agg2 = _sc_conv(h1, srcw2, dstw2, ef2w, z64, NP)

    batch3 = batch.reshape(-1, 1, BN)
    pi3, pooled = _node_mlp2(h1, agg2[0, :n_nodes], agg2[1, :n_nodes],
                             W2a, b2a, W2b, b2b, Wr1, br1, Wr2, br2,
                             batch3, G)
    out3 = _finalize(pi3, batch3, B_total, pooled, G)
    return out3.reshape(n_nodes)

# --- scband reference (transcript-rebuilt; emitter-appended) ---
"""Pipeline reference for scband-gine-allocation-predictor-82609400971330 (READ-ONLY COPY).

The authoritative reference and input builder live on the scoring server;
editing this copy changes nothing except your own understanding.
"""

import jax, jax.numpy as jnp
import numpy as np

N = 10000
E = 320000
DF = 128
DE = 16
H = 64
G = 64

def _init(key, shape, fan_in):
    return jax.random.normal(key, shape, dtype=jnp.float32) * (1.0 / np.sqrt(fan_in))

def setup_inputs(seed: int = 0):
    key = jax.random.key(seed)
    ks = jax.random.split(key, 16)
    inp = {}
    inp["x"] = jax.random.normal(ks[0], (N, DF), dtype=jnp.float32)
    inp["edge_index"] = jax.random.randint(ks[1], (2, E), 0, N, dtype=jnp.int32)
    inp["edge_attr"] = jax.random.normal(ks[2], (E, DE), dtype=jnp.float32)
    inp["batch"] = jnp.sort(jax.random.randint(ks[3], (N,), 0, G, dtype=jnp.int32))
    inp["B_total"] = jax.random.uniform(ks[4], (G,), dtype=jnp.float32)
    # conv1: edge lin (DE->DF), nn = Linear(DF,H),ReLU,Linear(H,H),ReLU
    inp["We1"] = _init(ks[5], (DE, DF), DE); inp["be1"] = jnp.zeros((DF,), jnp.float32)
    inp["W1a"] = _init(ks[6], (DF, H), DF); inp["b1a"] = jnp.zeros((H,), jnp.float32)
    inp["W1b"] = _init(ks[7], (H, H), H); inp["b1b"] = jnp.zeros((H,), jnp.float32)
    # conv2: edge lin (DE->H), nn = Linear(H,H),ReLU,Linear(H,H),ReLU
    inp["We2"] = _init(ks[8], (DE, H), DE); inp["be2"] = jnp.zeros((H,), jnp.float32)
    inp["W2a"] = _init(ks[9], (H, H), H); inp["b2a"] = jnp.zeros((H,), jnp.float32)
    inp["W2b"] = _init(ks[10], (H, H), H); inp["b2b"] = jnp.zeros((H,), jnp.float32)
    # readout: Linear(H,H//2),ReLU,Linear(H//2,1),Sigmoid
    inp["Wr1"] = _init(ks[11], (H, H // 2), H); inp["br1"] = jnp.zeros((H // 2,), jnp.float32)
    inp["Wr2"] = _init(ks[12], (H // 2, 1), H // 2); inp["br2"] = jnp.zeros((1,), jnp.float32)
    return inp

def _gine_conv(x, src, dst, edge_attr, We, be, Wa, ba, Wb, bb):
    # GINEConv: out = nn((1+eps)*x + sum_j relu(x_j + lin_edge(e_ij))), eps=0
    ef = edge_attr @ We + be
    msg = jax.nn.relu(x[src] + ef)
    agg = jax.ops.segment_sum(msg, dst, num_segments=x.shape[0])
    h = x + agg
    h = jax.nn.relu(h @ Wa + ba)
    h = jax.nn.relu(h @ Wb + bb)
    return h

def reference(x, edge_index, edge_attr, batch, B_total, We1, be1, W1a, b1a, W1b, b1b, We2, be2, W2a, b2a, W2b, b2b, Wr1, br1, Wr2, br2):
    src = edge_index[0]
    dst = edge_index[1]
    h = _gine_conv(x, src, dst, edge_attr, We1, be1, W1a, b1a, W1b, b1b)
    h = _gine_conv(h, src, dst, edge_attr, We2, be2, W2a, b2a, W2b, b2b)
    r = jax.nn.relu(h @ Wr1 + br1)
    pi_raw = jax.nn.sigmoid(r @ Wr2 + br2)[:, 0]
    # c_cost defaults to ones -> node_expenses == pi_raw
    node_expenses = pi_raw
    total_expenses = jax.ops.segment_sum(node_expenses, batch, num_segments=G)
    B_b = B_total[batch]
    exp_b = total_expenses[batch]
    ratio = jnp.minimum(B_b / (exp_b + 1e-12), 1.0)
    return pi_raw * ratio

if __name__ == "__main__":
    import jax
    _d = setup_inputs()
    print(jax.jit(kernel)(*tuple(_d.values())))

</pallas_src>

<mosaic_0001>
#map = affine_map<(d0, d1) -> (0, 0)>
#map1 = affine_map<(d0, d1) -> (0, 0, 0)>
#map2 = affine_map<(d0, d1) -> (0, 0, 0, 0)>
module attributes {stable_mosaic.version = 14 : i64} {
  func.func @conv(%arg0: i32, %arg1: i32, %arg2: memref<10000x128xf32, #tpu.memory_space<hbm>>, %arg3: memref<32x160x64xi32, #tpu.memory_space<hbm>>, %arg4: memref<32x160x64xi32, #tpu.memory_space<hbm>>, %arg5: memref<32x160x64x128xf32, #tpu.memory_space<hbm>>, %arg6: memref<632x128xf32, #tpu.memory_space<hbm>>, %arg7: memref<2x10112x128xf32, #tpu.memory_space<hbm>>, %arg8: memref<160x64xi32, #tpu.memory_space<vmem>>, %arg9: memref<64xi32, #tpu.memory_space<vmem>>, %arg10: memref<64xi32, #tpu.memory_space<vmem>>, %arg11: memref<64x128xf32, #tpu.memory_space<vmem>>, %arg12: memref<64x128xf32, #tpu.memory_space<vmem>>, %arg13: memref<64x128xf32, #tpu.memory_space<vmem>>, %arg14: memref<64x128xf32, #tpu.memory_space<vmem>>, %arg15: memref<10112x128xf32, #tpu.memory_space<vmem_shared>>, %arg16: memref<!tpu.dma_semaphore, #tpu.memory_space<semaphore_mem>>, %arg17: memref<!tpu.dma_semaphore, #tpu.memory_space<semaphore_mem>>, %arg18: memref<!tpu.dma_semaphore, #tpu.memory_space<semaphore_mem>>, %arg19: memref<!tpu.dma_semaphore, #tpu.memory_space<semaphore_mem>>, %arg20: memref<!tpu.dma_semaphore, #tpu.memory_space<semaphore_mem>>, %arg21: memref<!tpu.dma_semaphore, #tpu.memory_space<semaphore_mem>>) attributes {dimension_semantics = [#tpu.dimension_semantics<core_parallel>, #tpu.dimension_semantics<subcore_parallel>], iteration_bounds = array<i64: 2, 16>, scalar_prefetch = 0 : i64, scratch_operands = 14 : i64, tpu.core_type = #tpu.core_type<sc_vector_subcore>, window_params = [{transform_indices = #map}, {transform_indices = #map1}, {transform_indices = #map1}, {transform_indices = #map2}, {transform_indices = #map}, {transform_indices = #map1}]} {
    %mul3A = arith.constant 16 : i32
    %mul3A_0 = arith.muli %arg0, %mul3A : i32
    %add3A = arith.addi %mul3A_0, %arg1 : i32
    %broadcast_in_dim3A = arith.constant 0.000000e+00 : f32
    %broadcast_in_dim3A_1 = vector.broadcast %broadcast_in_dim3A : f32 to vector<16xf32>
    "tpu.region"() ({
      %run_scoped3A = tpu.sem_alloc : memref<!tpu.dma_semaphore, #tpu.memory_space<semaphore_mem>>
      %dma_start3A_35 = arith.constant 0 : i32
      %dma_start3A_36 = arith.constant 0 : i32
      %dma_start3A_37 = tpu.memref_slice %arg3[%add3A, %dma_start3A_35, %dma_start3A_36] : memref<32x160x64xi32, #tpu.memory_space<hbm>> -> memref<1x160x64xi32, #tpu.memory_space<hbm>>
      %dma_start3A_38 = tpu.memref_squeeze %dma_start3A_37 : memref<1x160x64xi32, #tpu.memory_space<hbm>> -> memref<160x64xi32, #tpu.memory_space<hbm>>
      %dma_start3A_39 = arith.constant 0 : i32
      %dma_start3A_40 = arith.constant 0 : i32
      %dma_start3A_41 = tpu.memref_slice %arg3[%add3A, %dma_start3A_39, %dma_start3A_40] : memref<32x160x64xi32, #tpu.memory_space<hbm>> -> memref<1x160x64xi32, #tpu.memory_space<hbm>>
      %dma_start3A_42 = tpu.memref_squeeze %dma_start3A_41 : memref<1x160x64xi32, #tpu.memory_space<hbm>> -> memref<160x64xi32, #tpu.memory_space<hbm>>
      tpu.enqueue_dma source(%dma_start3A_42 : memref<160x64xi32, #tpu.memory_space<hbm>>) target(%arg8 : memref<160x64xi32, #tpu.memory_space<vmem>>) target_semaphore(%run_scoped3A : memref<!tpu.dma_semaphore, #tpu.memory_space<semaphore_mem>>)
      %dma_wait3A = arith.constant 0 : i32
      %dma_wait3A_43 = arith.constant 0 : i32
      %dma_wait3A_44 = tpu.memref_slice %arg3[%add3A, %dma_wait3A, %dma_wait3A_43] : memref<32x160x64xi32, #tpu.memory_space<hbm>> -> memref<1x160x64xi32, #tpu.memory_space<hbm>>
      %dma_wait3A_45 = tpu.memref_squeeze %dma_wait3A_44 : memref<1x160x64xi32, #tpu.memory_space<hbm>> -> memref<160x64xi32, #tpu.memory_space<hbm>>
      %dma_wait3A_46 = arith.constant 0 : i32
      %dma_wait3A_47 = arith.constant 0 : i32
      %dma_wait3A_48 = tpu.memref_slice %arg3[%add3A, %dma_wait3A_46, %dma_wait3A_47] : memref<32x160x64xi32, #tpu.memory_space<hbm>> -> memref<1x160x64xi32, #tpu.memory_space<hbm>>
      %dma_wait3A_49 = tpu.memref_squeeze %dma_wait3A_48 : memref<1x160x64xi32, #tpu.memory_space<hbm>> -> memref<160x64xi32, #tpu.memory_space<hbm>>
      tpu.wait_dma2 semaphore(%run_scoped3A : memref<!tpu.dma_semaphore, #tpu.memory_space<semaphore_mem>>) src(%dma_wait3A_49 : memref<160x64xi32, #tpu.memory_space<hbm>>) dst(%arg8 : memref<160x64xi32, #tpu.memory_space<vmem>>)
      tpu.yield
    }) : () -> ()
    %mul3A_2 = arith.constant 632 : i32
    %mul3A_3 = arith.muli %arg1, %mul3A_2 : i32
    "tpu.region"() ({
      %run_scoped3A = tpu.sem_alloc : memref<!tpu.dma_semaphore, #tpu.memory_space<semaphore_mem>>
      %dma_start3A_35 = arith.constant 0 : i32
      %dma_start3A_36 = tpu.memref_slice %arg15[%mul3A_3, %dma_start3A_35] : memref<10112x128xf32, #tpu.memory_space<vmem_shared>> -> memref<632x128xf32, #tpu.memory_space<vmem_shared>>
      tpu.enqueue_dma source(%arg6 : memref<632x128xf32, #tpu.memory_space<hbm>>) target(%dma_start3A_36 : memref<632x128xf32, #tpu.memory_space<vmem_shared>>) target_semaphore(%run_scoped3A : memref<!tpu.dma_semaphore, #tpu.memory_space<semaphore_mem>>)
      %dma_wait3A = arith.constant 0 : i32
      %dma_wait3A_37 = tpu.memref_slice %arg15[%mul3A_3, %dma_wait3A] : memref<10112x128xf32, #tpu.memory_space<vmem_shared>> -> memref<632x128xf32, #tpu.memory_space<vmem_shared>>
      tpu.wait_dma2 semaphore(%run_scoped3A : memref<!tpu.dma_semaphore, #tpu.memory_space<semaphore_mem>>) src(%arg6 : memref<632x128xf32, #tpu.memory_space<hbm>>) dst(%dma_wait3A_37 : memref<632x128xf32, #tpu.memory_space<vmem_shared>>)
      tpu.yield
    }) : () -> ()
    %barrier3A = arith.constant 0 : index
    tpu.barrier barrier_id(%barrier3A)
    %dma_start3A = arith.constant 0 : i32
    %dma_start3A_4 = arith.constant 0 : i32
    %dma_start3A_5 = tpu.memref_slice %arg8[%dma_start3A, %dma_start3A_4] : memref<160x64xi32, #tpu.memory_space<vmem>> -> memref<1x64xi32, #tpu.memory_space<vmem>>
    %dma_start3A_6 = tpu.memref_squeeze %dma_start3A_5 : memref<1x64xi32, #tpu.memory_space<vmem>> -> memref<64xi32, #tpu.memory_space<vmem>>
    %dma_start3A_7 = arith.constant 0 : i32
    %dma_start3A_8 = arith.constant 0 : i32
    %dma_start3A_9 = tpu.memref_slice %arg2[%dma_start3A_7, %dma_start3A_8] : memref<10000x128xf32, #tpu.memory_space<hbm>> -> memref<10000x128xf32, #tpu.memory_space<hbm>>
    tpu.enqueue_indirect_dma source(%dma_start3A_9 : memref<10000x128xf32, #tpu.memory_space<hbm>>) target(%arg11 : memref<64x128xf32, #tpu.memory_space<vmem>>) offsets(%dma_start3A_6 : memref<64xi32, #tpu.memory_space<vmem>>) semaphore(%arg16 : memref<!tpu.dma_semaphore, #tpu.memory_space<semaphore_mem>>)
    %dma_start3A_10 = arith.constant 0 : i32
    %dma_start3A_11 = arith.constant 0 : i32
    %dma_start3A_12 = arith.constant 0 : i32
    %dma_start3A_13 = tpu.memref_slice %arg5[%add3A, %dma_start3A_10, %dma_start3A_11, %dma_start3A_12] : memref<32x160x64x128xf32, #tpu.memory_space<hbm>> -> memref<1x1x64x128xf32, #tpu.memory_space<hbm>>
    %dma_start3A_14 = tpu.memref_squeeze %dma_start3A_13 : memref<1x1x64x128xf32, #tpu.memory_space<hbm>> -> memref<64x128xf32, #tpu.memory_space<hbm>>
    %dma_start3A_15 = arith.constant 0 : i32
    %dma_start3A_16 = arith.constant 0 : i32
    %dma_start3A_17 = tpu.memref_slice %arg5[%add3A, %dma_start3A_10, %dma_start3A_15, %dma_start3A_16] : memref<32x160x64x128xf32, #tpu.memory_space<hbm>> -> memref<1x1x64x128xf32, #tpu.memory_space<hbm>>
    %dma_start3A_18 = tpu.memref_squeeze %dma_start3A_17 : memref<1x1x64x128xf32, #tpu.memory_space<hbm>> -> memref<64x128xf32, #tpu.memory_space<hbm>>
    tpu.enqueue_dma source(%dma_start3A_18 : memref<64x128xf32, #tpu.memory_space<hbm>>) target(%arg13 : memref<64x128xf32, #tpu.memory_space<vmem>>) target_semaphore(%arg18 : memref<!tpu.dma_semaphore, #tpu.memory_space<semaphore_mem>>)
    %dma_start3A_19 = arith.constant 0 : i32
    %dma_start3A_20 = arith.constant 0 : i32
    %dma_start3A_21 = tpu.memref_slice %arg4[%add3A, %dma_start3A_19, %dma_start3A_20] : memref<32x160x64xi32, #tpu.memory_space<hbm>> -> memref<1x1x64xi32, #tpu.memory_space<hbm>>
    %dma_start3A_22 = tpu.memref_squeeze %dma_start3A_21 : memref<1x1x64xi32, #tpu.memory_space<hbm>> -> memref<64xi32, #tpu.memory_space<hbm>>
    %dma_start3A_23 = arith.constant 0 : i32
    %dma_start3A_24 = tpu.memref_slice %arg4[%add3A, %dma_start3A_19, %dma_start3A_23] : memref<32x160x64xi32, #tpu.memory_space<hbm>> -> memref<1x1x64xi32, #tpu.memory_space<hbm>>
    %dma_start3A_25 = tpu.memref_squeeze %dma_start3A_24 : memref<1x1x64xi32, #tpu.memory_space<hbm>> -> memref<64xi32, #tpu.memory_space<hbm>>
    tpu.enqueue_dma source(%dma_start3A_25 : memref<64xi32, #tpu.memory_space<hbm>>) target(%arg9 : memref<64xi32, #tpu.memory_space<vmem>>) target_semaphore(%arg20 : memref<!tpu.dma_semaphore, #tpu.memory_space<semaphore_mem>>)
    %scan3A = arith.constant 0 : i32
    %scan3A_26 = arith.constant 80 : i32
    %scan3A_27 = arith.addi %scan3A, %scan3A_26 : i32
    %scan3A_28 = arith.constant 1 : i32
    scf.for %scan3A_35 = %scan3A to %scan3A_27 step %scan3A_28  : i32 {
      %mul3A_36 = arith.constant 1 : i32
      %mul3A_37 = arith.muli %scan3A_35, %mul3A_36 : i32
      %add3A_38 = arith.constant 0 : i32
      %add3A_39 = arith.addi %add3A_38, %mul3A_37 : i32
      %mul3A_40 = arith.constant 2 : i32
      %mul3A_41 = arith.muli %mul3A_40, %add3A_39 : i32
      %add3A_42 = arith.constant 1 : i32
      %add3A_43 = arith.addi %mul3A_41, %add3A_42 : i32
      %dma_start3A_44 = arith.constant 0 : i32
      %dma_start3A_45 = tpu.memref_slice %arg8[%add3A_43, %dma_start3A_44] : memref<160x64xi32, #tpu.memory_space<vmem>> -> memref<1x64xi32, #tpu.memory_space<vmem>>
      %dma_start3A_46 = tpu.memref_squeeze %dma_start3A_45 : memref<1x64xi32, #tpu.memory_space<vmem>> -> memref<64xi32, #tpu.memory_space<vmem>>
      %dma_start3A_47 = arith.constant 0 : i32
      %dma_start3A_48 = arith.constant 0 : i32
      %dma_start3A_49 = tpu.memref_slice %arg2[%dma_start3A_47, %dma_start3A_48] : memref<10000x128xf32, #tpu.memory_space<hbm>> -> memref<10000x128xf32, #tpu.memory_space<hbm>>
      tpu.enqueue_indirect_dma source(%dma_start3A_49 : memref<10000x128xf32, #tpu.memory_space<hbm>>) target(%arg12 : memref<64x128xf32, #tpu.memory_space<vmem>>) offsets(%dma_start3A_46 : memref<64xi32, #tpu.memory_space<vmem>>) semaphore(%arg17 : memref<!tpu.dma_semaphore, #tpu.memory_space<semaphore_mem>>)
      %dma_start3A_50 = arith.constant 0 : i32
      %dma_start3A_51 = arith.constant 0 : i32
      %dma_start3A_52 = tpu.memref_slice %arg5[%add3A, %add3A_43, %dma_start3A_50, %dma_start3A_51] : memref<32x160x64x128xf32, #tpu.memory_space<hbm>> -> memref<1x1x64x128xf32, #tpu.memory_space<hbm>>
      %dma_start3A_53 = tpu.memref_squeeze %dma_start3A_52 : memref<1x1x64x128xf32, #tpu.memory_space<hbm>> -> memref<64x128xf32, #tpu.memory_space<hbm>>
      %dma_start3A_54 = arith.constant 0 : i32
      %dma_start3A_55 = arith.constant 0 : i32
      %dma_start3A_56 = tpu.memref_slice %arg5[%add3A, %add3A_43, %dma_start3A_54, %dma_start3A_55] : memref<32x160x64x128xf32, #tpu.memory_space<hbm>> -> memref<1x1x64x128xf32, #tpu.memory_space<hbm>>
      %dma_start3A_57 = tpu.memref_squeeze %dma_start3A_56 : memref<1x1x64x128xf32, #tpu.memory_space<hbm>> -> memref<64x128xf32, #tpu.memory_space<hbm>>
      tpu.enqueue_dma source(%dma_start3A_57 : memref<64x128xf32, #tpu.memory_space<hbm>>) target(%arg14 : memref<64x128xf32, #tpu.memory_space<vmem>>) target_semaphore(%arg19 : memref<!tpu.dma_semaphore, #tpu.memory_space<semaphore_mem>>)
      %dma_start3A_58 = arith.constant 0 : i32
      %dma_start3A_59 = tpu.memref_slice %arg4[%add3A, %add3A_43, %dma_start3A_58] : memref<32x160x64xi32, #tpu.memory_space<hbm>> -> memref<1x1x64xi32, #tpu.memory_space<hbm>>
      %dma_start3A_60 = tpu.memref_squeeze %dma_start3A_59 : memref<1x1x64xi32, #tpu.memory_space<hbm>> -> memref<64xi32, #tpu.memory_space<hbm>>
      %dma_start3A_61 = arith.constant 0 : i32
      %dma_start3A_62 = tpu.memref_slice %arg4[%add3A, %add3A_43, %dma_start3A_61] : memref<32x160x64xi32, #tpu.memory_space<hbm>> -> memref<1x1x64xi32, #tpu.memory_space<hbm>>
      %dma_start3A_63 = tpu.memref_squeeze %dma_start3A_62 : memref<1x1x64xi32, #tpu.memory_space<hbm>> -> memref<64xi32, #tpu.memory_space<hbm>>
      tpu.enqueue_dma source(%dma_start3A_63 : memref<64xi32, #tpu.memory_space<hbm>>) target(%arg10 : memref<64xi32, #tpu.memory_space<vmem>>) target_semaphore(%arg21 : memref<!tpu.dma_semaphore, #tpu.memory_space<semaphore_mem>>)
      %dma_wait3A = arith.constant 0 : i32
      %dma_wait3A_64 = tpu.memref_slice %arg8[%mul3A_41, %dma_wait3A] : memref<160x64xi32, #tpu.memory_space<vmem>> -> memref<1x64xi32, #tpu.memory_space<vmem>>
      %dma_wait3A_65 = tpu.memref_squeeze %dma_wait3A_64 : memref<1x64xi32, #tpu.memory_space<vmem>> -> memref<64xi32, #tpu.memory_space<vmem>>
      %dma_wait3A_66 = arith.constant 0 : i32
      %dma_wait3A_67 = arith.constant 0 : i32
      %dma_wait3A_68 = tpu.memref_slice %arg2[%dma_wait3A_66, %dma_wait3A_67] : memref<10000x128xf32, #tpu.memory_space<hbm>> -> memref<10000x128xf32, #tpu.memory_space<hbm>>
      tpu.wait_indirect_dma semaphore(%arg16 : memref<!tpu.dma_semaphore, #tpu.memory_space<semaphore_mem>>) src(%dma_wait3A_68 : memref<10000x128xf32, #tpu.memory_space<hbm>>) dst(%arg11 : memref<64x128xf32, #tpu.memory_space<vmem>>)
      %dma_wait3A_69 = arith.constant 0 : i32
      %dma_wait3A_70 = arith.constant 0 : i32
      %dma_wait3A_71 = tpu.memref_slice %arg5[%add3A, %mul3A_41, %dma_wait3A_69, %dma_wait3A_70] : memref<32x160x64x128xf32, #tpu.memory_space<hbm>> -> memref<1x1x64x128xf32, #tpu.memory_space<hbm>>
      %dma_wait3A_72 = tpu.memref_squeeze %dma_wait3A_71 : memref<1x1x64x128xf32, #tpu.memory_space<hbm>> -> memref<64x128xf32, #tpu.memory_space<hbm>>
      %dma_wait3A_73 = arith.constant 0 : i32
      %dma_wait3A_74 = arith.constant 0 : i32
      %dma_wait3A_75 = tpu.memref_slice %arg5[%add3A, %mul3A_41, %dma_wait3A_73, %dma_wait3A_74] : memref<32x160x64x128xf32, #tpu.memory_space<hbm>> -> memref<1x1x64x128xf32, #tpu.memory_space<hbm>>
      %dma_wait3A_76 = tpu.memref_squeeze %dma_wait3A_75 : memref<1x1x64x128xf32, #tpu.memory_space<hbm>> -> memref<64x128xf32, #tpu.memory_space<hbm>>
      tpu.wait_dma2 semaphore(%arg18 : memref<!tpu.dma_semaphore, #tpu.memory_space<semaphore_mem>>) src(%dma_wait3A_76 : memref<64x128xf32, #tpu.memory_space<hbm>>) dst(%arg13 : memref<64x128xf32, #tpu.memory_space<vmem>>)
      %dma_wait3A_77 = arith.constant 0 : i32
      %dma_wait3A_78 = tpu.memref_slice %arg4[%add3A, %mul3A_41, %dma_wait3A_77] : memref<32x160x64xi32, #tpu.memory_space<hbm>> -> memref<1x1x64xi32, #tpu.memory_space<hbm>>
      %dma_wait3A_79 = tpu.memref_squeeze %dma_wait3A_78 : memref<1x1x64xi32, #tpu.memory_space<hbm>> -> memref<64xi32, #tpu.memory_space<hbm>>
      %dma_wait3A_80 = arith.constant 0 : i32
      %dma_wait3A_81 = tpu.memref_slice %arg4[%add3A, %mul3A_41, %dma_wait3A_80] : memref<32x160x64xi32, #tpu.memory_space<hbm>> -> memref<1x1x64xi32, #tpu.memory_space<hbm>>
      %dma_wait3A_82 = tpu.memref_squeeze %dma_wait3A_81 : memref<1x1x64xi32, #tpu.memory_space<hbm>> -> memref<64xi32, #tpu.memory_space<hbm>>
      tpu.wait_dma2 semaphore(%arg20 : memref<!tpu.dma_semaphore, #tpu.memory_space<semaphore_mem>>) src(%dma_wait3A_82 : memref<64xi32, #tpu.memory_space<hbm>>) dst(%arg9 : memref<64xi32, #tpu.memory_space<vmem>>)
      %scan3A_83 = arith.constant 0 : i32
      %scan3A_84 = arith.constant 64 : i32
      %scan3A_85 = arith.addi %scan3A_83, %scan3A_84 : i32
      %scan3A_86 = arith.constant 4 : i32
      scf.for %scan3A_119 = %scan3A_83 to %scan3A_85 step %scan3A_86  : i32 {
        %mul3A_120 = arith.constant 1 : i32
        %mul3A_121 = arith.muli %scan3A_119, %mul3A_120 : i32
        %add3A_122 = arith.constant 0 : i32
        %add3A_123 = arith.addi %add3A_122, %mul3A_121 : i32
        %get3A = arith.index_cast %add3A_123 : i32 to index
        %get3A_124 = arith.constant 0 : index
        %get3A_125 = tpu.vector_load %arg11[%get3A, %get3A_124] {strides = array<i32>} : memref<64x128xf32, #tpu.memory_space<vmem>>, vector<1x16xf32>,
        %get3A_126 = vector.shape_cast %get3A_125 : vector<1x16xf32> to vector<16xf32>
        %get3A_127 = arith.index_cast %add3A_123 : i32 to index
        %get3A_128 = arith.constant 0 : index
        %get3A_129 = tpu.vector_load %arg13[%get3A_127, %get3A_128] {strides = array<i32>} : memref<64x128xf32, #tpu.memory_space<vmem>>, vector<1x16xf32>,
        %get3A_130 = vector.shape_cast %get3A_129 : vector<1x16xf32> to vector<16xf32>
        %add3A_131 = arith.addf %get3A_126, %get3A_130 : vector<16xf32>
        %max3A = arith.maximumf %add3A_131, %broadcast_in_dim3A_1 : vector<16xf32>
        %swap3A = arith.index_cast %add3A_123 : i32 to index
        %swap3A_132 = arith.constant 0 : index
        %swap3A_133 = tpu.vector_load %arg11[%swap3A, %swap3A_132] {strides = array<i32>} : memref<64x128xf32, #tpu.memory_space<vmem>>, vector<1x16xf32>,
        %swap3A_134 = vector.shape_cast %swap3A_133 : vector<1x16xf32> to vector<16xf32>
        %swap3A_135 = vector.shape_cast %max3A : vector<16xf32> to vector<1x16xf32>
        tpu.vector_store %arg11[%swap3A, %swap3A_132], %swap3A_135 {strides = array<i32>} : memref<64x128xf32, #tpu.memory_space<vmem>>, vector<1x16xf32>,
        %get3A_136 = arith.index_cast %add3A_123 : i32 to index
        %get3A_137 = arith.constant 16 : index
        %get3A_138 = tpu.vector_load %arg11[%get3A_136, %get3A_137] {strides = array<i32>} : memref<64x128xf32, #tpu.memory_space<vmem>>, vector<1x16xf32>,
        %get3A_139 = vector.shape_cast %get3A_138 : vector<1x16xf32> to vector<16xf32>
        %get3A_140 = arith.index_cast %add3A_123 : i32 to index
        %get3A_141 = arith.constant 16 : index
        %get3A_142 = tpu.vector_load %arg13[%get3A_140, %get3A_141] {strides = array<i32>} : memref<64x128xf32, #tpu.memory_space<vmem>>, vector<1x16xf32>,
        %get3A_143 = vector.shape_cast %get3A_142 : vector<1x16xf32> to vector<16xf32>
        %add3A_144 = arith.addf %get3A_139, %get3A_143 : vector<16xf32>
        %max3A_145 = arith.maximumf %add3A_144, %broadcast_in_dim3A_1 : vector<16xf32>
        %swap3A_146 = arith.index_cast %add3A_123 : i32 to index
        %swap3A_147 = arith.constant 16 : index
        %swap3A_148 = tpu.vector_load %arg11[%swap3A_146, %swap3A_147] {strides = array<i32>} : memref<64x128xf32, #tpu.memory_space<vmem>>, vector<1x16xf32>,
        %swap3A_149 = vector.shape_cast %swap3A_148 : vector<1x16xf32> to vector<16xf32>
        %swap3A_150 = vector.shape_cast %max3A_145 : vector<16xf32> to vector<1x16xf32>
        tpu.vector_store %arg11[%swap3A_146, %swap3A_147], %swap3A_150 {strides = array<i32>} : memref<64x128xf32, #tpu.memory_space<vmem>>, vector<1x16xf32>,
        %get3A_151 = arith.index_cast %add3A_123 : i32 to index
        %get3A_152 = arith.constant 32 : index
        %get3A_153 = tpu.vector_load %arg11[%get3A_151, %get3A_152] {strides = array<i32>} : memref<64x128xf32, #tpu.memory_space<vmem>>, vector<1x16xf32>,
        %get3A_154 = vector.shape_cast %get3A_153 : vector<1x16xf32> to vector<16xf32>
        %get3A_155 = arith.index_cast %add3A_123 : i32 to index
        %get3A_156 = arith.constant 32 : index
        %get3A_157 = tpu.vector_load %arg13[%get3A_155, %get3A_156] {strides = array<i32>} : memref<64x128xf32, #tpu.memory_space<vmem>>, vector<1x16xf32>,
        %get3A_158 = vector.shape_cast %get3A_157 : vector<1x16xf32> to vector<16xf32>
        %add3A_159 = arith.addf %get3A_154, %get3A_158 : vector<16xf32>
        %max3A_160 = arith.maximumf %add3A_159, %broadcast_in_dim3A_1 : vector<16xf32>
        %swap3A_161 = arith.index_cast %add3A_123 : i32 to index
        %swap3A_162 = arith.constant 32 : index
        %swap3A_163 = tpu.vector_load %arg11[%swap3A_161, %swap3A_162] {strides = array<i32>} : memref<64x128xf32, #tpu.memory_space<vmem>>, vector<1x16xf32>,
        %swap3A_164 = vector.shape_cast %swap3A_163 : vector<1x16xf32> to vector<16xf32>
        %swap3A_165 = vector.shape_cast %max3A_160 : vector<16xf32> to vector<1x16xf32>
        tpu.vector_store %arg11[%swap3A_161, %swap3A_162], %swap3A_165 {strides = array<i32>} : memref<64x128xf32, #tpu.memory_space<vmem>>, vector<1x16xf32>,
        %get3A_166 = arith.index_cast %add3A_123 : i32 to index
        %get3A_167 = arith.constant 48 : index
        %get3A_168 = tpu.vector_load %arg11[%get3A_166, %get3A_167] {strides = array<i32>} : memref<64x128xf32, #tpu.memory_space<vmem>>, vector<1x16xf32>,
        %get3A_169 = vector.shape_cast %get3A_168 : vector<1x16xf32> to vector<16xf32>
        %get3A_170 = arith.index_cast %add3A_123 : i32 to index
        %get3A_171 = arith.constant 48 : index
        %get3A_172 = tpu.vector_load %arg13[%get3A_170, %get3A_171] {strides = array<i32>} : memref<64x128xf32, #tpu.memory_space<vmem>>, vector<1x16xf32>,
        %get3A_173 = vector.shape_cast %get3A_172 : vector<1x16xf32> to vector<16xf32>
        %add3A_174 = arith.addf %get3A_169, %get3A_173 : vector<16xf32>
        %max3A_175 = arith.maximumf %add3A_174, %broadcast_in_dim3A_1 : vector<16xf32>
        %swap3A_176 = arith.index_cast %add3A_123 : i32 to index
        %swap3A_177 = arith.constant 48 : index
        %swap3A_178 = tpu.vector_load %arg11[%swap3A_176, %swap3A_177] {strides = array<i32>} : memref<64x128xf32, #tpu.memory_space<vmem>>, vector<1x16xf32>,
        %swap3A_179 = vector.shape_cast %swap3A_178 : vector<1x16xf32> to vector<16xf32>
        %swap3A_180 = vector.shape_cast %max3A_175 : vector<16xf32> to vector<1x16xf32>
        tpu.vector_store %arg11[%swap3A_176, %swap3A_177], %swap3A_180 {strides = array<i32>} : memref<64x128xf32, #tpu.memory_space<vmem>>, vector<1x16xf32>,
        %get3A_181 = arith.index_cast %add3A_123 : i32 to index
        %get3A_182 = arith.constant 64 : index
        %get3A_183 = tpu.vector_load %arg11[%get3A_181, %get3A_182] {strides = array<i32>} : memref<64x128xf32, #tpu.memory_space<vmem>>, vector<1x16xf32>,
        %get3A_184 = vector.shape_cast %get3A_183 : vector<1x16xf32> to vector<16xf32>
        %get3A_185 = arith.index_cast %add3A_123 : i32 to index
        %get3A_186 = arith.constant 64 : index
        %get3A_187 = tpu.vector_load %arg13[%get3A_185, %get3A_186] {strides = array<i32>} : memref<64x128xf32, #tpu.memory_space<vmem>>, vector<1x16xf32>,
        %get3A_188 = vector.shape_cast %get3A_187 : vector<1x16xf32> to vector<16xf32>
        %add3A_189 = arith.addf %get3A_184, %get3A_188 : vector<16xf32>
        %max3A_190 = arith.maximumf %add3A_189, %broadcast_in_dim3A_1 : vector<16xf32>
        %swap3A_191 = arith.index_cast %add3A_123 : i32 to index
        %swap3A_192 = arith.constant 64 : index
        %swap3A_193 = tpu.vector_load %arg11[%swap3A_191, %swap3A_192] {strides = array<i32>} : memref<64x128xf32, #tpu.memory_space<vmem>>, vector<1x16xf32>,
        %swap3A_194 = vector.shape_cast %swap3A_193 : vector<1x16xf32> to vector<16xf32>
        %swap3A_195 = vector.shape_cast %max3A_190 : vector<16xf32> to vector<1x16xf32>
        tpu.vector_store %arg11[%swap3A_191, %swap3A_192], %swap3A_195 {strides = array<i32>} : memref<64x128xf32, #tpu.memory_space<vmem>>, vector<1x16xf32>,
        %get3A_196 = arith.index_cast %add3A_123 : i32 to index
        %get3A_197 = arith.constant 80 : index
        %get3A_198 = tpu.vector_load %arg11[%get3A_196, %get3A_197] {strides = array<i32>} : memref<64x128xf32, #tpu.memory_space<vmem>>, vector<1x16xf32>,
        %get3A_199 = vector.shape_cast %get3A_198 : vector<1x16xf32> to vector<16xf32>
        %get3A_200 = arith.index_cast %add3A_123 : i32 to index
        %get3A_201 = arith.constant 80 : index
        %get3A_202 = tpu.vector_load %arg13[%get3A_200, %get3A_201] {strides = array<i32>} : memref<64x128xf32, #tpu.memory_space<vmem>>, vector<1x16xf32>,
        %get3A_203 = vector.shape_cast %get3A_202 : vector<1x16xf32> to vector<16xf32>
        %add3A_204 = arith.addf %get3A_199, %get3A_203 : vector<16xf32>
        %max3A_205 = arith.maximumf %add3A_204, %broadcast_in_dim3A_1 : vector<16xf32>
        %swap3A_206 = arith.index_cast %add3A_123 : i32 to index
        %swap3A_207 = arith.constant 80 : index
        %swap3A_208 = tpu.vector_load %arg11[%swap3A_206, %swap3A_207] {strides = array<i32>} : memref<64x128xf32, #tpu.memory_space<vmem>>, vector<1x16xf32>,
        %swap3A_209 = vector.shape_cast %swap3A_208 : vector<1x16xf32> to vector<16xf32>
        %swap3A_210 = vector.shape_cast %max3A_205 : vector<16xf32> to vector<1x16xf32>
        tpu.vector_store %arg11[%swap3A_206, %swap3A_207], %swap3A_210 {strides = array<i32>} : memref<64x128xf32, #tpu.memory_space<vmem>>, vector<1x16xf32>,
        %get3A_211 = arith.index_cast %add3A_123 : i32 to index
        %get3A_212 = arith.constant 96 : index
        %get3A_213 = tpu.vector_load %arg11[%get3A_211, %get3A_212] {strides = array<i32>} : memref<64x128xf32, #tpu.memory_space<vmem>>, vector<1x16xf32>,
        %get3A_214 = vector.shape_cast %get3A_213 : vector<1x16xf32> to vector<16xf32>
        %get3A_215 = arith.index_cast %add3A_123 : i32 to index
        %get3A_216 = arith.constant 96 : index
        %get3A_217 = tpu.vector_load %arg13[%get3A_215, %get3A_216] {strides = array<i32>} : memref<64x128xf32, #tpu.memory_space<vmem>>, vector<1x16xf32>,
        %get3A_218 = vector.shape_cast %get3A_217 : vector<1x16xf32> to vector<16xf32>
        %add3A_219 = arith.addf %get3A_214, %get3A_218 : vector<16xf32>
        %max3A_220 = arith.maximumf %add3A_219, %broadcast_in_dim3A_1 : vector<16xf32>
        %swap3A_221 = arith.index_cast %add3A_123 : i32 to index
        %swap3A_222 = arith.constant 96 : index
        %swap3A_223 = tpu.vector_load %arg11[%swap3A_221, %swap3A_222] {strides = array<i32>} : memref<64x128xf32, #tpu.memory_space<vmem>>, vector<1x16xf32>,
        %swap3A_224 = vector.shape_cast %swap3A_223 : vector<1x16xf32> to vector<16xf32>
        %swap3A_225 = vector.shape_cast %max3A_220 : vector<16xf32> to vector<1x16xf32>
        tpu.vector_store %arg11[%swap3A_221, %swap3A_222], %swap3A_225 {strides = array<i32>} : memref<64x128xf32, #tpu.memory_space<vmem>>, vector<1x16xf32>,
        %get3A_226 = arith.index_cast %add3A_123 : i32 to index
        %get3A_227 = arith.constant 112 : index
        %get3A_228 = tpu.vector_load %arg11[%get3A_226, %get3A_227] {strides = array<i32>} : memref<64x128xf32, #tpu.memory_space<vmem>>, vector<1x16xf32>,
        %get3A_229 = vector.shape_cast %get3A_228 : vector<1x16xf32> to vector<16xf32>
        %get3A_230 = arith.index_cast %add3A_123 : i32 to index
        %get3A_231 = arith.constant 112 : index
        %get3A_232 = tpu.vector_load %arg13[%get3A_230, %get3A_231] {strides = array<i32>} : memref<64x128xf32, #tpu.memory_space<vmem>>, vector<1x16xf32>,
        %get3A_233 = vector.shape_cast %get3A_232 : vector<1x16xf32> to vector<16xf32>
        %add3A_234 = arith.addf %get3A_229, %get3A_233 : vector<16xf32>
        %max3A_235 = arith.maximumf %add3A_234, %broadcast_in_dim3A_1 : vector<16xf32>
        %swap3A_236 = arith.index_cast %add3A_123 : i32 to index
        %swap3A_237 = arith.constant 112 : index
        %swap3A_238 = tpu.vector_load %arg11[%swap3A_236, %swap3A_237] {strides = array<i32>} : memref<64x128xf32, #tpu.memory_space<vmem>>, vector<1x16xf32>,
        %swap3A_239 = vector.shape_cast %swap3A_238 : vector<1x16xf32> to vector<16xf32>
        %swap3A_240 = vector.shape_cast %max3A_235 : vector<16xf32> to vector<1x16xf32>
        tpu.vector_store %arg11[%swap3A_236, %swap3A_237], %swap3A_240 {strides = array<i32>} : memref<64x128xf32, #tpu.memory_space<vmem>>, vector<1x16xf32>,
        %scan3A_241 = arith.constant 1 : i32
        %scan3A_242 = arith.addi %scan3A_119, %scan3A_241 : i32
        %mul3A_243 = arith.constant 1 : i32
        %mul3A_244 = arith.muli %scan3A_242, %mul3A_243 : i32
        %add3A_245 = arith.constant 0 : i32
        %add3A_246 = arith.addi %add3A_245, %mul3A_244 : i32
        %get3A_247 = arith.index_cast %add3A_246 : i32 to index
        %get3A_248 = arith.constant 0 : index
        %get3A_249 = tpu.vector_load %arg11[%get3A_247, %get3A_248] {strides = array<i32>} : memref<64x128xf32, #tpu.memory_space<vmem>>, vector<1x16xf32>,
        %get3A_250 = vector.shape_cast %get3A_249 : vector<1x16xf32> to vector<16xf32>
        %get3A_251 = arith.index_cast %add3A_246 : i32 to index
        %get3A_252 = arith.constant 0 : index
        %get3A_253 = tpu.vector_load %arg13[%get3A_251, %get3A_252] {strides = array<i32>} : memref<64x128xf32, #tpu.memory_space<vmem>>, vector<1x16xf32>,
        %get3A_254 = vector.shape_cast %get3A_253 : vector<1x16xf32> to vector<16xf32>
        %add3A_255 = arith.addf %get3A_250, %get3A_254 : vector<16xf32>
        %max3A_256 = arith.maximumf %add3A_255, %broadcast_in_dim3A_1 : vector<16xf32>
        %swap3A_257 = arith.index_cast %add3A_246 : i32 to index
        %swap3A_258 = arith.constant 0 : index
        %swap3A_259 = tpu.vector_load %arg11[%swap3A_257, %swap3A_258] {strides = array<i32>} : memref<64x128xf32, #tpu.memory_space<vmem>>, vector<1x16xf32>,
        %swap3A_260 = vector.shape_cast %swap3A_259 : vector<1x16xf32> to vector<16xf32>
        %swap3A_261 = vector.shape_cast %max3A_256 : vector<16xf32> to vector<1x16xf32>
        tpu.vector_store %arg11[%swap3A_257, %swap3A_258], %swap3A_261 {strides = array<i32>} : memref<64x128xf32, #tpu.memory_space<vmem>>, vector<1x16xf32>,
        %get3A_262 = arith.index_cast %add3A_246 : i32 to index
        %get3A_263 = arith.constant 16 : index
        %get3A_264 = tpu.vector_load %arg11[%get3A_262, %get3A_263] {strides = array<i32>} : memref<64x128xf32, #tpu.memory_space<vmem>>, vector<1x16xf32>,
        %get3A_265 = vector.shape_cast %get3A_264 : vector<1x16xf32> to vector<16xf32>
        %get3A_266 = arith.index_cast %add3A_246 : i32 to index
        %get3A_267 = arith.constant 16 : index
        %get3A_268 = tpu.vector_load %arg13[%get3A_266, %get3A_267] {strides = array<i32>} : memref<64x128xf32, #tpu.memory_space<vmem>>, vector<1x16xf32>,
        %get3A_269 = vector.shape_cast %get3A_268 : vector<1x16xf32> to vector<16xf32>
        %add3A_270 = arith.addf %get3A_265, %get3A_269 : vector<16xf32>
        %max3A_271 = arith.maximumf %add3A_270, %broadcast_in_dim3A_1 : vector<16xf32>
        %swap3A_272 = arith.index_cast %add3A_246 : i32 to index
        %swap3A_273 = arith.constant 16 : index
        %swap3A_274 = tpu.vector_load %arg11[%swap3A_272, %swap3A_273] {strides = array<i32>} : memref<64x128xf32, #tpu.memory_space<vmem>>, vector<1x16xf32>,
        %swap3A_275 = vector.shape_cast %swap3A_274 : vector<1x16xf32> to vector<16xf32>
        %swap3A_276 = vector.shape_cast %max3A_271 : vector<16xf32> to vector<1x16xf32>
        tpu.vector_store %arg11[%swap3A_272, %swap3A_273], %swap3A_276 {strides = array<i32>} : memref<64x128xf32, #tpu.memory_space<vmem>>, vector<1x16xf32>,
        %get3A_277 = arith.index_cast %add3A_246 : i32 to index
        %get3A_278 = arith.constant 32 : index
        %get3A_279 = tpu.vector_load %arg11[%get3A_277, %get3A_278] {strides = array<i32>} : memref<64x128xf32, #tpu.memory_space<vmem>>, vector<1x16xf32>,
        %get3A_280 = vector.shape_cast %get3A_279 : vector<1x16xf32> to vector<16xf32>
        %get3A_281 = arith.index_cast %add3A_246 : i32 to index
        %get3A_282 = arith.constant 32 : index
        %get3A_283 = tpu.vector_load %arg13[%get3A_281, %get3A_282] {strides = array<i32>} : memref<64x128xf32, #tpu.memory_space<vmem>>, vector<1x16xf32>,
        %get3A_284 = vector.shape_cast %get3A_283 : vector<1x16xf32> to vector<16xf32>
        %add3A_285 = arith.addf %get3A_280, %get3A_284 : vector<16xf32>
        %max3A_286 = arith.maximumf %add3A_285, %broadcast_in_dim3A_1 : vector<16xf32>
        %swap3A_287 = arith.index_cast %add3A_246 : i32 to index
        %swap3A_288 = arith.constant 32 : index
        %swap3A_289 = tpu.vector_load %arg11[%swap3A_287, %swap3A_288] {strides = array<i32>} : memref<64x128xf32, #tpu.memory_space<vmem>>, vector<1x16xf32>,
        %swap3A_290 = vector.shape_cast %swap3A_289 : vector<1x16xf32> to vector<16xf32>
        %swap3A_291 = vector.shape_cast %max3A_286 : vector<16xf32> to vector<1x16xf32>
        tpu.vector_store %arg11[%swap3A_287, %swap3A_288], %swap3A_291 {strides = array<i32>} : memref<64x128xf32, #tpu.memory_space<vmem>>, vector<1x16xf32>,
        %get3A_292 = arith.index_cast %add3A_246 : i32 to index
        %get3A_293 = arith.constant 48 : index
        %get3A_294 = tpu.vector_load %arg11[%get3A_292, %get3A_293] {strides = array<i32>} : memref<64x128xf32, #tpu.memory_space<vmem>>, vector<1x16xf32>,
        %get3A_295 = vector.shape_cast %get3A_294 : vector<1x16xf32> to vector<16xf32>
        %get3A_296 = arith.index_cast %add3A_246 : i32 to index
        %get3A_297 = arith.constant 48 : index
        %get3A_298 = tpu.vector_load %arg13[%get3A_296, %get3A_297] {strides = array<i32>} : memref<64x128xf32, #tpu.memory_space<vmem>>, vector<1x16xf32>,
        %get3A_299 = vector.shape_cast %get3A_298 : vector<1x16xf32> to vector<16xf32>
        %add3A_300 = arith.addf %get3A_295, %get3A_299 : vector<16xf32>
        %max3A_301 = arith.maximumf %add3A_300, %broadcast_in_dim3A_1 : vector<16xf32>
        %swap3A_302 = arith.index_cast %add3A_246 : i32 to index
        %swap3A_303 = arith.constant 48 : index
        %swap3A_304 = tpu.vector_load %arg11[%swap3A_302, %swap3A_303] {strides = array<i32>} : memref<64x128xf32, #tpu.memory_space<vmem>>, vector<1x16xf32>,
        %swap3A_305 = vector.shape_cast %swap3A_304 : vector<1x16xf32> to vector<16xf32>
        %swap3A_306 = vector.shape_cast %max3A_301 : vector<16xf32> to vector<1x16xf32>
        tpu.vector_store %arg11[%swap3A_302, %swap3A_303], %swap3A_306 {strides = array<i32>} : memref<64x128xf32, #tpu.memory_space<vmem>>, vector<1x16xf32>,
        %get3A_307 = arith.index_cast %add3A_246 : i32 to index
        %get3A_308 = arith.constant 64 : index
        %get3A_309 = tpu.vector_load %arg11[%get3A_307, %get3A_308] {strides = array<i32>} : memref<64x128xf32, #tpu.memory_space<vmem>>, vector<1x16xf32>,
        %get3A_310 = vector.shape_cast %get3A_309 : vector<1x16xf32> to vector<16xf32>
        %get3A_311 = arith.index_cast %add3A_246 : i32 to index
        %get3A_312 = arith.constant 64 : index
        %get3A_313 = tpu.vector_load %arg13[%get3A_311, %get3A_312] {strides = array<i32>} : memref<64x128xf32, #tpu.memory_space<vmem>>, vector<1x16xf32>,
        %get3A_314 = vector.shape_cast %get3A_313 : vector<1x16xf32> to vector<16xf32>
        %add3A_315 = arith.addf %get3A_310, %get3A_314 : vector<16xf32>
        %max3A_316 = arith.maximumf %add3A_315, %broadcast_in_dim3A_1 : vector<16xf32>
        %swap3A_317 = arith.index_cast %add3A_246 : i32 to index
        %swap3A_318 = arith.constant 64 : index
        %swap3A_319 = tpu.vector_load %arg11[%swap3A_317, %swap3A_318] {strides = array<i32>} : memref<64x128xf32, #tpu.memory_space<vmem>>, vector<1x16xf32>,
        %swap3A_320 = vector.shape_cast %swap3A_319 : vector<1x16xf32> to vector<16xf32>
        %swap3A_321 = vector.shape_cast %max3A_316 : vector<16xf32> to vector<1x16xf32>
        tpu.vector_store %arg11[%swap3A_317, %swap3A_318], %swap3A_321 {strides = array<i32>} : memref<64x128xf32, #tpu.memory_space<vmem>>, vector<1x16xf32>,
        %get3A_322 = arith.index_cast %add3A_246 : i32 to index
        %get3A_323 = arith.constant 80 : index
        %get3A_324 = tpu.vector_load %arg11[%get3A_322, %get3A_323] {strides = array<i32>} : memref<64x128xf32, #tpu.memory_space<vmem>>, vector<1x16xf32>,
        %get3A_325 = vector.shape_cast %get3A_324 : vector<1x16xf32> to vector<16xf32>
        %get3A_326 = arith.index_cast %add3A_246 : i32 to index
        %get3A_327 = arith.constant 80 : index
        %get3A_328 = tpu.vector_load %arg13[%get3A_326, %get3A_327] {strides = array<i32>} : memref<64x128xf32, #tpu.memory_space<vmem>>, vector<1x16xf32>,
        %get3A_329 = vector.shape_cast %get3A_328 : vector<1x16xf32> to vector<16xf32>
        %add3A_330 = arith.addf %get3A_325, %get3A_329 : vector<16xf32>
        %max3A_331 = arith.maximumf %add3A_330, %broadcast_in_dim3A_1 : vector<16xf32>
        %swap3A_332 = arith.index_cast %add3A_246 : i32 to index
        %swap3A_333 = arith.constant 80 : index
        %swap3A_334 = tpu.vector_load %arg11[%swap3A_332, %swap3A_333] {strides = array<i32>} : memref<64x128xf32, #tpu.memory_space<vmem>>, vector<1x16xf32>,
        %swap3A_335 = vector.shape_cast %swap3A_334 : vector<1x16xf32> to vector<16xf32>
        %swap3A_336 = vector.shape_cast %max3A_331 : vector<16xf32> to vector<1x16xf32>
        tpu.vector_store %arg11[%swap3A_332, %swap3A_333], %swap3A_336 {strides = array<i32>} : memref<64x128xf32, #tpu.memory_space<vmem>>, vector<1x16xf32>,
        %get3A_337 = arith.index_cast %add3A_246 : i32 to index
        %get3A_338 = arith.constant 96 : index
        %get3A_339 = tpu.vector_load %arg11[%get3A_337, %get3A_338] {strides = array<i32>} : memref<64x128xf32, #tpu.memory_space<vmem>>, vector<1x16xf32>,
        %get3A_340 = vector.shape_cast %get3A_339 : vector<1x16xf32> to vector<16xf32>
        %get3A_341 = arith.index_cast %add3A_246 : i32 to index
        %get3A_342 = arith.constant 96 : index
        %get3A_343 = tpu.vector_load %arg13[%get3A_341, %get3A_342] {strides = array<i32>} : memref<64x128xf32, #tpu.memory_space<vmem>>, vector<1x16xf32>,
        %get3A_344 = vector.shape_cast %get3A_343 : vector<1x16xf32> to vector<16xf32>
        %add3A_345 = arith.addf %get3A_340, %get3A_344 : vector<16xf32>
        %max3A_346 = arith.maximumf %add3A_345, %broadcast_in_dim3A_1 : vector<16xf32>
        %swap3A_347 = arith.index_cast %add3A_246 : i32 to index
        %swap3A_348 = arith.constant 96 : index
        %swap3A_349 = tpu.vector_load %arg11[%swap3A_347, %swap3A_348] {strides = array<i32>} : memref<64x128xf32, #tpu.memory_space<vmem>>, vector<1x16xf32>,
        %swap3A_350 = vector.shape_cast %swap3A_349 : vector<1x16xf32> to vector<16xf32>
        %swap3A_351 = vector.shape_cast %max3A_346 : vector<16xf32> to vector<1x16xf32>
        tpu.vector_store %arg11[%swap3A_347, %swap3A_348], %swap3A_351 {strides = array<i32>} : memref<64x128xf32, #tpu.memory_space<vmem>>, vector<1x16xf32>,
        %get3A_352 = arith.index_cast %add3A_246 : i32 to index
        %get3A_353 = arith.constant 112 : index
        %get3A_354 = tpu.vector_load %arg11[%get3A_352, %get3A_353] {strides = array<i32>} : memref<64x128xf32, #tpu.memory_space<vmem>>, vector<1x16xf32>,
        %get3A_355 = vector.shape_cast %get3A_354 : vector<1x16xf32> to vector<16xf32>
        %get3A_356 = arith.index_cast %add3A_246 : i32 to index
        %get3A_357 = arith.constant 112 : index
        %get3A_358 = tpu.vector_load %arg13[%get3A_356, %get3A_357] {strides = array<i32>} : memref<64x128xf32, #tpu.memory_space<vmem>>, vector<1x16xf32>,
        %get3A_359 = vector.shape_cast %get3A_358 : vector<1x16xf32> to vector<16xf32>
        %add3A_360 = arith.addf %get3A_355, %get3A_359 : vector<16xf32>
        %max3A_361 = arith.maximumf %add3A_360, %broadcast_in_dim3A_1 : vector<16xf32>
        %swap3A_362 = arith.index_cast %add3A_246 : i32 to index
        %swap3A_363 = arith.constant 112 : index
        %swap3A_364 = tpu.vector_load %arg11[%swap3A_362, %swap3A_363] {strides = array<i32>} : memref<64x128xf32, #tpu.memory_space<vmem>>, vector<1x16xf32>,
        %swap3A_365 = vector.shape_cast %swap3A_364 : vector<1x16xf32> to vector<16xf32>
        %swap3A_366 = vector.shape_cast %max3A_361 : vector<16xf32> to vector<1x16xf32>
        tpu.vector_store %arg11[%swap3A_362, %swap3A_363], %swap3A_366 {strides = array<i32>} : memref<64x128xf32, #tpu.memory_space<vmem>>, vector<1x16xf32>,
        %scan3A_367 = arith.constant 2 : i32
        %scan3A_368 = arith.addi %scan3A_119, %scan3A_367 : i32
        %mul3A_369 = arith.constant 1 : i32
        %mul3A_370 = arith.muli %scan3A_368, %mul3A_369 : i32
        %add3A_371 = arith.constant 0 : i32
        %add3A_372 = arith.addi %add3A_371, %mul3A_370 : i32
        %get3A_373 = arith.index_cast %add3A_372 : i32 to index
        %get3A_374 = arith.constant 0 : index
        %get3A_375 = tpu.vector_load %arg11[%get3A_373, %get3A_374] {strides = array<i32>} : memref<64x128xf32, #tpu.memory_space<vmem>>, vector<1x16xf32>,
        %get3A_376 = vector.shape_cast %get3A_375 : vector<1x16xf32> to vector<16xf32>
        %get3A_377 = arith.index_cast %add3A_372 : i32 to index
        %get3A_378 = arith.constant 0 : index
        %get3A_379 = tpu.vector_load %arg13[%get3A_377, %get3A_378] {strides = array<i32>} : memref<64x128xf32, #tpu.memory_space<vmem>>, vector<1x16xf32>,
        %get3A_380 = vector.shape_cast %get3A_379 : vector<1x16xf32> to vector<16xf32>
        %add3A_381 = arith.addf %get3A_376, %get3A_380 : vector<16xf32>
        %max3A_382 = arith.maximumf %add3A_381, %broadcast_in_dim3A_1 : vector<16xf32>
        %swap3A_383 = arith.index_cast %add3A_372 : i32 to index
        %swap3A_384 = arith.constant 0 : index
        %swap3A_385 = tpu.vector_load %arg11[%swap3A_383, %swap3A_384] {strides = array<i32>} : memref<64x128xf32, #tpu.memory_space<vmem>>, vector<1x16xf32>,
        %swap3A_386 = vector.shape_cast %swap3A_385 : vector<1x16xf32> to vector<16xf32>
        %swap3A_387 = vector.shape_cast %max3A_382 : vector<16xf32> to vector<1x16xf32>
        tpu.vector_store %arg11[%swap3A_383, %swap3A_384], %swap3A_387 {strides = array<i32>} : memref<64x128xf32, #tpu.memory_space<vmem>>, vector<1x16xf32>,
        %get3A_388 = arith.index_cast %add3A_372 : i32 to index
        %get3A_389 = arith.constant 16 : index
        %get3A_390 = tpu.vector_load %arg11[%get3A_388, %get3A_389] {strides = array<i32>} : memref<64x128xf32, #tpu.memory_space<vmem>>, vector<1x16xf32>,
        %get3A_391 = vector.shape_cast %get3A_390 : vector<1x16xf32> to vector<16xf32>
        %get3A_392 = arith.index_cast %add3A_372 : i32 to index
        %get3A_393 = arith.constant 16 : index
        %get3A_394 = tpu.vector_load %arg13[%get3A_392, %get3A_393] {strides = array<i32>} : memref<64x128xf32, #tpu.memory_space<vmem>>, vector<1x16xf32>,
        %get3A_395 = vector.shape_cast %get3A_394 : vector<1x16xf32> to vector<16xf32>
        %add3A_396 = arith.addf %get3A_391, %get3A_395 : vector<16xf32>
        %max3A_397 = arith.maximumf %add3A_396, %broadcast_in_dim3A_1 : vector<16xf32>
        %swap3A_398 = arith.index_cast %add3A_372 : i32 to index
        %swap3A_399 = arith.constant 16 : index
        %swap3A_400 = tpu.vector_load %arg11[%swap3A_398, %swap3A_399] {strides = array<i32>} : memref<64x128xf32, #tpu.memory_space<vmem>>, vector<1x16xf32>,
        %swap3A_401 = vector.shape_cast %swap3A_400 : vector<1x16xf32> to vector<16xf32>
        %swap3A_402 = vector.shape_cast %max3A_397 : vector<16xf32> to vector<1x16xf32>
        tpu.vector_store %arg11[%swap3A_398, %swap3A_399], %swap3A_402 {strides = array<i32>} : memref<64x128xf32, #tpu.memory_space<vmem>>, vector<1x16xf32>,
        %get3A_403 = arith.index_cast %add3A_372 : i32 to index
        %get3A_404 = arith.constant 32 : index
        %get3A_405 = tpu.vector_load %arg11[%get3A_403, %get3A_404] {strides = array<i32>} : memref<64x128xf32, #tpu.memory_space<vmem>>, vector<1x16xf32>,
        %get3A_406 = vector.shape_cast %get3A_405 : vector<1x16xf32> to vector<16xf32>
        %get3A_407 = arith.index_cast %add3A_372 : i32 to index
        %get3A_408 = arith.constant 32 : index
        %get3A_409 = tpu.vector_load %arg13[%get3A_407, %get3A_408] {strides = array<i32>} : memref<64x128xf32, #tpu.memory_space<vmem>>, vector<1x16xf32>,
        %get3A_410 = vector.shape_cast %get3A_409 : vector<1x16xf32> to vector<16xf32>
        %add3A_411 = arith.addf %get3A_406, %get3A_410 : vector<16xf32>
        %max3A_412 = arith.maximumf %add3A_411, %broadcast_in_dim3A_1 : vector<16xf32>
        %swap3A_413 = arith.index_cast %add3A_372 : i32 to index
        %swap3A_414 = arith.constant 32 : index
        %swap3A_415 = tpu.vector_load %arg11[%swap3A_413, %swap3A_414] {strides = array<i32>} : memref<64x128xf32, #tpu.memory_space<vmem>>, vector<1x16xf32>,
        %swap3A_416 = vector.shape_cast %swap3A_415 : vector<1x16xf32> to vector<16xf32>
        %swap3A_417 = vector.shape_cast %max3A_412 : vector<16xf32> to vector<1x16xf32>
        tpu.vector_store %arg11[%swap3A_413, %swap3A_414], %swap3A_417 {strides = array<i32>} : memref<64x128xf32, #tpu.memory_space<vmem>>, vector<1x16xf32>,
        %get3A_418 = arith.index_cast %add3A_372 : i32 to index
        %get3A_419 = arith.constant 48 : index
        %get3A_420 = tpu.vector_load %arg11[%get3A_418, %get3A_419] {strides = array<i32>} : memref<64x128xf32, #tpu.memory_space<vmem>>, vector<1x16xf32>,
        %get3A_421 = vector.shape_cast %get3A_420 : vector<1x16xf32> to vector<16xf32>
        %get3A_422 = arith.index_cast %add3A_372 : i32 to index
        %get3A_423 = arith.constant 48 : index
        %get3A_424 = tpu.vector_load %arg13[%get3A_422, %get3A_423] {strides = array<i32>} : memref<64x128xf32, #tpu.memory_space<vmem>>, vector<1x16xf32>,
        %get3A_425 = vector.shape_cast %get3A_424 : vector<1x16xf32> to vector<16xf32>
        %add3A_426 = arith.addf %get3A_421, %get3A_425 : vector<16xf32>
        %max3A_427 = arith.maximumf %add3A_426, %broadcast_in_dim3A_1 : vector<16xf32>
        %swap3A_428 = arith.index_cast %add3A_372 : i32 to index
        %swap3A_429 = arith.constant 48 : index
        %swap3A_430 = tpu.vector_load %arg11[%swap3A_428, %swap3A_429] {strides = array<i32>} : memref<64x128xf32, #tpu.memory_space<vmem>>, vector<1x16xf32>,
        %swap3A_431 = vector.shape_cast %swap3A_430 : vector<1x16xf32> to vector<16xf32>
        %swap3A_432 = vector.shape_cast %max3A_427 : vector<16xf32> to vector<1x16xf32>
        tpu.vector_store %arg11[%swap3A_428, %swap3A_429], %swap3A_432 {strides = array<i32>} : memref<64x128xf32, #tpu.memory_space<vmem>>, vector<1x16xf32>,
        %get3A_433 = arith.index_cast %add3A_372 : i32 to index
        %get3A_434 = arith.constant 64 : index
        %get3A_435 = tpu.vector_load %arg11[%get3A_433, %get3A_434] {strides = array<i32>} : memref<64x128xf32, #tpu.memory_space<vmem>>, vector<1x16xf32>,
        %get3A_436 = vector.shape_cast %get3A_435 : vector<1x16xf32> to vector<16xf32>
        %get3A_437 = arith.index_cast %add3A_372 : i32 to index
        %get3A_438 = arith.constant 64 : index
        %get3A_439 = tpu.vector_load %arg13[%get3A_437, %get3A_438] {strides = array<i32>} : memref<64x128xf32, #tpu.memory_space<vmem>>, vector<1x16xf32>,
        %get3A_440 = vector.shape_cast %get3A_439 : vector<1x16xf32> to vector<16xf32>
        %add3A_441 = arith.addf %get3A_436, %get3A_440 : vector<16xf32>
        %max3A_442 = arith.maximumf %add3A_441, %broadcast_in_dim3A_1 : vector<16xf32>
        %swap3A_443 = arith.index_cast %add3A_372 : i32 to index
        %swap3A_444 = arith.constant 64 : index
        %swap3A_445 = tpu.vector_load %arg11[%swap3A_443, %swap3A_444] {strides = array<i32>} : memref<64x128xf32, #tpu.memory_space<vmem>>, vector<1x16xf32>,
        %swap3A_446 = vector.shape_cast %swap3A_445 : vector<1x16xf32> to vector<16xf32>
        %swap3A_447 = vector.shape_cast %max3A_442 : vector<16xf32> to vector<1x16xf32>
        tpu.vector_store %arg11[%swap3A_443, %swap3A_444], %swap3A_447 {strides = array<i32>} : memref<64x128xf32, #tpu.memory_space<vmem>>, vector<1x16xf32>,
        %get3A_448 = arith.index_cast %add3A_372 : i32 to index
        %get3A_449 = arith.constant 80 : index
        %get3A_450 = tpu.vector_load %arg11[%get3A_448, %get3A_449] {strides = array<i32>} : memref<64x128xf32, #tpu.memory_space<vmem>>, vector<1x16xf32>,
        %get3A_451 = vector.shape_cast %get3A_450 : vector<1x16xf32> to vector<16xf32>
        %get3A_452 = arith.index_cast %add3A_372 : i32 to index
        %get3A_453 = arith.constant 80 : index
        %get3A_454 = tpu.vector_load %arg13[%get3A_452, %get3A_453] {strides = array<i32>} : memref<64x128xf32, #tpu.memory_space<vmem>>, vector<1x16xf32>,
        %get3A_455 = vector.shape_cast %get3A_454 : vector<1x16xf32> to vector<16xf32>
        %add3A_456 = arith.addf %get3A_451, %get3A_455 : vector<16xf32>
        %max3A_457 = arith.maximumf %add3A_456, %broadcast_in_dim3A_1 : vector<16xf32>
        %swap3A_458 = arith.index_cast %add3A_372 : i32 to index
        %swap3A_459 = arith.constant 80 : index
        %swap3A_460 = tpu.vector_load %arg11[%swap3A_458, %swap3A_459] {strides = array<i32>} : memref<64x128xf32, #tpu.memory_space<vmem>>, vector<1x16xf32>,
        %swap3A_461 = vector.shape_cast %swap3A_460 : vector<1x16xf32> to vector<16xf32>
        %swap3A_462 = vector.shape_cast %max3A_457 : vector<16xf32> to vector<1x16xf32>
        tpu.vector_store %arg11[%swap3A_458, %swap3A_459], %swap3A_462 {strides = array<i32>} : memref<64x128xf32, #tpu.memory_space<vmem>>, vector<1x16xf32>,
        %get3A_463 = arith.index_cast %add3A_372 : i32 to index
        %get3A_464 = arith.constant 96 : index
        %get3A_465 = tpu.vector_load %arg11[%get3A_463, %get3A_464] {strides = array<i32>} : memref<64x128xf32, #tpu.memory_space<vmem>>, vector<1x16xf32>,
        %get3A_466 = vector.shape_cast %get3A_465 : vector<1x16xf32> to vector<16xf32>
        %get3A_467 = arith.index_cast %add3A_372 : i32 to index
        %get3A_468 = arith.constant 96 : index
        %get3A_469 = tpu.vector_load %arg13[%get3A_467, %get3A_468] {strides = array<i32>} : memref<64x128xf32, #tpu.memory_space<vmem>>, vector<1x16xf32>,
        %get3A_470 = vector.shape_cast %get3A_469 : vector<1x16xf32> to vector<16xf32>
        %add3A_471 = arith.addf %get3A_466, %get3A_470 : vector<16xf32>
        %max3A_472 = arith.maximumf %add3A_471, %broadcast_in_dim3A_1 : vector<16xf32>
        %swap3A_473 = arith.index_cast %add3A_372 : i32 to index
        %swap3A_474 = arith.constant 96 : index
        %swap3A_475 = tpu.vector_load %arg11[%swap3A_473, %swap3A_474] {strides = array<i32>} : memref<64x128xf32, #tpu.memory_space<vmem>>, vector<1x16xf32>,
        %swap3A_476 = vector.shape_cast %swap3A_475 : vector<1x16xf32> to vector<16xf32>
        %swap3A_477 = vector.shape_cast %max3A_472 : vector<16xf32> to vector<1x16xf32>
        tpu.vector_store %arg11[%swap3A_473, %swap3A_474], %swap3A_477 {strides = array<i32>} : memref<64x128xf32, #tpu.memory_space<vmem>>, vector<1x16xf32>,
        %get3A_478 = arith.index_cast %add3A_372 : i32 to index
        %get3A_479 = arith.constant 112 : index
        %get3A_480 = tpu.vector_load %arg11[%get3A_478, %get3A_479] {strides = array<i32>} : memref<64x128xf32, #tpu.memory_space<vmem>>, vector<1x16xf32>,
        %get3A_481 = vector.shape_cast %get3A_480 : vector<1x16xf32> to vector<16xf32>
        %get3A_482 = arith.index_cast %add3A_372 : i32 to index
        %get3A_483 = arith.constant 112 : index
        %get3A_484 = tpu.vector_load %arg13[%get3A_482, %get3A_483] {strides = array<i32>} : memref<64x128xf32, #tpu.memory_space<vmem>>, vector<1x16xf32>,
        %get3A_485 = vector.shape_cast %get3A_484 : vector<1x16xf32> to vector<16xf32>
        %add3A_486 = arith.addf %get3A_481, %get3A_485 : vector<16xf32>
        %max3A_487 = arith.maximumf %add3A_486, %broadcast_in_dim3A_1 : vector<16xf32>
        %swap3A_488 = arith.index_cast %add3A_372 : i32 to index
        %swap3A_489 = arith.constant 112 : index
        %swap3A_490 = tpu.vector_load %arg11[%swap3A_488, %swap3A_489] {strides = array<i32>} : memref<64x128xf32, #tpu.memory_space<vmem>>, vector<1x16xf32>,
        %swap3A_491 = vector.shape_cast %swap3A_490 : vector<1x16xf32> to vector<16xf32>
        %swap3A_492 = vector.shape_cast %max3A_487 : vector<16xf32> to vector<1x16xf32>
        tpu.vector_store %arg11[%swap3A_488, %swap3A_489], %swap3A_492 {strides = array<i32>} : memref<64x128xf32, #tpu.memory_space<vmem>>, vector<1x16xf32>,
        %scan3A_493 = arith.constant 3 : i32
        %scan3A_494 = arith.addi %scan3A_119, %scan3A_493 : i32
        %mul3A_495 = arith.constant 1 : i32
        %mul3A_496 = arith.muli %scan3A_494, %mul3A_495 : i32
        %add3A_497 = arith.constant 0 : i32
        %add3A_498 = arith.addi %add3A_497, %mul3A_496 : i32
        %get3A_499 = arith.index_cast %add3A_498 : i32 to index
        %get3A_500 = arith.constant 0 : index
        %get3A_501 = tpu.vector_load %arg11[%get3A_499, %get3A_500] {strides = array<i32>} : memref<64x128xf32, #tpu.memory_space<vmem>>, vector<1x16xf32>,
        %get3A_502 = vector.shape_cast %get3A_501 : vector<1x16xf32> to vector<16xf32>
        %get3A_503 = arith.index_cast %add3A_498 : i32 to index
        %get3A_504 = arith.constant 0 : index
        %get3A_505 = tpu.vector_load %arg13[%get3A_503, %get3A_504] {strides = array<i32>} : memref<64x128xf32, #tpu.memory_space<vmem>>, vector<1x16xf32>,
        %get3A_506 = vector.shape_cast %get3A_505 : vector<1x16xf32> to vector<16xf32>
        %add3A_507 = arith.addf %get3A_502, %get3A_506 : vector<16xf32>
        %max3A_508 = arith.maximumf %add3A_507, %broadcast_in_dim3A_1 : vector<16xf32>
        %swap3A_509 = arith.index_cast %add3A_498 : i32 to index
        %swap3A_510 = arith.constant 0 : index
        %swap3A_511 = tpu.vector_load %arg11[%swap3A_509, %swap3A_510] {strides = array<i32>} : memref<64x128xf32, #tpu.memory_space<vmem>>, vector<1x16xf32>,
        %swap3A_512 = vector.shape_cast %swap3A_511 : vector<1x16xf32> to vector<16xf32>
        %swap3A_513 = vector.shape_cast %max3A_508 : vector<16xf32> to vector<1x16xf32>
        tpu.vector_store %arg11[%swap3A_509, %swap3A_510], %swap3A_513 {strides = array<i32>} : memref<64x128xf32, #tpu.memory_space<vmem>>, vector<1x16xf32>,
        %get3A_514 = arith.index_cast %add3A_498 : i32 to index
        %get3A_515 = arith.constant 16 : index
        %get3A_516 = tpu.vector_load %arg11[%get3A_514, %get3A_515] {strides = array<i32>} : memref<64x128xf32, #tpu.memory_space<vmem>>, vector<1x16xf32>,
        %get3A_517 = vector.shape_cast %get3A_516 : vector<1x16xf32> to vector<16xf32>
        %get3A_518 = arith.index_cast %add3A_498 : i32 to index
        %get3A_519 = arith.constant 16 : index
        %get3A_520 = tpu.vector_load %arg13[%get3A_518, %get3A_519] {strides = array<i32>} : memref<64x128xf32, #tpu.memory_space<vmem>>, vector<1x16xf32>,
        %get3A_521 = vector.shape_cast %get3A_520 : vector<1x16xf32> to vector<16xf32>
        %add3A_522 = arith.addf %get3A_517, %get3A_521 : vector<16xf32>
        %max3A_523 = arith.maximumf %add3A_522, %broadcast_in_dim3A_1 : vector<16xf32>
        %swap3A_524 = arith.index_cast %add3A_498 : i32 to index
        %swap3A_525 = arith.constant 16 : index
        %swap3A_526 = tpu.vector_load %arg11[%swap3A_524, %swap3A_525] {strides = array<i32>} : memref<64x128xf32, #tpu.memory_space<vmem>>, vector<1x16xf32>,
        %swap3A_527 = vector.shape_cast %swap3A_526 : vector<1x16xf32> to vector<16xf32>
        %swap3A_528 = vector.shape_cast %max3A_523 : vector<16xf32> to vector<1x16xf32>
        tpu.vector_store %arg11[%swap3A_524, %swap3A_525], %swap3A_528 {strides = array<i32>} : memref<64x128xf32, #tpu.memory_space<vmem>>, vector<1x16xf32>,
        %get3A_529 = arith.index_cast %add3A_498 : i32 to index
        %get3A_530 = arith.constant 32 : index
        %get3A_531 = tpu.vector_load %arg11[%get3A_529, %get3A_530] {strides = array<i32>} : memref<64x128xf32, #tpu.memory_space<vmem>>, vector<1x16xf32>,
        %get3A_532 = vector.shape_cast %get3A_531 : vector<1x16xf32> to vector<16xf32>
        %get3A_533 = arith.index_cast %add3A_498 : i32 to index
        %get3A_534 = arith.constant 32 : index
        %get3A_535 = tpu.vector_load %arg13[%get3A_533, %get3A_534] {strides = array<i32>} : memref<64x128xf32, #tpu.memory_space<vmem>>, vector<1x16xf32>,
        %get3A_536 = vector.shape_cast %get3A_535 : vector<1x16xf32> to vector<16xf32>
        %add3A_537 = arith.addf %get3A_532, %get3A_536 : vector<16xf32>
        %max3A_538 = arith.maximumf %add3A_537, %broadcast_in_dim3A_1 : vector<16xf32>
        %swap3A_539 = arith.index_cast %add3A_498 : i32 to index
        %swap3A_540 = arith.constant 32 : index
        %swap3A_541 = tpu.vector_load %arg11[%swap3A_539, %swap3A_540] {strides = array<i32>} : memref<64x128xf32, #tpu.memory_space<vmem>>, vector<1x16xf32>,
        %swap3A_542 = vector.shape_cast %swap3A_541 : vector<1x16xf32> to vector<16xf32>
        %swap3A_543 = vector.shape_cast %max3A_538 : vector<16xf32> to vector<1x16xf32>
        tpu.vector_store %arg11[%swap3A_539, %swap3A_540], %swap3A_543 {strides = array<i32>} : memref<64x128xf32, #tpu.memory_space<vmem>>, vector<1x16xf32>,
        %get3A_544 = arith.index_cast %add3A_498 : i32 to index
        %get3A_545 = arith.constant 48 : index
        %get3A_546 = tpu.vector_load %arg11[%get3A_544, %get3A_545] {strides = array<i32>} : memref<64x128xf32, #tpu.memory_space<vmem>>, vector<1x16xf32>,
        %get3A_547 = vector.shape_cast %get3A_546 : vector<1x16xf32> to vector<16xf32>
        %get3A_548 = arith.index_cast %add3A_498 : i32 to index
        %get3A_549 = arith.constant 48 : index
        %get3A_550 = tpu.vector_load %arg13[%get3A_548, %get3A_549] {strides = array<i32>} : memref<64x128xf32, #tpu.memory_space<vmem>>, vector<1x16xf32>,
        %get3A_551 = vector.shape_cast %get3A_550 : vector<1x16xf32> to vector<16xf32>
        %add3A_552 = arith.addf %get3A_547, %get3A_551 : vector<16xf32>
        %max3A_553 = arith.maximumf %add3A_552, %broadcast_in_dim3A_1 : vector<16xf32>
        %swap3A_554 = arith.index_cast %add3A_498 : i32 to index
        %swap3A_555 = arith.constant 48 : index
        %swap3A_556 = tpu.vector_load %arg11[%swap3A_554, %swap3A_555] {strides = array<i32>} : memref<64x128xf32, #tpu.memory_space<vmem>>, vector<1x16xf32>,
        %swap3A_557 = vector.shape_cast %swap3A_556 : vector<1x16xf32> to vector<16xf32>
        %swap3A_558 = vector.shape_cast %max3A_553 : vector<16xf32> to vector<1x16xf32>
        tpu.vector_store %arg11[%swap3A_554, %swap3A_555], %swap3A_558 {strides = array<i32>} : memref<64x128xf32, #tpu.memory_space<vmem>>, vector<1x16xf32>,
        %get3A_559 = arith.index_cast %add3A_498 : i32 to index
        %get3A_560 = arith.constant 64 : index
        %get3A_561 = tpu.vector_load %arg11[%get3A_559, %get3A_560] {strides = array<i32>} : memref<64x128xf32, #tpu.memory_space<vmem>>, vector<1x16xf32>,
        %get3A_562 = vector.shape_cast %get3A_561 : vector<1x16xf32> to vector<16xf32>
        %get3A_563 = arith.index_cast %add3A_498 : i32 to index
        %get3A_564 = arith.constant 64 : index
        %get3A_565 = tpu.vector_load %arg13[%get3A_563, %get3A_564] {strides = array<i32>} : memref<64x128xf32, #tpu.memory_space<vmem>>, vector<1x16xf32>,
        %get3A_566 = vector.shape_cast %get3A_565 : vector<1x16xf32> to vector<16xf32>
        %add3A_567 = arith.addf %get3A_562, %get3A_566 : vector<16xf32>
        %max3A_568 = arith.maximumf %add3A_567, %broadcast_in_dim3A_1 : vector<16xf32>
        %swap3A_569 = arith.index_cast %add3A_498 : i32 to index
        %swap3A_570 = arith.constant 64 : index
        %swap3A_571 = tpu.vector_load %arg11[%swap3A_569, %swap3A_570] {strides = array<i32>} : memref<64x128xf32, #tpu.memory_space<vmem>>, vector<1x16xf32>,
        %swap3A_572 = vector.shape_cast %swap3A_571 : vector<1x16xf32> to vector<16xf32>
        %swap3A_573 = vector.shape_cast %max3A_568 : vector<16xf32> to vector<1x16xf32>
        tpu.vector_store %arg11[%swap3A_569, %swap3A_570], %swap3A_573 {strides = array<i32>} : memref<64x128xf32, #tpu.memory_space<vmem>>, vector<1x16xf32>,
        %get3A_574 = arith.index_cast %add3A_498 : i32 to index
        %get3A_575 = arith.constant 80 : index
        %get3A_576 = tpu.vector_load %arg11[%get3A_574, %get3A_575] {strides = array<i32>} : memref<64x128xf32, #tpu.memory_space<vmem>>, vector<1x16xf32>,
        %get3A_577 = vector.shape_cast %get3A_576 : vector<1x16xf32> to vector<16xf32>
        %get3A_578 = arith.index_cast %add3A_498 : i32 to index
        %get3A_579 = arith.constant 80 : index
        %get3A_580 = tpu.vector_load %arg13[%get3A_578, %get3A_579] {strides = array<i32>} : memref<64x128xf32, #tpu.memory_space<vmem>>, vector<1x16xf32>,
        %get3A_581 = vector.shape_cast %get3A_580 : vector<1x16xf32> to vector<16xf32>
        %add3A_582 = arith.addf %get3A_577, %get3A_581 : vector<16xf32>
        %max3A_583 = arith.maximumf %add3A_582, %broadcast_in_dim3A_1 : vector<16xf32>
        %swap3A_584 = arith.index_cast %add3A_498 : i32 to index
        %swap3A_585 = arith.constant 80 : index
        %swap3A_586 = tpu.vector_load %arg11[%swap3A_584, %swap3A_585] {strides = array<i32>} : memref<64x128xf32, #tpu.memory_space<vmem>>, vector<1x16xf32>,
        %swap3A_587 = vector.shape_cast %swap3A_586 : vector<1x16xf32> to vector<16xf32>
        %swap3A_588 = vector.shape_cast %max3A_583 : vector<16xf32> to vector<1x16xf32>
        tpu.vector_store %arg11[%swap3A_584, %swap3A_585], %swap3A_588 {strides = array<i32>} : memref<64x128xf32, #tpu.memory_space<vmem>>, vector<1x16xf32>,
        %get3A_589 = arith.index_cast %add3A_498 : i32 to index
        %get3A_590 = arith.constant 96 : index
        %get3A_591 = tpu.vector_load %arg11[%get3A_589, %get3A_590] {strides = array<i32>} : memref<64x128xf32, #tpu.memory_space<vmem>>, vector<1x16xf32>,
        %get3A_592 = vector.shape_cast %get3A_591 : vector<1x16xf32> to vector<16xf32>
        %get3A_593 = arith.index_cast %add3A_498 : i32 to index
        %get3A_594 = arith.constant 96 : index
        %get3A_595 = tpu.vector_load %arg13[%get3A_593, %get3A_594] {strides = array<i32>} : memref<64x128xf32, #tpu.memory_space<vmem>>, vector<1x16xf32>,
        %get3A_596 = vector.shape_cast %get3A_595 : vector<1x16xf32> to vector<16xf32>
        %add3A_597 = arith.addf %get3A_592, %get3A_596 : vector<16xf32>
        %max3A_598 = arith.maximumf %add3A_597, %broadcast_in_dim3A_1 : vector<16xf32>
        %swap3A_599 = arith.index_cast %add3A_498 : i32 to index
        %swap3A_600 = arith.constant 96 : index
        %swap3A_601 = tpu.vector_load %arg11[%swap3A_599, %swap3A_600] {strides = array<i32>} : memref<64x128xf32, #tpu.memory_space<vmem>>, vector<1x16xf32>,
        %swap3A_602 = vector.shape_cast %swap3A_601 : vector<1x16xf32> to vector<16xf32>
        %swap3A_603 = vector.shape_cast %max3A_598 : vector<16xf32> to vector<1x16xf32>
        tpu.vector_store %arg11[%swap3A_599, %swap3A_600], %swap3A_603 {strides = array<i32>} : memref<64x128xf32, #tpu.memory_space<vmem>>, vector<1x16xf32>,
        %get3A_604 = arith.index_cast %add3A_498 : i32 to index
        %get3A_605 = arith.constant 112 : index
        %get3A_606 = tpu.vector_load %arg11[%get3A_604, %get3A_605] {strides = array<i32>} : memref<64x128xf32, #tpu.memory_space<vmem>>, vector<1x16xf32>,
        %get3A_607 = vector.shape_cast %get3A_606 : vector<1x16xf32> to vector<16xf32>
        %get3A_608 = arith.index_cast %add3A_498 : i32 to index
        %get3A_609 = arith.constant 112 : index
        %get3A_610 = tpu.vector_load %arg13[%get3A_608, %get3A_609] {strides = array<i32>} : memref<64x128xf32, #tpu.memory_space<vmem>>, vector<1x16xf32>,
        %get3A_611 = vector.shape_cast %get3A_610 : vector<1x16xf32> to vector<16xf32>
        %add3A_612 = arith.addf %get3A_607, %get3A_611 : vector<16xf32>
        %max3A_613 = arith.maximumf %add3A_612, %broadcast_in_dim3A_1 : vector<16xf32>
        %swap3A_614 = arith.index_cast %add3A_498 : i32 to index
        %swap3A_615 = arith.constant 112 : index
        %swap3A_616 = tpu.vector_load %arg11[%swap3A_614, %swap3A_615] {strides = array<i32>} : memref<64x128xf32, #tpu.memory_space<vmem>>, vector<1x16xf32>,
        %swap3A_617 = vector.shape_cast %swap3A_616 : vector<1x16xf32> to vector<16xf32>
        %swap3A_618 = vector.shape_cast %max3A_613 : vector<16xf32> to vector<1x16xf32>
        tpu.vector_store %arg11[%swap3A_614, %swap3A_615], %swap3A_618 {strides = array<i32>} : memref<64x128xf32, #tpu.memory_space<vmem>>, vector<1x16xf32>,
      }
      %scan3A_87 = arith.constant 64 : i32
      "tpu.region"() ({
        %run_scoped3A = tpu.sem_alloc : memref<!tpu.dma_semaphore, #tpu.memory_space<semaphore_mem>>
        %dma_start3A_119 = arith.constant 0 : i32
        %dma_start3A_120 = arith.constant 0 : i32
        %dma_start3A_121 = tpu.memref_slice %arg15[%dma_start3A_119, %dma_start3A_120] : memref<10112x128xf32, #tpu.memory_space<vmem_shared>> -> memref<10112x128xf32, #tpu.memory_space<vmem_shared>>
        tpu.enqueue_indirect_dma source(%arg11 : memref<64x128xf32, #tpu.memory_space<vmem>>) target(%dma_start3A_121 : memref<10112x128xf32, #tpu.memory_space<vmem_shared>>) offsets(%arg9 : memref<64xi32, #tpu.memory_space<vmem>>) semaphore(%run_scoped3A : memref<!tpu.dma_semaphore, #tpu.memory_space<semaphore_mem>>) {add = true}
        %dma_wait3A_122 = arith.constant 0 : i32
        %dma_wait3A_123 = arith.constant 0 : i32
        %dma_wait3A_124 = tpu.memref_slice %arg15[%dma_wait3A_122, %dma_wait3A_123] : memref<10112x128xf32, #tpu.memory_space<vmem_shared>> -> memref<10112x128xf32, #tpu.memory_space<vmem_shared>>
        tpu.wait_indirect_dma semaphore(%run_scoped3A : memref<!tpu.dma_semaphore, #tpu.memory_space<semaphore_mem>>) src(%arg11 : memref<64x128xf32, #tpu.memory_space<vmem>>) dst(%dma_wait3A_124 : memref<10112x128xf32, #tpu.memory_space<vmem_shared>>)
        tpu.yield
      }) : () -> ()
      %add3A_88 = arith.constant 1 : i32
      %add3A_89 = arith.addi %add3A_39, %add3A_88 : i32
      %lt3A = arith.constant 80 : i32
      %lt3A_90 = arith.cmpi slt, %add3A_89, %lt3A : i32
      %convert_element_type3A = arith.extui %lt3A_90 : i1 to i32
      %cond3A = arith.constant 0 : i32
      %cond3A_91 = arith.cmpi ne, %convert_element_type3A, %cond3A : i32
      scf.if %cond3A_91 {
        %add3A_119 = arith.constant 2 : i32
        %add3A_120 = arith.addi %mul3A_41, %add3A_119 : i32
        %dma_start3A_121 = arith.constant 0 : i32
        %dma_start3A_122 = tpu.memref_slice %arg8[%add3A_120, %dma_start3A_121] : memref<160x64xi32, #tpu.memory_space<vmem>> -> memref<1x64xi32, #tpu.memory_space<vmem>>
        %dma_start3A_123 = tpu.memref_squeeze %dma_start3A_122 : memref<1x64xi32, #tpu.memory_space<vmem>> -> memref<64xi32, #tpu.memory_space<vmem>>
        %dma_start3A_124 = arith.constant 0 : i32
        %dma_start3A_125 = arith.constant 0 : i32
        %dma_start3A_126 = tpu.memref_slice %arg2[%dma_start3A_124, %dma_start3A_125] : memref<10000x128xf32, #tpu.memory_space<hbm>> -> memref<10000x128xf32, #tpu.memory_space<hbm>>
        tpu.enqueue_indirect_dma source(%dma_start3A_126 : memref<10000x128xf32, #tpu.memory_space<hbm>>) target(%arg11 : memref<64x128xf32, #tpu.memory_space<vmem>>) offsets(%dma_start3A_123 : memref<64xi32, #tpu.memory_space<vmem>>) semaphore(%arg16 : memref<!tpu.dma_semaphore, #tpu.memory_space<semaphore_mem>>)
        %dma_start3A_127 = arith.constant 0 : i32
        %dma_start3A_128 = arith.constant 0 : i32
        %dma_start3A_129 = tpu.memref_slice %arg5[%add3A, %add3A_120, %dma_start3A_127, %dma_start3A_128] : memref<32x160x64x128xf32, #tpu.memory_space<hbm>> -> memref<1x1x64x128xf32, #tpu.memory_space<hbm>>
        %dma_start3A_130 = tpu.memref_squeeze %dma_start3A_129 : memref<1x1x64x128xf32, #tpu.memory_space<hbm>> -> memref<64x128xf32, #tpu.memory_space<hbm>>
        %dma_start3A_131 = arith.constant 0 : i32
        %dma_start3A_132 = arith.constant 0 : i32
        %dma_start3A_133 = tpu.memref_slice %arg5[%add3A, %add3A_120, %dma_start3A_131, %dma_start3A_132] : memref<32x160x64x128xf32, #tpu.memory_space<hbm>> -> memref<1x1x64x128xf32, #tpu.memory_space<hbm>>
        %dma_start3A_134 = tpu.memref_squeeze %dma_start3A_133 : memref<1x1x64x128xf32, #tpu.memory_space<hbm>> -> memref<64x128xf32, #tpu.memory_space<hbm>>
        tpu.enqueue_dma source(%dma_start3A_134 : memref<64x128xf32, #tpu.memory_space<hbm>>) target(%arg13 : memref<64x128xf32, #tpu.memory_space<vmem>>) target_semaphore(%arg18 : memref<!tpu.dma_semaphore, #tpu.memory_space<semaphore_mem>>)
        %dma_start3A_135 = arith.constant 0 : i32
        %dma_start3A_136 = tpu.memref_slice %arg4[%add3A, %add3A_120, %dma_start3A_135] : memref<32x160x64xi32, #tpu.memory_space<hbm>> -> memref<1x1x64xi32, #tpu.memory_space<hbm>>
        %dma_start3A_137 = tpu.memref_squeeze %dma_start3A_136 : memref<1x1x64xi32, #tpu.memory_space<hbm>> -> memref<64xi32, #tpu.memory_space<hbm>>
        %dma_start3A_138 = arith.constant 0 : i32
        %dma_start3A_139 = tpu.memref_slice %arg4[%add3A, %add3A_120, %dma_start3A_138] : memref<32x160x64xi32, #tpu.memory_space<hbm>> -> memref<1x1x64xi32, #tpu.memory_space<hbm>>
        %dma_start3A_140 = tpu.memref_squeeze %dma_start3A_139 : memref<1x1x64xi32, #tpu.memory_space<hbm>> -> memref<64xi32, #tpu.memory_space<hbm>>
        tpu.enqueue_dma source(%dma_start3A_140 : memref<64xi32, #tpu.memory_space<hbm>>) target(%arg9 : memref<64xi32, #tpu.memory_space<vmem>>) target_semaphore(%arg20 : memref<!tpu.dma_semaphore, #tpu.memory_space<semaphore_mem>>)
      } else {
      }
      %add3A_92 = arith.constant 1 : i32
      %add3A_93 = arith.addi %mul3A_41, %add3A_92 : i32
      %dma_wait3A_94 = arith.constant 0 : i32
      %dma_wait3A_95 = tpu.memref_slice %arg8[%add3A_93, %dma_wait3A_94] : memref<160x64xi32, #tpu.memory_space<vmem>> -> memref<1x64xi32, #tpu.memory_space<vmem>>
      %dma_wait3A_96 = tpu.memref_squeeze %dma_wait3A_95 : memref<1x64xi32, #tpu.memory_space<vmem>> -> memref<64xi32, #tpu.memory_space<vmem>>
      %dma_wait3A_97 = arith.constant 0 : i32
      %dma_wait3A_98 = arith.constant 0 : i32
      %dma_wait3A_99 = tpu.memref_slice %arg2[%dma_wait3A_97, %dma_wait3A_98] : memref<10000x128xf32, #tpu.memory_space<hbm>> -> memref<10000x128xf32, #tpu.memory_space<hbm>>
      tpu.wait_indirect_dma semaphore(%arg17 : memref<!tpu.dma_semaphore, #tpu.memory_space<semaphore_mem>>) src(%dma_wait3A_99 : memref<10000x128xf32, #tpu.memory_space<hbm>>) dst(%arg12 : memref<64x128xf32, #tpu.memory_space<vmem>>)
      %dma_wait3A_100 = arith.constant 0 : i32
      %dma_wait3A_101 = arith.constant 0 : i32
      %dma_wait3A_102 = tpu.memref_slice %arg5[%add3A, %add3A_93, %dma_wait3A_100, %dma_wait3A_101] : memref<32x160x64x128xf32, #tpu.memory_space<hbm>> -> memref<1x1x64x128xf32, #tpu.memory_space<hbm>>
      %dma_wait3A_103 = tpu.memref_squeeze %dma_wait3A_102 : memref<1x1x64x128xf32, #tpu.memory_space<hbm>> -> memref<64x128xf32, #tpu.memory_space<hbm>>
      %dma_wait3A_104 = arith.constant 0 : i32
      %dma_wait3A_105 = arith.constant 0 : i32
      %dma_wait3A_106 = tpu.memref_slice %arg5[%add3A, %add3A_93, %dma_wait3A_104, %dma_wait3A_105] : memref<32x160x64x128xf32, #tpu.memory_space<hbm>> -> memref<1x1x64x128xf32, #tpu.memory_space<hbm>>
      %dma_wait3A_107 = tpu.memref_squeeze %dma_wait3A_106 : memref<1x1x64x128xf32, #tpu.memory_space<hbm>> -> memref<64x128xf32, #tpu.memory_space<hbm>>
      tpu.wait_dma2 semaphore(%arg19 : memref<!tpu.dma_semaphore, #tpu.memory_space<semaphore_mem>>) src(%dma_wait3A_107 : memref<64x128xf32, #tpu.memory_space<hbm>>) dst(%arg14 : memref<64x128xf32, #tpu.memory_space<vmem>>)
      %dma_wait3A_108 = arith.constant 0 : i32
      %dma_wait3A_109 = tpu.memref_slice %arg4[%add3A, %add3A_93, %dma_wait3A_108] : memref<32x160x64xi32, #tpu.memory_space<hbm>> -> memref<1x1x64xi32, #tpu.memory_space<hbm>>
      %dma_wait3A_110 = tpu.memref_squeeze %dma_wait3A_109 : memref<1x1x64xi32, #tpu.memory_space<hbm>> -> memref<64xi32, #tpu.memory_space<hbm>>
      %dma_wait3A_111 = arith.constant 0 : i32
      %dma_wait3A_112 = tpu.memref_slice %arg4[%add3A, %add3A_93, %dma_wait3A_111] : memref<32x160x64xi32, #tpu.memory_space<hbm>> -> memref<1x1x64xi32, #tpu.memory_space<hbm>>
      %dma_wait3A_113 = tpu.memref_squeeze %dma_wait3A_112 : memref<1x1x64xi32, #tpu.memory_space<hbm>> -> memref<64xi32, #tpu.memory_space<hbm>>
      tpu.wait_dma2 semaphore(%arg21 : memref<!tpu.dma_semaphore, #tpu.memory_space<semaphore_mem>>) src(%dma_wait3A_113 : memref<64xi32, #tpu.memory_space<hbm>>) dst(%arg10 : memref<64xi32, #tpu.memory_space<vmem>>)
      %scan3A_114 = arith.constant 0 : i32
      %scan3A_115 = arith.constant 64 : i32
      %scan3A_116 = arith.addi %scan3A_114, %scan3A_115 : i32
      %scan3A_117 = arith.constant 4 : i32
      scf.for %scan3A_119 = %scan3A_114 to %scan3A_116 step %scan3A_117  : i32 {
        %mul3A_120 = arith.constant 1 : i32
        %mul3A_121 = arith.muli %scan3A_119, %mul3A_120 : i32
        %add3A_122 = arith.constant 0 : i32
        %add3A_123 = arith.addi %add3A_122, %mul3A_121 : i32
        %get3A = arith.index_cast %add3A_123 : i32 to index
        %get3A_124 = arith.constant 0 : index
        %get3A_125 = tpu.vector_load %arg12[%get3A, %get3A_124] {strides = array<i32>} : memref<64x128xf32, #tpu.memory_space<vmem>>, vector<1x16xf32>,
        %get3A_126 = vector.shape_cast %get3A_125 : vector<1x16xf32> to vector<16xf32>
        %get3A_127 = arith.index_cast %add3A_123 : i32 to index
        %get3A_128 = arith.constant 0 : index
        %get3A_129 = tpu.vector_load %arg14[%get3A_127, %get3A_128] {strides = array<i32>} : memref<64x128xf32, #tpu.memory_space<vmem>>, vector<1x16xf32>,
        %get3A_130 = vector.shape_cast %get3A_129 : vector<1x16xf32> to vector<16xf32>
        %add3A_131 = arith.addf %get3A_126, %get3A_130 : vector<16xf32>
        %max3A = arith.maximumf %add3A_131, %broadcast_in_dim3A_1 : vector<16xf32>
        %swap3A = arith.index_cast %add3A_123 : i32 to index
        %swap3A_132 = arith.constant 0 : index
        %swap3A_133 = tpu.vector_load %arg12[%swap3A, %swap3A_132] {strides = array<i32>} : memref<64x128xf32, #tpu.memory_space<vmem>>, vector<1x16xf32>,
        %swap3A_134 = vector.shape_cast %swap3A_133 : vector<1x16xf32> to vector<16xf32>
        %swap3A_135 = vector.shape_cast %max3A : vector<16xf32> to vector<1x16xf32>
        tpu.vector_store %arg12[%swap3A, %swap3A_132], %swap3A_135 {strides = array<i32>} : memref<64x128xf32, #tpu.memory_space<vmem>>, vector<1x16xf32>,
        %get3A_136 = arith.index_cast %add3A_123 : i32 to index
        %get3A_137 = arith.constant 16 : index
        %get3A_138 = tpu.vector_load %arg12[%get3A_136, %get3A_137] {strides = array<i32>} : memref<64x128xf32, #tpu.memory_space<vmem>>, vector<1x16xf32>,
        %get3A_139 = vector.shape_cast %get3A_138 : vector<1x16xf32> to vector<16xf32>
        %get3A_140 = arith.index_cast %add3A_123 : i32 to index
        %get3A_141 = arith.constant 16 : index
        %get3A_142 = tpu.vector_load %arg14[%get3A_140, %get3A_141] {strides = array<i32>} : memref<64x128xf32, #tpu.memory_space<vmem>>, vector<1x16xf32>,
        %get3A_143 = vector.shape_cast %get3A_142 : vector<1x16xf32> to vector<16xf32>
        %add3A_144 = arith.addf %get3A_139, %get3A_143 : vector<16xf32>
        %max3A_145 = arith.maximumf %add3A_144, %broadcast_in_dim3A_1 : vector<16xf32>
        %swap3A_146 = arith.index_cast %add3A_123 : i32 to index
        %swap3A_147 = arith.constant 16 : index
        %swap3A_148 = tpu.vector_load %arg12[%swap3A_146, %swap3A_147] {strides = array<i32>} : memref<64x128xf32, #tpu.memory_space<vmem>>, vector<1x16xf32>,
        %swap3A_149 = vector.shape_cast %swap3A_148 : vector<1x16xf32> to vector<16xf32>
        %swap3A_150 = vector.shape_cast %max3A_145 : vector<16xf32> to vector<1x16xf32>
        tpu.vector_store %arg12[%swap3A_146, %swap3A_147], %swap3A_150 {strides = array<i32>} : memref<64x128xf32, #tpu.memory_space<vmem>>, vector<1x16xf32>,
        %get3A_151 = arith.index_cast %add3A_123 : i32 to index
        %get3A_152 = arith.constant 32 : index
        %get3A_153 = tpu.vector_load %arg12[%get3A_151, %get3A_152] {strides = array<i32>} : memref<64x128xf32, #tpu.memory_space<vmem>>, vector<1x16xf32>,
        %get3A_154 = vector.shape_cast %get3A_153 : vector<1x16xf32> to vector<16xf32>
        %get3A_155 = arith.index_cast %add3A_123 : i32 to index
        %get3A_156 = arith.constant 32 : index
        %get3A_157 = tpu.vector_load %arg14[%get3A_155, %get3A_156] {strides = array<i32>} : memref<64x128xf32, #tpu.memory_space<vmem>>, vector<1x16xf32>,
        %get3A_158 = vector.shape_cast %get3A_157 : vector<1x16xf32> to vector<16xf32>
        %add3A_159 = arith.addf %get3A_154, %get3A_158 : vector<16xf32>
        %max3A_160 = arith.maximumf %add3A_159, %broadcast_in_dim3A_1 : vector<16xf32>
        %swap3A_161 = arith.index_cast %add3A_123 : i32 to index
        %swap3A_162 = arith.constant 32 : index
        %swap3A_163 = tpu.vector_load %arg12[%swap3A_161, %swap3A_162] {strides = array<i32>} : memref<64x128xf32, #tpu.memory_space<vmem>>, vector<1x16xf32>,
        %swap3A_164 = vector.shape_cast %swap3A_163 : vector<1x16xf32> to vector<16xf32>
        %swap3A_165 = vector.shape_cast %max3A_160 : vector<16xf32> to vector<1x16xf32>
        tpu.vector_store %arg12[%swap3A_161, %swap3A_162], %swap3A_165 {strides = array<i32>} : memref<64x128xf32, #tpu.memory_space<vmem>>, vector<1x16xf32>,
        %get3A_166 = arith.index_cast %add3A_123 : i32 to index
        %get3A_167 = arith.constant 48 : index
        %get3A_168 = tpu.vector_load %arg12[%get3A_166, %get3A_167] {strides = array<i32>} : memref<64x128xf32, #tpu.memory_space<vmem>>, vector<1x16xf32>,
        %get3A_169 = vector.shape_cast %get3A_168 : vector<1x16xf32> to vector<16xf32>
        %get3A_170 = arith.index_cast %add3A_123 : i32 to index
        %get3A_171 = arith.constant 48 : index
        %get3A_172 = tpu.vector_load %arg14[%get3A_170, %get3A_171] {strides = array<i32>} : memref<64x128xf32, #tpu.memory_space<vmem>>, vector<1x16xf32>,
        %get3A_173 = vector.shape_cast %get3A_172 : vector<1x16xf32> to vector<16xf32>
        %add3A_174 = arith.addf %get3A_169, %get3A_173 : vector<16xf32>
        %max3A_175 = arith.maximumf %add3A_174, %broadcast_in_dim3A_1 : vector<16xf32>
        %swap3A_176 = arith.index_cast %add3A_123 : i32 to index
        %swap3A_177 = arith.constant 48 : index
        %swap3A_178 = tpu.vector_load %arg12[%swap3A_176, %swap3A_177] {strides = array<i32>} : memref<64x128xf32, #tpu.memory_space<vmem>>, vector<1x16xf32>,
        %swap3A_179 = vector.shape_cast %swap3A_178 : vector<1x16xf32> to vector<16xf32>
        %swap3A_180 = vector.shape_cast %max3A_175 : vector<16xf32> to vector<1x16xf32>
        tpu.vector_store %arg12[%swap3A_176, %swap3A_177], %swap3A_180 {strides = array<i32>} : memref<64x128xf32, #tpu.memory_space<vmem>>, vector<1x16xf32>,
        %get3A_181 = arith.index_cast %add3A_123 : i32 to index
        %get3A_182 = arith.constant 64 : index
        %get3A_183 = tpu.vector_load %arg12[%get3A_181, %get3A_182] {strides = array<i32>} : memref<64x128xf32, #tpu.memory_space<vmem>>, vector<1x16xf32>,
        %get3A_184 = vector.shape_cast %get3A_183 : vector<1x16xf32> to vector<16xf32>
        %get3A_185 = arith.index_cast %add3A_123 : i32 to index
        %get3A_186 = arith.constant 64 : index
        %get3A_187 = tpu.vector_load %arg14[%get3A_185, %get3A_186] {strides = array<i32>} : memref<64x128xf32, #tpu.memory_space<vmem>>, vector<1x16xf32>,
        %get3A_188 = vector.shape_cast %get3A_187 : vector<1x16xf32> to vector<16xf32>
        %add3A_189 = arith.addf %get3A_184, %get3A_188 : vector<16xf32>
        %max3A_190 = arith.maximumf %add3A_189, %broadcast_in_dim3A_1 : vector<16xf32>
        %swap3A_191 = arith.index_cast %add3A_123 : i32 to index
        %swap3A_192 = arith.constant 64 : index
        %swap3A_193 = tpu.vector_load %arg12[%swap3A_191, %swap3A_192] {strides = array<i32>} : memref<64x128xf32, #tpu.memory_space<vmem>>, vector<1x16xf32>,
        %swap3A_194 = vector.shape_cast %swap3A_193 : vector<1x16xf32> to vector<16xf32>
        %swap3A_195 = vector.shape_cast %max3A_190 : vector<16xf32> to vector<1x16xf32>
        tpu.vector_store %arg12[%swap3A_191, %swap3A_192], %swap3A_195 {strides = array<i32>} : memref<64x128xf32, #tpu.memory_space<vmem>>, vector<1x16xf32>,
        %get3A_196 = arith.index_cast %add3A_123 : i32 to index
        %get3A_197 = arith.constant 80 : index
        %get3A_198 = tpu.vector_load %arg12[%get3A_196, %get3A_197] {strides = array<i32>} : memref<64x128xf32, #tpu.memory_space<vmem>>, vector<1x16xf32>,
        %get3A_199 = vector.shape_cast %get3A_198 : vector<1x16xf32> to vector<16xf32>
        %get3A_200 = arith.index_cast %add3A_123 : i32 to index
        %get3A_201 = arith.constant 80 : index
        %get3A_202 = tpu.vector_load %arg14[%get3A_200, %get3A_201] {strides = array<i32>} : memref<64x128xf32, #tpu.memory_space<vmem>>, vector<1x16xf32>,
        %get3A_203 = vector.shape_cast %get3A_202 : vector<1x16xf32> to vector<16xf32>
        %add3A_204 = arith.addf %get3A_199, %get3A_203 : vector<16xf32>
        %max3A_205 = arith.maximumf %add3A_204, %broadcast_in_dim3A_1 : vector<16xf32>
        %swap3A_206 = arith.index_cast %add3A_123 : i32 to index
        %swap3A_207 = arith.constant 80 : index
        %swap3A_208 = tpu.vector_load %arg12[%swap3A_206, %swap3A_207] {strides = array<i32>} : memref<64x128xf32, #tpu.memory_space<vmem>>, vector<1x16xf32>,
        %swap3A_209 = vector.shape_cast %swap3A_208 : vector<1x16xf32> to vector<16xf32>
        %swap3A_210 = vector.shape_cast %max3A_205 : vector<16xf32> to vector<1x16xf32>
        tpu.vector_store %arg12[%swap3A_206, %swap3A_207], %swap3A_210 {strides = array<i32>} : memref<64x128xf32, #tpu.memory_space<vmem>>, vector<1x16xf32>,
        %get3A_211 = arith.index_cast %add3A_123 : i32 to index
        %get3A_212 = arith.constant 96 : index
        %get3A_213 = tpu.vector_load %arg12[%get3A_211, %get3A_212] {strides = array<i32>} : memref<64x128xf32, #tpu.memory_space<vmem>>, vector<1x16xf32>,
        %get3A_214 = vector.shape_cast %get3A_213 : vector<1x16xf32> to vector<16xf32>
        %get3A_215 = arith.index_cast %add3A_123 : i32 to index
        %get3A_216 = arith.constant 96 : index
        %get3A_217 = tpu.vector_load %arg14[%get3A_215, %get3A_216] {strides = array<i32>} : memref<64x128xf32, #tpu.memory_space<vmem>>, vector<1x16xf32>,
        %get3A_218 = vector.shape_cast %get3A_217 : vector<1x16xf32> to vector<16xf32>
        %add3A_219 = arith.addf %get3A_214, %get3A_218 : vector<16xf32>
        %max3A_220 = arith.maximumf %add3A_219, %broadcast_in_dim3A_1 : vector<16xf32>
        %swap3A_221 = arith.index_cast %add3A_123 : i32 to index
        %swap3A_222 = arith.constant 96 : index
        %swap3A_223 = tpu.vector_load %arg12[%swap3A_221, %swap3A_222] {strides = array<i32>} : memref<64x128xf32, #tpu.memory_space<vmem>>, vector<1x16xf32>,
        %swap3A_224 = vector.shape_cast %swap3A_223 : vector<1x16xf32> to vector<16xf32>
        %swap3A_225 = vector.shape_cast %max3A_220 : vector<16xf32> to vector<1x16xf32>
        tpu.vector_store %arg12[%swap3A_221, %swap3A_222], %swap3A_225 {strides = array<i32>} : memref<64x128xf32, #tpu.memory_space<vmem>>, vector<1x16xf32>,
        %get3A_226 = arith.index_cast %add3A_123 : i32 to index
        %get3A_227 = arith.constant 112 : index
        %get3A_228 = tpu.vector_load %arg12[%get3A_226, %get3A_227] {strides = array<i32>} : memref<64x128xf32, #tpu.memory_space<vmem>>, vector<1x16xf32>,
        %get3A_229 = vector.shape_cast %get3A_228 : vector<1x16xf32> to vector<16xf32>
        %get3A_230 = arith.index_cast %add3A_123 : i32 to index
        %get3A_231 = arith.constant 112 : index
        %get3A_232 = tpu.vector_load %arg14[%get3A_230, %get3A_231] {strides = array<i32>} : memref<64x128xf32, #tpu.memory_space<vmem>>, vector<1x16xf32>,
        %get3A_233 = vector.shape_cast %get3A_232 : vector<1x16xf32> to vector<16xf32>
        %add3A_234 = arith.addf %get3A_229, %get3A_233 : vector<16xf32>
        %max3A_235 = arith.maximumf %add3A_234, %broadcast_in_dim3A_1 : vector<16xf32>
        %swap3A_236 = arith.index_cast %add3A_123 : i32 to index
        %swap3A_237 = arith.constant 112 : index
        %swap3A_238 = tpu.vector_load %arg12[%swap3A_236, %swap3A_237] {strides = array<i32>} : memref<64x128xf32, #tpu.memory_space<vmem>>, vector<1x16xf32>,
        %swap3A_239 = vector.shape_cast %swap3A_238 : vector<1x16xf32> to vector<16xf32>
        %swap3A_240 = vector.shape_cast %max3A_235 : vector<16xf32> to vector<1x16xf32>
        tpu.vector_store %arg12[%swap3A_236, %swap3A_237], %swap3A_240 {strides = array<i32>} : memref<64x128xf32, #tpu.memory_space<vmem>>, vector<1x16xf32>,
        %scan3A_241 = arith.constant 1 : i32
        %scan3A_242 = arith.addi %scan3A_119, %scan3A_241 : i32
        %mul3A_243 = arith.constant 1 : i32
        %mul3A_244 = arith.muli %scan3A_242, %mul3A_243 : i32
        %add3A_245 = arith.constant 0 : i32
        %add3A_246 = arith.addi %add3A_245, %mul3A_244 : i32
        %get3A_247 = arith.index_cast %add3A_246 : i32 to index
        %get3A_248 = arith.constant 0 : index
        %get3A_249 = tpu.vector_load %arg12[%get3A_247, %get3A_248] {strides = array<i32>} : memref<64x128xf32, #tpu.memory_space<vmem>>, vector<1x16xf32>,
        %get3A_250 = vector.shape_cast %get3A_249 : vector<1x16xf32> to vector<16xf32>
        %get3A_251 = arith.index_cast %add3A_246 : i32 to index
        %get3A_252 = arith.constant 0 : index
        %get3A_253 = tpu.vector_load %arg14[%get3A_251, %get3A_252] {strides = array<i32>} : memref<64x128xf32, #tpu.memory_space<vmem>>, vector<1x16xf32>,
        %get3A_254 = vector.shape_cast %get3A_253 : vector<1x16xf32> to vector<16xf32>
        %add3A_255 = arith.addf %get3A_250, %get3A_254 : vector<16xf32>
        %max3A_256 = arith.maximumf %add3A_255, %broadcast_in_dim3A_1 : vector<16xf32>
        %swap3A_257 = arith.index_cast %add3A_246 : i32 to index
        %swap3A_258 = arith.constant 0 : index
        %swap3A_259 = tpu.vector_load %arg12[%swap3A_257, %swap3A_258] {strides = array<i32>} : memref<64x128xf32, #tpu.memory_space<vmem>>, vector<1x16xf32>,
        %swap3A_260 = vector.shape_cast %swap3A_259 : vector<1x16xf32> to vector<16xf32>
        %swap3A_261 = vector.shape_cast %max3A_256 : vector<16xf32> to vector<1x16xf32>
        tpu.vector_store %arg12[%swap3A_257, %swap3A_258], %swap3A_261 {strides = array<i32>} : memref<64x128xf32, #tpu.memory_space<vmem>>, vector<1x16xf32>,
        %get3A_262 = arith.index_cast %add3A_246 : i32 to index
        %get3A_263 = arith.constant 16 : index
        %get3A_264 = tpu.vector_load %arg12[%get3A_262, %get3A_263] {strides = array<i32>} : memref<64x128xf32, #tpu.memory_space<vmem>>, vector<1x16xf32>,
        %get3A_265 = vector.shape_cast %get3A_264 : vector<1x16xf32> to vector<16xf32>
        %get3A_266 = arith.index_cast %add3A_246 : i32 to index
        %get3A_267 = arith.constant 16 : index
        %get3A_268 = tpu.vector_load %arg14[%get3A_266, %get3A_267] {strides = array<i32>} : memref<64x128xf32, #tpu.memory_space<vmem>>, vector<1x16xf32>,
        %get3A_269 = vector.shape_cast %get3A_268 : vector<1x16xf32> to vector<16xf32>
        %add3A_270 = arith.addf %get3A_265, %get3A_269 : vector<16xf32>
        %max3A_271 = arith.maximumf %add3A_270, %broadcast_in_dim3A_1 : vector<16xf32>
        %swap3A_272 = arith.index_cast %add3A_246 : i32 to index
        %swap3A_273 = arith.constant 16 : index
        %swap3A_274 = tpu.vector_load %arg12[%swap3A_272, %swap3A_273] {strides = array<i32>} : memref<64x128xf32, #tpu.memory_space<vmem>>, vector<1x16xf32>,
        %swap3A_275 = vector.shape_cast %swap3A_274 : vector<1x16xf32> to vector<16xf32>
        %swap3A_276 = vector.shape_cast %max3A_271 : vector<16xf32> to vector<1x16xf32>
        tpu.vector_store %arg12[%swap3A_272, %swap3A_273], %swap3A_276 {strides = array<i32>} : memref<64x128xf32, #tpu.memory_space<vmem>>, vector<1x16xf32>,
        %get3A_277 = arith.index_cast %add3A_246 : i32 to index
        %get3A_278 = arith.constant 32 : index
        %get3A_279 = tpu.vector_load %arg12[%get3A_277, %get3A_278] {strides = array<i32>} : memref<64x128xf32, #tpu.memory_space<vmem>>, vector<1x16xf32>,
        %get3A_280 = vector.shape_cast %get3A_279 : vector<1x16xf32> to vector<16xf32>
        %get3A_281 = arith.index_cast %add3A_246 : i32 to index
        %get3A_282 = arith.constant 32 : index
        %get3A_283 = tpu.vector_load %arg14[%get3A_281, %get3A_282] {strides = array<i32>} : memref<64x128xf32, #tpu.memory_space<vmem>>, vector<1x16xf32>,
        %get3A_284 = vector.shape_cast %get3A_283 : vector<1x16xf32> to vector<16xf32>
        %add3A_285 = arith.addf %get3A_280, %get3A_284 : vector<16xf32>
        %max3A_286 = arith.maximumf %add3A_285, %broadcast_in_dim3A_1 : vector<16xf32>
        %swap3A_287 = arith.index_cast %add3A_246 : i32 to index
        %swap3A_288 = arith.constant 32 : index
        %swap3A_289 = tpu.vector_load %arg12[%swap3A_287, %swap3A_288] {strides = array<i32>} : memref<64x128xf32, #tpu.memory_space<vmem>>, vector<1x16xf32>,
        %swap3A_290 = vector.shape_cast %swap3A_289 : vector<1x16xf32> to vector<16xf32>
        %swap3A_291 = vector.shape_cast %max3A_286 : vector<16xf32> to vector<1x16xf32>
        tpu.vector_store %arg12[%swap3A_287, %swap3A_288], %swap3A_291 {strides = array<i32>} : memref<64x128xf32, #tpu.memory_space<vmem>>, vector<1x16xf32>,
        %get3A_292 = arith.index_cast %add3A_246 : i32 to index
        %get3A_293 = arith.constant 48 : index
        %get3A_294 = tpu.vector_load %arg12[%get3A_292, %get3A_293] {strides = array<i32>} : memref<64x128xf32, #tpu.memory_space<vmem>>, vector<1x16xf32>,
        %get3A_295 = vector.shape_cast %get3A_294 : vector<1x16xf32> to vector<16xf32>
        %get3A_296 = arith.index_cast %add3A_246 : i32 to index
        %get3A_297 = arith.constant 48 : index
        %get3A_298 = tpu.vector_load %arg14[%get3A_296, %get3A_297] {strides = array<i32>} : memref<64x128xf32, #tpu.memory_space<vmem>>, vector<1x16xf32>,
        %get3A_299 = vector.shape_cast %get3A_298 : vector<1x16xf32> to vector<16xf32>
        %add3A_300 = arith.addf %get3A_295, %get3A_299 : vector<16xf32>
        %max3A_301 = arith.maximumf %add3A_300, %broadcast_in_dim3A_1 : vector<16xf32>
        %swap3A_302 = arith.index_cast %add3A_246 : i32 to index
        %swap3A_303 = arith.constant 48 : index
        %swap3A_304 = tpu.vector_load %arg12[%swap3A_302, %swap3A_303] {strides = array<i32>} : memref<64x128xf32, #tpu.memory_space<vmem>>, vector<1x16xf32>,
        %swap3A_305 = vector.shape_cast %swap3A_304 : vector<1x16xf32> to vector<16xf32>
        %swap3A_306 = vector.shape_cast %max3A_301 : vector<16xf32> to vector<1x16xf32>
        tpu.vector_store %arg12[%swap3A_302, %swap3A_303], %swap3A_306 {strides = array<i32>} : memref<64x128xf32, #tpu.memory_space<vmem>>, vector<1x16xf32>,
        %get3A_307 = arith.index_cast %add3A_246 : i32 to index
        %get3A_308 = arith.constant 64 : index
        %get3A_309 = tpu.vector_load %arg12[%get3A_307, %get3A_308] {strides = array<i32>} : memref<64x128xf32, #tpu.memory_space<vmem>>, vector<1x16xf32>,
        %get3A_310 = vector.shape_cast %get3A_309 : vector<1x16xf32> to vector<16xf32>
        %get3A_311 = arith.index_cast %add3A_246 : i32 to index
        %get3A_312 = arith.constant 64 : index
        %get3A_313 = tpu.vector_load %arg14[%get3A_311, %get3A_312] {strides = array<i32>} : memref<64x128xf32, #tpu.memory_space<vmem>>, vector<1x16xf32>,
        %get3A_314 = vector.shape_cast %get3A_313 : vector<1x16xf32> to vector<16xf32>
        %add3A_315 = arith.addf %get3A_310, %get3A_314 : vector<16xf32>
        %max3A_316 = arith.maximumf %add3A_315, %broadcast_in_dim3A_1 : vector<16xf32>
        %swap3A_317 = arith.index_cast %add3A_246 : i32 to index
        %swap3A_318 = arith.constant 64 : index
        %swap3A_319 = tpu.vector_load %arg12[%swap3A_317, %swap3A_318] {strides = array<i32>} : memref<64x128xf32, #tpu.memory_space<vmem>>, vector<1x16xf32>,
        %swap3A_320 = vector.shape_cast %swap3A_319 : vector<1x16xf32> to vector<16xf32>
        %swap3A_321 = vector.shape_cast %max3A_316 : vector<16xf32> to vector<1x16xf32>
        tpu.vector_store %arg12[%swap3A_317, %swap3A_318], %swap3A_321 {strides = array<i32>} : memref<64x128xf32, #tpu.memory_space<vmem>>, vector<1x16xf32>,
        %get3A_322 = arith.index_cast %add3A_246 : i32 to index
        %get3A_323 = arith.constant 80 : index
        %get3A_324 = tpu.vector_load %arg12[%get3A_322, %get3A_323] {strides = array<i32>} : memref<64x128xf32, #tpu.memory_space<vmem>>, vector<1x16xf32>,
        %get3A_325 = vector.shape_cast %get3A_324 : vector<1x16xf32> to vector<16xf32>
        %get3A_326 = arith.index_cast %add3A_246 : i32 to index
        %get3A_327 = arith.constant 80 : index
        %get3A_328 = tpu.vector_load %arg14[%get3A_326, %get3A_327] {strides = array<i32>} : memref<64x128xf32, #tpu.memory_space<vmem>>, vector<1x16xf32>,
        %get3A_329 = vector.shape_cast %get3A_328 : vector<1x16xf32> to vector<16xf32>
        %add3A_330 = arith.addf %get3A_325, %get3A_329 : vector<16xf32>
        %max3A_331 = arith.maximumf %add3A_330, %broadcast_in_dim3A_1 : vector<16xf32>
        %swap3A_332 = arith.index_cast %add3A_246 : i32 to index
        %swap3A_333 = arith.constant 80 : index
        %swap3A_334 = tpu.vector_load %arg12[%swap3A_332, %swap3A_333] {strides = array<i32>} : memref<64x128xf32, #tpu.memory_space<vmem>>, vector<1x16xf32>,
        %swap3A_335 = vector.shape_cast %swap3A_334 : vector<1x16xf32> to vector<16xf32>
        %swap3A_336 = vector.shape_cast %max3A_331 : vector<16xf32> to vector<1x16xf32>
        tpu.vector_store %arg12[%swap3A_332, %swap3A_333], %swap3A_336 {strides = array<i32>} : memref<64x128xf32, #tpu.memory_space<vmem>>, vector<1x16xf32>,
        %get3A_337 = arith.index_cast %add3A_246 : i32 to index
        %get3A_338 = arith.constant 96 : index
        %get3A_339 = tpu.vector_load %arg12[%get3A_337, %get3A_338] {strides = array<i32>} : memref<64x128xf32, #tpu.memory_space<vmem>>, vector<1x16xf32>,
        %get3A_340 = vector.shape_cast %get3A_339 : vector<1x16xf32> to vector<16xf32>
        %get3A_341 = arith.index_cast %add3A_246 : i32 to index
        %get3A_342 = arith.constant 96 : index
        %get3A_343 = tpu.vector_load %arg14[%get3A_341, %get3A_342] {strides = array<i32>} : memref<64x128xf32, #tpu.memory_space<vmem>>, vector<1x16xf32>,
        %get3A_344 = vector.shape_cast %get3A_343 : vector<1x16xf32> to vector<16xf32>
        %add3A_345 = arith.addf %get3A_340, %get3A_344 : vector<16xf32>
        %max3A_346 = arith.maximumf %add3A_345, %broadcast_in_dim3A_1 : vector<16xf32>
        %swap3A_347 = arith.index_cast %add3A_246 : i32 to index
        %swap3A_348 = arith.constant 96 : index
        %swap3A_349 = tpu.vector_load %arg12[%swap3A_347, %swap3A_348] {strides = array<i32>} : memref<64x128xf32, #tpu.memory_space<vmem>>, vector<1x16xf32>,
        %swap3A_350 = vector.shape_cast %swap3A_349 : vector<1x16xf32> to vector<16xf32>
        %swap3A_351 = vector.shape_cast %max3A_346 : vector<16xf32> to vector<1x16xf32>
        tpu.vector_store %arg12[%swap3A_347, %swap3A_348], %swap3A_351 {strides = array<i32>} : memref<64x128xf32, #tpu.memory_space<vmem>>, vector<1x16xf32>,
        %get3A_352 = arith.index_cast %add3A_246 : i32 to index
        %get3A_353 = arith.constant 112 : index
        %get3A_354 = tpu.vector_load %arg12[%get3A_352, %get3A_353] {strides = array<i32>} : memref<64x128xf32, #tpu.memory_space<vmem>>, vector<1x16xf32>,
        %get3A_355 = vector.shape_cast %get3A_354 : vector<1x16xf32> to vector<16xf32>
        %get3A_356 = arith.index_cast %add3A_246 : i32 to index
        %get3A_357 = arith.constant 112 : index
        %get3A_358 = tpu.vector_load %arg14[%get3A_356, %get3A_357] {strides = array<i32>} : memref<64x128xf32, #tpu.memory_space<vmem>>, vector<1x16xf32>,
        %get3A_359 = vector.shape_cast %get3A_358 : vector<1x16xf32> to vector<16xf32>
        %add3A_360 = arith.addf %get3A_355, %get3A_359 : vector<16xf32>
        %max3A_361 = arith.maximumf %add3A_360, %broadcast_in_dim3A_1 : vector<16xf32>
        %swap3A_362 = arith.index_cast %add3A_246 : i32 to index
        %swap3A_363 = arith.constant 112 : index
        %swap3A_364 = tpu.vector_load %arg12[%swap3A_362, %swap3A_363] {strides = array<i32>} : memref<64x128xf32, #tpu.memory_space<vmem>>, vector<1x16xf32>,
        %swap3A_365 = vector.shape_cast %swap3A_364 : vector<1x16xf32> to vector<16xf32>
        %swap3A_366 = vector.shape_cast %max3A_361 : vector<16xf32> to vector<1x16xf32>
        tpu.vector_store %arg12[%swap3A_362, %swap3A_363], %swap3A_366 {strides = array<i32>} : memref<64x128xf32, #tpu.memory_space<vmem>>, vector<1x16xf32>,
        %scan3A_367 = arith.constant 2 : i32
        %scan3A_368 = arith.addi %scan3A_119, %scan3A_367 : i32
        %mul3A_369 = arith.constant 1 : i32
        %mul3A_370 = arith.muli %scan3A_368, %mul3A_369 : i32
        %add3A_371 = arith.constant 0 : i32
        %add3A_372 = arith.addi %add3A_371, %mul3A_370 : i32
        %get3A_373 = arith.index_cast %add3A_372 : i32 to index
        %get3A_374 = arith.constant 0 : index
        %get3A_375 = tpu.vector_load %arg12[%get3A_373, %get3A_374] {strides = array<i32>} : memref<64x128xf32, #tpu.memory_space<vmem>>, vector<1x16xf32>,
        %get3A_376 = vector.shape_cast %get3A_375 : vector<1x16xf32> to vector<16xf32>
        %get3A_377 = arith.index_cast %add3A_372 : i32 to index
        %get3A_378 = arith.constant 0 : index
        %get3A_379 = tpu.vector_load %arg14[%get3A_377, %get3A_378] {strides = array<i32>} : memref<64x128xf32, #tpu.memory_space<vmem>>, vector<1x16xf32>,
        %get3A_380 = vector.shape_cast %get3A_379 : vector<1x16xf32> to vector<16xf32>
        %add3A_381 = arith.addf %get3A_376, %get3A_380 : vector<16xf32>
        %max3A_382 = arith.maximumf %add3A_381, %broadcast_in_dim3A_1 : vector<16xf32>
        %swap3A_383 = arith.index_cast %add3A_372 : i32 to index
        %swap3A_384 = arith.constant 0 : index
        %swap3A_385 = tpu.vector_load %arg12[%swap3A_383, %swap3A_384] {strides = array<i32>} : memref<64x128xf32, #tpu.memory_space<vmem>>, vector<1x16xf32>,
        %swap3A_386 = vector.shape_cast %swap3A_385 : vector<1x16xf32> to vector<16xf32>
        %swap3A_387 = vector.shape_cast %max3A_382 : vector<16xf32> to vector<1x16xf32>
        tpu.vector_store %arg12[%swap3A_383, %swap3A_384], %swap3A_387 {strides = array<i32>} : memref<64x128xf32, #tpu.memory_space<vmem>>, vector<1x16xf32>,
        %get3A_388 = arith.index_cast %add3A_372 : i32 to index
        %get3A_389 = arith.constant 16 : index
        %get3A_390 = tpu.vector_load %arg12[%get3A_388, %get3A_389] {strides = array<i32>} : memref<64x128xf32, #tpu.memory_space<vmem>>, vector<1x16xf32>,
        %get3A_391 = vector.shape_cast %get3A_390 : vector<1x16xf32> to vector<16xf32>
        %get3A_392 = arith.index_cast %add3A_372 : i32 to index
        %get3A_393 = arith.constant 16 : index
        %get3A_394 = tpu.vector_load %arg14[%get3A_392, %get3A_393] {strides = array<i32>} : memref<64x128xf32, #tpu.memory_space<vmem>>, vector<1x16xf32>,
        %get3A_395 = vector.shape_cast %get3A_394 : vector<1x16xf32> to vector<16xf32>
        %add3A_396 = arith.addf %get3A_391, %get3A_395 : vector<16xf32>
        %max3A_397 = arith.maximumf %add3A_396, %broadcast_in_dim3A_1 : vector<16xf32>
        %swap3A_398 = arith.index_cast %add3A_372 : i32 to index
        %swap3A_399 = arith.constant 16 : index
        %swap3A_400 = tpu.vector_load %arg12[%swap3A_398, %swap3A_399] {strides = array<i32>} : memref<64x128xf32, #tpu.memory_space<vmem>>, vector<1x16xf32>,
        %swap3A_401 = vector.shape_cast %swap3A_400 : vector<1x16xf32> to vector<16xf32>
        %swap3A_402 = vector.shape_cast %max3A_397 : vector<16xf32> to vector<1x16xf32>
        tpu.vector_store %arg12[%swap3A_398, %swap3A_399], %swap3A_402 {strides = array<i32>} : memref<64x128xf32, #tpu.memory_space<vmem>>, vector<1x16xf32>,
        %get3A_403 = arith.index_cast %add3A_372 : i32 to index
        %get3A_404 = arith.constant 32 : index
        %get3A_405 = tpu.vector_load %arg12[%get3A_403, %get3A_404] {strides = array<i32>} : memref<64x128xf32, #tpu.memory_space<vmem>>, vector<1x16xf32>,
        %get3A_406 = vector.shape_cast %get3A_405 : vector<1x16xf32> to vector<16xf32>
        %get3A_407 = arith.index_cast %add3A_372 : i32 to index
        %get3A_408 = arith.constant 32 : index
        %get3A_409 = tpu.vector_load %arg14[%get3A_407, %get3A_408] {strides = array<i32>} : memref<64x128xf32, #tpu.memory_space<vmem>>, vector<1x16xf32>,
        %get3A_410 = vector.shape_cast %get3A_409 : vector<1x16xf32> to vector<16xf32>
        %add3A_411 = arith.addf %get3A_406, %get3A_410 : vector<16xf32>
        %max3A_412 = arith.maximumf %add3A_411, %broadcast_in_dim3A_1 : vector<16xf32>
        %swap3A_413 = arith.index_cast %add3A_372 : i32 to index
        %swap3A_414 = arith.constant 32 : index
        %swap3A_415 = tpu.vector_load %arg12[%swap3A_413, %swap3A_414] {strides = array<i32>} : memref<64x128xf32, #tpu.memory_space<vmem>>, vector<1x16xf32>,
        %swap3A_416 = vector.shape_cast %swap3A_415 : vector<1x16xf32> to vector<16xf32>
        %swap3A_417 = vector.shape_cast %max3A_412 : vector<16xf32> to vector<1x16xf32>
        tpu.vector_store %arg12[%swap3A_413, %swap3A_414], %swap3A_417 {strides = array<i32>} : memref<64x128xf32, #tpu.memory_space<vmem>>, vector<1x16xf32>,
        %get3A_418 = arith.index_cast %add3A_372 : i32 to index
        %get3A_419 = arith.constant 48 : index
        %get3A_420 = tpu.vector_load %arg12[%get3A_418, %get3A_419] {strides = array<i32>} : memref<64x128xf32, #tpu.memory_space<vmem>>, vector<1x16xf32>,
        %get3A_421 = vector.shape_cast %get3A_420 : vector<1x16xf32> to vector<16xf32>
        %get3A_422 = arith.index_cast %add3A_372 : i32 to index
        %get3A_423 = arith.constant 48 : index
        %get3A_424 = tpu.vector_load %arg14[%get3A_422, %get3A_423] {strides = array<i32>} : memref<64x128xf32, #tpu.memory_space<vmem>>, vector<1x16xf32>,
        %get3A_425 = vector.shape_cast %get3A_424 : vector<1x16xf32> to vector<16xf32>
        %add3A_426 = arith.addf %get3A_421, %get3A_425 : vector<16xf32>
        %max3A_427 = arith.maximumf %add3A_426, %broadcast_in_dim3A_1 : vector<16xf32>
        %swap3A_428 = arith.index_cast %add3A_372 : i32 to index
        %swap3A_429 = arith.constant 48 : index
        %swap3A_430 = tpu.vector_load %arg12[%swap3A_428, %swap3A_429] {strides = array<i32>} : memref<64x128xf32, #tpu.memory_space<vmem>>, vector<1x16xf32>,
        %swap3A_431 = vector.shape_cast %swap3A_430 : vector<1x16xf32> to vector<16xf32>
        %swap3A_432 = vector.shape_cast %max3A_427 : vector<16xf32> to vector<1x16xf32>
        tpu.vector_store %arg12[%swap3A_428, %swap3A_429], %swap3A_432 {strides = array<i32>} : memref<64x128xf32, #tpu.memory_space<vmem>>, vector<1x16xf32>,
        %get3A_433 = arith.index_cast %add3A_372 : i32 to index
        %get3A_434 = arith.constant 64 : index
        %get3A_435 = tpu.vector_load %arg12[%get3A_433, %get3A_434] {strides = array<i32>} : memref<64x128xf32, #tpu.memory_space<vmem>>, vector<1x16xf32>,
        %get3A_436 = vector.shape_cast %get3A_435 : vector<1x16xf32> to vector<16xf32>
        %get3A_437 = arith.index_cast %add3A_372 : i32 to index
        %get3A_438 = arith.constant 64 : index
        %get3A_439 = tpu.vector_load %arg14[%get3A_437, %get3A_438] {strides = array<i32>} : memref<64x128xf32, #tpu.memory_space<vmem>>, vector<1x16xf32>,
        %get3A_440 = vector.shape_cast %get3A_439 : vector<1x16xf32> to vector<16xf32>
        %add3A_441 = arith.addf %get3A_436, %get3A_440 : vector<16xf32>
        %max3A_442 = arith.maximumf %add3A_441, %broadcast_in_dim3A_1 : vector<16xf32>
        %swap3A_443 = arith.index_cast %add3A_372 : i32 to index
        %swap3A_444 = arith.constant 64 : index
        %swap3A_445 = tpu.vector_load %arg12[%swap3A_443, %swap3A_444] {strides = array<i32>} : memref<64x128xf32, #tpu.memory_space<vmem>>, vector<1x16xf32>,
        %swap3A_446 = vector.shape_cast %swap3A_445 : vector<1x16xf32> to vector<16xf32>
        %swap3A_447 = vector.shape_cast %max3A_442 : vector<16xf32> to vector<1x16xf32>
        tpu.vector_store %arg12[%swap3A_443, %swap3A_444], %swap3A_447 {strides = array<i32>} : memref<64x128xf32, #tpu.memory_space<vmem>>, vector<1x16xf32>,
        %get3A_448 = arith.index_cast %add3A_372 : i32 to index
        %get3A_449 = arith.constant 80 : index
        %get3A_450 = tpu.vector_load %arg12[%get3A_448, %get3A_449] {strides = array<i32>} : memref<64x128xf32, #tpu.memory_space<vmem>>, vector<1x16xf32>,
        %get3A_451 = vector.shape_cast %get3A_450 : vector<1x16xf32> to vector<16xf32>
        %get3A_452 = arith.index_cast %add3A_372 : i32 to index
        %get3A_453 = arith.constant 80 : index
        %get3A_454 = tpu.vector_load %arg14[%get3A_452, %get3A_453] {strides = array<i32>} : memref<64x128xf32, #tpu.memory_space<vmem>>, vector<1x16xf32>,
        %get3A_455 = vector.shape_cast %get3A_454 : vector<1x16xf32> to vector<16xf32>
        %add3A_456 = arith.addf %get3A_451, %get3A_455 : vector<16xf32>
        %max3A_457 = arith.maximumf %add3A_456, %broadcast_in_dim3A_1 : vector<16xf32>
        %swap3A_458 = arith.index_cast %add3A_372 : i32 to index
        %swap3A_459 = arith.constant 80 : index
        %swap3A_460 = tpu.vector_load %arg12[%swap3A_458, %swap3A_459] {strides = array<i32>} : memref<64x128xf32, #tpu.memory_space<vmem>>, vector<1x16xf32>,
        %swap3A_461 = vector.shape_cast %swap3A_460 : vector<1x16xf32> to vector<16xf32>
        %swap3A_462 = vector.shape_cast %max3A_457 : vector<16xf32> to vector<1x16xf32>
        tpu.vector_store %arg12[%swap3A_458, %swap3A_459], %swap3A_462 {strides = array<i32>} : memref<64x128xf32, #tpu.memory_space<vmem>>, vector<1x16xf32>,
        %get3A_463 = arith.index_cast %add3A_372 : i32 to index
        %get3A_464 = arith.constant 96 : index
        %get3A_465 = tpu.vector_load %arg12[%get3A_463, %get3A_464] {strides = array<i32>} : memref<64x128xf32, #tpu.memory_space<vmem>>, vector<1x16xf32>,
        %get3A_466 = vector.shape_cast %get3A_465 : vector<1x16xf32> to vector<16xf32>
        %get3A_467 = arith.index_cast %add3A_372 : i32 to index
        %get3A_468 = arith.constant 96 : index
        %get3A_469 = tpu.vector_load %arg14[%get3A_467, %get3A_468] {strides = array<i32>} : memref<64x128xf32, #tpu.memory_space<vmem>>, vector<1x16xf32>,
        %get3A_470 = vector.shape_cast %get3A_469 : vector<1x16xf32> to vector<16xf32>
        %add3A_471 = arith.addf %get3A_466, %get3A_470 : vector<16xf32>
        %max3A_472 = arith.maximumf %add3A_471, %broadcast_in_dim3A_1 : vector<16xf32>
        %swap3A_473 = arith.index_cast %add3A_372 : i32 to index
        %swap3A_474 = arith.constant 96 : index
        %swap3A_475 = tpu.vector_load %arg12[%swap3A_473, %swap3A_474] {strides = array<i32>} : memref<64x128xf32, #tpu.memory_space<vmem>>, vector<1x16xf32>,
        %swap3A_476 = vector.shape_cast %swap3A_475 : vector<1x16xf32> to vector<16xf32>
        %swap3A_477 = vector.shape_cast %max3A_472 : vector<16xf32> to vector<1x16xf32>
        tpu.vector_store %arg12[%swap3A_473, %swap3A_474], %swap3A_477 {strides = array<i32>} : memref<64x128xf32, #tpu.memory_space<vmem>>, vector<1x16xf32>,
        %get3A_478 = arith.index_cast %add3A_372 : i32 to index
        %get3A_479 = arith.constant 112 : index
        %get3A_480 = tpu.vector_load %arg12[%get3A_478, %get3A_479] {strides = array<i32>} : memref<64x128xf32, #tpu.memory_space<vmem>>, vector<1x16xf32>,
        %get3A_481 = vector.shape_cast %get3A_480 : vector<1x16xf32> to vector<16xf32>
        %get3A_482 = arith.index_cast %add3A_372 : i32 to index
        %get3A_483 = arith.constant 112 : index
        %get3A_484 = tpu.vector_load %arg14[%get3A_482, %get3A_483] {strides = array<i32>} : memref<64x128xf32, #tpu.memory_space<vmem>>, vector<1x16xf32>,
        %get3A_485 = vector.shape_cast %get3A_484 : vector<1x16xf32> to vector<16xf32>
        %add3A_486 = arith.addf %get3A_481, %get3A_485 : vector<16xf32>
        %max3A_487 = arith.maximumf %add3A_486, %broadcast_in_dim3A_1 : vector<16xf32>
        %swap3A_488 = arith.index_cast %add3A_372 : i32 to index
        %swap3A_489 = arith.constant 112 : index
        %swap3A_490 = tpu.vector_load %arg12[%swap3A_488, %swap3A_489] {strides = array<i32>} : memref<64x128xf32, #tpu.memory_space<vmem>>, vector<1x16xf32>,
        %swap3A_491 = vector.shape_cast %swap3A_490 : vector<1x16xf32> to vector<16xf32>
        %swap3A_492 = vector.shape_cast %max3A_487 : vector<16xf32> to vector<1x16xf32>
        tpu.vector_store %arg12[%swap3A_488, %swap3A_489], %swap3A_492 {strides = array<i32>} : memref<64x128xf32, #tpu.memory_space<vmem>>, vector<1x16xf32>,
        %scan3A_493 = arith.constant 3 : i32
        %scan3A_494 = arith.addi %scan3A_119, %scan3A_493 : i32
        %mul3A_495 = arith.constant 1 : i32
        %mul3A_496 = arith.muli %scan3A_494, %mul3A_495 : i32
        %add3A_497 = arith.constant 0 : i32
        %add3A_498 = arith.addi %add3A_497, %mul3A_496 : i32
        %get3A_499 = arith.index_cast %add3A_498 : i32 to index
        %get3A_500 = arith.constant 0 : index
        %get3A_501 = tpu.vector_load %arg12[%get3A_499, %get3A_500] {strides = array<i32>} : memref<64x128xf32, #tpu.memory_space<vmem>>, vector<1x16xf32>,
        %get3A_502 = vector.shape_cast %get3A_501 : vector<1x16xf32> to vector<16xf32>
        %get3A_503 = arith.index_cast %add3A_498 : i32 to index
        %get3A_504 = arith.constant 0 : index
        %get3A_505 = tpu.vector_load %arg14[%get3A_503, %get3A_504] {strides = array<i32>} : memref<64x128xf32, #tpu.memory_space<vmem>>, vector<1x16xf32>,
        %get3A_506 = vector.shape_cast %get3A_505 : vector<1x16xf32> to vector<16xf32>
        %add3A_507 = arith.addf %get3A_502, %get3A_506 : vector<16xf32>
        %max3A_508 = arith.maximumf %add3A_507, %broadcast_in_dim3A_1 : vector<16xf32>
        %swap3A_509 = arith.index_cast %add3A_498 : i32 to index
        %swap3A_510 = arith.constant 0 : index
        %swap3A_511 = tpu.vector_load %arg12[%swap3A_509, %swap3A_510] {strides = array<i32>} : memref<64x128xf32, #tpu.memory_space<vmem>>, vector<1x16xf32>,
        %swap3A_512 = vector.shape_cast %swap3A_511 : vector<1x16xf32> to vector<16xf32>
        %swap3A_513 = vector.shape_cast %max3A_508 : vector<16xf32> to vector<1x16xf32>
        tpu.vector_store %arg12[%swap3A_509, %swap3A_510], %swap3A_513 {strides = array<i32>} : memref<64x128xf32, #tpu.memory_space<vmem>>, vector<1x16xf32>,
        %get3A_514 = arith.index_cast %add3A_498 : i32 to index
        %get3A_515 = arith.constant 16 : index
        %get3A_516 = tpu.vector_load %arg12[%get3A_514, %get3A_515] {strides = array<i32>} : memref<64x128xf32, #tpu.memory_space<vmem>>, vector<1x16xf32>,
        %get3A_517 = vector.shape_cast %get3A_516 : vector<1x16xf32> to vector<16xf32>
        %get3A_518 = arith.index_cast %add3A_498 : i32 to index
        %get3A_519 = arith.constant 16 : index
        %get3A_520 = tpu.vector_load %arg14[%get3A_518, %get3A_519] {strides = array<i32>} : memref<64x128xf32, #tpu.memory_space<vmem>>, vector<1x16xf32>,
        %get3A_521 = vector.shape_cast %get3A_520 : vector<1x16xf32> to vector<16xf32>
        %add3A_522 = arith.addf %get3A_517, %get3A_521 : vector<16xf32>
        %max3A_523 = arith.maximumf %add3A_522, %broadcast_in_dim3A_1 : vector<16xf32>
        %swap3A_524 = arith.index_cast %add3A_498 : i32 to index
        %swap3A_525 = arith.constant 16 : index
        %swap3A_526 = tpu.vector_load %arg12[%swap3A_524, %swap3A_525] {strides = array<i32>} : memref<64x128xf32, #tpu.memory_space<vmem>>, vector<1x16xf32>,
        %swap3A_527 = vector.shape_cast %swap3A_526 : vector<1x16xf32> to vector<16xf32>
        %swap3A_528 = vector.shape_cast %max3A_523 : vector<16xf32> to vector<1x16xf32>
        tpu.vector_store %arg12[%swap3A_524, %swap3A_525], %swap3A_528 {strides = array<i32>} : memref<64x128xf32, #tpu.memory_space<vmem>>, vector<1x16xf32>,
        %get3A_529 = arith.index_cast %add3A_498 : i32 to index
        %get3A_530 = arith.constant 32 : index
        %get3A_531 = tpu.vector_load %arg12[%get3A_529, %get3A_530] {strides = array<i32>} : memref<64x128xf32, #tpu.memory_space<vmem>>, vector<1x16xf32>,
        %get3A_532 = vector.shape_cast %get3A_531 : vector<1x16xf32> to vector<16xf32>
        %get3A_533 = arith.index_cast %add3A_498 : i32 to index
        %get3A_534 = arith.constant 32 : index
        %get3A_535 = tpu.vector_load %arg14[%get3A_533, %get3A_534] {strides = array<i32>} : memref<64x128xf32, #tpu.memory_space<vmem>>, vector<1x16xf32>,
        %get3A_536 = vector.shape_cast %get3A_535 : vector<1x16xf32> to vector<16xf32>
        %add3A_537 = arith.addf %get3A_532, %get3A_536 : vector<16xf32>
        %max3A_538 = arith.maximumf %add3A_537, %broadcast_in_dim3A_1 : vector<16xf32>
        %swap3A_539 = arith.index_cast %add3A_498 : i32 to index
        %swap3A_540 = arith.constant 32 : index
        %swap3A_541 = tpu.vector_load %arg12[%swap3A_539, %swap3A_540] {strides = array<i32>} : memref<64x128xf32, #tpu.memory_space<vmem>>, vector<1x16xf32>,
        %swap3A_542 = vector.shape_cast %swap3A_541 : vector<1x16xf32> to vector<16xf32>
        %swap3A_543 = vector.shape_cast %max3A_538 : vector<16xf32> to vector<1x16xf32>
        tpu.vector_store %arg12[%swap3A_539, %swap3A_540], %swap3A_543 {strides = array<i32>} : memref<64x128xf32, #tpu.memory_space<vmem>>, vector<1x16xf32>,
        %get3A_544 = arith.index_cast %add3A_498 : i32 to index
        %get3A_545 = arith.constant 48 : index
        %get3A_546 = tpu.vector_load %arg12[%get3A_544, %get3A_545] {strides = array<i32>} : memref<64x128xf32, #tpu.memory_space<vmem>>, vector<1x16xf32>,
        %get3A_547 = vector.shape_cast %get3A_546 : vector<1x16xf32> to vector<16xf32>
        %get3A_548 = arith.index_cast %add3A_498 : i32 to index
        %get3A_549 = arith.constant 48 : index
        %get3A_550 = tpu.vector_load %arg14[%get3A_548, %get3A_549] {strides = array<i32>} : memref<64x128xf32, #tpu.memory_space<vmem>>, vector<1x16xf32>,
        %get3A_551 = vector.shape_cast %get3A_550 : vector<1x16xf32> to vector<16xf32>
        %add3A_552 = arith.addf %get3A_547, %get3A_551 : vector<16xf32>
        %max3A_553 = arith.maximumf %add3A_552, %broadcast_in_dim3A_1 : vector<16xf32>
        %swap3A_554 = arith.index_cast %add3A_498 : i32 to index
        %swap3A_555 = arith.constant 48 : index
        %swap3A_556 = tpu.vector_load %arg12[%swap3A_554, %swap3A_555] {strides = array<i32>} : memref<64x128xf32, #tpu.memory_space<vmem>>, vector<1x16xf32>,
        %swap3A_557 = vector.shape_cast %swap3A_556 : vector<1x16xf32> to vector<16xf32>
        %swap3A_558 = vector.shape_cast %max3A_553 : vector<16xf32> to vector<1x16xf32>
        tpu.vector_store %arg12[%swap3A_554, %swap3A_555], %swap3A_558 {strides = array<i32>} : memref<64x128xf32, #tpu.memory_space<vmem>>, vector<1x16xf32>,
        %get3A_559 = arith.index_cast %add3A_498 : i32 to index
        %get3A_560 = arith.constant 64 : index
        %get3A_561 = tpu.vector_load %arg12[%get3A_559, %get3A_560] {strides = array<i32>} : memref<64x128xf32, #tpu.memory_space<vmem>>, vector<1x16xf32>,
        %get3A_562 = vector.shape_cast %get3A_561 : vector<1x16xf32> to vector<16xf32>
        %get3A_563 = arith.index_cast %add3A_498 : i32 to index
        %get3A_564 = arith.constant 64 : index
        %get3A_565 = tpu.vector_load %arg14[%get3A_563, %get3A_564] {strides = array<i32>} : memref<64x128xf32, #tpu.memory_space<vmem>>, vector<1x16xf32>,
        %get3A_566 = vector.shape_cast %get3A_565 : vector<1x16xf32> to vector<16xf32>
        %add3A_567 = arith.addf %get3A_562, %get3A_566 : vector<16xf32>
        %max3A_568 = arith.maximumf %add3A_567, %broadcast_in_dim3A_1 : vector<16xf32>
        %swap3A_569 = arith.index_cast %add3A_498 : i32 to index
        %swap3A_570 = arith.constant 64 : index
        %swap3A_571 = tpu.vector_load %arg12[%swap3A_569, %swap3A_570] {strides = array<i32>} : memref<64x128xf32, #tpu.memory_space<vmem>>, vector<1x16xf32>,
        %swap3A_572 = vector.shape_cast %swap3A_571 : vector<1x16xf32> to vector<16xf32>
        %swap3A_573 = vector.shape_cast %max3A_568 : vector<16xf32> to vector<1x16xf32>
        tpu.vector_store %arg12[%swap3A_569, %swap3A_570], %swap3A_573 {strides = array<i32>} : memref<64x128xf32, #tpu.memory_space<vmem>>, vector<1x16xf32>,
        %get3A_574 = arith.index_cast %add3A_498 : i32 to index
        %get3A_575 = arith.constant 80 : index
        %get3A_576 = tpu.vector_load %arg12[%get3A_574, %get3A_575] {strides = array<i32>} : memref<64x128xf32, #tpu.memory_space<vmem>>, vector<1x16xf32>,
        %get3A_577 = vector.shape_cast %get3A_576 : vector<1x16xf32> to vector<16xf32>
        %get3A_578 = arith.index_cast %add3A_498 : i32 to index
        %get3A_579 = arith.constant 80 : index
        %get3A_580 = tpu.vector_load %arg14[%get3A_578, %get3A_579] {strides = array<i32>} : memref<64x128xf32, #tpu.memory_space<vmem>>, vector<1x16xf32>,
        %get3A_581 = vector.shape_cast %get3A_580 : vector<1x16xf32> to vector<16xf32>
        %add3A_582 = arith.addf %get3A_577, %get3A_581 : vector<16xf32>
        %max3A_583 = arith.maximumf %add3A_582, %broadcast_in_dim3A_1 : vector<16xf32>
        %swap3A_584 = arith.index_cast %add3A_498 : i32 to index
        %swap3A_585 = arith.constant 80 : index
        %swap3A_586 = tpu.vector_load %arg12[%swap3A_584, %swap3A_585] {strides = array<i32>} : memref<64x128xf32, #tpu.memory_space<vmem>>, vector<1x16xf32>,
        %swap3A_587 = vector.shape_cast %swap3A_586 : vector<1x16xf32> to vector<16xf32>
        %swap3A_588 = vector.shape_cast %max3A_583 : vector<16xf32> to vector<1x16xf32>
        tpu.vector_store %arg12[%swap3A_584, %swap3A_585], %swap3A_588 {strides = array<i32>} : memref<64x128xf32, #tpu.memory_space<vmem>>, vector<1x16xf32>,
        %get3A_589 = arith.index_cast %add3A_498 : i32 to index
        %get3A_590 = arith.constant 96 : index
        %get3A_591 = tpu.vector_load %arg12[%get3A_589, %get3A_590] {strides = array<i32>} : memref<64x128xf32, #tpu.memory_space<vmem>>, vector<1x16xf32>,
        %get3A_592 = vector.shape_cast %get3A_591 : vector<1x16xf32> to vector<16xf32>
        %get3A_593 = arith.index_cast %add3A_498 : i32 to index
        %get3A_594 = arith.constant 96 : index
        %get3A_595 = tpu.vector_load %arg14[%get3A_593, %get3A_594] {strides = array<i32>} : memref<64x128xf32, #tpu.memory_space<vmem>>, vector<1x16xf32>,
        %get3A_596 = vector.shape_cast %get3A_595 : vector<1x16xf32> to vector<16xf32>
        %add3A_597 = arith.addf %get3A_592, %get3A_596 : vector<16xf32>
        %max3A_598 = arith.maximumf %add3A_597, %broadcast_in_dim3A_1 : vector<16xf32>
        %swap3A_599 = arith.index_cast %add3A_498 : i32 to index
        %swap3A_600 = arith.constant 96 : index
        %swap3A_601 = tpu.vector_load %arg12[%swap3A_599, %swap3A_600] {strides = array<i32>} : memref<64x128xf32, #tpu.memory_space<vmem>>, vector<1x16xf32>,
        %swap3A_602 = vector.shape_cast %swap3A_601 : vector<1x16xf32> to vector<16xf32>
        %swap3A_603 = vector.shape_cast %max3A_598 : vector<16xf32> to vector<1x16xf32>
        tpu.vector_store %arg12[%swap3A_599, %swap3A_600], %swap3A_603 {strides = array<i32>} : memref<64x128xf32, #tpu.memory_space<vmem>>, vector<1x16xf32>,
        %get3A_604 = arith.index_cast %add3A_498 : i32 to index
        %get3A_605 = arith.constant 112 : index
        %get3A_606 = tpu.vector_load %arg12[%get3A_604, %get3A_605] {strides = array<i32>} : memref<64x128xf32, #tpu.memory_space<vmem>>, vector<1x16xf32>,
        %get3A_607 = vector.shape_cast %get3A_606 : vector<1x16xf32> to vector<16xf32>
        %get3A_608 = arith.index_cast %add3A_498 : i32 to index
        %get3A_609 = arith.constant 112 : index
        %get3A_610 = tpu.vector_load %arg14[%get3A_608, %get3A_609] {strides = array<i32>} : memref<64x128xf32, #tpu.memory_space<vmem>>, vector<1x16xf32>,
        %get3A_611 = vector.shape_cast %get3A_610 : vector<1x16xf32> to vector<16xf32>
        %add3A_612 = arith.addf %get3A_607, %get3A_611 : vector<16xf32>
        %max3A_613 = arith.maximumf %add3A_612, %broadcast_in_dim3A_1 : vector<16xf32>
        %swap3A_614 = arith.index_cast %add3A_498 : i32 to index
        %swap3A_615 = arith.constant 112 : index
        %swap3A_616 = tpu.vector_load %arg12[%swap3A_614, %swap3A_615] {strides = array<i32>} : memref<64x128xf32, #tpu.memory_space<vmem>>, vector<1x16xf32>,
        %swap3A_617 = vector.shape_cast %swap3A_616 : vector<1x16xf32> to vector<16xf32>
        %swap3A_618 = vector.shape_cast %max3A_613 : vector<16xf32> to vector<1x16xf32>
        tpu.vector_store %arg12[%swap3A_614, %swap3A_615], %swap3A_618 {strides = array<i32>} : memref<64x128xf32, #tpu.memory_space<vmem>>, vector<1x16xf32>,
      }
      %scan3A_118 = arith.constant 64 : i32
      "tpu.region"() ({
        %run_scoped3A = tpu.sem_alloc : memref<!tpu.dma_semaphore, #tpu.memory_space<semaphore_mem>>
        %dma_start3A_119 = arith.constant 0 : i32
        %dma_start3A_120 = arith.constant 0 : i32
        %dma_start3A_121 = tpu.memref_slice %arg15[%dma_start3A_119, %dma_start3A_120] : memref<10112x128xf32, #tpu.memory_space<vmem_shared>> -> memref<10112x128xf32, #tpu.memory_space<vmem_shared>>
        tpu.enqueue_indirect_dma source(%arg12 : memref<64x128xf32, #tpu.memory_space<vmem>>) target(%dma_start3A_121 : memref<10112x128xf32, #tpu.memory_space<vmem_shared>>) offsets(%arg10 : memref<64xi32, #tpu.memory_space<vmem>>) semaphore(%run_scoped3A : memref<!tpu.dma_semaphore, #tpu.memory_space<semaphore_mem>>) {add = true}
        %dma_wait3A_122 = arith.constant 0 : i32
        %dma_wait3A_123 = arith.constant 0 : i32
        %dma_wait3A_124 = tpu.memref_slice %arg15[%dma_wait3A_122, %dma_wait3A_123] : memref<10112x128xf32, #tpu.memory_space<vmem_shared>> -> memref<10112x128xf32, #tpu.memory_space<vmem_shared>>
        tpu.wait_indirect_dma semaphore(%run_scoped3A : memref<!tpu.dma_semaphore, #tpu.memory_space<semaphore_mem>>) src(%arg12 : memref<64x128xf32, #tpu.memory_space<vmem>>) dst(%dma_wait3A_124 : memref<10112x128xf32, #tpu.memory_space<vmem_shared>>)
        tpu.yield
      }) : () -> ()
    }
    %scan3A_29 = arith.constant 80 : i32
    %barrier3A_30 = arith.constant 0 : index
    tpu.barrier barrier_id(%barrier3A_30)
    %mul3A_31 = arith.constant 632 : i32
    %mul3A_32 = arith.muli %arg1, %mul3A_31 : i32
    %mul3A_33 = arith.constant 632 : i32
    %mul3A_34 = arith.muli %arg1, %mul3A_33 : i32
    "tpu.region"() ({
      %run_scoped3A = tpu.sem_alloc : memref<!tpu.dma_semaphore, #tpu.memory_space<semaphore_mem>>
      %dma_start3A_35 = arith.constant 0 : i32
      %dma_start3A_36 = tpu.memref_slice %arg7[%arg0, %mul3A_34, %dma_start3A_35] : memref<2x10112x128xf32, #tpu.memory_space<hbm>> -> memref<1x632x128xf32, #tpu.memory_space<hbm>>
      %dma_start3A_37 = tpu.memref_squeeze %dma_start3A_36 : memref<1x632x128xf32, #tpu.memory_space<hbm>> -> memref<632x128xf32, #tpu.memory_space<hbm>>
      %dma_start3A_38 = arith.constant 0 : i32
      %dma_start3A_39 = tpu.memref_slice %arg15[%mul3A_32, %dma_start3A_38] : memref<10112x128xf32, #tpu.memory_space<vmem_shared>> -> memref<632x128xf32, #tpu.memory_space<vmem_shared>>
      tpu.enqueue_dma source(%dma_start3A_39 : memref<632x128xf32, #tpu.memory_space<vmem_shared>>) target(%dma_start3A_37 : memref<632x128xf32, #tpu.memory_space<hbm>>) target_semaphore(%run_scoped3A : memref<!tpu.dma_semaphore, #tpu.memory_space<semaphore_mem>>)
      %dma_wait3A = arith.constant 0 : i32
      %dma_wait3A_40 = tpu.memref_slice %arg7[%arg0, %mul3A_34, %dma_wait3A] : memref<2x10112x128xf32, #tpu.memory_space<hbm>> -> memref<1x632x128xf32, #tpu.memory_space<hbm>>
      %dma_wait3A_41 = tpu.memref_squeeze %dma_wait3A_40 : memref<1x632x128xf32, #tpu.memory_space<hbm>> -> memref<632x128xf32, #tpu.memory_space<hbm>>
      %dma_wait3A_42 = arith.constant 0 : i32
      %dma_wait3A_43 = tpu.memref_slice %arg15[%mul3A_32, %dma_wait3A_42] : memref<10112x128xf32, #tpu.memory_space<vmem_shared>> -> memref<632x128xf32, #tpu.memory_space<vmem_shared>>
      tpu.wait_dma2 semaphore(%run_scoped3A : memref<!tpu.dma_semaphore, #tpu.memory_space<semaphore_mem>>) src(%dma_wait3A_43 : memref<632x128xf32, #tpu.memory_space<vmem_shared>>) dst(%dma_wait3A_41 : memref<632x128xf32, #tpu.memory_space<hbm>>)
      tpu.yield
    }) : () -> ()
    return
  }
}

#map = affine_map<(d0, d1) -> (0, 0)>
#map1 = affine_map<(d0, d1) -> (0, 0, 0)>
#map2 = affine_map<(d0, d1) -> (0, 0, 0, 0)>
module attributes {stable_mosaic.version = 14 : i64} {
  func.func @conv(%arg0: i32, %arg1: i32, %arg2: memref<10000x64xf32, #tpu.memory_space<hbm>>, %arg3: memref<32x80x128xi32, #tpu.memory_space<hbm>>, %arg4: memref<32x80x128xi32, #tpu.memory_space<hbm>>, %arg5: memref<32x80x128x64xf32, #tpu.memory_space<hbm>>, %arg6: memref<632x64xf32, #tpu.memory_space<hbm>>, %arg7: memref<2x10112x64xf32, #tpu.memory_space<hbm>>, %arg8: memref<80x128xi32, #tpu.memory_space<vmem>>, %arg9: memref<128xi32, #tpu.memory_space<vmem>>, %arg10: memref<128xi32, #tpu.memory_space<vmem>>, %arg11: memref<128x64xf32, #tpu.memory_space<vmem>>, %arg12: memref<128x64xf32, #tpu.memory_space<vmem>>, %arg13: memref<128x64xf32, #tpu.memory_space<vmem>>, %arg14: memref<128x64xf32, #tpu.memory_space<vmem>>, %arg15: memref<10112x64xf32, #tpu.memory_space<vmem_shared>>, %arg16: memref<!tpu.dma_semaphore, #tpu.memory_space<semaphore_mem>>, %arg17: memref<!tpu.dma_semaphore, #tpu.memory_space<semaphore_mem>>, %arg18: memref<!tpu.dma_semaphore, #tpu.memory_space<semaphore_mem>>, %arg19: memref<!tpu.dma_semaphore, #tpu.memory_space<semaphore_mem>>, %arg20: memref<!tpu.dma_semaphore, #tpu.memory_space<semaphore_mem>>, %arg21: memref<!tpu.dma_semaphore, #tpu.memory_space<semaphore_mem>>) attributes {dimension_semantics = [#tpu.dimension_semantics<core_parallel>, #tpu.dimension_semantics<subcore_parallel>], iteration_bounds = array<i64: 2, 16>, scalar_prefetch = 0 : i64, scratch_operands = 14 : i64, tpu.core_type = #tpu.core_type<sc_vector_subcore>, window_params = [{transform_indices = #map}, {transform_indices = #map1}, {transform_indices = #map1}, {transform_indices = #map2}, {transform_indices = #map}, {transform_indices = #map1}]} {
    %mul3A = arith.constant 16 : i32
    %mul3A_0 = arith.muli %arg0, %mul3A : i32
    %add3A = arith.addi %mul3A_0, %arg1 : i32
    %broadcast_in_dim3A = arith.constant 0.000000e+00 : f32
    %broadcast_in_dim3A_1 = vector.broadcast %broadcast_in_dim3A : f32 to vector<16xf32>
    "tpu.region"() ({
      %run_scoped3A = tpu.sem_alloc : memref<!tpu.dma_semaphore, #tpu.memory_space<semaphore_mem>>
      %dma_start3A_35 = arith.constant 0 : i32
      %dma_start3A_36 = arith.constant 0 : i32
      %dma_start3A_37 = tpu.memref_slice %arg3[%add3A, %dma_start3A_35, %dma_start3A_36] : memref<32x80x128xi32, #tpu.memory_space<hbm>> -> memref<1x80x128xi32, #tpu.memory_space<hbm>>
      %dma_start3A_38 = tpu.memref_squeeze %dma_start3A_37 : memref<1x80x128xi32, #tpu.memory_space<hbm>> -> memref<80x128xi32, #tpu.memory_space<hbm>>
      %dma_start3A_39 = arith.constant 0 : i32
      %dma_start3A_40 = arith.constant 0 : i32
      %dma_start3A_41 = tpu.memref_slice %arg3[%add3A, %dma_start3A_39, %dma_start3A_40] : memref<32x80x128xi32, #tpu.memory_space<hbm>> -> memref<1x80x128xi32, #tpu.memory_space<hbm>>
      %dma_start3A_42 = tpu.memref_squeeze %dma_start3A_41 : memref<1x80x128xi32, #tpu.memory_space<hbm>> -> memref<80x128xi32, #tpu.memory_space<hbm>>
      tpu.enqueue_dma source(%dma_start3A_42 : memref<80x128xi32, #tpu.memory_space<hbm>>) target(%arg8 : memref<80x128xi32, #tpu.memory_space<vmem>>) target_semaphore(%run_scoped3A : memref<!tpu.dma_semaphore, #tpu.memory_space<semaphore_mem>>)
      %dma_wait3A = arith.constant 0 : i32
      %dma_wait3A_43 = arith.constant 0 : i32
      %dma_wait3A_44 = tpu.memref_slice %arg3[%add3A, %dma_wait3A, %dma_wait3A_43] : memref<32x80x128xi32, #tpu.memory_space<hbm>> -> memref<1x80x128xi32, #tpu.memory_space<hbm>>
      %dma_wait3A_45 = tpu.memref_squeeze %dma_wait3A_44 : memref<1x80x128xi32, #tpu.memory_space<hbm>> -> memref<80x128xi32, #tpu.memory_space<hbm>>
      %dma_wait3A_46 = arith.constant 0 : i32
      %dma_wait3A_47 = arith.constant 0 : i32
      %dma_wait3A_48 = tpu.memref_slice %arg3[%add3A, %dma_wait3A_46, %dma_wait3A_47] : memref<32x80x128xi32, #tpu.memory_space<hbm>> -> memref<1x80x128xi32, #tpu.memory_space<hbm>>
      %dma_wait3A_49 = tpu.memref_squeeze %dma_wait3A_48 : memref<1x80x128xi32, #tpu.memory_space<hbm>> -> memref<80x128xi32, #tpu.memory_space<hbm>>
      tpu.wait_dma2 semaphore(%run_scoped3A : memref<!tpu.dma_semaphore, #tpu.memory_space<semaphore_mem>>) src(%dma_wait3A_49 : memref<80x128xi32, #tpu.memory_space<hbm>>) dst(%arg8 : memref<80x128xi32, #tpu.memory_space<vmem>>)
      tpu.yield
    }) : () -> ()
    %mul3A_2 = arith.constant 632 : i32
    %mul3A_3 = arith.muli %arg1, %mul3A_2 : i32
    "tpu.region"() ({
      %run_scoped3A = tpu.sem_alloc : memref<!tpu.dma_semaphore, #tpu.memory_space<semaphore_mem>>
      %dma_start3A_35 = arith.constant 0 : i32
      %dma_start3A_36 = tpu.memref_slice %arg15[%mul3A_3, %dma_start3A_35] : memref<10112x64xf32, #tpu.memory_space<vmem_shared>> -> memref<632x64xf32, #tpu.memory_space<vmem_shared>>
      tpu.enqueue_dma source(%arg6 : memref<632x64xf32, #tpu.memory_space<hbm>>) target(%dma_start3A_36 : memref<632x64xf32, #tpu.memory_space<vmem_shared>>) target_semaphore(%run_scoped3A : memref<!tpu.dma_semaphore, #tpu.memory_space<semaphore_mem>>)
      %dma_wait3A = arith.constant 0 : i32
      %dma_wait3A_37 = tpu.memref_slice %arg15[%mul3A_3, %dma_wait3A] : memref<10112x64xf32, #tpu.memory_space<vmem_shared>> -> memref<632x64xf32, #tpu.memory_space<vmem_shared>>
      tpu.wait_dma2 semaphore(%run_scoped3A : memref<!tpu.dma_semaphore, #tpu.memory_space<semaphore_mem>>) src(%arg6 : memref<632x64xf32, #tpu.memory_space<hbm>>) dst(%dma_wait3A_37 : memref<632x64xf32, #tpu.memory_space<vmem_shared>>)
      tpu.yield
    }) : () -> ()
    %barrier3A = arith.constant 0 : index
    tpu.barrier barrier_id(%barrier3A)
    %dma_start3A = arith.constant 0 : i32
    %dma_start3A_4 = arith.constant 0 : i32
    %dma_start3A_5 = tpu.memref_slice %arg8[%dma_start3A, %dma_start3A_4] : memref<80x128xi32, #tpu.memory_space<vmem>> -> memref<1x128xi32, #tpu.memory_space<vmem>>
    %dma_start3A_6 = tpu.memref_squeeze %dma_start3A_5 : memref<1x128xi32, #tpu.memory_space<vmem>> -> memref<128xi32, #tpu.memory_space<vmem>>
    %dma_start3A_7 = arith.constant 0 : i32
    %dma_start3A_8 = arith.constant 0 : i32
    %dma_start3A_9 = tpu.memref_slice %arg2[%dma_start3A_7, %dma_start3A_8] : memref<10000x64xf32, #tpu.memory_space<hbm>> -> memref<10000x64xf32, #tpu.memory_space<hbm>>
    tpu.enqueue_indirect_dma source(%dma_start3A_9 : memref<10000x64xf32, #tpu.memory_space<hbm>>) target(%arg11 : memref<128x64xf32, #tpu.memory_space<vmem>>) offsets(%dma_start3A_6 : memref<128xi32, #tpu.memory_space<vmem>>) semaphore(%arg16 : memref<!tpu.dma_semaphore, #tpu.memory_space<semaphore_mem>>)
    %dma_start3A_10 = arith.constant 0 : i32
    %dma_start3A_11 = arith.constant 0 : i32
    %dma_start3A_12 = arith.constant 0 : i32
    %dma_start3A_13 = tpu.memref_slice %arg5[%add3A, %dma_start3A_10, %dma_start3A_11, %dma_start3A_12] : memref<32x80x128x64xf32, #tpu.memory_space<hbm>> -> memref<1x1x128x64xf32, #tpu.memory_space<hbm>>
    %dma_start3A_14 = tpu.memref_squeeze %dma_start3A_13 : memref<1x1x128x64xf32, #tpu.memory_space<hbm>> -> memref<128x64xf32, #tpu.memory_space<hbm>>
    %dma_start3A_15 = arith.constant 0 : i32
    %dma_start3A_16 = arith.constant 0 : i32
    %dma_start3A_17 = tpu.memref_slice %arg5[%add3A, %dma_start3A_10, %dma_start3A_15, %dma_start3A_16] : memref<32x80x128x64xf32, #tpu.memory_space<hbm>> -> memref<1x1x128x64xf32, #tpu.memory_space<hbm>>
    %dma_start3A_18 = tpu.memref_squeeze %dma_start3A_17 : memref<1x1x128x64xf32, #tpu.memory_space<hbm>> -> memref<128x64xf32, #tpu.memory_space<hbm>>
    tpu.enqueue_dma source(%dma_start3A_18 : memref<128x64xf32, #tpu.memory_space<hbm>>) target(%arg13 : memref<128x64xf32, #tpu.memory_space<vmem>>) target_semaphore(%arg18 : memref<!tpu.dma_semaphore, #tpu.memory_space<semaphore_mem>>)
    %dma_start3A_19 = arith.constant 0 : i32
    %dma_start3A_20 = arith.constant 0 : i32
    %dma_start3A_21 = tpu.memref_slice %arg4[%add3A, %dma_start3A_19, %dma_start3A_20] : memref<32x80x128xi32, #tpu.memory_space<hbm>> -> memref<1x1x128xi32, #tpu.memory_space<hbm>>
    %dma_start3A_22 = tpu.memref_squeeze %dma_start3A_21 : memref<1x1x128xi32, #tpu.memory_space<hbm>> -> memref<128xi32, #tpu.memory_space<hbm>>
    %dma_start3A_23 = arith.constant 0 : i32
    %dma_start3A_24 = tpu.memref_slice %arg4[%add3A, %dma_start3A_19, %dma_start3A_23] : memref<32x80x128xi32, #tpu.memory_space<hbm>> -> memref<1x1x128xi32, #tpu.memory_space<hbm>>
    %dma_start3A_25 = tpu.memref_squeeze %dma_start3A_24 : memref<1x1x128xi32, #tpu.memory_space<hbm>> -> memref<128xi32, #tpu.memory_space<hbm>>
    tpu.enqueue_dma source(%dma_start3A_25 : memref<128xi32, #tpu.memory_space<hbm>>) target(%arg9 : memref<128xi32, #tpu.memory_space<vmem>>) target_semaphore(%arg20 : memref<!tpu.dma_semaphore, #tpu.memory_space<semaphore_mem>>)
    %scan3A = arith.constant 0 : i32
    %scan3A_26 = arith.constant 40 : i32
    %scan3A_27 = arith.addi %scan3A, %scan3A_26 : i32
    %scan3A_28 = arith.constant 1 : i32
    scf.for %scan3A_35 = %scan3A to %scan3A_27 step %scan3A_28  : i32 {
      %mul3A_36 = arith.constant 1 : i32
      %mul3A_37 = arith.muli %scan3A_35, %mul3A_36 : i32
      %add3A_38 = arith.constant 0 : i32
      %add3A_39 = arith.addi %add3A_38, %mul3A_37 : i32
      %mul3A_40 = arith.constant 2 : i32
      %mul3A_41 = arith.muli %mul3A_40, %add3A_39 : i32
      %add3A_42 = arith.constant 1 : i32
      %add3A_43 = arith.addi %mul3A_41, %add3A_42 : i32
      %dma_start3A_44 = arith.constant 0 : i32
      %dma_start3A_45 = tpu.memref_slice %arg8[%add3A_43, %dma_start3A_44] : memref<80x128xi32, #tpu.memory_space<vmem>> -> memref<1x128xi32, #tpu.memory_space<vmem>>
      %dma_start3A_46 = tpu.memref_squeeze %dma_start3A_45 : memref<1x128xi32, #tpu.memory_space<vmem>> -> memref<128xi32, #tpu.memory_space<vmem>>
      %dma_start3A_47 = arith.constant 0 : i32
      %dma_start3A_48 = arith.constant 0 : i32
      %dma_start3A_49 = tpu.memref_slice %arg2[%dma_start3A_47, %dma_start3A_48] : memref<10000x64xf32, #tpu.memory_space<hbm>> -> memref<10000x64xf32, #tpu.memory_space<hbm>>
      tpu.enqueue_indirect_dma source(%dma_start3A_49 : memref<10000x64xf32, #tpu.memory_space<hbm>>) target(%arg12 : memref<128x64xf32, #tpu.memory_space<vmem>>) offsets(%dma_start3A_46 : memref<128xi32, #tpu.memory_space<vmem>>) semaphore(%arg17 : memref<!tpu.dma_semaphore, #tpu.memory_space<semaphore_mem>>)
      %dma_start3A_50 = arith.constant 0 : i32
      %dma_start3A_51 = arith.constant 0 : i32
      %dma_start3A_52 = tpu.memref_slice %arg5[%add3A, %add3A_43, %dma_start3A_50, %dma_start3A_51] : memref<32x80x128x64xf32, #tpu.memory_space<hbm>> -> memref<1x1x128x64xf32, #tpu.memory_space<hbm>>
      %dma_start3A_53 = tpu.memref_squeeze %dma_start3A_52 : memref<1x1x128x64xf32, #tpu.memory_space<hbm>> -> memref<128x64xf32, #tpu.memory_space<hbm>>
      %dma_start3A_54 = arith.constant 0 : i32
      %dma_start3A_55 = arith.constant 0 : i32
      %dma_start3A_56 = tpu.memref_slice %arg5[%add3A, %add3A_43, %dma_start3A_54, %dma_start3A_55] : memref<32x80x128x64xf32, #tpu.memory_space<hbm>> -> memref<1x1x128x64xf32, #tpu.memory_space<hbm>>
      %dma_start3A_57 = tpu.memref_squeeze %dma_start3A_56 : memref<1x1x128x64xf32, #tpu.memory_space<hbm>> -> memref<128x64xf32, #tpu.memory_space<hbm>>
      tpu.enqueue_dma source(%dma_start3A_57 : memref<128x64xf32, #tpu.memory_space<hbm>>) target(%arg14 : memref<128x64xf32, #tpu.memory_space<vmem>>) target_semaphore(%arg19 : memref<!tpu.dma_semaphore, #tpu.memory_space<semaphore_mem>>)
      %dma_start3A_58 = arith.constant 0 : i32
      %dma_start3A_59 = tpu.memref_slice %arg4[%add3A, %add3A_43, %dma_start3A_58] : memref<32x80x128xi32, #tpu.memory_space<hbm>> -> memref<1x1x128xi32, #tpu.memory_space<hbm>>
      %dma_start3A_60 = tpu.memref_squeeze %dma_start3A_59 : memref<1x1x128xi32, #tpu.memory_space<hbm>> -> memref<128xi32, #tpu.memory_space<hbm>>
      %dma_start3A_61 = arith.constant 0 : i32
      %dma_start3A_62 = tpu.memref_slice %arg4[%add3A, %add3A_43, %dma_start3A_61] : memref<32x80x128xi32, #tpu.memory_space<hbm>> -> memref<1x1x128xi32, #tpu.memory_space<hbm>>
      %dma_start3A_63 = tpu.memref_squeeze %dma_start3A_62 : memref<1x1x128xi32, #tpu.memory_space<hbm>> -> memref<128xi32, #tpu.memory_space<hbm>>
      tpu.enqueue_dma source(%dma_start3A_63 : memref<128xi32, #tpu.memory_space<hbm>>) target(%arg10 : memref<128xi32, #tpu.memory_space<vmem>>) target_semaphore(%arg21 : memref<!tpu.dma_semaphore, #tpu.memory_space<semaphore_mem>>)
      %dma_wait3A = arith.constant 0 : i32
      %dma_wait3A_64 = tpu.memref_slice %arg8[%mul3A_41, %dma_wait3A] : memref<80x128xi32, #tpu.memory_space<vmem>> -> memref<1x128xi32, #tpu.memory_space<vmem>>
      %dma_wait3A_65 = tpu.memref_squeeze %dma_wait3A_64 : memref<1x128xi32, #tpu.memory_space<vmem>> -> memref<128xi32, #tpu.memory_space<vmem>>
      %dma_wait3A_66 = arith.constant 0 : i32
      %dma_wait3A_67 = arith.constant 0 : i32
      %dma_wait3A_68 = tpu.memref_slice %arg2[%dma_wait3A_66, %dma_wait3A_67] : memref<10000x64xf32, #tpu.memory_space<hbm>> -> memref<10000x64xf32, #tpu.memory_space<hbm>>
      tpu.wait_indirect_dma semaphore(%arg16 : memref<!tpu.dma_semaphore, #tpu.memory_space<semaphore_mem>>) src(%dma_wait3A_68 : memref<10000x64xf32, #tpu.memory_space<hbm>>) dst(%arg11 : memref<128x64xf32, #tpu.memory_space<vmem>>)
      %dma_wait3A_69 = arith.constant 0 : i32
      %dma_wait3A_70 = arith.constant 0 : i32
      %dma_wait3A_71 = tpu.memref_slice %arg5[%add3A, %mul3A_41, %dma_wait3A_69, %dma_wait3A_70] : memref<32x80x128x64xf32, #tpu.memory_space<hbm>> -> memref<1x1x128x64xf32, #tpu.memory_space<hbm>>
      %dma_wait3A_72 = tpu.memref_squeeze %dma_wait3A_71 : memref<1x1x128x64xf32, #tpu.memory_space<hbm>> -> memref<128x64xf32, #tpu.memory_space<hbm>>
      %dma_wait3A_73 = arith.constant 0 : i32
      %dma_wait3A_74 = arith.constant 0 : i32
      %dma_wait3A_75 = tpu.memref_slice %arg5[%add3A, %mul3A_41, %dma_wait3A_73, %dma_wait3A_74] : memref<32x80x128x64xf32, #tpu.memory_space<hbm>> -> memref<1x1x128x64xf32, #tpu.memory_space<hbm>>
      %dma_wait3A_76 = tpu.memref_squeeze %dma_wait3A_75 : memref<1x1x128x64xf32, #tpu.memory_space<hbm>> -> memref<128x64xf32, #tpu.memory_space<hbm>>
      tpu.wait_dma2 semaphore(%arg18 : memref<!tpu.dma_semaphore, #tpu.memory_space<semaphore_mem>>) src(%dma_wait3A_76 : memref<128x64xf32, #tpu.memory_space<hbm>>) dst(%arg13 : memref<128x64xf32, #tpu.memory_space<vmem>>)
      %dma_wait3A_77 = arith.constant 0 : i32
      %dma_wait3A_78 = tpu.memref_slice %arg4[%add3A, %mul3A_41, %dma_wait3A_77] : memref<32x80x128xi32, #tpu.memory_space<hbm>> -> memref<1x1x128xi32, #tpu.memory_space<hbm>>
      %dma_wait3A_79 = tpu.memref_squeeze %dma_wait3A_78 : memref<1x1x128xi32, #tpu.memory_space<hbm>> -> memref<128xi32, #tpu.memory_space<hbm>>
      %dma_wait3A_80 = arith.constant 0 : i32
      %dma_wait3A_81 = tpu.memref_slice %arg4[%add3A, %mul3A_41, %dma_wait3A_80] : memref<32x80x128xi32, #tpu.memory_space<hbm>> -> memref<1x1x128xi32, #tpu.memory_space<hbm>>
      %dma_wait3A_82 = tpu.memref_squeeze %dma_wait3A_81 : memref<1x1x128xi32, #tpu.memory_space<hbm>> -> memref<128xi32, #tpu.memory_space<hbm>>
      tpu.wait_dma2 semaphore(%arg20 : memref<!tpu.dma_semaphore, #tpu.memory_space<semaphore_mem>>) src(%dma_wait3A_82 : memref<128xi32, #tpu.memory_space<hbm>>) dst(%arg9 : memref<128xi32, #tpu.memory_space<vmem>>)
      %scan3A_83 = arith.constant 0 : i32
      %scan3A_84 = arith.constant 128 : i32
      %scan3A_85 = arith.addi %scan3A_83, %scan3A_84 : i32
      %scan3A_86 = arith.constant 4 : i32
      scf.for %scan3A_119 = %scan3A_83 to %scan3A_85 step %scan3A_86  : i32 {
        %mul3A_120 = arith.constant 1 : i32
        %mul3A_121 = arith.muli %scan3A_119, %mul3A_120 : i32
        %add3A_122 = arith.constant 0 : i32
        %add3A_123 = arith.addi %add3A_122, %mul3A_121 : i32
        %get3A = arith.index_cast %add3A_123 : i32 to index
        %get3A_124 = arith.constant 0 : index
        %get3A_125 = tpu.vector_load %arg11[%get3A, %get3A_124] {strides = array<i32>} : memref<128x64xf32, #tpu.memory_space<vmem>>, vector<1x16xf32>,
        %get3A_126 = vector.shape_cast %get3A_125 : vector<1x16xf32> to vector<16xf32>
        %get3A_127 = arith.index_cast %add3A_123 : i32 to index
        %get3A_128 = arith.constant 0 : index
        %get3A_129 = tpu.vector_load %arg13[%get3A_127, %get3A_128] {strides = array<i32>} : memref<128x64xf32, #tpu.memory_space<vmem>>, vector<1x16xf32>,
        %get3A_130 = vector.shape_cast %get3A_129 : vector<1x16xf32> to vector<16xf32>
        %add3A_131 = arith.addf %get3A_126, %get3A_130 : vector<16xf32>
        %max3A = arith.maximumf %add3A_131, %broadcast_in_dim3A_1 : vector<16xf32>
        %swap3A = arith.index_cast %add3A_123 : i32 to index
        %swap3A_132 = arith.constant 0 : index
        %swap3A_133 = tpu.vector_load %arg11[%swap3A, %swap3A_132] {strides = array<i32>} : memref<128x64xf32, #tpu.memory_space<vmem>>, vector<1x16xf32>,
        %swap3A_134 = vector.shape_cast %swap3A_133 : vector<1x16xf32> to vector<16xf32>
        %swap3A_135 = vector.shape_cast %max3A : vector<16xf32> to vector<1x16xf32>
        tpu.vector_store %arg11[%swap3A, %swap3A_132], %swap3A_135 {strides = array<i32>} : memref<128x64xf32, #tpu.memory_space<vmem>>, vector<1x16xf32>,
        %get3A_136 = arith.index_cast %add3A_123 : i32 to index
        %get3A_137 = arith.constant 16 : index
        %get3A_138 = tpu.vector_load %arg11[%get3A_136, %get3A_137] {strides = array<i32>} : memref<128x64xf32, #tpu.memory_space<vmem>>, vector<1x16xf32>,
        %get3A_139 = vector.shape_cast %get3A_138 : vector<1x16xf32> to vector<16xf32>
        %get3A_140 = arith.index_cast %add3A_123 : i32 to index
        %get3A_141 = arith.constant 16 : index
        %get3A_142 = tpu.vector_load %arg13[%get3A_140, %get3A_141] {strides = array<i32>} : memref<128x64xf32, #tpu.memory_space<vmem>>, vector<1x16xf32>,
        %get3A_143 = vector.shape_cast %get3A_142 : vector<1x16xf32> to vector<16xf32>
        %add3A_144 = arith.addf %get3A_139, %get3A_143 : vector<16xf32>
        %max3A_145 = arith.maximumf %add3A_144, %broadcast_in_dim3A_1 : vector<16xf32>
        %swap3A_146 = arith.index_cast %add3A_123 : i32 to index
        %swap3A_147 = arith.constant 16 : index
        %swap3A_148 = tpu.vector_load %arg11[%swap3A_146, %swap3A_147] {strides = array<i32>} : memref<128x64xf32, #tpu.memory_space<vmem>>, vector<1x16xf32>,
        %swap3A_149 = vector.shape_cast %swap3A_148 : vector<1x16xf32> to vector<16xf32>
        %swap3A_150 = vector.shape_cast %max3A_145 : vector<16xf32> to vector<1x16xf32>
        tpu.vector_store %arg11[%swap3A_146, %swap3A_147], %swap3A_150 {strides = array<i32>} : memref<128x64xf32, #tpu.memory_space<vmem>>, vector<1x16xf32>,
        %get3A_151 = arith.index_cast %add3A_123 : i32 to index
        %get3A_152 = arith.constant 32 : index
        %get3A_153 = tpu.vector_load %arg11[%get3A_151, %get3A_152] {strides = array<i32>} : memref<128x64xf32, #tpu.memory_space<vmem>>, vector<1x16xf32>,
        %get3A_154 = vector.shape_cast %get3A_153 : vector<1x16xf32> to vector<16xf32>
        %get3A_155 = arith.index_cast %add3A_123 : i32 to index
        %get3A_156 = arith.constant 32 : index
        %get3A_157 = tpu.vector_load %arg13[%get3A_155, %get3A_156] {strides = array<i32>} : memref<128x64xf32, #tpu.memory_space<vmem>>, vector<1x16xf32>,
        %get3A_158 = vector.shape_cast %get3A_157 : vector<1x16xf32> to vector<16xf32>
        %add3A_159 = arith.addf %get3A_154, %get3A_158 : vector<16xf32>
        %max3A_160 = arith.maximumf %add3A_159, %broadcast_in_dim3A_1 : vector<16xf32>
        %swap3A_161 = arith.index_cast %add3A_123 : i32 to index
        %swap3A_162 = arith.constant 32 : index
        %swap3A_163 = tpu.vector_load %arg11[%swap3A_161, %swap3A_162] {strides = array<i32>} : memref<128x64xf32, #tpu.memory_space<vmem>>, vector<1x16xf32>,
        %swap3A_164 = vector.shape_cast %swap3A_163 : vector<1x16xf32> to vector<16xf32>
        %swap3A_165 = vector.shape_cast %max3A_160 : vector<16xf32> to vector<1x16xf32>
        tpu.vector_store %arg11[%swap3A_161, %swap3A_162], %swap3A_165 {strides = array<i32>} : memref<128x64xf32, #tpu.memory_space<vmem>>, vector<1x16xf32>,
        %get3A_166 = arith.index_cast %add3A_123 : i32 to index
        %get3A_167 = arith.constant 48 : index
        %get3A_168 = tpu.vector_load %arg11[%get3A_166, %get3A_167] {strides = array<i32>} : memref<128x64xf32, #tpu.memory_space<vmem>>, vector<1x16xf32>,
        %get3A_169 = vector.shape_cast %get3A_168 : vector<1x16xf32> to vector<16xf32>
        %get3A_170 = arith.index_cast %add3A_123 : i32 to index
        %get3A_171 = arith.constant 48 : index
        %get3A_172 = tpu.vector_load %arg13[%get3A_170, %get3A_171] {strides = array<i32>} : memref<128x64xf32, #tpu.memory_space<vmem>>, vector<1x16xf32>,
        %get3A_173 = vector.shape_cast %get3A_172 : vector<1x16xf32> to vector<16xf32>
        %add3A_174 = arith.addf %get3A_169, %get3A_173 : vector<16xf32>
        %max3A_175 = arith.maximumf %add3A_174, %broadcast_in_dim3A_1 : vector<16xf32>
        %swap3A_176 = arith.index_cast %add3A_123 : i32 to index
        %swap3A_177 = arith.constant 48 : index
        %swap3A_178 = tpu.vector_load %arg11[%swap3A_176, %swap3A_177] {strides = array<i32>} : memref<128x64xf32, #tpu.memory_space<vmem>>, vector<1x16xf32>,
        %swap3A_179 = vector.shape_cast %swap3A_178 : vector<1x16xf32> to vector<16xf32>
        %swap3A_180 = vector.shape_cast %max3A_175 : vector<16xf32> to vector<1x16xf32>
        tpu.vector_store %arg11[%swap3A_176, %swap3A_177], %swap3A_180 {strides = array<i32>} : memref<128x64xf32, #tpu.memory_space<vmem>>, vector<1x16xf32>,
        %scan3A_181 = arith.constant 1 : i32
        %scan3A_182 = arith.addi %scan3A_119, %scan3A_181 : i32
        %mul3A_183 = arith.constant 1 : i32
        %mul3A_184 = arith.muli %scan3A_182, %mul3A_183 : i32
        %add3A_185 = arith.constant 0 : i32
        %add3A_186 = arith.addi %add3A_185, %mul3A_184 : i32
        %get3A_187 = arith.index_cast %add3A_186 : i32 to index
        %get3A_188 = arith.constant 0 : index
        %get3A_189 = tpu.vector_load %arg11[%get3A_187, %get3A_188] {strides = array<i32>} : memref<128x64xf32, #tpu.memory_space<vmem>>, vector<1x16xf32>,
        %get3A_190 = vector.shape_cast %get3A_189 : vector<1x16xf32> to vector<16xf32>
        %get3A_191 = arith.index_cast %add3A_186 : i32 to index
        %get3A_192 = arith.constant 0 : index
        %get3A_193 = tpu.vector_load %arg13[%get3A_191, %get3A_192] {strides = array<i32>} : memref<128x64xf32, #tpu.memory_space<vmem>>, vector<1x16xf32>,
        %get3A_194 = vector.shape_cast %get3A_193 : vector<1x16xf32> to vector<16xf32>
        %add3A_195 = arith.addf %get3A_190, %get3A_194 : vector<16xf32>
        %max3A_196 = arith.maximumf %add3A_195, %broadcast_in_dim3A_1 : vector<16xf32>
        %swap3A_197 = arith.index_cast %add3A_186 : i32 to index
        %swap3A_198 = arith.constant 0 : index
        %swap3A_199 = tpu.vector_load %arg11[%swap3A_197, %swap3A_198] {strides = array<i32>} : memref<128x64xf32, #tpu.memory_space<vmem>>, vector<1x16xf32>,
        %swap3A_200 = vector.shape_cast %swap3A_199 : vector<1x16xf32> to vector<16xf32>
        %swap3A_201 = vector.shape_cast %max3A_196 : vector<16xf32> to vector<1x16xf32>
        tpu.vector_store %arg11[%swap3A_197, %swap3A_198], %swap3A_201 {strides = array<i32>} : memref<128x64xf32, #tpu.memory_space<vmem>>, vector<1x16xf32>,
        %get3A_202 = arith.index_cast %add3A_186 : i32 to index
        %get3A_203 = arith.constant 16 : index
        %get3A_204 = tpu.vector_load %arg11[%get3A_202, %get3A_203] {strides = array<i32>} : memref<128x64xf32, #tpu.memory_space<vmem>>, vector<1x16xf32>,
        %get3A_205 = vector.shape_cast %get3A_204 : vector<1x16xf32> to vector<16xf32>
        %get3A_206 = arith.index_cast %add3A_186 : i32 to index
        %get3A_207 = arith.constant 16 : index
        %get3A_208 = tpu.vector_load %arg13[%get3A_206, %get3A_207] {strides = array<i32>} : memref<128x64xf32, #tpu.memory_space<vmem>>, vector<1x16xf32>,
        %get3A_209 = vector.shape_cast %get3A_208 : vector<1x16xf32> to vector<16xf32>
        %add3A_210 = arith.addf %get3A_205, %get3A_209 : vector<16xf32>
        %max3A_211 = arith.maximumf %add3A_210, %broadcast_in_dim3A_1 : vector<16xf32>
        %swap3A_212 = arith.index_cast %add3A_186 : i32 to index
        %swap3A_213 = arith.constant 16 : index
        %swap3A_214 = tpu.vector_load %arg11[%swap3A_212, %swap3A_213] {strides = array<i32>} : memref<128x64xf32, #tpu.memory_space<vmem>>, vector<1x16xf32>,
        %swap3A_215 = vector.shape_cast %swap3A_214 : vector<1x16xf32> to vector<16xf32>
        %swap3A_216 = vector.shape_cast %max3A_211 : vector<16xf32> to vector<1x16xf32>
        tpu.vector_store %arg11[%swap3A_212, %swap3A_213], %swap3A_216 {strides = array<i32>} : memref<128x64xf32, #tpu.memory_space<vmem>>, vector<1x16xf32>,
        %get3A_217 = arith.index_cast %add3A_186 : i32 to index
        %get3A_218 = arith.constant 32 : index
        %get3A_219 = tpu.vector_load %arg11[%get3A_217, %get3A_218] {strides = array<i32>} : memref<128x64xf32, #tpu.memory_space<vmem>>, vector<1x16xf32>,
        %get3A_220 = vector.shape_cast %get3A_219 : vector<1x16xf32> to vector<16xf32>
        %get3A_221 = arith.index_cast %add3A_186 : i32 to index
        %get3A_222 = arith.constant 32 : index
        %get3A_223 = tpu.vector_load %arg13[%get3A_221, %get3A_222] {strides = array<i32>} : memref<128x64xf32, #tpu.memory_space<vmem>>, vector<1x16xf32>,
        %get3A_224 = vector.shape_cast %get3A_223 : vector<1x16xf32> to vector<16xf32>
        %add3A_225 = arith.addf %get3A_220, %get3A_224 : vector<16xf32>
        %max3A_226 = arith.maximumf %add3A_225, %broadcast_in_dim3A_1 : vector<16xf32>
        %swap3A_227 = arith.index_cast %add3A_186 : i32 to index
        %swap3A_228 = arith.constant 32 : index
        %swap3A_229 = tpu.vector_load %arg11[%swap3A_227, %swap3A_228] {strides = array<i32>} : memref<128x64xf32, #tpu.memory_space<vmem>>, vector<1x16xf32>,
        %swap3A_230 = vector.shape_cast %swap3A_229 : vector<1x16xf32> to vector<16xf32>
        %swap3A_231 = vector.shape_cast %max3A_226 : vector<16xf32> to vector<1x16xf32>
        tpu.vector_store %arg11[%swap3A_227, %swap3A_228], %swap3A_231 {strides = array<i32>} : memref<128x64xf32, #tpu.memory_space<vmem>>, vector<1x16xf32>,
        %get3A_232 = arith.index_cast %add3A_186 : i32 to index
        %get3A_233 = arith.constant 48 : index
        %get3A_234 = tpu.vector_load %arg11[%get3A_232, %get3A_233] {strides = array<i32>} : memref<128x64xf32, #tpu.memory_space<vmem>>, vector<1x16xf32>,
        %get3A_235 = vector.shape_cast %get3A_234 : vector<1x16xf32> to vector<16xf32>
        %get3A_236 = arith.index_cast %add3A_186 : i32 to index
        %get3A_237 = arith.constant 48 : index
        %get3A_238 = tpu.vector_load %arg13[%get3A_236, %get3A_237] {strides = array<i32>} : memref<128x64xf32, #tpu.memory_space<vmem>>, vector<1x16xf32>,
        %get3A_239 = vector.shape_cast %get3A_238 : vector<1x16xf32> to vector<16xf32>
        %add3A_240 = arith.addf %get3A_235, %get3A_239 : vector<16xf32>
        %max3A_241 = arith.maximumf %add3A_240, %broadcast_in_dim3A_1 : vector<16xf32>
        %swap3A_242 = arith.index_cast %add3A_186 : i32 to index
        %swap3A_243 = arith.constant 48 : index
        %swap3A_244 = tpu.vector_load %arg11[%swap3A_242, %swap3A_243] {strides = array<i32>} : memref<128x64xf32, #tpu.memory_space<vmem>>, vector<1x16xf32>,
        %swap3A_245 = vector.shape_cast %swap3A_244 : vector<1x16xf32> to vector<16xf32>
        %swap3A_246 = vector.shape_cast %max3A_241 : vector<16xf32> to vector<1x16xf32>
        tpu.vector_store %arg11[%swap3A_242, %swap3A_243], %swap3A_246 {strides = array<i32>} : memref<128x64xf32, #tpu.memory_space<vmem>>, vector<1x16xf32>,
        %scan3A_247 = arith.constant 2 : i32
        %scan3A_248 = arith.addi %scan3A_119, %scan3A_247 : i32
        %mul3A_249 = arith.constant 1 : i32
        %mul3A_250 = arith.muli %scan3A_248, %mul3A_249 : i32
        %add3A_251 = arith.constant 0 : i32
        %add3A_252 = arith.addi %add3A_251, %mul3A_250 : i32
        %get3A_253 = arith.index_cast %add3A_252 : i32 to index
        %get3A_254 = arith.constant 0 : index
        %get3A_255 = tpu.vector_load %arg11[%get3A_253, %get3A_254] {strides = array<i32>} : memref<128x64xf32, #tpu.memory_space<vmem>>, vector<1x16xf32>,
        %get3A_256 = vector.shape_cast %get3A_255 : vector<1x16xf32> to vector<16xf32>
        %get3A_257 = arith.index_cast %add3A_252 : i32 to index
        %get3A_258 = arith.constant 0 : index
        %get3A_259 = tpu.vector_load %arg13[%get3A_257, %get3A_258] {strides = array<i32>} : memref<128x64xf32, #tpu.memory_space<vmem>>, vector<1x16xf32>,
        %get3A_260 = vector.shape_cast %get3A_259 : vector<1x16xf32> to vector<16xf32>
        %add3A_261 = arith.addf %get3A_256, %get3A_260 : vector<16xf32>
        %max3A_262 = arith.maximumf %add3A_261, %broadcast_in_dim3A_1 : vector<16xf32>
        %swap3A_263 = arith.index_cast %add3A_252 : i32 to index
        %swap3A_264 = arith.constant 0 : index
        %swap3A_265 = tpu.vector_load %arg11[%swap3A_263, %swap3A_264] {strides = array<i32>} : memref<128x64xf32, #tpu.memory_space<vmem>>, vector<1x16xf32>,
        %swap3A_266 = vector.shape_cast %swap3A_265 : vector<1x16xf32> to vector<16xf32>
        %swap3A_267 = vector.shape_cast %max3A_262 : vector<16xf32> to vector<1x16xf32>
        tpu.vector_store %arg11[%swap3A_263, %swap3A_264], %swap3A_267 {strides = array<i32>} : memref<128x64xf32, #tpu.memory_space<vmem>>, vector<1x16xf32>,
        %get3A_268 = arith.index_cast %add3A_252 : i32 to index
        %get3A_269 = arith.constant 16 : index
        %get3A_270 = tpu.vector_load %arg11[%get3A_268, %get3A_269] {strides = array<i32>} : memref<128x64xf32, #tpu.memory_space<vmem>>, vector<1x16xf32>,
        %get3A_271 = vector.shape_cast %get3A_270 : vector<1x16xf32> to vector<16xf32>
        %get3A_272 = arith.index_cast %add3A_252 : i32 to index
        %get3A_273 = arith.constant 16 : index
        %get3A_274 = tpu.vector_load %arg13[%get3A_272, %get3A_273] {strides = array<i32>} : memref<128x64xf32, #tpu.memory_space<vmem>>, vector<1x16xf32>,
        %get3A_275 = vector.shape_cast %get3A_274 : vector<1x16xf32> to vector<16xf32>
        %add3A_276 = arith.addf %get3A_271, %get3A_275 : vector<16xf32>
        %max3A_277 = arith.maximumf %add3A_276, %broadcast_in_dim3A_1 : vector<16xf32>
        %swap3A_278 = arith.index_cast %add3A_252 : i32 to index
        %swap3A_279 = arith.constant 16 : index
        %swap3A_280 = tpu.vector_load %arg11[%swap3A_278, %swap3A_279] {strides = array<i32>} : memref<128x64xf32, #tpu.memory_space<vmem>>, vector<1x16xf32>,
        %swap3A_281 = vector.shape_cast %swap3A_280 : vector<1x16xf32> to vector<16xf32>
        %swap3A_282 = vector.shape_cast %max3A_277 : vector<16xf32> to vector<1x16xf32>
        tpu.vector_store %arg11[%swap3A_278, %swap3A_279], %swap3A_282 {strides = array<i32>} : memref<128x64xf32, #tpu.memory_space<vmem>>, vector<1x16xf32>,
        %get3A_283 = arith.index_cast %add3A_252 : i32 to index
        %get3A_284 = arith.constant 32 : index
        %get3A_285 = tpu.vector_load %arg11[%get3A_283, %get3A_284] {strides = array<i32>} : memref<128x64xf32, #tpu.memory_space<vmem>>, vector<1x16xf32>,
        %get3A_286 = vector.shape_cast %get3A_285 : vector<1x16xf32> to vector<16xf32>
        %get3A_287 = arith.index_cast %add3A_252 : i32 to index
        %get3A_288 = arith.constant 32 : index
        %get3A_289 = tpu.vector_load %arg13[%get3A_287, %get3A_288] {strides = array<i32>} : memref<128x64xf32, #tpu.memory_space<vmem>>, vector<1x16xf32>,
        %get3A_290 = vector.shape_cast %get3A_289 : vector<1x16xf32> to vector<16xf32>
        %add3A_291 = arith.addf %get3A_286, %get3A_290 : vector<16xf32>
        %max3A_292 = arith.maximumf %add3A_291, %broadcast_in_dim3A_1 : vector<16xf32>
        %swap3A_293 = arith.index_cast %add3A_252 : i32 to index
        %swap3A_294 = arith.constant 32 : index
        %swap3A_295 = tpu.vector_load %arg11[%swap3A_293, %swap3A_294] {strides = array<i32>} : memref<128x64xf32, #tpu.memory_space<vmem>>, vector<1x16xf32>,
        %swap3A_296 = vector.shape_cast %swap3A_295 : vector<1x16xf32> to vector<16xf32>
        %swap3A_297 = vector.shape_cast %max3A_292 : vector<16xf32> to vector<1x16xf32>
        tpu.vector_store %arg11[%swap3A_293, %swap3A_294], %swap3A_297 {strides = array<i32>} : memref<128x64xf32, #tpu.memory_space<vmem>>, vector<1x16xf32>,
        %get3A_298 = arith.index_cast %add3A_252 : i32 to index
        %get3A_299 = arith.constant 48 : index
        %get3A_300 = tpu.vector_load %arg11[%get3A_298, %get3A_299] {strides = array<i32>} : memref<128x64xf32, #tpu.memory_space<vmem>>, vector<1x16xf32>,
        %get3A_301 = vector.shape_cast %get3A_300 : vector<1x16xf32> to vector<16xf32>
        %get3A_302 = arith.index_cast %add3A_252 : i32 to index
        %get3A_303 = arith.constant 48 : index
        %get3A_304 = tpu.vector_load %arg13[%get3A_302, %get3A_303] {strides = array<i32>} : memref<128x64xf32, #tpu.memory_space<vmem>>, vector<1x16xf32>,
        %get3A_305 = vector.shape_cast %get3A_304 : vector<1x16xf32> to vector<16xf32>
        %add3A_306 = arith.addf %get3A_301, %get3A_305 : vector<16xf32>
        %max3A_307 = arith.maximumf %add3A_306, %broadcast_in_dim3A_1 : vector<16xf32>
        %swap3A_308 = arith.index_cast %add3A_252 : i32 to index
        %swap3A_309 = arith.constant 48 : index
        %swap3A_310 = tpu.vector_load %arg11[%swap3A_308, %swap3A_309] {strides = array<i32>} : memref<128x64xf32, #tpu.memory_space<vmem>>, vector<1x16xf32>,
        %swap3A_311 = vector.shape_cast %swap3A_310 : vector<1x16xf32> to vector<16xf32>
        %swap3A_312 = vector.shape_cast %max3A_307 : vector<16xf32> to vector<1x16xf32>
        tpu.vector_store %arg11[%swap3A_308, %swap3A_309], %swap3A_312 {strides = array<i32>} : memref<128x64xf32, #tpu.memory_space<vmem>>, vector<1x16xf32>,
        %scan3A_313 = arith.constant 3 : i32
        %scan3A_314 = arith.addi %scan3A_119, %scan3A_313 : i32
        %mul3A_315 = arith.constant 1 : i32
        %mul3A_316 = arith.muli %scan3A_314, %mul3A_315 : i32
        %add3A_317 = arith.constant 0 : i32
        %add3A_318 = arith.addi %add3A_317, %mul3A_316 : i32
        %get3A_319 = arith.index_cast %add3A_318 : i32 to index
        %get3A_320 = arith.constant 0 : index
        %get3A_321 = tpu.vector_load %arg11[%get3A_319, %get3A_320] {strides = array<i32>} : memref<128x64xf32, #tpu.memory_space<vmem>>, vector<1x16xf32>,
        %get3A_322 = vector.shape_cast %get3A_321 : vector<1x16xf32> to vector<16xf32>
        %get3A_323 = arith.index_cast %add3A_318 : i32 to index
        %get3A_324 = arith.constant 0 : index
        %get3A_325 = tpu.vector_load %arg13[%get3A_323, %get3A_324] {strides = array<i32>} : memref<128x64xf32, #tpu.memory_space<vmem>>, vector<1x16xf32>,
        %get3A_326 = vector.shape_cast %get3A_325 : vector<1x16xf32> to vector<16xf32>
        %add3A_327 = arith.addf %get3A_322, %get3A_326 : vector<16xf32>
        %max3A_328 = arith.maximumf %add3A_327, %broadcast_in_dim3A_1 : vector<16xf32>
        %swap3A_329 = arith.index_cast %add3A_318 : i32 to index
        %swap3A_330 = arith.constant 0 : index
        %swap3A_331 = tpu.vector_load %arg11[%swap3A_329, %swap3A_330] {strides = array<i32>} : memref<128x64xf32, #tpu.memory_space<vmem>>, vector<1x16xf32>,
        %swap3A_332 = vector.shape_cast %swap3A_331 : vector<1x16xf32> to vector<16xf32>
        %swap3A_333 = vector.shape_cast %max3A_328 : vector<16xf32> to vector<1x16xf32>
        tpu.vector_store %arg11[%swap3A_329, %swap3A_330], %swap3A_333 {strides = array<i32>} : memref<128x64xf32, #tpu.memory_space<vmem>>, vector<1x16xf32>,
        %get3A_334 = arith.index_cast %add3A_318 : i32 to index
        %get3A_335 = arith.constant 16 : index
        %get3A_336 = tpu.vector_load %arg11[%get3A_334, %get3A_335] {strides = array<i32>} : memref<128x64xf32, #tpu.memory_space<vmem>>, vector<1x16xf32>,
        %get3A_337 = vector.shape_cast %get3A_336 : vector<1x16xf32> to vector<16xf32>
        %get3A_338 = arith.index_cast %add3A_318 : i32 to index
        %get3A_339 = arith.constant 16 : index
        %get3A_340 = tpu.vector_load %arg13[%get3A_338, %get3A_339] {strides = array<i32>} : memref<128x64xf32, #tpu.memory_space<vmem>>, vector<1x16xf32>,
        %get3A_341 = vector.shape_cast %get3A_340 : vector<1x16xf32> to vector<16xf32>
        %add3A_342 = arith.addf %get3A_337, %get3A_341 : vector<16xf32>
        %max3A_343 = arith.maximumf %add3A_342, %broadcast_in_dim3A_1 : vector<16xf32>
        %swap3A_344 = arith.index_cast %add3A_318 : i32 to index
        %swap3A_345 = arith.constant 16 : index
        %swap3A_346 = tpu.vector_load %arg11[%swap3A_344, %swap3A_345] {strides = array<i32>} : memref<128x64xf32, #tpu.memory_space<vmem>>, vector<1x16xf32>,
        %swap3A_347 = vector.shape_cast %swap3A_346 : vector<1x16xf32> to vector<16xf32>
        %swap3A_348 = vector.shape_cast %max3A_343 : vector<16xf32> to vector<1x16xf32>
        tpu.vector_store %arg11[%swap3A_344, %swap3A_345], %swap3A_348 {strides = array<i32>} : memref<128x64xf32, #tpu.memory_space<vmem>>, vector<1x16xf32>,
        %get3A_349 = arith.index_cast %add3A_318 : i32 to index
        %get3A_350 = arith.constant 32 : index
        %get3A_351 = tpu.vector_load %arg11[%get3A_349, %get3A_350] {strides = array<i32>} : memref<128x64xf32, #tpu.memory_space<vmem>>, vector<1x16xf32>,
        %get3A_352 = vector.shape_cast %get3A_351 : vector<1x16xf32> to vector<16xf32>
        %get3A_353 = arith.index_cast %add3A_318 : i32 to index
        %get3A_354 = arith.constant 32 : index
        %get3A_355 = tpu.vector_load %arg13[%get3A_353, %get3A_354] {strides = array<i32>} : memref<128x64xf32, #tpu.memory_space<vmem>>, vector<1x16xf32>,
        %get3A_356 = vector.shape_cast %get3A_355 : vector<1x16xf32> to vector<16xf32>
        %add3A_357 = arith.addf %get3A_352, %get3A_356 : vector<16xf32>
        %max3A_358 = arith.maximumf %add3A_357, %broadcast_in_dim3A_1 : vector<16xf32>
        %swap3A_359 = arith.index_cast %add3A_318 : i32 to index
        %swap3A_360 = arith.constant 32 : index
        %swap3A_361 = tpu.vector_load %arg11[%swap3A_359, %swap3A_360] {strides = array<i32>} : memref<128x64xf32, #tpu.memory_space<vmem>>, vector<1x16xf32>,
        %swap3A_362 = vector.shape_cast %swap3A_361 : vector<1x16xf32> to vector<16xf32>
        %swap3A_363 = vector.shape_cast %max3A_358 : vector<16xf32> to vector<1x16xf32>
        tpu.vector_store %arg11[%swap3A_359, %swap3A_360], %swap3A_363 {strides = array<i32>} : memref<128x64xf32, #tpu.memory_space<vmem>>, vector<1x16xf32>,
        %get3A_364 = arith.index_cast %add3A_318 : i32 to index
        %get3A_365 = arith.constant 48 : index
        %get3A_366 = tpu.vector_load %arg11[%get3A_364, %get3A_365] {strides = array<i32>} : memref<128x64xf32, #tpu.memory_space<vmem>>, vector<1x16xf32>,
        %get3A_367 = vector.shape_cast %get3A_366 : vector<1x16xf32> to vector<16xf32>
        %get3A_368 = arith.index_cast %add3A_318 : i32 to index
        %get3A_369 = arith.constant 48 : index
        %get3A_370 = tpu.vector_load %arg13[%get3A_368, %get3A_369] {strides = array<i32>} : memref<128x64xf32, #tpu.memory_space<vmem>>, vector<1x16xf32>,
        %get3A_371 = vector.shape_cast %get3A_370 : vector<1x16xf32> to vector<16xf32>
        %add3A_372 = arith.addf %get3A_367, %get3A_371 : vector<16xf32>
        %max3A_373 = arith.maximumf %add3A_372, %broadcast_in_dim3A_1 : vector<16xf32>
        %swap3A_374 = arith.index_cast %add3A_318 : i32 to index
        %swap3A_375 = arith.constant 48 : index
        %swap3A_376 = tpu.vector_load %arg11[%swap3A_374, %swap3A_375] {strides = array<i32>} : memref<128x64xf32, #tpu.memory_space<vmem>>, vector<1x16xf32>,
        %swap3A_377 = vector.shape_cast %swap3A_376 : vector<1x16xf32> to vector<16xf32>
        %swap3A_378 = vector.shape_cast %max3A_373 : vector<16xf32> to vector<1x16xf32>
        tpu.vector_store %arg11[%swap3A_374, %swap3A_375], %swap3A_378 {strides = array<i32>} : memref<128x64xf32, #tpu.memory_space<vmem>>, vector<1x16xf32>,
      }
      %scan3A_87 = arith.constant 128 : i32
      "tpu.region"() ({
        %run_scoped3A = tpu.sem_alloc : memref<!tpu.dma_semaphore, #tpu.memory_space<semaphore_mem>>
        %dma_start3A_119 = arith.constant 0 : i32
        %dma_start3A_120 = arith.constant 0 : i32
        %dma_start3A_121 = tpu.memref_slice %arg15[%dma_start3A_119, %dma_start3A_120] : memref<10112x64xf32, #tpu.memory_space<vmem_shared>> -> memref<10112x64xf32, #tpu.memory_space<vmem_shared>>
        tpu.enqueue_indirect_dma source(%arg11 : memref<128x64xf32, #tpu.memory_space<vmem>>) target(%dma_start3A_121 : memref<10112x64xf32, #tpu.memory_space<vmem_shared>>) offsets(%arg9 : memref<128xi32, #tpu.memory_space<vmem>>) semaphore(%run_scoped3A : memref<!tpu.dma_semaphore, #tpu.memory_space<semaphore_mem>>) {add = true}
        %dma_wait3A_122 = arith.constant 0 : i32
        %dma_wait3A_123 = arith.constant 0 : i32
        %dma_wait3A_124 = tpu.memref_slice %arg15[%dma_wait3A_122, %dma_wait3A_123] : memref<10112x64xf32, #tpu.memory_space<vmem_shared>> -> memref<10112x64xf32, #tpu.memory_space<vmem_shared>>
        tpu.wait_indirect_dma semaphore(%run_scoped3A : memref<!tpu.dma_semaphore, #tpu.memory_space<semaphore_mem>>) src(%arg11 : memref<128x64xf32, #tpu.memory_space<vmem>>) dst(%dma_wait3A_124 : memref<10112x64xf32, #tpu.memory_space<vmem_shared>>)
        tpu.yield
      }) : () -> ()
      %add3A_88 = arith.constant 1 : i32
      %add3A_89 = arith.addi %add3A_39, %add3A_88 : i32
      %lt3A = arith.constant 40 : i32
      %lt3A_90 = arith.cmpi slt, %add3A_89, %lt3A : i32
      %convert_element_type3A = arith.extui %lt3A_90 : i1 to i32
      %cond3A = arith.constant 0 : i32
      %cond3A_91 = arith.cmpi ne, %convert_element_type3A, %cond3A : i32
      scf.if %cond3A_91 {
        %add3A_119 = arith.constant 2 : i32
        %add3A_120 = arith.addi %mul3A_41, %add3A_119 : i32
        %dma_start3A_121 = arith.constant 0 : i32
        %dma_start3A_122 = tpu.memref_slice %arg8[%add3A_120, %dma_start3A_121] : memref<80x128xi32, #tpu.memory_space<vmem>> -> memref<1x128xi32, #tpu.memory_space<vmem>>
        %dma_start3A_123 = tpu.memref_squeeze %dma_start3A_122 : memref<1x128xi32, #tpu.memory_space<vmem>> -> memref<128xi32, #tpu.memory_space<vmem>>
        %dma_start3A_124 = arith.constant 0 : i32
        %dma_start3A_125 = arith.constant 0 : i32
        %dma_start3A_126 = tpu.memref_slice %arg2[%dma_start3A_124, %dma_start3A_125] : memref<10000x64xf32, #tpu.memory_space<hbm>> -> memref<10000x64xf32, #tpu.memory_space<hbm>>
        tpu.enqueue_indirect_dma source(%dma_start3A_126 : memref<10000x64xf32, #tpu.memory_space<hbm>>) target(%arg11 : memref<128x64xf32, #tpu.memory_space<vmem>>) offsets(%dma_start3A_123 : memref<128xi32, #tpu.memory_space<vmem>>) semaphore(%arg16 : memref<!tpu.dma_semaphore, #tpu.memory_space<semaphore_mem>>)
        %dma_start3A_127 = arith.constant 0 : i32
        %dma_start3A_128 = arith.constant 0 : i32
        %dma_start3A_129 = tpu.memref_slice %arg5[%add3A, %add3A_120, %dma_start3A_127, %dma_start3A_128] : memref<32x80x128x64xf32, #tpu.memory_space<hbm>> -> memref<1x1x128x64xf32, #tpu.memory_space<hbm>>
        %dma_start3A_130 = tpu.memref_squeeze %dma_start3A_129 : memref<1x1x128x64xf32, #tpu.memory_space<hbm>> -> memref<128x64xf32, #tpu.memory_space<hbm>>
        %dma_start3A_131 = arith.constant 0 : i32
        %dma_start3A_132 = arith.constant 0 : i32
        %dma_start3A_133 = tpu.memref_slice %arg5[%add3A, %add3A_120, %dma_start3A_131, %dma_start3A_132] : memref<32x80x128x64xf32, #tpu.memory_space<hbm>> -> memref<1x1x128x64xf32, #tpu.memory_space<hbm>>
        %dma_start3A_134 = tpu.memref_squeeze %dma_start3A_133 : memref<1x1x128x64xf32, #tpu.memory_space<hbm>> -> memref<128x64xf32, #tpu.memory_space<hbm>>
        tpu.enqueue_dma source(%dma_start3A_134 : memref<128x64xf32, #tpu.memory_space<hbm>>) target(%arg13 : memref<128x64xf32, #tpu.memory_space<vmem>>) target_semaphore(%arg18 : memref<!tpu.dma_semaphore, #tpu.memory_space<semaphore_mem>>)
        %dma_start3A_135 = arith.constant 0 : i32
        %dma_start3A_136 = tpu.memref_slice %arg4[%add3A, %add3A_120, %dma_start3A_135] : memref<32x80x128xi32, #tpu.memory_space<hbm>> -> memref<1x1x128xi32, #tpu.memory_space<hbm>>
        %dma_start3A_137 = tpu.memref_squeeze %dma_start3A_136 : memref<1x1x128xi32, #tpu.memory_space<hbm>> -> memref<128xi32, #tpu.memory_space<hbm>>
        %dma_start3A_138 = arith.constant 0 : i32
        %dma_start3A_139 = tpu.memref_slice %arg4[%add3A, %add3A_120, %dma_start3A_138] : memref<32x80x128xi32, #tpu.memory_space<hbm>> -> memref<1x1x128xi32, #tpu.memory_space<hbm>>
        %dma_start3A_140 = tpu.memref_squeeze %dma_start3A_139 : memref<1x1x128xi32, #tpu.memory_space<hbm>> -> memref<128xi32, #tpu.memory_space<hbm>>
        tpu.enqueue_dma source(%dma_start3A_140 : memref<128xi32, #tpu.memory_space<hbm>>) target(%arg9 : memref<128xi32, #tpu.memory_space<vmem>>) target_semaphore(%arg20 : memref<!tpu.dma_semaphore, #tpu.memory_space<semaphore_mem>>)
      } else {
      }
      %add3A_92 = arith.constant 1 : i32
      %add3A_93 = arith.addi %mul3A_41, %add3A_92 : i32
      %dma_wait3A_94 = arith.constant 0 : i32
      %dma_wait3A_95 = tpu.memref_slice %arg8[%add3A_93, %dma_wait3A_94] : memref<80x128xi32, #tpu.memory_space<vmem>> -> memref<1x128xi32, #tpu.memory_space<vmem>>
      %dma_wait3A_96 = tpu.memref_squeeze %dma_wait3A_95 : memref<1x128xi32, #tpu.memory_space<vmem>> -> memref<128xi32, #tpu.memory_space<vmem>>
      %dma_wait3A_97 = arith.constant 0 : i32
      %dma_wait3A_98 = arith.constant 0 : i32
      %dma_wait3A_99 = tpu.memref_slice %arg2[%dma_wait3A_97, %dma_wait3A_98] : memref<10000x64xf32, #tpu.memory_space<hbm>> -> memref<10000x64xf32, #tpu.memory_space<hbm>>
      tpu.wait_indirect_dma semaphore(%arg17 : memref<!tpu.dma_semaphore, #tpu.memory_space<semaphore_mem>>) src(%dma_wait3A_99 : memref<10000x64xf32, #tpu.memory_space<hbm>>) dst(%arg12 : memref<128x64xf32, #tpu.memory_space<vmem>>)
      %dma_wait3A_100 = arith.constant 0 : i32
      %dma_wait3A_101 = arith.constant 0 : i32
      %dma_wait3A_102 = tpu.memref_slice %arg5[%add3A, %add3A_93, %dma_wait3A_100, %dma_wait3A_101] : memref<32x80x128x64xf32, #tpu.memory_space<hbm>> -> memref<1x1x128x64xf32, #tpu.memory_space<hbm>>
      %dma_wait3A_103 = tpu.memref_squeeze %dma_wait3A_102 : memref<1x1x128x64xf32, #tpu.memory_space<hbm>> -> memref<128x64xf32, #tpu.memory_space<hbm>>
      %dma_wait3A_104 = arith.constant 0 : i32
      %dma_wait3A_105 = arith.constant 0 : i32
      %dma_wait3A_106 = tpu.memref_slice %arg5[%add3A, %add3A_93, %dma_wait3A_104, %dma_wait3A_105] : memref<32x80x128x64xf32, #tpu.memory_space<hbm>> -> memref<1x1x128x64xf32, #tpu.memory_space<hbm>>
      %dma_wait3A_107 = tpu.memref_squeeze %dma_wait3A_106 : memref<1x1x128x64xf32, #tpu.memory_space<hbm>> -> memref<128x64xf32, #tpu.memory_space<hbm>>
      tpu.wait_dma2 semaphore(%arg19 : memref<!tpu.dma_semaphore, #tpu.memory_space<semaphore_mem>>) src(%dma_wait3A_107 : memref<128x64xf32, #tpu.memory_space<hbm>>) dst(%arg14 : memref<128x64xf32, #tpu.memory_space<vmem>>)
      %dma_wait3A_108 = arith.constant 0 : i32
      %dma_wait3A_109 = tpu.memref_slice %arg4[%add3A, %add3A_93, %dma_wait3A_108] : memref<32x80x128xi32, #tpu.memory_space<hbm>> -> memref<1x1x128xi32, #tpu.memory_space<hbm>>
      %dma_wait3A_110 = tpu.memref_squeeze %dma_wait3A_109 : memref<1x1x128xi32, #tpu.memory_space<hbm>> -> memref<128xi32, #tpu.memory_space<hbm>>
      %dma_wait3A_111 = arith.constant 0 : i32
      %dma_wait3A_112 = tpu.memref_slice %arg4[%add3A, %add3A_93, %dma_wait3A_111] : memref<32x80x128xi32, #tpu.memory_space<hbm>> -> memref<1x1x128xi32, #tpu.memory_space<hbm>>
      %dma_wait3A_113 = tpu.memref_squeeze %dma_wait3A_112 : memref<1x1x128xi32, #tpu.memory_space<hbm>> -> memref<128xi32, #tpu.memory_space<hbm>>
      tpu.wait_dma2 semaphore(%arg21 : memref<!tpu.dma_semaphore, #tpu.memory_space<semaphore_mem>>) src(%dma_wait3A_113 : memref<128xi32, #tpu.memory_space<hbm>>) dst(%arg10 : memref<128xi32, #tpu.memory_space<vmem>>)
      %scan3A_114 = arith.constant 0 : i32
      %scan3A_115 = arith.constant 128 : i32
      %scan3A_116 = arith.addi %scan3A_114, %scan3A_115 : i32
      %scan3A_117 = arith.constant 4 : i32
      scf.for %scan3A_119 = %scan3A_114 to %scan3A_116 step %scan3A_117  : i32 {
        %mul3A_120 = arith.constant 1 : i32
        %mul3A_121 = arith.muli %scan3A_119, %mul3A_120 : i32
        %add3A_122 = arith.constant 0 : i32
        %add3A_123 = arith.addi %add3A_122, %mul3A_121 : i32
        %get3A = arith.index_cast %add3A_123 : i32 to index
        %get3A_124 = arith.constant 0 : index
        %get3A_125 = tpu.vector_load %arg12[%get3A, %get3A_124] {strides = array<i32>} : memref<128x64xf32, #tpu.memory_space<vmem>>, vector<1x16xf32>,
        %get3A_126 = vector.shape_cast %get3A_125 : vector<1x16xf32> to vector<16xf32>
        %get3A_127 = arith.index_cast %add3A_123 : i32 to index
        %get3A_128 = arith.constant 0 : index
        %get3A_129 = tpu.vector_load %arg14[%get3A_127, %get3A_128] {strides = array<i32>} : memref<128x64xf32, #tpu.memory_space<vmem>>, vector<1x16xf32>,
        %get3A_130 = vector.shape_cast %get3A_129 : vector<1x16xf32> to vector<16xf32>
        %add3A_131 = arith.addf %get3A_126, %get3A_130 : vector<16xf32>
        %max3A = arith.maximumf %add3A_131, %broadcast_in_dim3A_1 : vector<16xf32>
        %swap3A = arith.index_cast %add3A_123 : i32 to index
        %swap3A_132 = arith.constant 0 : index
        %swap3A_133 = tpu.vector_load %arg12[%swap3A, %swap3A_132] {strides = array<i32>} : memref<128x64xf32, #tpu.memory_space<vmem>>, vector<1x16xf32>,
        %swap3A_134 = vector.shape_cast %swap3A_133 : vector<1x16xf32> to vector<16xf32>
        %swap3A_135 = vector.shape_cast %max3A : vector<16xf32> to vector<1x16xf32>
        tpu.vector_store %arg12[%swap3A, %swap3A_132], %swap3A_135 {strides = array<i32>} : memref<128x64xf32, #tpu.memory_space<vmem>>, vector<1x16xf32>,
        %get3A_136 = arith.index_cast %add3A_123 : i32 to index
        %get3A_137 = arith.constant 16 : index
        %get3A_138 = tpu.vector_load %arg12[%get3A_136, %get3A_137] {strides = array<i32>} : memref<128x64xf32, #tpu.memory_space<vmem>>, vector<1x16xf32>,
        %get3A_139 = vector.shape_cast %get3A_138 : vector<1x16xf32> to vector<16xf32>
        %get3A_140 = arith.index_cast %add3A_123 : i32 to index
        %get3A_141 = arith.constant 16 : index
        %get3A_142 = tpu.vector_load %arg14[%get3A_140, %get3A_141] {strides = array<i32>} : memref<128x64xf32, #tpu.memory_space<vmem>>, vector<1x16xf32>,
        %get3A_143 = vector.shape_cast %get3A_142 : vector<1x16xf32> to vector<16xf32>
        %add3A_144 = arith.addf %get3A_139, %get3A_143 : vector<16xf32>
        %max3A_145 = arith.maximumf %add3A_144, %broadcast_in_dim3A_1 : vector<16xf32>
        %swap3A_146 = arith.index_cast %add3A_123 : i32 to index
        %swap3A_147 = arith.constant 16 : index
        %swap3A_148 = tpu.vector_load %arg12[%swap3A_146, %swap3A_147] {strides = array<i32>} : memref<128x64xf32, #tpu.memory_space<vmem>>, vector<1x16xf32>,
        %swap3A_149 = vector.shape_cast %swap3A_148 : vector<1x16xf32> to vector<16xf32>
        %swap3A_150 = vector.shape_cast %max3A_145 : vector<16xf32> to vector<1x16xf32>
        tpu.vector_store %arg12[%swap3A_146, %swap3A_147], %swap3A_150 {strides = array<i32>} : memref<128x64xf32, #tpu.memory_space<vmem>>, vector<1x16xf32>,
        %get3A_151 = arith.index_cast %add3A_123 : i32 to index
        %get3A_152 = arith.constant 32 : index
        %get3A_153 = tpu.vector_load %arg12[%get3A_151, %get3A_152] {strides = array<i32>} : memref<128x64xf32, #tpu.memory_space<vmem>>, vector<1x16xf32>,
        %get3A_154 = vector.shape_cast %get3A_153 : vector<1x16xf32> to vector<16xf32>
        %get3A_155 = arith.index_cast %add3A_123 : i32 to index
        %get3A_156 = arith.constant 32 : index
        %get3A_157 = tpu.vector_load %arg14[%get3A_155, %get3A_156] {strides = array<i32>} : memref<128x64xf32, #tpu.memory_space<vmem>>, vector<1x16xf32>,
        %get3A_158 = vector.shape_cast %get3A_157 : vector<1x16xf32> to vector<16xf32>
        %add3A_159 = arith.addf %get3A_154, %get3A_158 : vector<16xf32>
        %max3A_160 = arith.maximumf %add3A_159, %broadcast_in_dim3A_1 : vector<16xf32>
        %swap3A_161 = arith.index_cast %add3A_123 : i32 to index
        %swap3A_162 = arith.constant 32 : index
        %swap3A_163 = tpu.vector_load %arg12[%swap3A_161, %swap3A_162] {strides = array<i32>} : memref<128x64xf32, #tpu.memory_space<vmem>>, vector<1x16xf32>,
        %swap3A_164 = vector.shape_cast %swap3A_163 : vector<1x16xf32> to vector<16xf32>
        %swap3A_165 = vector.shape_cast %max3A_160 : vector<16xf32> to vector<1x16xf32>
        tpu.vector_store %arg12[%swap3A_161, %swap3A_162], %swap3A_165 {strides = array<i32>} : memref<128x64xf32, #tpu.memory_space<vmem>>, vector<1x16xf32>,
        %get3A_166 = arith.index_cast %add3A_123 : i32 to index
        %get3A_167 = arith.constant 48 : index
        %get3A_168 = tpu.vector_load %arg12[%get3A_166, %get3A_167] {strides = array<i32>} : memref<128x64xf32, #tpu.memory_space<vmem>>, vector<1x16xf32>,
        %get3A_169 = vector.shape_cast %get3A_168 : vector<1x16xf32> to vector<16xf32>
        %get3A_170 = arith.index_cast %add3A_123 : i32 to index
        %get3A_171 = arith.constant 48 : index
        %get3A_172 = tpu.vector_load %arg14[%get3A_170, %get3A_171] {strides = array<i32>} : memref<128x64xf32, #tpu.memory_space<vmem>>, vector<1x16xf32>,
        %get3A_173 = vector.shape_cast %get3A_172 : vector<1x16xf32> to vector<16xf32>
        %add3A_174 = arith.addf %get3A_169, %get3A_173 : vector<16xf32>
        %max3A_175 = arith.maximumf %add3A_174, %broadcast_in_dim3A_1 : vector<16xf32>
        %swap3A_176 = arith.index_cast %add3A_123 : i32 to index
        %swap3A_177 = arith.constant 48 : index
        %swap3A_178 = tpu.vector_load %arg12[%swap3A_176, %swap3A_177] {strides = array<i32>} : memref<128x64xf32, #tpu.memory_space<vmem>>, vector<1x16xf32>,
        %swap3A_179 = vector.shape_cast %swap3A_178 : vector<1x16xf32> to vector<16xf32>
        %swap3A_180 = vector.shape_cast %max3A_175 : vector<16xf32> to vector<1x16xf32>
        tpu.vector_store %arg12[%swap3A_176, %swap3A_177], %swap3A_180 {strides = array<i32>} : memref<128x64xf32, #tpu.memory_space<vmem>>, vector<1x16xf32>,
        %scan3A_181 = arith.constant 1 : i32
        %scan3A_182 = arith.addi %scan3A_119, %scan3A_181 : i32
        %mul3A_183 = arith.constant 1 : i32
        %mul3A_184 = arith.muli %scan3A_182, %mul3A_183 : i32
        %add3A_185 = arith.constant 0 : i32
        %add3A_186 = arith.addi %add3A_185, %mul3A_184 : i32
        %get3A_187 = arith.index_cast %add3A_186 : i32 to index
        %get3A_188 = arith.constant 0 : index
        %get3A_189 = tpu.vector_load %arg12[%get3A_187, %get3A_188] {strides = array<i32>} : memref<128x64xf32, #tpu.memory_space<vmem>>, vector<1x16xf32>,
        %get3A_190 = vector.shape_cast %get3A_189 : vector<1x16xf32> to vector<16xf32>
        %get3A_191 = arith.index_cast %add3A_186 : i32 to index
        %get3A_192 = arith.constant 0 : index
        %get3A_193 = tpu.vector_load %arg14[%get3A_191, %get3A_192] {strides = array<i32>} : memref<128x64xf32, #tpu.memory_space<vmem>>, vector<1x16xf32>,
        %get3A_194 = vector.shape_cast %get3A_193 : vector<1x16xf32> to vector<16xf32>
        %add3A_195 = arith.addf %get3A_190, %get3A_194 : vector<16xf32>
        %max3A_196 = arith.maximumf %add3A_195, %broadcast_in_dim3A_1 : vector<16xf32>
        %swap3A_197 = arith.index_cast %add3A_186 : i32 to index
        %swap3A_198 = arith.constant 0 : index
        %swap3A_199 = tpu.vector_load %arg12[%swap3A_197, %swap3A_198] {strides = array<i32>} : memref<128x64xf32, #tpu.memory_space<vmem>>, vector<1x16xf32>,
        %swap3A_200 = vector.shape_cast %swap3A_199 : vector<1x16xf32> to vector<16xf32>
        %swap3A_201 = vector.shape_cast %max3A_196 : vector<16xf32> to vector<1x16xf32>
        tpu.vector_store %arg12[%swap3A_197, %swap3A_198], %swap3A_201 {strides = array<i32>} : memref<128x64xf32, #tpu.memory_space<vmem>>, vector<1x16xf32>,
        %get3A_202 = arith.index_cast %add3A_186 : i32 to index
        %get3A_203 = arith.constant 16 : index
        %get3A_204 = tpu.vector_load %arg12[%get3A_202, %get3A_203] {strides = array<i32>} : memref<128x64xf32, #tpu.memory_space<vmem>>, vector<1x16xf32>,
        %get3A_205 = vector.shape_cast %get3A_204 : vector<1x16xf32> to vector<16xf32>
        %get3A_206 = arith.index_cast %add3A_186 : i32 to index
        %get3A_207 = arith.constant 16 : index
        %get3A_208 = tpu.vector_load %arg14[%get3A_206, %get3A_207] {strides = array<i32>} : memref<128x64xf32, #tpu.memory_space<vmem>>, vector<1x16xf32>,
        %get3A_209 = vector.shape_cast %get3A_208 : vector<1x16xf32> to vector<16xf32>
        %add3A_210 = arith.addf %get3A_205, %get3A_209 : vector<16xf32>
        %max3A_211 = arith.maximumf %add3A_210, %broadcast_in_dim3A_1 : vector<16xf32>
        %swap3A_212 = arith.index_cast %add3A_186 : i32 to index
        %swap3A_213 = arith.constant 16 : index
        %swap3A_214 = tpu.vector_load %arg12[%swap3A_212, %swap3A_213] {strides = array<i32>} : memref<128x64xf32, #tpu.memory_space<vmem>>, vector<1x16xf32>,
        %swap3A_215 = vector.shape_cast %swap3A_214 : vector<1x16xf32> to vector<16xf32>
        %swap3A_216 = vector.shape_cast %max3A_211 : vector<16xf32> to vector<1x16xf32>
        tpu.vector_store %arg12[%swap3A_212, %swap3A_213], %swap3A_216 {strides = array<i32>} : memref<128x64xf32, #tpu.memory_space<vmem>>, vector<1x16xf32>,
        %get3A_217 = arith.index_cast %add3A_186 : i32 to index
        %get3A_218 = arith.constant 32 : index
        %get3A_219 = tpu.vector_load %arg12[%get3A_217, %get3A_218] {strides = array<i32>} : memref<128x64xf32, #tpu.memory_space<vmem>>, vector<1x16xf32>,
        %get3A_220 = vector.shape_cast %get3A_219 : vector<1x16xf32> to vector<16xf32>
        %get3A_221 = arith.index_cast %add3A_186 : i32 to index
        %get3A_222 = arith.constant 32 : index
        %get3A_223 = tpu.vector_load %arg14[%get3A_221, %get3A_222] {strides = array<i32>} : memref<128x64xf32, #tpu.memory_space<vmem>>, vector<1x16xf32>,
        %get3A_224 = vector.shape_cast %get3A_223 : vector<1x16xf32> to vector<16xf32>
        %add3A_225 = arith.addf %get3A_220, %get3A_224 : vector<16xf32>
        %max3A_226 = arith.maximumf %add3A_225, %broadcast_in_dim3A_1 : vector<16xf32>
        %swap3A_227 = arith.index_cast %add3A_186 : i32 to index
        %swap3A_228 = arith.constant 32 : index
        %swap3A_229 = tpu.vector_load %arg12[%swap3A_227, %swap3A_228] {strides = array<i32>} : memref<128x64xf32, #tpu.memory_space<vmem>>, vector<1x16xf32>,
        %swap3A_230 = vector.shape_cast %swap3A_229 : vector<1x16xf32> to vector<16xf32>
        %swap3A_231 = vector.shape_cast %max3A_226 : vector<16xf32> to vector<1x16xf32>
        tpu.vector_store %arg12[%swap3A_227, %swap3A_228], %swap3A_231 {strides = array<i32>} : memref<128x64xf32, #tpu.memory_space<vmem>>, vector<1x16xf32>,
        %get3A_232 = arith.index_cast %add3A_186 : i32 to index
        %get3A_233 = arith.constant 48 : index
        %get3A_234 = tpu.vector_load %arg12[%get3A_232, %get3A_233] {strides = array<i32>} : memref<128x64xf32, #tpu.memory_space<vmem>>, vector<1x16xf32>,
        %get3A_235 = vector.shape_cast %get3A_234 : vector<1x16xf32> to vector<16xf32>
        %get3A_236 = arith.index_cast %add3A_186 : i32 to index
        %get3A_237 = arith.constant 48 : index
        %get3A_238 = tpu.vector_load %arg14[%get3A_236, %get3A_237] {strides = array<i32>} : memref<128x64xf32, #tpu.memory_space<vmem>>, vector<1x16xf32>,
        %get3A_239 = vector.shape_cast %get3A_238 : vector<1x16xf32> to vector<16xf32>
        %add3A_240 = arith.addf %get3A_235, %get3A_239 : vector<16xf32>
        %max3A_241 = arith.maximumf %add3A_240, %broadcast_in_dim3A_1 : vector<16xf32>
        %swap3A_242 = arith.index_cast %add3A_186 : i32 to index
        %swap3A_243 = arith.constant 48 : index
        %swap3A_244 = tpu.vector_load %arg12[%swap3A_242, %swap3A_243] {strides = array<i32>} : memref<128x64xf32, #tpu.memory_space<vmem>>, vector<1x16xf32>,
        %swap3A_245 = vector.shape_cast %swap3A_244 : vector<1x16xf32> to vector<16xf32>
        %swap3A_246 = vector.shape_cast %max3A_241 : vector<16xf32> to vector<1x16xf32>
        tpu.vector_store %arg12[%swap3A_242, %swap3A_243], %swap3A_246 {strides = array<i32>} : memref<128x64xf32, #tpu.memory_space<vmem>>, vector<1x16xf32>,
        %scan3A_247 = arith.constant 2 : i32
        %scan3A_248 = arith.addi %scan3A_119, %scan3A_247 : i32
        %mul3A_249 = arith.constant 1 : i32
        %mul3A_250 = arith.muli %scan3A_248, %mul3A_249 : i32
        %add3A_251 = arith.constant 0 : i32
        %add3A_252 = arith.addi %add3A_251, %mul3A_250 : i32
        %get3A_253 = arith.index_cast %add3A_252 : i32 to index
        %get3A_254 = arith.constant 0 : index
        %get3A_255 = tpu.vector_load %arg12[%get3A_253, %get3A_254] {strides = array<i32>} : memref<128x64xf32, #tpu.memory_space<vmem>>, vector<1x16xf32>,
        %get3A_256 = vector.shape_cast %get3A_255 : vector<1x16xf32> to vector<16xf32>
        %get3A_257 = arith.index_cast %add3A_252 : i32 to index
        %get3A_258 = arith.constant 0 : index
        %get3A_259 = tpu.vector_load %arg14[%get3A_257, %get3A_258] {strides = array<i32>} : memref<128x64xf32, #tpu.memory_space<vmem>>, vector<1x16xf32>,
        %get3A_260 = vector.shape_cast %get3A_259 : vector<1x16xf32> to vector<16xf32>
        %add3A_261 = arith.addf %get3A_256, %get3A_260 : vector<16xf32>
        %max3A_262 = arith.maximumf %add3A_261, %broadcast_in_dim3A_1 : vector<16xf32>
        %swap3A_263 = arith.index_cast %add3A_252 : i32 to index
        %swap3A_264 = arith.constant 0 : index
        %swap3A_265 = tpu.vector_load %arg12[%swap3A_263, %swap3A_264] {strides = array<i32>} : memref<128x64xf32, #tpu.memory_space<vmem>>, vector<1x16xf32>,
        %swap3A_266 = vector.shape_cast %swap3A_265 : vector<1x16xf32> to vector<16xf32>
        %swap3A_267 = vector.shape_cast %max3A_262 : vector<16xf32> to vector<1x16xf32>
        tpu.vector_store %arg12[%swap3A_263, %swap3A_264], %swap3A_267 {strides = array<i32>} : memref<128x64xf32, #tpu.memory_space<vmem>>, vector<1x16xf32>,
        %get3A_268 = arith.index_cast %add3A_252 : i32 to index
        %get3A_269 = arith.constant 16 : index
        %get3A_270 = tpu.vector_load %arg12[%get3A_268, %get3A_269] {strides = array<i32>} : memref<128x64xf32, #tpu.memory_space<vmem>>, vector<1x16xf32>,
        %get3A_271 = vector.shape_cast %get3A_270 : vector<1x16xf32> to vector<16xf32>
        %get3A_272 = arith.index_cast %add3A_252 : i32 to index
        %get3A_273 = arith.constant 16 : index
        %get3A_274 = tpu.vector_load %arg14[%get3A_272, %get3A_273] {strides = array<i32>} : memref<128x64xf32, #tpu.memory_space<vmem>>, vector<1x16xf32>,
        %get3A_275 = vector.shape_cast %get3A_274 : vector<1x16xf32> to vector<16xf32>
        %add3A_276 = arith.addf %get3A_271, %get3A_275 : vector<16xf32>
        %max3A_277 = arith.maximumf %add3A_276, %broadcast_in_dim3A_1 : vector<16xf32>
        %swap3A_278 = arith.index_cast %add3A_252 : i32 to index
        %swap3A_279 = arith.constant 16 : index
        %swap3A_280 = tpu.vector_load %arg12[%swap3A_278, %swap3A_279] {strides = array<i32>} : memref<128x64xf32, #tpu.memory_space<vmem>>, vector<1x16xf32>,
        %swap3A_281 = vector.shape_cast %swap3A_280 : vector<1x16xf32> to vector<16xf32>
        %swap3A_282 = vector.shape_cast %max3A_277 : vector<16xf32> to vector<1x16xf32>
        tpu.vector_store %arg12[%swap3A_278, %swap3A_279], %swap3A_282 {strides = array<i32>} : memref<128x64xf32, #tpu.memory_space<vmem>>, vector<1x16xf32>,
        %get3A_283 = arith.index_cast %add3A_252 : i32 to index
        %get3A_284 = arith.constant 32 : index
        %get3A_285 = tpu.vector_load %arg12[%get3A_283, %get3A_284] {strides = array<i32>} : memref<128x64xf32, #tpu.memory_space<vmem>>, vector<1x16xf32>,
        %get3A_286 = vector.shape_cast %get3A_285 : vector<1x16xf32> to vector<16xf32>
        %get3A_287 = arith.index_cast %add3A_252 : i32 to index
        %get3A_288 = arith.constant 32 : index
        %get3A_289 = tpu.vector_load %arg14[%get3A_287, %get3A_288] {strides = array<i32>} : memref<128x64xf32, #tpu.memory_space<vmem>>, vector<1x16xf32>,
        %get3A_290 = vector.shape_cast %get3A_289 : vector<1x16xf32> to vector<16xf32>
        %add3A_291 = arith.addf %get3A_286, %get3A_290 : vector<16xf32>
        %max3A_292 = arith.maximumf %add3A_291, %broadcast_in_dim3A_1 : vector<16xf32>
        %swap3A_293 = arith.index_cast %add3A_252 : i32 to index
        %swap3A_294 = arith.constant 32 : index
        %swap3A_295 = tpu.vector_load %arg12[%swap3A_293, %swap3A_294] {strides = array<i32>} : memref<128x64xf32, #tpu.memory_space<vmem>>, vector<1x16xf32>,
        %swap3A_296 = vector.shape_cast %swap3A_295 : vector<1x16xf32> to vector<16xf32>
        %swap3A_297 = vector.shape_cast %max3A_292 : vector<16xf32> to vector<1x16xf32>
        tpu.vector_store %arg12[%swap3A_293, %swap3A_294], %swap3A_297 {strides = array<i32>} : memref<128x64xf32, #tpu.memory_space<vmem>>, vector<1x16xf32>,
        %get3A_298 = arith.index_cast %add3A_252 : i32 to index
        %get3A_299 = arith.constant 48 : index
        %get3A_300 = tpu.vector_load %arg12[%get3A_298, %get3A_299] {strides = array<i32>} : memref<128x64xf32, #tpu.memory_space<vmem>>, vector<1x16xf32>,
        %get3A_301 = vector.shape_cast %get3A_300 : vector<1x16xf32> to vector<16xf32>
        %get3A_302 = arith.index_cast %add3A_252 : i32 to index
        %get3A_303 = arith.constant 48 : index
        %get3A_304 = tpu.vector_load %arg14[%get3A_302, %get3A_303] {strides = array<i32>} : memref<128x64xf32, #tpu.memory_space<vmem>>, vector<1x16xf32>,
        %get3A_305 = vector.shape_cast %get3A_304 : vector<1x16xf32> to vector<16xf32>
        %add3A_306 = arith.addf %get3A_301, %get3A_305 : vector<16xf32>
        %max3A_307 = arith.maximumf %add3A_306, %broadcast_in_dim3A_1 : vector<16xf32>
        %swap3A_308 = arith.index_cast %add3A_252 : i32 to index
        %swap3A_309 = arith.constant 48 : index
        %swap3A_310 = tpu.vector_load %arg12[%swap3A_308, %swap3A_309] {strides = array<i32>} : memref<128x64xf32, #tpu.memory_space<vmem>>, vector<1x16xf32>,
        %swap3A_311 = vector.shape_cast %swap3A_310 : vector<1x16xf32> to vector<16xf32>
        %swap3A_312 = vector.shape_cast %max3A_307 : vector<16xf32> to vector<1x16xf32>
        tpu.vector_store %arg12[%swap3A_308, %swap3A_309], %swap3A_312 {strides = array<i32>} : memref<128x64xf32, #tpu.memory_space<vmem>>, vector<1x16xf32>,
        %scan3A_313 = arith.constant 3 : i32
        %scan3A_314 = arith.addi %scan3A_119, %scan3A_313 : i32
        %mul3A_315 = arith.constant 1 : i32
        %mul3A_316 = arith.muli %scan3A_314, %mul3A_315 : i32
        %add3A_317 = arith.constant 0 : i32
        %add3A_318 = arith.addi %add3A_317, %mul3A_316 : i32
        %get3A_319 = arith.index_cast %add3A_318 : i32 to index
        %get3A_320 = arith.constant 0 : index
        %get3A_321 = tpu.vector_load %arg12[%get3A_319, %get3A_320] {strides = array<i32>} : memref<128x64xf32, #tpu.memory_space<vmem>>, vector<1x16xf32>,
        %get3A_322 = vector.shape_cast %get3A_321 : vector<1x16xf32> to vector<16xf32>
        %get3A_323 = arith.index_cast %add3A_318 : i32 to index
        %get3A_324 = arith.constant 0 : index
        %get3A_325 = tpu.vector_load %arg14[%get3A_323, %get3A_324] {strides = array<i32>} : memref<128x64xf32, #tpu.memory_space<vmem>>, vector<1x16xf32>,
        %get3A_326 = vector.shape_cast %get3A_325 : vector<1x16xf32> to vector<16xf32>
        %add3A_327 = arith.addf %get3A_322, %get3A_326 : vector<16xf32>
        %max3A_328 = arith.maximumf %add3A_327, %broadcast_in_dim3A_1 : vector<16xf32>
        %swap3A_329 = arith.index_cast %add3A_318 : i32 to index
        %swap3A_330 = arith.constant 0 : index
        %swap3A_331 = tpu.vector_load %arg12[%swap3A_329, %swap3A_330] {strides = array<i32>} : memref<128x64xf32, #tpu.memory_space<vmem>>, vector<1x16xf32>,
        %swap3A_332 = vector.shape_cast %swap3A_331 : vector<1x16xf32> to vector<16xf32>
        %swap3A_333 = vector.shape_cast %max3A_328 : vector<16xf32> to vector<1x16xf32>
        tpu.vector_store %arg12[%swap3A_329, %swap3A_330], %swap3A_333 {strides = array<i32>} : memref<128x64xf32, #tpu.memory_space<vmem>>, vector<1x16xf32>,
        %get3A_334 = arith.index_cast %add3A_318 : i32 to index
        %get3A_335 = arith.constant 16 : index
        %get3A_336 = tpu.vector_load %arg12[%get3A_334, %get3A_335] {strides = array<i32>} : memref<128x64xf32, #tpu.memory_space<vmem>>, vector<1x16xf32>,
        %get3A_337 = vector.shape_cast %get3A_336 : vector<1x16xf32> to vector<16xf32>
        %get3A_338 = arith.index_cast %add3A_318 : i32 to index
        %get3A_339 = arith.constant 16 : index
        %get3A_340 = tpu.vector_load %arg14[%get3A_338, %get3A_339] {strides = array<i32>} : memref<128x64xf32, #tpu.memory_space<vmem>>, vector<1x16xf32>,
        %get3A_341 = vector.shape_cast %get3A_340 : vector<1x16xf32> to vector<16xf32>
        %add3A_342 = arith.addf %get3A_337, %get3A_341 : vector<16xf32>
        %max3A_343 = arith.maximumf %add3A_342, %broadcast_in_dim3A_1 : vector<16xf32>
        %swap3A_344 = arith.index_cast %add3A_318 : i32 to index
        %swap3A_345 = arith.constant 16 : index
        %swap3A_346 = tpu.vector_load %arg12[%swap3A_344, %swap3A_345] {strides = array<i32>} : memref<128x64xf32, #tpu.memory_space<vmem>>, vector<1x16xf32>,
        %swap3A_347 = vector.shape_cast %swap3A_346 : vector<1x16xf32> to vector<16xf32>
        %swap3A_348 = vector.shape_cast %max3A_343 : vector<16xf32> to vector<1x16xf32>
        tpu.vector_store %arg12[%swap3A_344, %swap3A_345], %swap3A_348 {strides = array<i32>} : memref<128x64xf32, #tpu.memory_space<vmem>>, vector<1x16xf32>,
        %get3A_349 = arith.index_cast %add3A_318 : i32 to index
        %get3A_350 = arith.constant 32 : index
        %get3A_351 = tpu.vector_load %arg12[%get3A_349, %get3A_350] {strides = array<i32>} : memref<128x64xf32, #tpu.memory_space<vmem>>, vector<1x16xf32>,
        %get3A_352 = vector.shape_cast %get3A_351 : vector<1x16xf32> to vector<16xf32>
        %get3A_353 = arith.index_cast %add3A_318 : i32 to index
        %get3A_354 = arith.constant 32 : index
        %get3A_355 = tpu.vector_load %arg14[%get3A_353, %get3A_354] {strides = array<i32>} : memref<128x64xf32, #tpu.memory_space<vmem>>, vector<1x16xf32>,
        %get3A_356 = vector.shape_cast %get3A_355 : vector<1x16xf32> to vector<16xf32>
        %add3A_357 = arith.addf %get3A_352, %get3A_356 : vector<16xf32>
        %max3A_358 = arith.maximumf %add3A_357, %broadcast_in_dim3A_1 : vector<16xf32>
        %swap3A_359 = arith.index_cast %add3A_318 : i32 to index
        %swap3A_360 = arith.constant 32 : index
        %swap3A_361 = tpu.vector_load %arg12[%swap3A_359, %swap3A_360] {strides = array<i32>} : memref<128x64xf32, #tpu.memory_space<vmem>>, vector<1x16xf32>,
        %swap3A_362 = vector.shape_cast %swap3A_361 : vector<1x16xf32> to vector<16xf32>
        %swap3A_363 = vector.shape_cast %max3A_358 : vector<16xf32> to vector<1x16xf32>
        tpu.vector_store %arg12[%swap3A_359, %swap3A_360], %swap3A_363 {strides = array<i32>} : memref<128x64xf32, #tpu.memory_space<vmem>>, vector<1x16xf32>,
        %get3A_364 = arith.index_cast %add3A_318 : i32 to index
        %get3A_365 = arith.constant 48 : index
        %get3A_366 = tpu.vector_load %arg12[%get3A_364, %get3A_365] {strides = array<i32>} : memref<128x64xf32, #tpu.memory_space<vmem>>, vector<1x16xf32>,
        %get3A_367 = vector.shape_cast %get3A_366 : vector<1x16xf32> to vector<16xf32>
        %get3A_368 = arith.index_cast %add3A_318 : i32 to index
        %get3A_369 = arith.constant 48 : index
        %get3A_370 = tpu.vector_load %arg14[%get3A_368, %get3A_369] {strides = array<i32>} : memref<128x64xf32, #tpu.memory_space<vmem>>, vector<1x16xf32>,
        %get3A_371 = vector.shape_cast %get3A_370 : vector<1x16xf32> to vector<16xf32>
        %add3A_372 = arith.addf %get3A_367, %get3A_371 : vector<16xf32>
        %max3A_373 = arith.maximumf %add3A_372, %broadcast_in_dim3A_1 : vector<16xf32>
        %swap3A_374 = arith.index_cast %add3A_318 : i32 to index
        %swap3A_375 = arith.constant 48 : index
        %swap3A_376 = tpu.vector_load %arg12[%swap3A_374, %swap3A_375] {strides = array<i32>} : memref<128x64xf32, #tpu.memory_space<vmem>>, vector<1x16xf32>,
        %swap3A_377 = vector.shape_cast %swap3A_376 : vector<1x16xf32> to vector<16xf32>
        %swap3A_378 = vector.shape_cast %max3A_373 : vector<16xf32> to vector<1x16xf32>
        tpu.vector_store %arg12[%swap3A_374, %swap3A_375], %swap3A_378 {strides = array<i32>} : memref<128x64xf32, #tpu.memory_space<vmem>>, vector<1x16xf32>,
      }
      %scan3A_118 = arith.constant 128 : i32
      "tpu.region"() ({
        %run_scoped3A = tpu.sem_alloc : memref<!tpu.dma_semaphore, #tpu.memory_space<semaphore_mem>>
        %dma_start3A_119 = arith.constant 0 : i32
        %dma_start3A_120 = arith.constant 0 : i32
        %dma_start3A_121 = tpu.memref_slice %arg15[%dma_start3A_119, %dma_start3A_120] : memref<10112x64xf32, #tpu.memory_space<vmem_shared>> -> memref<10112x64xf32, #tpu.memory_space<vmem_shared>>
        tpu.enqueue_indirect_dma source(%arg12 : memref<128x64xf32, #tpu.memory_space<vmem>>) target(%dma_start3A_121 : memref<10112x64xf32, #tpu.memory_space<vmem_shared>>) offsets(%arg10 : memref<128xi32, #tpu.memory_space<vmem>>) semaphore(%run_scoped3A : memref<!tpu.dma_semaphore, #tpu.memory_space<semaphore_mem>>) {add = true}
        %dma_wait3A_122 = arith.constant 0 : i32
        %dma_wait3A_123 = arith.constant 0 : i32
        %dma_wait3A_124 = tpu.memref_slice %arg15[%dma_wait3A_122, %dma_wait3A_123] : memref<10112x64xf32, #tpu.memory_space<vmem_shared>> -> memref<10112x64xf32, #tpu.memory_space<vmem_shared>>
        tpu.wait_indirect_dma semaphore(%run_scoped3A : memref<!tpu.dma_semaphore, #tpu.memory_space<semaphore_mem>>) src(%arg12 : memref<128x64xf32, #tpu.memory_space<vmem>>) dst(%dma_wait3A_124 : memref<10112x64xf32, #tpu.memory_space<vmem_shared>>)
        tpu.yield
      }) : () -> ()
    }
    %scan3A_29 = arith.constant 40 : i32
    %barrier3A_30 = arith.constant 0 : index
    tpu.barrier barrier_id(%barrier3A_30)
    %mul3A_31 = arith.constant 632 : i32
    %mul3A_32 = arith.muli %arg1, %mul3A_31 : i32
    %mul3A_33 = arith.constant 632 : i32
    %mul3A_34 = arith.muli %arg1, %mul3A_33 : i32
    "tpu.region"() ({
      %run_scoped3A = tpu.sem_alloc : memref<!tpu.dma_semaphore, #tpu.memory_space<semaphore_mem>>
      %dma_start3A_35 = arith.constant 0 : i32
      %dma_start3A_36 = tpu.memref_slice %arg7[%arg0, %mul3A_34, %dma_start3A_35] : memref<2x10112x64xf32, #tpu.memory_space<hbm>> -> memref<1x632x64xf32, #tpu.memory_space<hbm>>
      %dma_start3A_37 = tpu.memref_squeeze %dma_start3A_36 : memref<1x632x64xf32, #tpu.memory_space<hbm>> -> memref<632x64xf32, #tpu.memory_space<hbm>>
      %dma_start3A_38 = arith.constant 0 : i32
      %dma_start3A_39 = tpu.memref_slice %arg15[%mul3A_32, %dma_start3A_38] : memref<10112x64xf32, #tpu.memory_space<vmem_shared>> -> memref<632x64xf32, #tpu.memory_space<vmem_shared>>
      tpu.enqueue_dma source(%dma_start3A_39 : memref<632x64xf32, #tpu.memory_space<vmem_shared>>) target(%dma_start3A_37 : memref<632x64xf32, #tpu.memory_space<hbm>>) target_semaphore(%run_scoped3A : memref<!tpu.dma_semaphore, #tpu.memory_space<semaphore_mem>>)
      %dma_wait3A = arith.constant 0 : i32
      %dma_wait3A_40 = tpu.memref_slice %arg7[%arg0, %mul3A_34, %dma_wait3A] : memref<2x10112x64xf32, #tpu.memory_space<hbm>> -> memref<1x632x64xf32, #tpu.memory_space<hbm>>
      %dma_wait3A_41 = tpu.memref_squeeze %dma_wait3A_40 : memref<1x632x64xf32, #tpu.memory_space<hbm>> -> memref<632x64xf32, #tpu.memory_space<hbm>>
      %dma_wait3A_42 = arith.constant 0 : i32
      %dma_wait3A_43 = tpu.memref_slice %arg15[%mul3A_32, %dma_wait3A_42] : memref<10112x64xf32, #tpu.memory_space<vmem_shared>> -> memref<632x64xf32, #tpu.memory_space<vmem_shared>>
      tpu.wait_dma2 semaphore(%run_scoped3A : memref<!tpu.dma_semaphore, #tpu.memory_space<semaphore_mem>>) src(%dma_wait3A_43 : memref<632x64xf32, #tpu.memory_space<vmem_shared>>) dst(%dma_wait3A_41 : memref<632x64xf32, #tpu.memory_space<hbm>>)
      tpu.yield
    }) : () -> ()
    return
  }
}

module attributes {stable_mosaic.version = 14 : i64} {
  func.func @_edge_lin_body(%arg0: i32, %arg1: memref<4096x16xf32, #tpu.memory_space<vmem>>, %arg2: memref<16x128xf32, #tpu.memory_space<vmem>>, %arg3: memref<1x128xf32, #tpu.memory_space<vmem>>, %arg4: memref<16x64xf32, #tpu.memory_space<vmem>>, %arg5: memref<1x64xf32, #tpu.memory_space<vmem>>, %arg6: memref<4096x128xf32, #tpu.memory_space<vmem>>, %arg7: memref<4096x64xf32, #tpu.memory_space<vmem>>) attributes {dimension_semantics = [#tpu.dimension_semantics<arbitrary>], iteration_bounds = array<i64: 80>, scalar_prefetch = 0 : i64, scratch_operands = 0 : i64, tpu.core_type = #tpu.core_type<tc>, window_params = [{transform_indices = @transform_0, window_bounds = array<i64: 4096, 16>}, {pipeline_mode = #tpu.pipeline_mode<synchronous>, transform_indices = @transform_1, window_bounds = array<i64: 16, 128>}, {pipeline_mode = #tpu.pipeline_mode<synchronous>, transform_indices = @transform_2, window_bounds = array<i64: 1, 128>}, {pipeline_mode = #tpu.pipeline_mode<synchronous>, transform_indices = @transform_3, window_bounds = array<i64: 16, 64>}, {pipeline_mode = #tpu.pipeline_mode<synchronous>, transform_indices = @transform_4, window_bounds = array<i64: 1, 64>}, {transform_indices = @transform_5, window_bounds = array<i64: 4096, 128>}, {transform_indices = @transform_6, window_bounds = array<i64: 4096, 64>}]} {
    %get3A = arith.constant 0 : index
    %get3A_0 = arith.constant 0 : index
    %get3A_1 = vector.load %arg1[%get3A, %get3A_0] : memref<4096x16xf32, #tpu.memory_space<vmem>>, vector<4096x16xf32>
    %get3A_2 = arith.constant 0 : index
    %get3A_3 = arith.constant 0 : index
    %get3A_4 = vector.load %arg2[%get3A_2, %get3A_3] : memref<16x128xf32, #tpu.memory_space<vmem>>, vector<16x128xf32>
    %dot_general3A = arith.constant dense<0.000000e+00> : vector<4096x128xf32>
    %dot_general3A_5 = tpu.matmul %get3A_1, %get3A_4, %dot_general3A {dimension_numbers = #tpu.dot_dimension_numbers<[1], [0], [0], [1], [0, 0, 1, 1], [], []>, transpose_lhs_hint = false} : vector<4096x16xf32>, vector<16x128xf32>, vector<4096x128xf32> -> vector<4096x128xf32>
    %get3A_6 = arith.constant 0 : index
    %get3A_7 = arith.constant 0 : index
    %get3A_8 = vector.load %arg3[%get3A_6, %get3A_7] : memref<1x128xf32, #tpu.memory_space<vmem>>, vector<1x128xf32>
    %add3A = vector.broadcast %get3A_8 : vector<1x128xf32> to vector<4096x128xf32>
    %add3A_9 = arith.addf %dot_general3A_5, %add3A : vector<4096x128xf32>
    %swap3A = arith.constant 0 : index
    %swap3A_10 = arith.constant 0 : index
    %swap3A_11 = vector.load %arg6[%swap3A, %swap3A_10] : memref<4096x128xf32, #tpu.memory_space<vmem>>, vector<4096x128xf32>
    tpu.vector_store %arg6[%swap3A, %swap3A_10], %add3A_9 {strides = array<i32>} : memref<4096x128xf32, #tpu.memory_space<vmem>>, vector<4096x128xf32>,
    %get3A_12 = arith.constant 0 : index
    %get3A_13 = arith.constant 0 : index
    %get3A_14 = vector.load %arg4[%get3A_12, %get3A_13] : memref<16x64xf32, #tpu.memory_space<vmem>>, vector<16x64xf32>
    %dot_general3A_15 = arith.constant dense<0.000000e+00> : vector<4096x64xf32>
    %dot_general3A_16 = tpu.matmul %get3A_1, %get3A_14, %dot_general3A_15 {dimension_numbers = #tpu.dot_dimension_numbers<[1], [0], [0], [1], [0, 0, 1, 1], [], []>, transpose_lhs_hint = false} : vector<4096x16xf32>, vector<16x64xf32>, vector<4096x64xf32> -> vector<4096x64xf32>
    %get3A_17 = arith.constant 0 : index
    %get3A_18 = arith.constant 0 : index
    %get3A_19 = vector.load %arg5[%get3A_17, %get3A_18] : memref<1x64xf32, #tpu.memory_space<vmem>>, vector<1x64xf32>
    %add3A_20 = vector.broadcast %get3A_19 : vector<1x64xf32> to vector<4096x64xf32>
    %add3A_21 = arith.addf %dot_general3A_16, %add3A_20 : vector<4096x64xf32>
    %swap3A_22 = arith.constant 0 : index
    %swap3A_23 = arith.constant 0 : index
    %swap3A_24 = vector.load %arg7[%swap3A_22, %swap3A_23] : memref<4096x64xf32, #tpu.memory_space<vmem>>, vector<4096x64xf32>
    tpu.vector_store %arg7[%swap3A_22, %swap3A_23], %add3A_21 {strides = array<i32>} : memref<4096x64xf32, #tpu.memory_space<vmem>>, vector<4096x64xf32>,
    return
  }
  func.func @transform_0(%arg0: i32) -> (i32, i32) {
    %c0_i32 = arith.constant 0 : i32
    %c0_i32_0 = arith.constant 0 : i32
    return %arg0, %c0_i32 : i32, i32
  }
  func.func @transform_1(%arg0: i32) -> (i32, i32) {
    %c0_i32 = arith.constant 0 : i32
    %c0_i32_0 = arith.constant 0 : i32
    %c0_i32_1 = arith.constant 0 : i32
    return %c0_i32, %c0_i32_0 : i32, i32
  }
  func.func @transform_2(%arg0: i32) -> (i32, i32) {
    %c0_i32 = arith.constant 0 : i32
    %c0_i32_0 = arith.constant 0 : i32
    %c0_i32_1 = arith.constant 0 : i32
    return %c0_i32, %c0_i32_0 : i32, i32
  }
  func.func @transform_3(%arg0: i32) -> (i32, i32) {
    %c0_i32 = arith.constant 0 : i32
    %c0_i32_0 = arith.constant 0 : i32
    %c0_i32_1 = arith.constant 0 : i32
    return %c0_i32, %c0_i32_0 : i32, i32
  }
  func.func @transform_4(%arg0: i32) -> (i32, i32) {
    %c0_i32 = arith.constant 0 : i32
    %c0_i32_0 = arith.constant 0 : i32
    %c0_i32_1 = arith.constant 0 : i32
    return %c0_i32, %c0_i32_0 : i32, i32
  }
  func.func @transform_5(%arg0: i32) -> (i32, i32) {
    %c0_i32 = arith.constant 0 : i32
    %c0_i32_0 = arith.constant 0 : i32
    return %arg0, %c0_i32 : i32, i32
  }
  func.func @transform_6(%arg0: i32) -> (i32, i32) {
    %c0_i32 = arith.constant 0 : i32
    %c0_i32_0 = arith.constant 0 : i32
    return %arg0, %c0_i32 : i32, i32
  }
}

module attributes {stable_mosaic.version = 14 : i64} {
  func.func @_mlp1_body(%arg0: i32, %arg1: memref<1000x128xf32, #tpu.memory_space<vmem>>, %arg2: memref<1000x128xf32, #tpu.memory_space<vmem>>, %arg3: memref<1000x128xf32, #tpu.memory_space<vmem>>, %arg4: memref<128x64xf32, #tpu.memory_space<vmem>>, %arg5: memref<1x64xf32, #tpu.memory_space<vmem>>, %arg6: memref<64x64xf32, #tpu.memory_space<vmem>>, %arg7: memref<1x64xf32, #tpu.memory_space<vmem>>, %arg8: memref<1000x64xf32, #tpu.memory_space<vmem>>) attributes {dimension_semantics = [#tpu.dimension_semantics<arbitrary>], iteration_bounds = array<i64: 10>, scalar_prefetch = 0 : i64, scratch_operands = 0 : i64, tpu.core_type = #tpu.core_type<tc>, window_params = [{transform_indices = @transform_0, window_bounds = array<i64: 1000, 128>}, {transform_indices = @transform_1, window_bounds = array<i64: 1000, 128>}, {transform_indices = @transform_2, window_bounds = array<i64: 1000, 128>}, {pipeline_mode = #tpu.pipeline_mode<synchronous>, transform_indices = @transform_3, window_bounds = array<i64: 128, 64>}, {pipeline_mode = #tpu.pipeline_mode<synchronous>, transform_indices = @transform_4, window_bounds = array<i64: 1, 64>}, {pipeline_mode = #tpu.pipeline_mode<synchronous>, transform_indices = @transform_5, window_bounds = array<i64: 64, 64>}, {pipeline_mode = #tpu.pipeline_mode<synchronous>, transform_indices = @transform_6, window_bounds = array<i64: 1, 64>}, {transform_indices = @transform_7, window_bounds = array<i64: 1000, 64>}]} {
    %get3A = arith.constant 0 : index
    %get3A_0 = arith.constant 0 : index
    %get3A_1 = vector.load %arg1[%get3A, %get3A_0] : memref<1000x128xf32, #tpu.memory_space<vmem>>, vector<1000x128xf32>
    %get3A_2 = arith.constant 0 : index
    %get3A_3 = arith.constant 0 : index
    %get3A_4 = vector.load %arg2[%get3A_2, %get3A_3] : memref<1000x128xf32, #tpu.memory_space<vmem>>, vector<1000x128xf32>
    %add3A = arith.addf %get3A_1, %get3A_4 : vector<1000x128xf32>
    %get3A_5 = arith.constant 0 : index
    %get3A_6 = arith.constant 0 : index
    %get3A_7 = vector.load %arg3[%get3A_5, %get3A_6] : memref<1000x128xf32, #tpu.memory_space<vmem>>, vector<1000x128xf32>
    %add3A_8 = arith.addf %add3A, %get3A_7 : vector<1000x128xf32>
    %get3A_9 = arith.constant 0 : index
    %get3A_10 = arith.constant 0 : index
    %get3A_11 = vector.load %arg4[%get3A_9, %get3A_10] : memref<128x64xf32, #tpu.memory_space<vmem>>, vector<128x64xf32>
    %dot_general3A = arith.constant dense<0.000000e+00> : vector<1000x64xf32>
    %dot_general3A_12 = tpu.matmul %add3A_8, %get3A_11, %dot_general3A {dimension_numbers = #tpu.dot_dimension_numbers<[1], [0], [0], [1], [0, 0, 1, 1], [], []>, transpose_lhs_hint = false} : vector<1000x128xf32>, vector<128x64xf32>, vector<1000x64xf32> -> vector<1000x64xf32>
    %get3A_13 = arith.constant 0 : index
    %get3A_14 = arith.constant 0 : index
    %get3A_15 = vector.load %arg5[%get3A_13, %get3A_14] : memref<1x64xf32, #tpu.memory_space<vmem>>, vector<1x64xf32>
    %add3A_16 = vector.broadcast %get3A_15 : vector<1x64xf32> to vector<1000x64xf32>
    %add3A_17 = arith.addf %dot_general3A_12, %add3A_16 : vector<1000x64xf32>
    %max3A = arith.constant 0.000000e+00 : f32
    %max3A_18 = vector.broadcast %max3A : f32 to vector<1000x64xf32>
    %max3A_19 = arith.maximumf %add3A_17, %max3A_18 : vector<1000x64xf32>
    %get3A_20 = arith.constant 0 : index
    %get3A_21 = arith.constant 0 : index
    %get3A_22 = vector.load %arg6[%get3A_20, %get3A_21] : memref<64x64xf32, #tpu.memory_space<vmem>>, vector<64x64xf32>
    %dot_general3A_23 = arith.constant dense<0.000000e+00> : vector<1000x64xf32>
    %dot_general3A_24 = tpu.matmul %max3A_19, %get3A_22, %dot_general3A_23 {dimension_numbers = #tpu.dot_dimension_numbers<[1], [0], [0], [1], [0, 0, 1, 1], [], []>, transpose_lhs_hint = false} : vector<1000x64xf32>, vector<64x64xf32>, vector<1000x64xf32> -> vector<1000x64xf32>
    %get3A_25 = arith.constant 0 : index
    %get3A_26 = arith.constant 0 : index
    %get3A_27 = vector.load %arg7[%get3A_25, %get3A_26] : memref<1x64xf32, #tpu.memory_space<vmem>>, vector<1x64xf32>
    %add3A_28 = vector.broadcast %get3A_27 : vector<1x64xf32> to vector<1000x64xf32>
    %add3A_29 = arith.addf %dot_general3A_24, %add3A_28 : vector<1000x64xf32>
    %max3A_30 = arith.constant 0.000000e+00 : f32
    %max3A_31 = vector.broadcast %max3A_30 : f32 to vector<1000x64xf32>
    %max3A_32 = arith.maximumf %add3A_29, %max3A_31 : vector<1000x64xf32>
    %swap3A = arith.constant 0 : index
    %swap3A_33 = arith.constant 0 : index
    %swap3A_34 = vector.load %arg8[%swap3A, %swap3A_33] : memref<1000x64xf32, #tpu.memory_space<vmem>>, vector<1000x64xf32>
    tpu.vector_store %arg8[%swap3A, %swap3A_33], %max3A_32 {strides = array<i32>} : memref<1000x64xf32, #tpu.memory_space<vmem>>, vector<1000x64xf32>,
    return
  }
  func.func @transform_0(%arg0: i32) -> (i32, i32) {
    %c0_i32 = arith.constant 0 : i32
    %c0_i32_0 = arith.constant 0 : i32
    return %arg0, %c0_i32 : i32, i32
  }
  func.func @transform_1(%arg0: i32) -> (i32, i32) {
    %c0_i32 = arith.constant 0 : i32
    %c0_i32_0 = arith.constant 0 : i32
    return %arg0, %c0_i32 : i32, i32
  }
  func.func @transform_2(%arg0: i32) -> (i32, i32) {
    %c0_i32 = arith.constant 0 : i32
    %c0_i32_0 = arith.constant 0 : i32
    return %arg0, %c0_i32 : i32, i32
  }
  func.func @transform_3(%arg0: i32) -> (i32, i32) {
    %c0_i32 = arith.constant 0 : i32
    %c0_i32_0 = arith.constant 0 : i32
    %c0_i32_1 = arith.constant 0 : i32
    return %c0_i32, %c0_i32_0 : i32, i32
  }
  func.func @transform_4(%arg0: i32) -> (i32, i32) {
    %c0_i32 = arith.constant 0 : i32
    %c0_i32_0 = arith.constant 0 : i32
    %c0_i32_1 = arith.constant 0 : i32
    return %c0_i32, %c0_i32_0 : i32, i32
  }
  func.func @transform_5(%arg0: i32) -> (i32, i32) {
    %c0_i32 = arith.constant 0 : i32
    %c0_i32_0 = arith.constant 0 : i32
    %c0_i32_1 = arith.constant 0 : i32
    return %c0_i32, %c0_i32_0 : i32, i32
  }
  func.func @transform_6(%arg0: i32) -> (i32, i32) {
    %c0_i32 = arith.constant 0 : i32
    %c0_i32_0 = arith.constant 0 : i32
    %c0_i32_1 = arith.constant 0 : i32
    return %c0_i32, %c0_i32_0 : i32, i32
  }
  func.func @transform_7(%arg0: i32) -> (i32, i32) {
    %c0_i32 = arith.constant 0 : i32
    %c0_i32_0 = arith.constant 0 : i32
    return %arg0, %c0_i32 : i32, i32
  }
}

module attributes {stable_mosaic.version = 14 : i64} {
  func.func @_mlp2_body(%arg0: i32, %arg1: memref<1000x64xf32, #tpu.memory_space<vmem>>, %arg2: memref<1000x64xf32, #tpu.memory_space<vmem>>, %arg3: memref<1000x64xf32, #tpu.memory_space<vmem>>, %arg4: memref<64x64xf32, #tpu.memory_space<vmem>>, %arg5: memref<1x64xf32, #tpu.memory_space<vmem>>, %arg6: memref<64x64xf32, #tpu.memory_space<vmem>>, %arg7: memref<1x64xf32, #tpu.memory_space<vmem>>, %arg8: memref<64x32xf32, #tpu.memory_space<vmem>>, %arg9: memref<1x32xf32, #tpu.memory_space<vmem>>, %arg10: memref<32x1xf32, #tpu.memory_space<vmem>>, %arg11: memref<1x1xf32, #tpu.memory_space<vmem>>, %arg12: memref<1x1x1000xi32, #tpu.memory_space<vmem>>, %arg13: memref<1x1x1000xf32, #tpu.memory_space<vmem>>, %arg14: memref<1x64xf32, #tpu.memory_space<vmem>>, %arg15: memref<1x64xf32, #tpu.memory_space<vmem>>) attributes {dimension_semantics = [#tpu.dimension_semantics<arbitrary>], iteration_bounds = array<i64: 10>, scalar_prefetch = 0 : i64, scratch_operands = 1 : i64, tpu.core_type = #tpu.core_type<tc>, window_params = [{transform_indices = @transform_0, window_bounds = array<i64: 1000, 64>}, {transform_indices = @transform_1, window_bounds = array<i64: 1000, 64>}, {transform_indices = @transform_2, window_bounds = array<i64: 1000, 64>}, {pipeline_mode = #tpu.pipeline_mode<synchronous>, transform_indices = @transform_3, window_bounds = array<i64: 64, 64>}, {pipeline_mode = #tpu.pipeline_mode<synchronous>, transform_indices = @transform_4, window_bounds = array<i64: 1, 64>}, {pipeline_mode = #tpu.pipeline_mode<synchronous>, transform_indices = @transform_5, window_bounds = array<i64: 64, 64>}, {pipeline_mode = #tpu.pipeline_mode<synchronous>, transform_indices = @transform_6, window_bounds = array<i64: 1, 64>}, {pipeline_mode = #tpu.pipeline_mode<synchronous>, transform_indices = @transform_7, window_bounds = array<i64: 64, 32>}, {pipeline_mode = #tpu.pipeline_mode<synchronous>, transform_indices = @transform_8, window_bounds = array<i64: 1, 32>}, {pipeline_mode = #tpu.pipeline_mode<synchronous>, transform_indices = @transform_9, window_bounds = array<i64: 32, 1>}, {pipeline_mode = #tpu.pipeline_mode<synchronous>, transform_indices = @transform_10, window_bounds = array<i64: 1, 1>}, {transform_indices = @transform_11, window_bounds = array<i64: 1, 1, 1000>}, {transform_indices = @transform_12, window_bounds = array<i64: 1, 1, 1000>}, {pipeline_mode = #tpu.pipeline_mode<synchronous>, transform_indices = @transform_13, window_bounds = array<i64: 1, 64>}]} {
    %get3A = arith.constant 0 : index
    %get3A_0 = arith.constant 0 : index
    %get3A_1 = vector.load %arg1[%get3A, %get3A_0] : memref<1000x64xf32, #tpu.memory_space<vmem>>, vector<1000x64xf32>
    %get3A_2 = arith.constant 0 : index
    %get3A_3 = arith.constant 0 : index
    %get3A_4 = vector.load %arg2[%get3A_2, %get3A_3] : memref<1000x64xf32, #tpu.memory_space<vmem>>, vector<1000x64xf32>
    %add3A = arith.addf %get3A_1, %get3A_4 : vector<1000x64xf32>
    %get3A_5 = arith.constant 0 : index
    %get3A_6 = arith.constant 0 : index
    %get3A_7 = vector.load %arg3[%get3A_5, %get3A_6] : memref<1000x64xf32, #tpu.memory_space<vmem>>, vector<1000x64xf32>
    %add3A_8 = arith.addf %add3A, %get3A_7 : vector<1000x64xf32>
    %get3A_9 = arith.constant 0 : index
    %get3A_10 = arith.constant 0 : index
    %get3A_11 = vector.load %arg4[%get3A_9, %get3A_10] : memref<64x64xf32, #tpu.memory_space<vmem>>, vector<64x64xf32>
    %dot_general3A = arith.constant dense<0.000000e+00> : vector<1000x64xf32>
    %dot_general3A_12 = tpu.matmul %add3A_8, %get3A_11, %dot_general3A {dimension_numbers = #tpu.dot_dimension_numbers<[1], [0], [0], [1], [0, 0, 1, 1], [], []>, transpose_lhs_hint = false} : vector<1000x64xf32>, vector<64x64xf32>, vector<1000x64xf32> -> vector<1000x64xf32>
    %get3A_13 = arith.constant 0 : index
    %get3A_14 = arith.constant 0 : index
    %get3A_15 = vector.load %arg5[%get3A_13, %get3A_14] : memref<1x64xf32, #tpu.memory_space<vmem>>, vector<1x64xf32>
    %add3A_16 = vector.broadcast %get3A_15 : vector<1x64xf32> to vector<1000x64xf32>
    %add3A_17 = arith.addf %dot_general3A_12, %add3A_16 : vector<1000x64xf32>
    %max3A = arith.constant 0.000000e+00 : f32
    %max3A_18 = vector.broadcast %max3A : f32 to vector<1000x64xf32>
    %max3A_19 = arith.maximumf %add3A_17, %max3A_18 : vector<1000x64xf32>
    %get3A_20 = arith.constant 0 : index
    %get3A_21 = arith.constant 0 : index
    %get3A_22 = vector.load %arg6[%get3A_20, %get3A_21] : memref<64x64xf32, #tpu.memory_space<vmem>>, vector<64x64xf32>
    %dot_general3A_23 = arith.constant dense<0.000000e+00> : vector<1000x64xf32>
    %dot_general3A_24 = tpu.matmul %max3A_19, %get3A_22, %dot_general3A_23 {dimension_numbers = #tpu.dot_dimension_numbers<[1], [0], [0], [1], [0, 0, 1, 1], [], []>, transpose_lhs_hint = false} : vector<1000x64xf32>, vector<64x64xf32>, vector<1000x64xf32> -> vector<1000x64xf32>
    %get3A_25 = arith.constant 0 : index
    %get3A_26 = arith.constant 0 : index
    %get3A_27 = vector.load %arg7[%get3A_25, %get3A_26] : memref<1x64xf32, #tpu.memory_space<vmem>>, vector<1x64xf32>
    %add3A_28 = vector.broadcast %get3A_27 : vector<1x64xf32> to vector<1000x64xf32>
    %add3A_29 = arith.addf %dot_general3A_24, %add3A_28 : vector<1000x64xf32>
    %max3A_30 = arith.constant 0.000000e+00 : f32
    %max3A_31 = vector.broadcast %max3A_30 : f32 to vector<1000x64xf32>
    %max3A_32 = arith.maximumf %add3A_29, %max3A_31 : vector<1000x64xf32>
    %get3A_33 = arith.constant 0 : index
    %get3A_34 = arith.constant 0 : index
    %get3A_35 = vector.load %arg8[%get3A_33, %get3A_34] : memref<64x32xf32, #tpu.memory_space<vmem>>, vector<64x32xf32>
    %dot_general3A_36 = arith.constant dense<0.000000e+00> : vector<1000x32xf32>
    %dot_general3A_37 = tpu.matmul %max3A_32, %get3A_35, %dot_general3A_36 {dimension_numbers = #tpu.dot_dimension_numbers<[1], [0], [0], [1], [0, 0, 1, 1], [], []>, transpose_lhs_hint = false} : vector<1000x64xf32>, vector<64x32xf32>, vector<1000x32xf32> -> vector<1000x32xf32>
    %get3A_38 = arith.constant 0 : index
    %get3A_39 = arith.constant 0 : index
    %get3A_40 = vector.load %arg9[%get3A_38, %get3A_39] : memref<1x32xf32, #tpu.memory_space<vmem>>, vector<1x32xf32>
    %add3A_41 = vector.broadcast %get3A_40 : vector<1x32xf32> to vector<1000x32xf32>
    %add3A_42 = arith.addf %dot_general3A_37, %add3A_41 : vector<1000x32xf32>
    %max3A_43 = arith.constant 0.000000e+00 : f32
    %max3A_44 = vector.broadcast %max3A_43 : f32 to vector<1000x32xf32>
    %max3A_45 = arith.maximumf %add3A_42, %max3A_44 : vector<1000x32xf32>
    %get3A_46 = arith.constant 0 : index
    %get3A_47 = arith.constant 0 : index
    %get3A_48 = vector.load %arg10[%get3A_46, %get3A_47] : memref<32x1xf32, #tpu.memory_space<vmem>>, vector<32x1xf32>
    %dot_general3A_49 = arith.constant dense<0.000000e+00> : vector<1000x1xf32>
    %dot_general3A_50 = tpu.matmul %max3A_45, %get3A_48, %dot_general3A_49 {dimension_numbers = #tpu.dot_dimension_numbers<[1], [0], [0], [1], [0, 0, 1, 1], [], []>, transpose_lhs_hint = false} : vector<1000x32xf32>, vector<32x1xf32>, vector<1000x1xf32> -> vector<1000x1xf32>
    %get3A_51 = arith.constant 0 : index
    %get3A_52 = arith.constant 0 : index
    %get3A_53 = vector.load %arg11[%get3A_51, %get3A_52] : memref<1x1xf32, #tpu.memory_space<vmem>>, vector<1x1xf32>
    %add3A_54 = vector.broadcast %get3A_53 : vector<1x1xf32> to vector<1000x1xf32>
    %add3A_55 = arith.addf %dot_general3A_50, %add3A_54 : vector<1000x1xf32>
    %squeeze3A = vector.shape_cast %add3A_55 : vector<1000x1xf32> to vector<1000xf32>
    %logistic3A = arith.negf %squeeze3A : vector<1000xf32>
    %logistic3A_56 = math.exp %logistic3A : vector<1000xf32>
    %logistic3A_57 = arith.constant 1.000000e+00 : f32
    %logistic3A_58 = vector.broadcast %logistic3A_57 : f32 to vector<1000xf32>
    %logistic3A_59 = arith.addf %logistic3A_58, %logistic3A_56 : vector<1000xf32>
    %logistic3A_60 = arith.divf %logistic3A_58, %logistic3A_59 : vector<1000xf32>
    %swap3A = arith.constant 0 : index
    %swap3A_61 = arith.constant 0 : index
    %swap3A_62 = arith.constant 0 : index
    %swap3A_63 = vector.load %arg13[%swap3A, %swap3A_61, %swap3A_62] : memref<1x1x1000xf32, #tpu.memory_space<vmem>>, vector<1x1x1000xf32>
    %swap3A_64 = vector.shape_cast %swap3A_63 : vector<1x1x1000xf32> to vector<1000xf32>
    %swap3A_65 = vector.shape_cast %logistic3A_60 : vector<1000xf32> to vector<1x1x1000xf32>
    tpu.vector_store %arg13[%swap3A, %swap3A_61, %swap3A_62], %swap3A_65 {strides = array<i32>} : memref<1x1x1000xf32, #tpu.memory_space<vmem>>, vector<1x1x1000xf32>,
    %get3A_66 = arith.constant 0 : index
    %get3A_67 = arith.constant 0 : index
    %get3A_68 = arith.constant 0 : index
    %get3A_69 = vector.load %arg12[%get3A_66, %get3A_67, %get3A_68] : memref<1x1x1000xi32, #tpu.memory_space<vmem>>, vector<1x1x1000xi32>
    %get3A_70 = vector.shape_cast %get3A_69 : vector<1x1x1000xi32> to vector<1000xi32>
    %broadcast_in_dim3A = vector.shape_cast %get3A_70 : vector<1000xi32> to vector<1000x1xi32>
    %iota3A = tpu.iota {dimensions = array<i32: 1>} : vector<1000x64xi32>
    %eq3A = vector.broadcast %broadcast_in_dim3A : vector<1000x1xi32> to vector<1000x64xi32>
    %eq3A_71 = arith.cmpi eq, %eq3A, %iota3A : vector<1000x64xi32>
    %broadcast_in_dim3A_72 = vector.shape_cast %logistic3A_60 : vector<1000xf32> to vector<1000x1xf32>
    %jit3A = arith.constant 0.000000e+00 : f32
    %broadcast_in_dim3A_73 = vector.shape_cast %broadcast_in_dim3A_72 : vector<1000x1xf32> to vector<1000x1xf32>
    %broadcast_in_dim3A_74 = vector.broadcast %broadcast_in_dim3A_73 : vector<1000x1xf32> to vector<1000x64xf32>
    %broadcast_in_dim3A_75 = vector.broadcast %jit3A : f32 to vector<1000x64xf32>
    %select_n3A = arith.select %eq3A_71, %broadcast_in_dim3A_74, %broadcast_in_dim3A_75 : vector<1000x64xi1>, vector<1000x64xf32>
    %reduce_sum3A = arith.constant dense<0.000000e+00> : vector<64xf32>
    %reduce_sum3A_76 = vector.multi_reduction <add>, %select_n3A, %reduce_sum3A [0] : vector<1000x64xf32> to vector<64xf32>
    %eq3A_77 = arith.constant 0 : i32
    %eq3A_78 = arith.cmpi eq, %arg0, %eq3A_77 : i32
    %convert_element_type3A = arith.extui %eq3A_78 : i1 to i32
    %cond3A = arith.constant 0 : i32
    %cond3A_79 = arith.cmpi ne, %convert_element_type3A, %cond3A : i32
    scf.if %cond3A_79 {
      %broadcast_in_dim3A_94 = arith.constant 0.000000e+00 : f32
      %broadcast_in_dim3A_95 = vector.broadcast %broadcast_in_dim3A_94 : f32 to vector<1x64xf32>
      %swap3A_96 = arith.constant 0 : index
      %swap3A_97 = arith.constant 0 : index
      %swap3A_98 = vector.load %arg15[%swap3A_96, %swap3A_97] : memref<1x64xf32, #tpu.memory_space<vmem>>, vector<1x64xf32>
      tpu.vector_store %arg15[%swap3A_96, %swap3A_97], %broadcast_in_dim3A_95 {strides = array<i32>} : memref<1x64xf32, #tpu.memory_space<vmem>>, vector<1x64xf32>,
    } else {
    }
    %get3A_80 = arith.constant 0 : index
    %get3A_81 = arith.constant 0 : index
    %get3A_82 = vector.load %arg15[%get3A_80, %get3A_81] : memref<1x64xf32, #tpu.memory_space<vmem>>, vector<1x64xf32>
    %broadcast_in_dim3A_83 = vector.shape_cast %reduce_sum3A_76 : vector<64xf32> to vector<1x64xf32>
    %add3A_84 = arith.addf %get3A_82, %broadcast_in_dim3A_83 : vector<1x64xf32>
    %swap3A_85 = arith.constant 0 : index
    %swap3A_86 = arith.constant 0 : index
    %swap3A_87 = vector.load %arg15[%swap3A_85, %swap3A_86] : memref<1x64xf32, #tpu.memory_space<vmem>>, vector<1x64xf32>
    tpu.vector_store %arg15[%swap3A_85, %swap3A_86], %add3A_84 {strides = array<i32>} : memref<1x64xf32, #tpu.memory_space<vmem>>, vector<1x64xf32>,
    %get3A_88 = arith.constant 0 : index
    %get3A_89 = arith.constant 0 : index
    %get3A_90 = vector.load %arg15[%get3A_88, %get3A_89] : memref<1x64xf32, #tpu.memory_space<vmem>>, vector<1x64xf32>
    %swap3A_91 = arith.constant 0 : index
    %swap3A_92 = arith.constant 0 : index
    %swap3A_93 = vector.load %arg14[%swap3A_91, %swap3A_92] : memref<1x64xf32, #tpu.memory_space<vmem>>, vector<1x64xf32>
    tpu.vector_store %arg14[%swap3A_91, %swap3A_92], %get3A_90 {strides = array<i32>} : memref<1x64xf32, #tpu.memory_space<vmem>>, vector<1x64xf32>,
    return
  }
  func.func @transform_0(%arg0: i32) -> (i32, i32) {
    %c0_i32 = arith.constant 0 : i32
    %c0_i32_0 = arith.constant 0 : i32
    return %arg0, %c0_i32 : i32, i32
  }
  func.func @transform_1(%arg0: i32) -> (i32, i32) {
    %c0_i32 = arith.constant 0 : i32
    %c0_i32_0 = arith.constant 0 : i32
    return %arg0, %c0_i32 : i32, i32
  }
  func.func @transform_2(%arg0: i32) -> (i32, i32) {
    %c0_i32 = arith.constant 0 : i32
    %c0_i32_0 = arith.constant 0 : i32
    return %arg0, %c0_i32 : i32, i32
  }
  func.func @transform_3(%arg0: i32) -> (i32, i32) {
    %c0_i32 = arith.constant 0 : i32
    %c0_i32_0 = arith.constant 0 : i32
    %c0_i32_1 = arith.constant 0 : i32
    return %c0_i32, %c0_i32_0 : i32, i32
  }
  func.func @transform_4(%arg0: i32) -> (i32, i32) {
    %c0_i32 = arith.constant 0 : i32
    %c0_i32_0 = arith.constant 0 : i32
    %c0_i32_1 = arith.constant 0 : i32
    return %c0_i32, %c0_i32_0 : i32, i32
  }
  func.func @transform_5(%arg0: i32) -> (i32, i32) {
    %c0_i32 = arith.constant 0 : i32
    %c0_i32_0 = arith.constant 0 : i32
    %c0_i32_1 = arith.constant 0 : i32
    return %c0_i32, %c0_i32_0 : i32, i32
  }
  func.func @transform_6(%arg0: i32) -> (i32, i32) {
    %c0_i32 = arith.constant 0 : i32
    %c0_i32_0 = arith.constant 0 : i32
    %c0_i32_1 = arith.constant 0 : i32
    return %c0_i32, %c0_i32_0 : i32, i32
  }
  func.func @transform_7(%arg0: i32) -> (i32, i32) {
    %c0_i32 = arith.constant 0 : i32
    %c0_i32_0 = arith.constant 0 : i32
    %c0_i32_1 = arith.constant 0 : i32
    return %c0_i32, %c0_i32_0 : i32, i32
  }
  func.func @transform_8(%arg0: i32) -> (i32, i32) {
    %c0_i32 = arith.constant 0 : i32
    %c0_i32_0 = arith.constant 0 : i32
    %c0_i32_1 = arith.constant 0 : i32
    return %c0_i32, %c0_i32_0 : i32, i32
  }
  func.func @transform_9(%arg0: i32) -> (i32, i32) {
    %c0_i32 = arith.constant 0 : i32
    %c0_i32_0 = arith.constant 0 : i32
    %c0_i32_1 = arith.constant 0 : i32
    return %c0_i32, %c0_i32_0 : i32, i32
  }
  func.func @transform_10(%arg0: i32) -> (i32, i32) {
    %c0_i32 = arith.constant 0 : i32
    %c0_i32_0 = arith.constant 0 : i32
    %c0_i32_1 = arith.constant 0 : i32
    return %c0_i32, %c0_i32_0 : i32, i32
  }
  func.func @transform_11(%arg0: i32) -> (i32, i32, i32) {
    %c0_i32 = arith.constant 0 : i32
    %c0_i32_0 = arith.constant 0 : i32
    %c0_i32_1 = arith.constant 0 : i32
    return %arg0, %c0_i32, %c0_i32_0 : i32, i32, i32
  }
  func.func @transform_12(%arg0: i32) -> (i32, i32, i32) {
    %c0_i32 = arith.constant 0 : i32
    %c0_i32_0 = arith.constant 0 : i32
    %c0_i32_1 = arith.constant 0 : i32
    return %arg0, %c0_i32, %c0_i32_0 : i32, i32, i32
  }
  func.func @transform_13(%arg0: i32) -> (i32, i32) {
    %c0_i32 = arith.constant 0 : i32
    %c0_i32_0 = arith.constant 0 : i32
    %c0_i32_1 = arith.constant 0 : i32
    return %c0_i32, %c0_i32_0 : i32, i32
  }
}

module attributes {stable_mosaic.version = 14 : i64} {
  func.func @_final_body(%arg0: i32, %arg1: memref<1x1x1000xf32, #tpu.memory_space<vmem>>, %arg2: memref<1x1x1000xi32, #tpu.memory_space<vmem>>, %arg3: memref<1x64xf32, #tpu.memory_space<vmem>>, %arg4: memref<1x64xf32, #tpu.memory_space<vmem>>, %arg5: memref<1x1x1000xf32, #tpu.memory_space<vmem>>) attributes {dimension_semantics = [#tpu.dimension_semantics<arbitrary>], iteration_bounds = array<i64: 10>, scalar_prefetch = 0 : i64, scratch_operands = 0 : i64, tpu.core_type = #tpu.core_type<tc>, window_params = [{transform_indices = @transform_0, window_bounds = array<i64: 1, 1, 1000>}, {transform_indices = @transform_1, window_bounds = array<i64: 1, 1, 1000>}, {pipeline_mode = #tpu.pipeline_mode<synchronous>, transform_indices = @transform_2, window_bounds = array<i64: 1, 64>}, {pipeline_mode = #tpu.pipeline_mode<synchronous>, transform_indices = @transform_3, window_bounds = array<i64: 1, 64>}, {transform_indices = @transform_4, window_bounds = array<i64: 1, 1, 1000>}]} {
    %get3A = arith.constant 0 : index
    %get3A_0 = arith.constant 0 : index
    %get3A_1 = arith.constant 0 : index
    %get3A_2 = vector.load %arg1[%get3A, %get3A_0, %get3A_1] : memref<1x1x1000xf32, #tpu.memory_space<vmem>>, vector<1x1x1000xf32>
    %get3A_3 = vector.shape_cast %get3A_2 : vector<1x1x1000xf32> to vector<1000xf32>
    %get3A_4 = arith.constant 0 : index
    %get3A_5 = arith.constant 0 : index
    %get3A_6 = arith.constant 0 : index
    %get3A_7 = vector.load %arg2[%get3A_4, %get3A_5, %get3A_6] : memref<1x1x1000xi32, #tpu.memory_space<vmem>>, vector<1x1x1000xi32>
    %get3A_8 = vector.shape_cast %get3A_7 : vector<1x1x1000xi32> to vector<1000xi32>
    %broadcast_in_dim3A = vector.shape_cast %get3A_8 : vector<1000xi32> to vector<1000x1xi32>
    %iota3A = tpu.iota {dimensions = array<i32: 1>} : vector<1000x64xi32>
    %eq3A = vector.broadcast %broadcast_in_dim3A : vector<1000x1xi32> to vector<1000x64xi32>
    %eq3A_9 = arith.cmpi eq, %eq3A, %iota3A : vector<1000x64xi32>
    %get3A_10 = arith.constant 0 : index
    %get3A_11 = arith.constant 0 : index
    %get3A_12 = vector.load %arg3[%get3A_10, %get3A_11] : memref<1x64xf32, #tpu.memory_space<vmem>>, vector<1x64xf32>
    %jit3A = arith.constant 0.000000e+00 : f32
    %broadcast_in_dim3A_13 = vector.shape_cast %get3A_12 : vector<1x64xf32> to vector<1x64xf32>
    %broadcast_in_dim3A_14 = vector.broadcast %broadcast_in_dim3A_13 : vector<1x64xf32> to vector<1000x64xf32>
    %broadcast_in_dim3A_15 = vector.broadcast %jit3A : f32 to vector<1000x64xf32>
    %select_n3A = arith.select %eq3A_9, %broadcast_in_dim3A_14, %broadcast_in_dim3A_15 : vector<1000x64xi1>, vector<1000x64xf32>
    %reduce_sum3A = arith.constant dense<0.000000e+00> : vector<1000xf32>
    %reduce_sum3A_16 = vector.multi_reduction <add>, %select_n3A, %reduce_sum3A [1] : vector<1000x64xf32> to vector<1000xf32>
    %get3A_17 = arith.constant 0 : index
    %get3A_18 = arith.constant 0 : index
    %get3A_19 = vector.load %arg4[%get3A_17, %get3A_18] : memref<1x64xf32, #tpu.memory_space<vmem>>, vector<1x64xf32>
    %jit3A_20 = arith.constant 0.000000e+00 : f32
    %broadcast_in_dim3A_21 = vector.shape_cast %get3A_19 : vector<1x64xf32> to vector<1x64xf32>
    %broadcast_in_dim3A_22 = vector.broadcast %broadcast_in_dim3A_21 : vector<1x64xf32> to vector<1000x64xf32>
    %broadcast_in_dim3A_23 = vector.broadcast %jit3A_20 : f32 to vector<1000x64xf32>
    %select_n3A_24 = arith.select %eq3A_9, %broadcast_in_dim3A_22, %broadcast_in_dim3A_23 : vector<1000x64xi1>, vector<1000x64xf32>
    %reduce_sum3A_25 = arith.constant dense<0.000000e+00> : vector<1000xf32>
    %reduce_sum3A_26 = vector.multi_reduction <add>, %select_n3A_24, %reduce_sum3A_25 [1] : vector<1000x64xf32> to vector<1000xf32>
    %add3A = arith.constant 9.99999996E-13 : f32
    %add3A_27 = vector.broadcast %add3A : f32 to vector<1000xf32>
    %add3A_28 = arith.addf %reduce_sum3A_26, %add3A_27 : vector<1000xf32>
    %div3A = arith.divf %reduce_sum3A_16, %add3A_28 : vector<1000xf32>
    %min3A = arith.constant 1.000000e+00 : f32
    %min3A_29 = vector.broadcast %min3A : f32 to vector<1000xf32>
    %min3A_30 = arith.minimumf %div3A, %min3A_29 : vector<1000xf32>
    %mul3A = arith.mulf %get3A_3, %min3A_30 : vector<1000xf32>
    %swap3A = arith.constant 0 : index
    %swap3A_31 = arith.constant 0 : index
    %swap3A_32 = arith.constant 0 : index
    %swap3A_33 = vector.load %arg5[%swap3A, %swap3A_31, %swap3A_32] : memref<1x1x1000xf32, #tpu.memory_space<vmem>>, vector<1x1x1000xf32>
    %swap3A_34 = vector.shape_cast %swap3A_33 : vector<1x1x1000xf32> to vector<1000xf32>
    %swap3A_35 = vector.shape_cast %mul3A : vector<1000xf32> to vector<1x1x1000xf32>
    tpu.vector_store %arg5[%swap3A, %swap3A_31, %swap3A_32], %swap3A_35 {strides = array<i32>} : memref<1x1x1000xf32, #tpu.memory_space<vmem>>, vector<1x1x1000xf32>,
    return
  }
  func.func @transform_0(%arg0: i32) -> (i32, i32, i32) {
    %c0_i32 = arith.constant 0 : i32
    %c0_i32_0 = arith.constant 0 : i32
    %c0_i32_1 = arith.constant 0 : i32
    return %arg0, %c0_i32, %c0_i32_0 : i32, i32, i32
  }
  func.func @transform_1(%arg0: i32) -> (i32, i32, i32) {
    %c0_i32 = arith.constant 0 : i32
    %c0_i32_0 = arith.constant 0 : i32
    %c0_i32_1 = arith.constant 0 : i32
    return %arg0, %c0_i32, %c0_i32_0 : i32, i32, i32
  }
  func.func @transform_2(%arg0: i32) -> (i32, i32) {
    %c0_i32 = arith.constant 0 : i32
    %c0_i32_0 = arith.constant 0 : i32
    %c0_i32_1 = arith.constant 0 : i32
    return %c0_i32, %c0_i32_0 : i32, i32
  }
  func.func @transform_3(%arg0: i32) -> (i32, i32) {
    %c0_i32 = arith.constant 0 : i32
    %c0_i32_0 = arith.constant 0 : i32
    %c0_i32_1 = arith.constant 0 : i32
    return %c0_i32, %c0_i32_0 : i32, i32
  }
  func.func @transform_4(%arg0: i32) -> (i32, i32, i32) {
    %c0_i32 = arith.constant 0 : i32
    %c0_i32_0 = arith.constant 0 : i32
    %c0_i32_1 = arith.constant 0 : i32
    return %arg0, %c0_i32, %c0_i32_0 : i32, i32, i32
  }
}

</mosaic_0001>

<sc_bundles>
// kernel: kernel.11.cloned.1.call-start
scs
__scs_entry_jumppad:
0x0: {  	(pc) =	sbr.rel $0x88, $3  }
0x1: {  	(tag) =	ssettag $0x0;
	lr =	simm.s32 $0x1  }
0x2: {  	[smem:$0x3F8C] =	sst lr;
	_ =	strace $0xD0000000  }
0x3: {  	_ = 	snop  }
0x4: {  	_ = 	snop  }
0x5: {  	_ = 	snop  }
0x6: {  	_ = 	snop  }
0x7: {  	_ = 	snop  }
__scs_overlays_trampoline_lowered:
0x8: {  	[smem:$0x3F9B] =	sst s0  }
0x9: {  	[smem:$0x3F9C] =	sst s1  }
0xa: {  	[smem:$0x3F9D] =	sst s2  }
0xb: {  	[smem:$0x3F9E] =	sst s3  }
0xc: {  	[smem:$0x3F9F] =	sst s4  }
0xd: {  	[smem:$0x3FA0] =	sst s5  }
0xe: {  	[smem:$0x3FA1] =	sst s6  }
0xf: {  	[smem:$0x3FA2] =	sst s7  }
0x10: {  	[smem:$0x3FA3] =	sst s8  }
0x11: {  	[smem:$0x3FA4] =	sst s9;
	s0 =	simm.s32 @!p0 $0x0  }
0x12: {  	s1 =	sld [smem:$0x3F8A];
	s0 =	simm.s32 @p0 $0x1  }
0x13: {  	[smem:$0x3FA5] =	sst s0;
	s0 =	simm.s32 @!p1 $0x0  }
0x14: {  	s2 =	sld [smem:$0x3F89];
	s0 =	simm.s32 @p1 $0x1  }
0x15: {  	[smem:$0x3FA6] =	sst s0;
	s0 =	simm.s32 @!p2 $0x0  }
0x16: {  	s3 =	sld [smem:$0x3FDB];
	s0 =	simm.s32 @p2 $0x1  }
0x17: {  	s4 =	simm.s32 $0x1BF5;
	[smem:$0x3FA8] =	sst s0  }
0x18: {  	s0 =	sld [smem:$0x3F8B];
	_ =	swait.ge [sflag:s4], $0x0  }
0x19: {  	s7 =	sld [smem:$0x3F8C]  }
0x1a: {  	s8 =	sadd.s32 $0xFFFFE003, lr  }
0x1b: {  	s9 =	sadd.s32 $0xFFFFFEF7, lr;
	s5 =	simm.s32 $0xFFFFFFFF;
	p2 =	slt.u32 s8, $0xFFFFF086  }
0x1c: {  	p1 =	slt.u32 s9, $0xF7A;
	s5 =	simm.s32 @!p2 $0x0  }
0x1d: {  	s5 =	simm.s32 @p1 $0x1;
	p0 =	seq.s32 s7, s2  }
0x1e: {  	s7 =	smul.u32 @!p0 $0xF7A, s2;
	p2 =	seq.s32 @!p0 s5, $0x0  }
0x1f: {  	s9 =	smul.u32 $0xF7A, s1;
	s8 =	simm.s32 @!p0 $0x1BF5;
	p2 =	por !p2, p0  }
0x20: {  	[sflag:s8] =	ssyncset.s32 @!p0 $0xFFFFF086;
	s6 =	sadd.s32 @!p0 s3, s7;
	s7 =	simm.s32 @!p0 $0x108  }
0x21: {  	s3 =	sadd.s32 s3, s9;
	s6 =	sadd.s32 @!p0 $0x88, s6;
	s7 =	simm.s32 @p2 $0x1082  }
0x22: {  	[simem:s7], [sflag:s8] =	dma.local @!p0 [hbm:s6], $0xF7A  }
0x23: {  	s9 =	sor.u32 $0xD0000000, s2;
	s6 =	simm.s32 $0x108;
	_ =	swait.ge @!p0 [sflag:s8], $0x0  }
0x24: {  	s3 =	sadd.s32 $0x88, s3;
	s6 =	simm.s32 @!p1 $0x1082;
	[sflag:s4] =	ssyncset.s32 $0xFFFFF086  }
0x25: {  	[simem:s6], [sflag:s4] =	dma.local [hbm:s3], $0xF7A  }
0x26: {  	[smem:$0x3F8C] =	sst s1;
	(tag) =	ssettag s2;
	_ =	strace s9  }
0x27: {  	s1 =	sld [smem:$0x3F9C]  }
0x28: {  	s2 =	sld [smem:$0x3F9D]  }
0x29: {  	s4 =	sld [smem:$0x3F9F]  }
0x2a: {  	p0 =	seq.s32 s5, $0x0;
	s5 =	sld [smem:$0x3FA0]  }
0x2b: {  	s6 =	sld [smem:$0x3FA1]  }
0x2c: {  	s7 =	sld [smem:$0x3FA2]  }
0x2d: {  	s3 =	simm.s32 $0x108;
	s8 =	sld [smem:$0x3FA3]  }
0x2e: {  	s3 =	simm.s32 @!p0 $0x1082;
	s9 =	sld [smem:$0x3FA4]  }
0x2f: {  	lr =	sadd.s32 s0, s3;
	s0 =	sld [smem:$0x3F9B]  }
0x30: {  	s3 =	sld [smem:$0x3F9E]  }
0x31: {  	[smem:$0x3FA7] =	sst s10  }
0x32: {  	s10 =	sld [smem:$0x3FA5];
	_ =	sdelay $0x3  }
0x33: {  	p0 =	seq.s32 s10, $0x1;
	s10 =	sld [smem:$0x3FA7];
	_ =	sdelay $0x3  }
0x34: {  	[smem:$0x3FA7] =	sst s10  }
0x35: {  	s10 =	sld [smem:$0x3FA6];
	_ =	sdelay $0x3  }
0x36: {  	p1 =	seq.s32 s10, $0x1;
	s10 =	sld [smem:$0x3FA7];
	_ =	sdelay $0x3  }
0x37: {  	[smem:$0x3FA7] =	sst s10  }
0x38: {  	s10 =	sld [smem:$0x3FA8]  }
0x39: {  	_ = 	snop;
	(pc) =	sbr.ind lr, $3  }
0x3a: {  	_ = 	snop  }
0x3b: {  	_ = 	snop  }
0x3c: {  	p2 =	seq.s32 s10, $0x1;
	s10 =	sld [smem:$0x3FA7]  }
0x3d: {  	_ =	shalt  }
0x3e: {  	_ =	shalt  }
0x3f: {  	_ =	shalt  }
0x40: {  	_ =	shalt  }
0x41: {  	_ =	shalt  }
0x42: {  	_ =	shalt  }
0x43: {  	_ =	shalt  }
0x44: {  	_ =	shalt  }
0x45: {  	_ =	shalt  }
0x46: {  	_ =	shalt  }
0x47: {  	_ =	shalt  }
0x48: {  	_ =	shalt  }
0x49: {  	_ =	shalt  }
0x4a: {  	_ =	shalt  }
0x4b: {  	_ =	shalt  }
0x4c: {  	_ =	shalt  }
0x4d: {  	_ =	shalt  }
0x4e: {  	_ =	shalt  }
0x4f: {  	_ =	shalt  }
0x50: {  	_ =	shalt  }
0x51: {  	_ =	shalt  }
0x52: {  	_ =	shalt  }
0x53: {  	_ =	shalt  }
0x54: {  	_ =	shalt  }
0x55: {  	_ =	shalt  }
0x56: {  	_ =	shalt  }
0x57: {  	_ =	shalt  }
0x58: {  	_ =	shalt  }
0x59: {  	_ =	shalt  }
0x5a: {  	_ =	shalt  }
0x5b: {  	_ =	shalt  }
0x5c: {  	_ =	shalt  }
0x5d: {  	_ =	shalt  }
0x5e: {  	_ =	shalt  }
0x5f: {  	_ =	shalt  }
0x60: {  	_ =	shalt  }
0x61: {  	_ =	shalt  }
0x62: {  	_ =	shalt  }
0x63: {  	_ =	shalt  }
0x64: {  	_ =	shalt  }
0x65: {  	_ =	shalt  }
0x66: {  	_ =	shalt  }
0x67: {  	_ =	shalt  }
0x68: {  	_ =	shalt  }
0x69: {  	_ =	shalt  }
0x6a: {  	_ =	shalt  }
0x6b: {  	_ =	shalt  }
0x6c: {  	_ =	shalt  }
0x6d: {  	_ =	shalt  }
0x6e: {  	_ =	shalt  }
0x6f: {  	_ =	shalt  }
0x70: {  	_ =	shalt  }
0x71: {  	_ =	shalt  }
0x72: {  	_ =	shalt  }
0x73: {  	_ =	shalt  }
0x74: {  	_ =	shalt  }
0x75: {  	_ =	shalt  }
0x76: {  	_ =	shalt  }
0x77: {  	_ =	shalt  }
0x78: {  	_ =	shalt  }
0x79: {  	_ =	shalt  }
0x7a: {  	_ =	shalt  }
0x7b: {  	_ =	shalt  }
0x7c: {  	_ =	shalt  }
0x7d: {  	_ =	shalt  }
0x7e: {  	_ =	shalt  }
0x7f: {  	_ =	shalt  }
0x80: {  	_ =	shalt  }
0x81: {  	_ =	shalt  }
0x82: {  	_ =	shalt  }
0x83: {  	_ =	shalt  }
0x84: {  	_ =	shalt  }
0x85: {  	_ =	shalt  }
0x86: {  	_ =	shalt  }
0x87: {  	_ =	shalt  }
.Lfunc_end0:
.L_simem_size_0:
called_computation.1_lowered:
.L_overlay_start_0:
0x88: {  	s2 =	sld [smem:$0x3FD9]  }
0x89: {  	s3 =	sld [smem:$0x3FFE];
	_ =	sdelay $0x1  }
0x8a: {  	s1 =	srdreg.scid  }
0x8b: {  	s0 =	sand.u32 $0x1, s1  }
0x8c: {  	s16 =	sshll.u32 s0, $0xA;
	s2 =	sadd.s32 s3, s2  }
0x8d: {  	s2 =	sadd.s32 s2, s16  }
0x8e: {  	[smem:$0x3FB3] =	sst s2  }
0x8f: {  	_ = 	snop  }
0x90: {  	(tm) =	ssettm $0x1  }
0x91: {  	s17 =	sld [smem:$0x3FFB];
	_ =	sdelay $0x3  }
0x92: {  	_ =	strace s17  }
0x93: {  	s2 =	sld [smem:$0x3FFC];
	_ =	sdelay $0x3  }
0x94: {  	_ =	strace s2  }
0x95: {  	s2 =	sld [smem:$0x3FFD];
	_ =	sdelay $0x3  }
0x96: {  	_ =	strace s2  }
0x97: {  	_ =	strace $0x8FFFFFFF  }
0x98: {  	s18 =	sld [smem:$0x3FDB];
	_ =	sdelay $0x1  }
0x99: {  	s19 =	simm.s32 $_scs_section_size  }
0x9a: {  	s4 =	simm.s32 $_size__tile_overlayer_lowered;
	s5 =	simm.s32 $_tile_overlayer_lowered  }
0x9b: {  	s22 =	simm.s32 $0x1BFF;
	s21 =	sshll.u32 s5, $0x1;
	s2 =	sadd.s32 s19, s18  }
0x9c: {  	s6 =	simm.s32 $0x0;
	s20 =	sshll.u32 s4, $0x1;
	s4 =	sadd.s32 s21, s2  }
0x9d: {  	[timem:s6], [sflag:s22] =	dma.local [hbm:s4], s20  }
0x9e: {  	_ =	swait.ge [sflag:s22], s20  }
0x9f: {  	s3 =	ssub.s32 $0x0, s20;
	[sflag:s22] =	ssyncset.done $0x0  }
0xa0: {  	[sflag:s22] =	ssyncadd.s32 s3;
	_ =	sdelay $0x1  }
0xa1: {  	s23 =	simm.s32 $0x1B8B  }
0xa2: {  	_ =	swait.ge [sflag:s23], $0x1  }
0xa3: {  	[sflag:s23] =	ssyncset.done $0x0  }
0xa4: {  	s25 =	simm.s32 $0x1B8E;
	s24 =	sld [smem:$0x3FFE];
	[sflag:s23] =	ssyncadd.s32 $0xFFFFFFFF  }
0xa5: {  	s26 =	simm.s32 $execute0_lowered;
	[smem:$0x3FD2] =	sst s25  }
0xa6: {  	s4 =	sshll.u32 s26, $0x1;
	_ =	strace $0x80000049;
	[dreg:$0x1] =	wrdreg $0xFFFFFFFF  }
0xa7: {  	s28 =	simm.s32 $_size_execute0_lowered;
	s2 =	sadd.s32 s2, s4;
	[dreg:$0x0] =	wrdreg $0x0  }
0xa8: {  	s4 =	sshll.u32 s28, $0x1;
	[dreg:$0x2] =	wrdreg s2  }
0xa9: {  	[dreg:$0x3] =	wrdreg s4  }
0xaa: {  	[dreg:$0x4] =	wrdreg $0xC0  }
0xab: {  	_ =	task [dreg:s6], $0x5FFFF  }
0xac: {  	[dreg:$0x1] =	wrdreg $0xFFFFFFFF  }
0xad: {  	[dreg:$0x0] =	wrdreg $0x60  }
0xae: {  	[dreg:$0x2] =	wrdreg s24  }
0xaf: {  	[dreg:$0x3] =	wrdreg $0xA9000  }
0xb0: {  	[dreg:$0x4] =	wrdreg $0x9  }
0xb1: {  	_ =	task.clear_ibuf [dreg:s6], $0x5FFFF;
	_ =	strace $0x90000049  }
0xb2: {  	s29 =	simm.s32 $0x9;
	_ =	strace $0x8000004B  }
0xb3: {  	_ =	swait.ge [sflag:s29], $0x1  }
0xb4: {  	[sflag:s29] =	ssyncadd.s32 $0xFFFFFFFF  }
0xb5: {  	_ =	strace $0x9000004B  }
0xb6: {  	_ =	sfence  }
0xb7: {  	s30 =	sld [smem:$0x0];
	_ =	sdelay $0x2  }
0xb8: {  	s31 =	sshll.u32 s1, $0xD;
	s1 =	sshrl.u32 s1, $0x2  }
0xb9: {  	s3 =	sand.u32 $0x4000, s31;
	s1 =	sadd.s32 s1, s30  }
0xba: {  	s0 =	sor.u32 s3, s0;
	s1 =	sshll.u32 s1, $0x11  }
0xbb: {  	s0 =	sor.u32 s1, s0  }
0xbc: {  	s0 =	sadd.s32 $0x8F2B, s0  }
0xbd: {  	[sflag:s0] =	ssyncadd.remote.s32 $0x1  }
0xbe: {  	_ =	sfence.sel $0xFFFF  }
0xbf: {  	[dreg:$0x0] =	wrdreg $0xFFFFFFFF;
	(pc) =	sbr.abs _section_cstart, $3  }
0xc0: {  	[dreg:$0x1] =	wrdreg $0xFFFFFFFF  }
0xc1: {  	_ =	task.clear_ibuf [dreg:s6], $0x2FFFF;
	_ =	strace $0x9FFFFFFF  }
0xc2: {  	(tm) =	ssettm $0x7FFFFFFF  }
0xc3: {  	_ =	shalt  }
tec
execute0_lowered:
.L_overlay_start_1:
0x0: {  	(tag) =	ssettag $0x1  }
0x1: {  	s1 =	rddreg [dreg:$0x0]  }
0x2: {  	s0 =	srdreg.scid;
	s2 =	rddreg [dreg:$0x1]  }
0x3: {  	s14 =	stileid.u32;
	s3 =	simm.s32 $0x0;
	s15 =	simm.s32 $0x7  }
0x4: {  	s18 =	simm.s32 $0x80;
	s19 =	simm.s32 $0x2900;
	s21 =	simm.s32 $0x2800  }
0x5: {  	s22 =	simm.s32 $0x4900;
	s23 =	simm.s32 $0x8900;
	s28 =	simm.s32 $0x5  }
0x6: {  	s29 =	simm.s32 $0x2;
	s30 =	simm.s32 $0x4;
	s31 =	simm.s32 $0x6  }
0x7: {  	s0 =	sand.u32 $0x1, s0;
	[smem:$0x7FF] =	sst s3;
	s9 =	smul.u32 $0x9E00, s14  }
0x8: {  	s5 =	sadd.s32 $0x2600, s1;
	s6 =	sadd.s32 $0x4E4600, s1;
	s7 =	sadd.s32 $0x53E00, s1  }
0x9: {  	s13 =	sadd.s32 $0x16000, s1;
	s26 =	sshll.u32 s14, $0x6;
	s4 =	sshll.u32 s0, $0x4  }
0xa: {  	_ =	strace $0x8000004A;
	s11 =	smul.u32 $0x9E000, s0;
	s0 =	ssub.s32 $0x2, s0  }
0xb: {  	[dreg:$0x3] =	wrdreg s13;
	s16 =	sor.u32 $0x1C07, s26;
	s8 =	sor.u32 s14, s4  }
0xc: {  	s26 =	simm.s32 $0x3;
	s24 =	sshrl.u32 s0, $0x1;
	s4 =	smul.u32 $0x2800, s8  }
0xd: {  	s11 =	sadd.s32 s9, s11;
	s8 =	smul.u32 $0xA0000, s8;
	s0 =	ssub.s32 s0, s24  }
0xe: {  	s9 =	sadd.s32 s9, s2;
	s24 =	simm.s32 $0x2880;
	s11 =	sshrl.u32 s11, $0x3  }
0xf: {  	s14 =	smax.u32 s0, $0x1;
	s10 =	sshrl.u32 s4, $0x3;
	s25 =	sshrl.u32 s8, $0x3  }
0x10: {  	s12 =	sadd.s32 s10, s1;
	s1 =	sadd.s32 s11, s1;
	s11 =	sadd.s32 s7, s25  }
0x11: {  	s17 =	sshrl.u32 s9, $0x3;
	s10 =	sadd.s32 s6, s10;
	[dreg:$0x5] =	wrdreg s11  }
0x12: {  	s0 =	simm.s32 $0x0;
	s12 =	sadd.s32 $0x4EE600, s12;
	[dreg:$0x6] =	wrdreg s10  }
0x13: {  	s25 =	simm.s32 $0x1;
	s13 =	sadd.s32 $0x17400, s1;
	[dreg:$0x4] =	wrdreg s12  }
.LBB2_1:
0x14: {  	s1 =	rddreg [dreg:$0x4]  }
0x15: {  	[tilespmem:s3], [sflag:$0x7] =	stream.linear.gather [hbm4b:s1+s3], $0x2800, $0x38;
	[tilespmem:$0x14700] =	vst v63  }
0x16: {  	_ =	swait.ge [sflag:s15], $0x2800  }
0x17: {  	[sflag:s15] =	ssyncset.done $0x0  }
0x18: {  	s11 =	rddreg [dreg:$0x3];
	[sflag:s15] =	ssyncadd.s32 $0xFFFFD800  }
0x19: {  	[spmem:s17], [sflag:s16] =	dma.local [hbm:s11], $0x13C0  }
0x1a: {  	_ =	swait.ge [sflag:s15], $0x13C0  }
0x1b: {  	[sflag:s15] =	ssyncset.done $0x0  }
0x1c: {  	[sflag:s15] =	ssyncadd.s32 $0xFFFFEC40  }
0x1d: {  	[bflag:$0x0] =	sbarrier.arrive $0xFFFF  }
0x1e: {  	[tilespmem:s19], [sflag:$0x1] =	stream.indirect.gather [hbm4b:s5+s18], $0x40, s3, s18, $0xb8;
	[tilespmem:$0x14700] =	vst v63  }
0x1f: {  	s9 =	simm.s32 $0x6900;
	s12 =	rddreg [dreg:$0x5]  }
0x20: {  	[tilespmem:s9], [sflag:$0x3] =	stream.linear.gather [hbm4b:s12+s3], $0x2000, $0x38;
	[tilespmem:$0x14700] =	vst v63  }
0x21: {  	s1 =	simm.s32 $0x0;
	s20 =	rddreg [dreg:$0x6]  }
0x22: {  	[tilespmem:s21], [sflag:$0x5] =	stream.linear.gather [hbm4b:s20+s3], $0x80, $0x38;
	[tilespmem:$0x14700] =	vst v63  }
.LBB2_2:
0x23: {  	s9 =	sshllo.u32 s1, $0x1  }
0x24: {  	s10 =	sshll.u32 s9, $0x7;
	s9 =	sshll.u32 s9, $0xD  }
0x25: {  	[tilespmem:s22], [sflag:$0x2] =	stream.indirect.gather [hbm4b:s5+s18], $0x40, s10, s18, $0xb8;
	[tilespmem:$0x14700] =	vst v63  }
0x26: {  	s9 =	sadd.s32 s8, s9  }
0x27: {  	s9 =	sshrl.u32 s9, $0x3  }
0x28: {  	s20 =	sadd.s32 s4, s10;
	s9 =	sadd.s32 s7, s9  }
0x29: {  	[tilespmem:s23], [sflag:$0x4] =	stream.linear.gather [hbm4b:s9+s3], $0x2000, $0x38;
	[tilespmem:$0x14700] =	vst v63  }
0x2a: {  	s9 =	sshrl.u32 s20, $0x3  }
0x2b: {  	s9 =	sadd.s32 s6, s9  }
0x2c: {  	[tilespmem:s24], [sflag:$0x6] =	stream.linear.gather [hbm4b:s9+s3], $0x80, $0x38;
	[tilespmem:$0x14700] =	vst v63  }
0x2d: {  	_ =	swait.ge [sflag:s25], $0x2000  }
0x2e: {  	[sflag:s25] =	ssyncset.done $0x0  }
0x2f: {  	[sflag:s25] =	ssyncadd.s32 $0xFFFFE000  }
0x30: {  	_ =	swait.ge [sflag:s26], $0x2000  }
0x31: {  	[sflag:s26] =	ssyncset.done $0x0  }
0x32: {  	[sflag:s26] =	ssyncadd.s32 $0xFFFFE000  }
0x33: {  	_ =	swait.ge [sflag:s28], $0x80  }
0x34: {  	[sflag:s28] =	ssyncset.done $0x0  }
0x35: {  	s20 =	simm.s32 $0x2980;
	[sflag:s28] =	ssyncadd.s32 $0xFFFFFF80  }
0x36: {  	s9 =	simm.s32 $0x6980;
	v0 =	vld [tilespmem:s20+$0xFFFFFF80]  }
0x37: {  	v1 =	vld [tilespmem:s9+$0xFFFFFF80];
	_ =	sdelay $0x4  }
0x38: {  	v0 =	vadd.f32 v1, v0;
	_ =	sdelay $0x1  }
0x39: {  	v0 =	vmax.f32 v0, $0.0e+00  }
0x3a: {  	[tilespmem:s20+$0xFFFFFF80] =	vst v0;
	v0 =	vld [tilespmem:s20+$0xFFFFFF90]  }
0x3b: {  	v1 =	vld [tilespmem:s9+$0xFFFFFF90];
	_ =	sdelay $0x4  }
0x3c: {  	v0 =	vadd.f32 v1, v0;
	_ =	sdelay $0x1  }
0x3d: {  	v0 =	vmax.f32 v0, $0.0e+00  }
0x3e: {  	[tilespmem:s20+$0xFFFFFF90] =	vst v0;
	v0 =	vld [tilespmem:s20+$0xFFFFFFA0]  }
0x3f: {  	v1 =	vld [tilespmem:s9+$0xFFFFFFA0];
	_ =	sdelay $0x4  }
0x40: {  	v0 =	vadd.f32 v1, v0;
	_ =	sdelay $0x1  }
0x41: {  	v0 =	vmax.f32 v0, $0.0e+00  }
0x42: {  	[tilespmem:s20+$0xFFFFFFA0] =	vst v0;
	v0 =	vld [tilespmem:s20+$0xFFFFFFB0]  }
0x43: {  	v1 =	vld [tilespmem:s9+$0xFFFFFFB0];
	_ =	sdelay $0x4  }
0x44: {  	v0 =	vadd.f32 v1, v0;
	_ =	sdelay $0x1  }
0x45: {  	v0 =	vmax.f32 v0, $0.0e+00  }
0x46: {  	[tilespmem:s20+$0xFFFFFFB0] =	vst v0;
	v0 =	vld [tilespmem:s20+$0xFFFFFFC0]  }
0x47: {  	v1 =	vld [tilespmem:s9+$0xFFFFFFC0];
	_ =	sdelay $0x4  }
0x48: {  	v0 =	vadd.f32 v1, v0;
	_ =	sdelay $0x1  }
0x49: {  	v0 =	vmax.f32 v0, $0.0e+00  }
0x4a: {  	[tilespmem:s20+$0xFFFFFFC0] =	vst v0;
	v0 =	vld [tilespmem:s20+$0xFFFFFFD0]  }
0x4b: {  	v1 =	vld [tilespmem:s9+$0xFFFFFFD0];
	_ =	sdelay $0x4  }
0x4c: {  	v0 =	vadd.f32 v1, v0;
	_ =	sdelay $0x1  }
0x4d: {  	v0 =	vmax.f32 v0, $0.0e+00  }
0x4e: {  	[tilespmem:s20+$0xFFFFFFD0] =	vst v0;
	v0 =	vld [tilespmem:s20+$0xFFFFFFE0]  }
0x4f: {  	v1 =	vld [tilespmem:s9+$0xFFFFFFE0];
	_ =	sdelay $0x4  }
0x50: {  	v0 =	vadd.f32 v1, v0;
	_ =	sdelay $0x1  }
0x51: {  	v0 =	vmax.f32 v0, $0.0e+00  }
0x52: {  	[tilespmem:s20+$0xFFFFFFE0] =	vst v0;
	v0 =	vld [tilespmem:s20+$0xFFFFFFF0]  }
0x53: {  	v1 =	vld [tilespmem:s9+$0xFFFFFFF0];
	_ =	sdelay $0x4  }
0x54: {  	v0 =	vadd.f32 v1, v0;
	_ =	sdelay $0x1  }
0x55: {  	v0 =	vmax.f32 v0, $0.0e+00  }
0x56: {  	[tilespmem:s20+$0xFFFFFFF0] =	vst v0;
	v0 =	vld [tilespmem:s20+$0x0]  }
0x57: {  	v1 =	vld [tilespmem:s9+$0x0];
	_ =	sdelay $0x4  }
0x58: {  	v0 =	vadd.f32 v1, v0;
	_ =	sdelay $0x1  }
0x59: {  	v0 =	vmax.f32 v0, $0.0e+00  }
0x5a: {  	[tilespmem:s20+$0x0] =	vst v0;
	v0 =	vld [tilespmem:s20+$0x10]  }
0x5b: {  	v1 =	vld [tilespmem:s9+$0x10];
	_ =	sdelay $0x4  }
0x5c: {  	v0 =	vadd.f32 v1, v0;
	_ =	sdelay $0x1  }
0x5d: {  	v0 =	vmax.f32 v0, $0.0e+00  }
0x5e: {  	[tilespmem:s20+$0x10] =	vst v0;
	v0 =	vld [tilespmem:s20+$0x20]  }
0x5f: {  	v1 =	vld [tilespmem:s9+$0x20];
	_ =	sdelay $0x4  }
0x60: {  	v0 =	vadd.f32 v1, v0;
	_ =	sdelay $0x1  }
0x61: {  	v0 =	vmax.f32 v0, $0.0e+00  }
0x62: {  	[tilespmem:s20+$0x20] =	vst v0;
	v0 =	vld [tilespmem:s20+$0x30]  }
0x63: {  	v1 =	vld [tilespmem:s9+$0x30];
	_ =	sdelay $0x4  }
0x64: {  	v0 =	vadd.f32 v1, v0;
	_ =	sdelay $0x1  }
0x65: {  	v0 =	vmax.f32 v0, $0.0e+00  }
0x66: {  	[tilespmem:s20+$0x30] =	vst v0;
	v0 =	vld [tilespmem:s20+$0x40]  }
0x67: {  	v1 =	vld [tilespmem:s9+$0x40];
	_ =	sdelay $0x4  }
0x68: {  	v0 =	vadd.f32 v1, v0;
	_ =	sdelay $0x1  }
0x69: {  	v0 =	vmax.f32 v0, $0.0e+00  }
0x6a: {  	[tilespmem:s20+$0x40] =	vst v0;
	v0 =	vld [tilespmem:s20+$0x50]  }
0x6b: {  	v1 =	vld [tilespmem:s9+$0x50];
	_ =	sdelay $0x4  }
0x6c: {  	v0 =	vadd.f32 v1, v0;
	_ =	sdelay $0x1  }
0x6d: {  	v0 =	vmax.f32 v0, $0.0e+00  }
0x6e: {  	[tilespmem:s20+$0x50] =	vst v0;
	v0 =	vld [tilespmem:s20+$0x60]  }
0x6f: {  	v1 =	vld [tilespmem:s9+$0x60];
	_ =	sdelay $0x4  }
0x70: {  	v0 =	vadd.f32 v1, v0;
	_ =	sdelay $0x1  }
0x71: {  	v0 =	vmax.f32 v0, $0.0e+00  }
0x72: {  	[tilespmem:s20+$0x60] =	vst v0;
	v0 =	vld [tilespmem:s20+$0x70]  }
0x73: {  	v1 =	vld [tilespmem:s9+$0x70];
	_ =	sdelay $0x4  }
0x74: {  	v0 =	vadd.f32 v1, v0;
	_ =	sdelay $0x1  }
0x75: {  	s11 =	simm.s32 $0x0;
	s12 =	simm.s32 $0x2A80;
	s10 =	sshll.u32 s1, $0x1;
	v0 =	vmax.f32 v0, $0.0e+00  }
.LBB2_3:
0x76: {  	v1 =	vld [tilespmem:s12+$0xFFFFFF80];
	[tilespmem:s20+$0x70] =	vst v0;
	s9 =	sadd.s32 $0x100, s9;
	s20 =	smov.u32 s12  }
0x77: {  	s11 =	sadd.s32 $0x4, s11;
	v0 =	vld [tilespmem:s9+$0xFFFFFF80]  }
0x78: {  	p0 =	slt.u32 s11, $0x7C;
	_ =	sdelay $0x3  }
0x79: {  	v0 =	vadd.f32 v0, v1;
	_ =	sdelay $0x1  }
0x7a: {  	v0 =	vmax.f32 v0, $0.0e+00  }
0x7b: {  	[tilespmem:s12+$0xFFFFFF80] =	vst v0;
	v0 =	vld [tilespmem:s12+$0xFFFFFF90]  }
0x7c: {  	v1 =	vld [tilespmem:s9+$0xFFFFFF90];
	_ =	sdelay $0x4  }
0x7d: {  	v0 =	vadd.f32 v1, v0;
	_ =	sdelay $0x1  }
0x7e: {  	v0 =	vmax.f32 v0, $0.0e+00  }
0x7f: {  	[tilespmem:s12+$0xFFFFFF90] =	vst v0;
	v0 =	vld [tilespmem:s12+$0xFFFFFFA0]  }
0x80: {  	v1 =	vld [tilespmem:s9+$0xFFFFFFA0];
	_ =	sdelay $0x4  }
0x81: {  	v0 =	vadd.f32 v1, v0;
	_ =	sdelay $0x1  }
0x82: {  	v0 =	vmax.f32 v0, $0.0e+00  }
0x83: {  	[tilespmem:s12+$0xFFFFFFA0] =	vst v0;
	v0 =	vld [tilespmem:s12+$0xFFFFFFB0]  }
0x84: {  	v1 =	vld [tilespmem:s9+$0xFFFFFFB0];
	_ =	sdelay $0x4  }
0x85: {  	v0 =	vadd.f32 v1, v0;
	_ =	sdelay $0x1  }
0x86: {  	v0 =	vmax.f32 v0, $0.0e+00  }
0x87: {  	[tilespmem:s12+$0xFFFFFFB0] =	vst v0;
	v0 =	vld [tilespmem:s12+$0xFFFFFFC0]  }
0x88: {  	v1 =	vld [tilespmem:s9+$0xFFFFFFC0];
	_ =	sdelay $0x4  }
0x89: {  	v0 =	vadd.f32 v1, v0;
	_ =	sdelay $0x1  }
0x8a: {  	v0 =	vmax.f32 v0, $0.0e+00  }
0x8b: {  	[tilespmem:s12+$0xFFFFFFC0] =	vst v0;
	v0 =	vld [tilespmem:s12+$0xFFFFFFD0]  }
0x8c: {  	v1 =	vld [tilespmem:s9+$0xFFFFFFD0];
	_ =	sdelay $0x4  }
0x8d: {  	v0 =	vadd.f32 v1, v0;
	_ =	sdelay $0x1  }
0x8e: {  	v0 =	vmax.f32 v0, $0.0e+00  }
0x8f: {  	[tilespmem:s12+$0xFFFFFFD0] =	vst v0;
	v0 =	vld [tilespmem:s12+$0xFFFFFFE0]  }
0x90: {  	v1 =	vld [tilespmem:s9+$0xFFFFFFE0];
	_ =	sdelay $0x4  }
0x91: {  	v0 =	vadd.f32 v1, v0;
	_ =	sdelay $0x1  }
0x92: {  	v0 =	vmax.f32 v0, $0.0e+00  }
0x93: {  	[tilespmem:s12+$0xFFFFFFE0] =	vst v0;
	v0 =	vld [tilespmem:s12+$0xFFFFFFF0]  }
0x94: {  	v1 =	vld [tilespmem:s9+$0xFFFFFFF0];
	_ =	sdelay $0x4  }
0x95: {  	v0 =	vadd.f32 v1, v0;
	_ =	sdelay $0x1  }
0x96: {  	v0 =	vmax.f32 v0, $0.0e+00  }
0x97: {  	[tilespmem:s12+$0xFFFFFFF0] =	vst v0;
	v0 =	vld [tilespmem:s12+$0x0]  }
0x98: {  	v1 =	vld [tilespmem:s9+$0x0];
	_ =	sdelay $0x4  }
0x99: {  	v0 =	vadd.f32 v1, v0;
	_ =	sdelay $0x1  }
0x9a: {  	v0 =	vmax.f32 v0, $0.0e+00  }
0x9b: {  	[tilespmem:s12+$0x0] =	vst v0;
	v0 =	vld [tilespmem:s12+$0x10]  }
0x9c: {  	v1 =	vld [tilespmem:s9+$0x10];
	_ =	sdelay $0x4  }
0x9d: {  	v0 =	vadd.f32 v1, v0;
	_ =	sdelay $0x1  }
0x9e: {  	v0 =	vmax.f32 v0, $0.0e+00  }
0x9f: {  	[tilespmem:s12+$0x10] =	vst v0;
	v0 =	vld [tilespmem:s12+$0x20]  }
0xa0: {  	v1 =	vld [tilespmem:s9+$0x20];
	_ =	sdelay $0x4  }
0xa1: {  	v0 =	vadd.f32 v1, v0;
	_ =	sdelay $0x1  }
0xa2: {  	v0 =	vmax.f32 v0, $0.0e+00  }
0xa3: {  	[tilespmem:s12+$0x20] =	vst v0;
	v0 =	vld [tilespmem:s12+$0x30]  }
0xa4: {  	v1 =	vld [tilespmem:s9+$0x30];
	_ =	sdelay $0x4  }
0xa5: {  	v0 =	vadd.f32 v1, v0;
	_ =	sdelay $0x1  }
0xa6: {  	v0 =	vmax.f32 v0, $0.0e+00  }
0xa7: {  	[tilespmem:s12+$0x30] =	vst v0;
	v0 =	vld [tilespmem:s12+$0x40]  }
0xa8: {  	v1 =	vld [tilespmem:s9+$0x40];
	_ =	sdelay $0x4  }
0xa9: {  	v0 =	vadd.f32 v1, v0;
	_ =	sdelay $0x1  }
0xaa: {  	v0 =	vmax.f32 v0, $0.0e+00  }
0xab: {  	[tilespmem:s12+$0x40] =	vst v0;
	v0 =	vld [tilespmem:s12+$0x50]  }
0xac: {  	v1 =	vld [tilespmem:s9+$0x50];
	_ =	sdelay $0x4  }
0xad: {  	v0 =	vadd.f32 v1, v0;
	_ =	sdelay $0x1  }
0xae: {  	v0 =	vmax.f32 v0, $0.0e+00  }
0xaf: {  	[tilespmem:s12+$0x50] =	vst v0;
	v0 =	vld [tilespmem:s12+$0x60]  }
0xb0: {  	v1 =	vld [tilespmem:s9+$0x60];
	_ =	sdelay $0x4  }
0xb1: {  	v0 =	vadd.f32 v1, v0;
	_ =	sdelay $0x1  }
0xb2: {  	v0 =	vmax.f32 v0, $0.0e+00  }
0xb3: {  	[tilespmem:s12+$0x60] =	vst v0;
	v0 =	vld [tilespmem:s12+$0x70]  }
0xb4: {  	v1 =	vld [tilespmem:s9+$0x70];
	_ =	sdelay $0x2  }
.Ltmp0:
0xb5: {  	(pc) =	sbr.rel @p0 .LBB2_3-.Ltmp0, $3  }
0xb6: {  	_ = 	snop  }
0xb7: {  	v0 =	vadd.f32 v1, v0;
	_ =	sdelay $0x1  }
0xb8: {  	s12 =	sadd.s32 $0x100, s12;
	v0 =	vmax.f32 v0, $0.0e+00  }
0xb9: {  	[tilespmem:s20+$0x70] =	vst v0;
	p0 =	seq.s32 s1, $0x27  }
0xba: {  	[spmem:s2] =	stream.indirect.scatter.add.f32 [tilespmem:s19], [sflag:$0x7], $0x40, s21, s18, $0xb8;
	[tilespmem:$0x14700] =	vst v63  }
0xbb: {  	s9 =	sadd.s32 @!p0 $0x2, s10  }
0xbc: {  	_ =	swait.ge [sflag:s15], $0x2000;
	s10 =	sshll.u32 @!p0 s9, $0x7;
	s9 =	sshll.u32 @!p0 s9, $0xD  }
0xbd: {  	s11 =	simm.s32 @!p0 $0x80;
	[sflag:s15] =	ssyncset.done $0x0;
	s9 =	sadd.s32 @!p0 s8, s9  }
0xbe: {  	s12 =	simm.s32 @!p0 $0x2900;
	[sflag:s15] =	ssyncadd.s32 $0xFFFFE000;
	s9 =	sshrl.u32 @!p0 s9, $0x3  }
0xbf: {  	[tilespmem:s12], [sflag:$0x1] =	stream.indirect.gather @!p0 [hbm4b:s5+s11], $0x40, s10, s11, $0xb8;
	[tilespmem:$0x14700] =	vst v63  }
0xc0: {  	s9 =	sadd.s32 @!p0 s7, s9;
	s11 =	simm.s32 @!p0 $0x0;
	s12 =	simm.s32 @!p0 $0x6900  }
0xc1: {  	[tilespmem:s12], [sflag:$0x3] =	stream.linear.gather @!p0 [hbm4b:s9+s11], $0x2000, $0x38;
	[tilespmem:$0x14700] =	vst v63  }
0xc2: {  	s9 =	sadd.s32 @!p0 s4, s10  }
0xc3: {  	s9 =	sshrl.u32 @!p0 s9, $0x3  }
0xc4: {  	s10 =	simm.s32 @!p0 $0x2800;
	s9 =	sadd.s32 @!p0 s6, s9  }
0xc5: {  	[tilespmem:s10], [sflag:$0x5] =	stream.linear.gather @!p0 [hbm4b:s9+s11], $0x80, $0x38;
	[tilespmem:$0x14700] =	vst v63  }
0xc6: {  	_ =	swait.ge [sflag:s29], $0x2000  }
0xc7: {  	[sflag:s29] =	ssyncset.done $0x0  }
0xc8: {  	[sflag:s29] =	ssyncadd.s32 $0xFFFFE000  }
0xc9: {  	_ =	swait.ge [sflag:s30], $0x2000  }
0xca: {  	[sflag:s30] =	ssyncset.done $0x0  }
0xcb: {  	[sflag:s30] =	ssyncadd.s32 $0xFFFFE000  }
0xcc: {  	_ =	swait.ge [sflag:s31], $0x80  }
0xcd: {  	[sflag:s31] =	ssyncset.done $0x0  }
0xce: {  	s20 =	simm.s32 $0x4980;
	[sflag:s31] =	ssyncadd.s32 $0xFFFFFF80  }
0xcf: {  	s9 =	simm.s32 $0x8980;
	v0 =	vld [tilespmem:s20+$0xFFFFFF80]  }
0xd0: {  	v1 =	vld [tilespmem:s9+$0xFFFFFF80];
	_ =	sdelay $0x4  }
0xd1: {  	v0 =	vadd.f32 v1, v0;
	_ =	sdelay $0x1  }
0xd2: {  	v0 =	vmax.f32 v0, $0.0e+00  }
0xd3: {  	[tilespmem:s20+$0xFFFFFF80] =	vst v0;
	v0 =	vld [tilespmem:s20+$0xFFFFFF90]  }
0xd4: {  	v1 =	vld [tilespmem:s9+$0xFFFFFF90];
	_ =	sdelay $0x4  }
0xd5: {  	v0 =	vadd.f32 v1, v0;
	_ =	sdelay $0x1  }
0xd6: {  	v0 =	vmax.f32 v0, $0.0e+00  }
0xd7: {  	[tilespmem:s20+$0xFFFFFF90] =	vst v0;
	v0 =	vld [tilespmem:s20+$0xFFFFFFA0]  }
0xd8: {  	v1 =	vld [tilespmem:s9+$0xFFFFFFA0];
	_ =	sdelay $0x4  }
0xd9: {  	v0 =	vadd.f32 v1, v0;
	_ =	sdelay $0x1  }
0xda: {  	v0 =	vmax.f32 v0, $0.0e+00  }
0xdb: {  	[tilespmem:s20+$0xFFFFFFA0] =	vst v0;
	v0 =	vld [tilespmem:s20+$0xFFFFFFB0]  }
0xdc: {  	v1 =	vld [tilespmem:s9+$0xFFFFFFB0];
	_ =	sdelay $0x4  }
0xdd: {  	v0 =	vadd.f32 v1, v0;
	_ =	sdelay $0x1  }
0xde: {  	v0 =	vmax.f32 v0, $0.0e+00  }
0xdf: {  	[tilespmem:s20+$0xFFFFFFB0] =	vst v0;
	v0 =	vld [tilespmem:s20+$0xFFFFFFC0]  }
0xe0: {  	v1 =	vld [tilespmem:s9+$0xFFFFFFC0];
	_ =	sdelay $0x4  }
0xe1: {  	v0 =	vadd.f32 v1, v0;
	_ =	sdelay $0x1  }
0xe2: {  	v0 =	vmax.f32 v0, $0.0e+00  }
0xe3: {  	[tilespmem:s20+$0xFFFFFFC0] =	vst v0;
	v0 =	vld [tilespmem:s20+$0xFFFFFFD0]  }
0xe4: {  	v1 =	vld [tilespmem:s9+$0xFFFFFFD0];
	_ =	sdelay $0x4  }
0xe5: {  	v0 =	vadd.f32 v1, v0;
	_ =	sdelay $0x1  }
0xe6: {  	v0 =	vmax.f32 v0, $0.0e+00  }
0xe7: {  	[tilespmem:s20+$0xFFFFFFD0] =	vst v0;
	v0 =	vld [tilespmem:s20+$0xFFFFFFE0]  }
0xe8: {  	v1 =	vld [tilespmem:s9+$0xFFFFFFE0];
	_ =	sdelay $0x4  }
0xe9: {  	v0 =	vadd.f32 v1, v0;
	_ =	sdelay $0x1  }
0xea: {  	v0 =	vmax.f32 v0, $0.0e+00  }
0xeb: {  	[tilespmem:s20+$0xFFFFFFE0] =	vst v0;
	v0 =	vld [tilespmem:s20+$0xFFFFFFF0]  }
0xec: {  	v1 =	vld [tilespmem:s9+$0xFFFFFFF0];
	_ =	sdelay $0x4  }
0xed: {  	v0 =	vadd.f32 v1, v0;
	_ =	sdelay $0x1  }
0xee: {  	v0 =	vmax.f32 v0, $0.0e+00  }
0xef: {  	[tilespmem:s20+$0xFFFFFFF0] =	vst v0;
	v0 =	vld [tilespmem:s20+$0x0]  }
0xf0: {  	v1 =	vld [tilespmem:s9+$0x0];
	_ =	sdelay $0x4  }
0xf1: {  	v0 =	vadd.f32 v1, v0;
	_ =	sdelay $0x1  }
0xf2: {  	v0 =	vmax.f32 v0, $0.0e+00  }
0xf3: {  	[tilespmem:s20+$0x0] =	vst v0;
	v0 =	vld [tilespmem:s20+$0x10]  }
0xf4: {  	v1 =	vld [tilespmem:s9+$0x10];
	_ =	sdelay $0x4  }
0xf5: {  	v0 =	vadd.f32 v1, v0;
	_ =	sdelay $0x1  }
0xf6: {  	v0 =	vmax.f32 v0, $0.0e+00  }
0xf7: {  	[tilespmem:s20+$0x10] =	vst v0;
	v0 =	vld [tilespmem:s20+$0x20]  }
0xf8: {  	v1 =	vld [tilespmem:s9+$0x20];
	_ =	sdelay $0x4  }
0xf9: {  	v0 =	vadd.f32 v1, v0;
	_ =	sdelay $0x1  }
0xfa: {  	v0 =	vmax.f32 v0, $0.0e+00  }
0xfb: {  	[tilespmem:s20+$0x20] =	vst v0;
	v0 =	vld [tilespmem:s20+$0x30]  }
0xfc: {  	v1 =	vld [tilespmem:s9+$0x30];
	_ =	sdelay $0x4  }
0xfd: {  	v0 =	vadd.f32 v1, v0;
	_ =	sdelay $0x1  }
0xfe: {  	v0 =	vmax.f32 v0, $0.0e+00  }
0xff: {  	[tilespmem:s20+$0x30] =	vst v0;
	v0 =	vld [tilespmem:s20+$0x40]  }
0x100: {  	v1 =	vld [tilespmem:s9+$0x40];
	_ =	sdelay $0x4  }
0x101: {  	v0 =	vadd.f32 v1, v0;
	_ =	sdelay $0x1  }
0x102: {  	v0 =	vmax.f32 v0, $0.0e+00  }
0x103: {  	[tilespmem:s20+$0x40] =	vst v0;
	v0 =	vld [tilespmem:s20+$0x50]  }
0x104: {  	v1 =	vld [tilespmem:s9+$0x50];
	_ =	sdelay $0x4  }
0x105: {  	v0 =	vadd.f32 v1, v0;
	_ =	sdelay $0x1  }
0x106: {  	v0 =	vmax.f32 v0, $0.0e+00  }
0x107: {  	[tilespmem:s20+$0x50] =	vst v0;
	v0 =	vld [tilespmem:s20+$0x60]  }
0x108: {  	v1 =	vld [tilespmem:s9+$0x60];
	_ =	sdelay $0x4  }
0x109: {  	v0 =	vadd.f32 v1, v0;
	_ =	sdelay $0x1  }
0x10a: {  	v0 =	vmax.f32 v0, $0.0e+00  }
0x10b: {  	[tilespmem:s20+$0x60] =	vst v0;
	v0 =	vld [tilespmem:s20+$0x70]  }
0x10c: {  	v1 =	vld [tilespmem:s9+$0x70];
	_ =	sdelay $0x4  }
0x10d: {  	v0 =	vadd.f32 v1, v0;
	_ =	sdelay $0x1  }
0x10e: {  	s1 =	sadd.s32 $0x1, s1;
	s10 =	simm.s32 $0x0;
	s11 =	simm.s32 $0x4A80;
	v0 =	vmax.f32 v0, $0.0e+00  }
.LBB2_5:
0x10f: {  	v1 =	vld [tilespmem:s11+$0xFFFFFF80];
	[tilespmem:s20+$0x70] =	vst v0;
	s9 =	sadd.s32 $0x100, s9;
	s20 =	smov.u32 s11  }
0x110: {  	s10 =	sadd.s32 $0x4, s10;
	v0 =	vld [tilespmem:s9+$0xFFFFFF80]  }
0x111: {  	p0 =	slt.u32 s10, $0x7C;
	_ =	sdelay $0x3  }
0x112: {  	v0 =	vadd.f32 v0, v1;
	_ =	sdelay $0x1  }
0x113: {  	v0 =	vmax.f32 v0, $0.0e+00  }
0x114: {  	[tilespmem:s11+$0xFFFFFF80] =	vst v0;
	v0 =	vld [tilespmem:s11+$0xFFFFFF90]  }
0x115: {  	v1 =	vld [tilespmem:s9+$0xFFFFFF90];
	_ =	sdelay $0x4  }
0x116: {  	v0 =	vadd.f32 v1, v0;
	_ =	sdelay $0x1  }
0x117: {  	v0 =	vmax.f32 v0, $0.0e+00  }
0x118: {  	[tilespmem:s11+$0xFFFFFF90] =	vst v0;
	v0 =	vld [tilespmem:s11+$0xFFFFFFA0]  }
0x119: {  	v1 =	vld [tilespmem:s9+$0xFFFFFFA0];
	_ =	sdelay $0x4  }
0x11a: {  	v0 =	vadd.f32 v1, v0;
	_ =	sdelay $0x1  }
0x11b: {  	v0 =	vmax.f32 v0, $0.0e+00  }
0x11c: {  	[tilespmem:s11+$0xFFFFFFA0] =	vst v0;
	v0 =	vld [tilespmem:s11+$0xFFFFFFB0]  }
0x11d: {  	v1 =	vld [tilespmem:s9+$0xFFFFFFB0];
	_ =	sdelay $0x4  }
0x11e: {  	v0 =	vadd.f32 v1, v0;
	_ =	sdelay $0x1  }
0x11f: {  	v0 =	vmax.f32 v0, $0.0e+00  }
0x120: {  	[tilespmem:s11+$0xFFFFFFB0] =	vst v0;
	v0 =	vld [tilespmem:s11+$0xFFFFFFC0]  }
0x121: {  	v1 =	vld [tilespmem:s9+$0xFFFFFFC0];
	_ =	sdelay $0x4  }
0x122: {  	v0 =	vadd.f32 v1, v0;
	_ =	sdelay $0x1  }
0x123: {  	v0 =	vmax.f32 v0, $0.0e+00  }
0x124: {  	[tilespmem:s11+$0xFFFFFFC0] =	vst v0;
	v0 =	vld [tilespmem:s11+$0xFFFFFFD0]  }
0x125: {  	v1 =	vld [tilespmem:s9+$0xFFFFFFD0];
	_ =	sdelay $0x4  }
0x126: {  	v0 =	vadd.f32 v1, v0;
	_ =	sdelay $0x1  }
0x127: {  	v0 =	vmax.f32 v0, $0.0e+00  }
0x128: {  	[tilespmem:s11+$0xFFFFFFD0] =	vst v0;
	v0 =	vld [tilespmem:s11+$0xFFFFFFE0]  }
0x129: {  	v1 =	vld [tilespmem:s9+$0xFFFFFFE0];
	_ =	sdelay $0x4  }
0x12a: {  	v0 =	vadd.f32 v1, v0;
	_ =	sdelay $0x1  }
0x12b: {  	v0 =	vmax.f32 v0, $0.0e+00  }
0x12c: {  	[tilespmem:s11+$0xFFFFFFE0] =	vst v0;
	v0 =	vld [tilespmem:s11+$0xFFFFFFF0]  }
0x12d: {  	v1 =	vld [tilespmem:s9+$0xFFFFFFF0];
	_ =	sdelay $0x4  }
0x12e: {  	v0 =	vadd.f32 v1, v0;
	_ =	sdelay $0x1  }
0x12f: {  	v0 =	vmax.f32 v0, $0.0e+00  }
0x130: {  	[tilespmem:s11+$0xFFFFFFF0] =	vst v0;
	v0 =	vld [tilespmem:s11+$0x0]  }
0x131: {  	v1 =	vld [tilespmem:s9+$0x0];
	_ =	sdelay $0x4  }
0x132: {  	v0 =	vadd.f32 v1, v0;
	_ =	sdelay $0x1  }
0x133: {  	v0 =	vmax.f32 v0, $0.0e+00  }
0x134: {  	[tilespmem:s11+$0x0] =	vst v0;
	v0 =	vld [tilespmem:s11+$0x10]  }
0x135: {  	v1 =	vld [tilespmem:s9+$0x10];
	_ =	sdelay $0x4  }
0x136: {  	v0 =	vadd.f32 v1, v0;
	_ =	sdelay $0x1  }
0x137: {  	v0 =	vmax.f32 v0, $0.0e+00  }
0x138: {  	[tilespmem:s11+$0x10] =	vst v0;
	v0 =	vld [tilespmem:s11+$0x20]  }
0x139: {  	v1 =	vld [tilespmem:s9+$0x20];
	_ =	sdelay $0x4  }
0x13a: {  	v0 =	vadd.f32 v1, v0;
	_ =	sdelay $0x1  }
0x13b: {  	v0 =	vmax.f32 v0, $0.0e+00  }
0x13c: {  	[tilespmem:s11+$0x20] =	vst v0;
	v0 =	vld [tilespmem:s11+$0x30]  }
0x13d: {  	v1 =	vld [tilespmem:s9+$0x30];
	_ =	sdelay $0x4  }
0x13e: {  	v0 =	vadd.f32 v1, v0;
	_ =	sdelay $0x1  }
0x13f: {  	v0 =	vmax.f32 v0, $0.0e+00  }
0x140: {  	[tilespmem:s11+$0x30] =	vst v0;
	v0 =	vld [tilespmem:s11+$0x40]  }
0x141: {  	v1 =	vld [tilespmem:s9+$0x40];
	_ =	sdelay $0x4  }
0x142: {  	v0 =	vadd.f32 v1, v0;
	_ =	sdelay $0x1  }
0x143: {  	v0 =	vmax.f32 v0, $0.0e+00  }
0x144: {  	[tilespmem:s11+$0x40] =	vst v0;
	v0 =	vld [tilespmem:s11+$0x50]  }
0x145: {  	v1 =	vld [tilespmem:s9+$0x50];
	_ =	sdelay $0x4  }
0x146: {  	v0 =	vadd.f32 v1, v0;
	_ =	sdelay $0x1  }
0x147: {  	v0 =	vmax.f32 v0, $0.0e+00  }
0x148: {  	[tilespmem:s11+$0x50] =	vst v0;
	v0 =	vld [tilespmem:s11+$0x60]  }
0x149: {  	v1 =	vld [tilespmem:s9+$0x60];
	_ =	sdelay $0x4  }
0x14a: {  	v0 =	vadd.f32 v1, v0;
	_ =	sdelay $0x1  }
0x14b: {  	v0 =	vmax.f32 v0, $0.0e+00  }
0x14c: {  	[tilespmem:s11+$0x60] =	vst v0;
	v0 =	vld [tilespmem:s11+$0x70]  }
0x14d: {  	v1 =	vld [tilespmem:s9+$0x70];
	_ =	sdelay $0x2  }
.Ltmp1:
0x14e: {  	(pc) =	sbr.rel @p0 .LBB2_5-.Ltmp1, $3  }
0x14f: {  	_ = 	snop  }
0x150: {  	v0 =	vadd.f32 v1, v0;
	_ =	sdelay $0x1  }
0x151: {  	s11 =	sadd.s32 $0x100, s11;
	v0 =	vmax.f32 v0, $0.0e+00  }
0x152: {  	p0 =	sne.s32 s1, $0x28  }
.Ltmp2:
0x153: {  	[tilespmem:s20+$0x70] =	vst v0;
	(pc) =	sbr.rel @p0 .LBB2_2-.Ltmp2, $4  }
0x154: {  	[spmem:s2] =	stream.indirect.scatter.add.f32 [tilespmem:s22], [sflag:$0x7], $0x40, s24, s18, $0xb8;
	[tilespmem:$0x14700] =	vst v63  }
0x155: {  	_ =	swait.ge [sflag:s15], $0x2000  }
0x156: {  	[sflag:s15] =	ssyncset.done $0x0  }
0x157: {  	[sflag:s15] =	ssyncadd.s32 $0xFFFFE000  }
0x158: {  	s0 =	sadd.s32 $0x1, s0  }
0x159: {  	p0 =	sne.s32 s0, s14  }
.Ltmp3:
0x15a: {  	[bflag:$0x0] =	sbarrier.arrive $0xFFFF;
	(pc) =	sbr.rel @p0 .LBB2_1-.Ltmp3, $4  }
0x15b: {  	[hbm:s13], [sflag:s16] =	dma.local [spmem:s17], $0x13C0  }
0x15c: {  	_ =	swait.ge [sflag:s15], $0x13C0  }
0x15d: {  	[sflag:s15] =	ssyncset.done $0x0  }
0x15e: {  	[sflag:s15] =	ssyncadd.s32 $0xFFFFEC40  }
0x15f: {  	_ =	sfence.sel $0x180000  }
0x160: {  	[bflag:$0x0] =	sbarrier.arrive $0xFFFF  }
0x161: {  	_ =	strace $0x9000004A  }
0x162: {  	s0 =	stileid.u32;
	[bflag:$0x2] =	sbarrier.arrive $0xFFFF  }
0x163: {  	p0 =	sne.s32 s0, $0x0;
	s0 =	rddreg [dreg:$0x2]  }
0x164: {  	s0 =	sadd.s32 @!p0 $0x100000, s0  }
0x165: {  	[sflag:s0] =	ssyncadd.tile.s32 @!p0 $0x1;
	_ =	shalt  }
.Lfunc_end2:
_tile_overlayer_lowered:
.L_overlay_start_2:
0x166: {  	(tag) =	ssettag $0x2  }
0x167: {  	s0 =	rddreg [dreg:$0x0];
	s2 =	stileid.u32  }
0x168: {  	s1 =	rddreg [dreg:$0x1];
	p0 =	sne.s32 s2, $0x0  }
0x169: {  	s3 =	rddreg [dreg:$0x2];
	[bflag:$0x3] =	sbarrier.arrive $0xFFFF;
	s2 =	simm.s32 @!p0 $0x1C07  }
0x16a: {  	[timem:s3], [sflag:s2] =	dma.local @!p0 [hbm:s0], s1  }
0x16b: {  	s0 =	simm.s32 @!p0 $0x7  }
0x16c: {  	_ =	swait.ge @!p0 [sflag:s0], s1  }
0x16d: {  	s1 =	ssub.s32 @!p0 $0x0, s1;
	[sflag:s0] =	ssyncset.done @!p0 $0x0  }
0x16e: {  	[sflag:s0] =	ssyncadd.s32 @!p0 s1  }
0x16f: {  	[bflag:$0x3] =	sbarrier.arrive $0xFFFF  }
0x170: {  	_ =	shalt  }

// kernel: kernel.8.cloned.1.call-start
scs
__scs_entry_jumppad:
0x0: {  	(pc) =	sbr.rel $0x88, $3  }
0x1: {  	(tag) =	ssettag $0x0;
	lr =	simm.s32 $0x1  }
0x2: {  	[smem:$0x3F8C] =	sst lr;
	_ =	strace $0xD0000000  }
0x3: {  	_ = 	snop  }
0x4: {  	_ = 	snop  }
0x5: {  	_ = 	snop  }
0x6: {  	_ = 	snop  }
0x7: {  	_ = 	snop  }
__scs_overlays_trampoline_lowered:
0x8: {  	[smem:$0x3F9B] =	sst s0  }
0x9: {  	[smem:$0x3F9C] =	sst s1  }
0xa: {  	[smem:$0x3F9D] =	sst s2  }
0xb: {  	[smem:$0x3F9E] =	sst s3  }
0xc: {  	[smem:$0x3F9F] =	sst s4  }
0xd: {  	[smem:$0x3FA0] =	sst s5  }
0xe: {  	[smem:$0x3FA1] =	sst s6  }
0xf: {  	[smem:$0x3FA2] =	sst s7  }
0x10: {  	[smem:$0x3FA3] =	sst s8  }
0x11: {  	[smem:$0x3FA4] =	sst s9;
	s0 =	simm.s32 @!p0 $0x0  }
0x12: {  	s1 =	sld [smem:$0x3F8A];
	s0 =	simm.s32 @p0 $0x1  }
0x13: {  	[smem:$0x3FA5] =	sst s0;
	s0 =	simm.s32 @!p1 $0x0  }
0x14: {  	s2 =	sld [smem:$0x3F89];
	s0 =	simm.s32 @p1 $0x1  }
0x15: {  	[smem:$0x3FA6] =	sst s0;
	s0 =	simm.s32 @!p2 $0x0  }
0x16: {  	s3 =	sld [smem:$0x3FDB];
	s0 =	simm.s32 @p2 $0x1  }
0x17: {  	s4 =	simm.s32 $0x1BF5;
	[smem:$0x3FA8] =	sst s0  }
0x18: {  	s0 =	sld [smem:$0x3F8B];
	_ =	swait.ge [sflag:s4], $0x0  }
0x19: {  	s7 =	sld [smem:$0x3F8C]  }
0x1a: {  	s8 =	sadd.s32 $0xFFFFE003, lr  }
0x1b: {  	s9 =	sadd.s32 $0xFFFFFEF7, lr;
	s5 =	simm.s32 $0xFFFFFFFF;
	p2 =	slt.u32 s8, $0xFFFFF086  }
0x1c: {  	p1 =	slt.u32 s9, $0xF7A;
	s5 =	simm.s32 @!p2 $0x0  }
0x1d: {  	s5 =	simm.s32 @p1 $0x1;
	p0 =	seq.s32 s7, s2  }
0x1e: {  	s7 =	smul.u32 @!p0 $0xF7A, s2;
	p2 =	seq.s32 @!p0 s5, $0x0  }
0x1f: {  	s9 =	smul.u32 $0xF7A, s1;
	s8 =	simm.s32 @!p0 $0x1BF5;
	p2 =	por !p2, p0  }
0x20: {  	[sflag:s8] =	ssyncset.s32 @!p0 $0xFFFFF086;
	s6 =	sadd.s32 @!p0 s3, s7;
	s7 =	simm.s32 @!p0 $0x108  }
0x21: {  	s3 =	sadd.s32 s3, s9;
	s6 =	sadd.s32 @!p0 $0x88, s6;
	s7 =	simm.s32 @p2 $0x1082  }
0x22: {  	[simem:s7], [sflag:s8] =	dma.local @!p0 [hbm:s6], $0xF7A  }
0x23: {  	s9 =	sor.u32 $0xD0000000, s2;
	s6 =	simm.s32 $0x108;
	_ =	swait.ge @!p0 [sflag:s8], $0x0  }
0x24: {  	s3 =	sadd.s32 $0x88, s3;
	s6 =	simm.s32 @!p1 $0x1082;
	[sflag:s4] =	ssyncset.s32 $0xFFFFF086  }
0x25: {  	[simem:s6], [sflag:s4] =	dma.local [hbm:s3], $0xF7A  }
0x26: {  	[smem:$0x3F8C] =	sst s1;
	(tag) =	ssettag s2;
	_ =	strace s9  }
0x27: {  	s1 =	sld [smem:$0x3F9C]  }
0x28: {  	s2 =	sld [smem:$0x3F9D]  }
0x29: {  	s4 =	sld [smem:$0x3F9F]  }
0x2a: {  	p0 =	seq.s32 s5, $0x0;
	s5 =	sld [smem:$0x3FA0]  }
0x2b: {  	s6 =	sld [smem:$0x3FA1]  }
0x2c: {  	s7 =	sld [smem:$0x3FA2]  }
0x2d: {  	s3 =	simm.s32 $0x108;
	s8 =	sld [smem:$0x3FA3]  }
0x2e: {  	s3 =	simm.s32 @!p0 $0x1082;
	s9 =	sld [smem:$0x3FA4]  }
0x2f: {  	lr =	sadd.s32 s0, s3;
	s0 =	sld [smem:$0x3F9B]  }
0x30: {  	s3 =	sld [smem:$0x3F9E]  }
0x31: {  	[smem:$0x3FA7] =	sst s10  }
0x32: {  	s10 =	sld [smem:$0x3FA5];
	_ =	sdelay $0x3  }
0x33: {  	p0 =	seq.s32 s10, $0x1;
	s10 =	sld [smem:$0x3FA7];
	_ =	sdelay $0x3  }
0x34: {  	[smem:$0x3FA7] =	sst s10  }
0x35: {  	s10 =	sld [smem:$0x3FA6];
	_ =	sdelay $0x3  }
0x36: {  	p1 =	seq.s32 s10, $0x1;
	s10 =	sld [smem:$0x3FA7];
	_ =	sdelay $0x3  }
0x37: {  	[smem:$0x3FA7] =	sst s10  }
0x38: {  	s10 =	sld [smem:$0x3FA8]  }
0x39: {  	_ = 	snop;
	(pc) =	sbr.ind lr, $3  }
0x3a: {  	_ = 	snop  }
0x3b: {  	_ = 	snop  }
0x3c: {  	p2 =	seq.s32 s10, $0x1;
	s10 =	sld [smem:$0x3FA7]  }
0x3d: {  	_ =	shalt  }
0x3e: {  	_ =	shalt  }
0x3f: {  	_ =	shalt  }
0x40: {  	_ =	shalt  }
0x41: {  	_ =	shalt  }
0x42: {  	_ =	shalt  }
0x43: {  	_ =	shalt  }
0x44: {  	_ =	shalt  }
0x45: {  	_ =	shalt  }
0x46: {  	_ =	shalt  }
0x47: {  	_ =	shalt  }
0x48: {  	_ =	shalt  }
0x49: {  	_ =	shalt  }
0x4a: {  	_ =	shalt  }
0x4b: {  	_ =	shalt  }
0x4c: {  	_ =	shalt  }
0x4d: {  	_ =	shalt  }
0x4e: {  	_ =	shalt  }
0x4f: {  	_ =	shalt  }
0x50: {  	_ =	shalt  }
0x51: {  	_ =	shalt  }
0x52: {  	_ =	shalt  }
0x53: {  	_ =	shalt  }
0x54: {  	_ =	shalt  }
0x55: {  	_ =	shalt  }
0x56: {  	_ =	shalt  }
0x57: {  	_ =	shalt  }
0x58: {  	_ =	shalt  }
0x59: {  	_ =	shalt  }
0x5a: {  	_ =	shalt  }
0x5b: {  	_ =	shalt  }
0x5c: {  	_ =	shalt  }
0x5d: {  	_ =	shalt  }
0x5e: {  	_ =	shalt  }
0x5f: {  	_ =	shalt  }
0x60: {  	_ =	shalt  }
0x61: {  	_ =	shalt  }
0x62: {  	_ =	shalt  }
0x63: {  	_ =	shalt  }
0x64: {  	_ =	shalt  }
0x65: {  	_ =	shalt  }
0x66: {  	_ =	shalt  }
0x67: {  	_ =	shalt  }
0x68: {  	_ =	shalt  }
0x69: {  	_ =	shalt  }
0x6a: {  	_ =	shalt  }
0x6b: {  	_ =	shalt  }
0x6c: {  	_ =	shalt  }
0x6d: {  	_ =	shalt  }
0x6e: {  	_ =	shalt  }
0x6f: {  	_ =	shalt  }
0x70: {  	_ =	shalt  }
0x71: {  	_ =	shalt  }
0x72: {  	_ =	shalt  }
0x73: {  	_ =	shalt  }
0x74: {  	_ =	shalt  }
0x75: {  	_ =	shalt  }
0x76: {  	_ =	shalt  }
0x77: {  	_ =	shalt  }
0x78: {  	_ =	shalt  }
0x79: {  	_ =	shalt  }
0x7a: {  	_ =	shalt  }
0x7b: {  	_ =	shalt  }
0x7c: {  	_ =	shalt  }
0x7d: {  	_ =	shalt  }
0x7e: {  	_ =	shalt  }
0x7f: {  	_ =	shalt  }
0x80: {  	_ =	shalt  }
0x81: {  	_ =	shalt  }
0x82: {  	_ =	shalt  }
0x83: {  	_ =	shalt  }
0x84: {  	_ =	shalt  }
0x85: {  	_ =	shalt  }
0x86: {  	_ =	shalt  }
0x87: {  	_ =	shalt  }
.Lfunc_end0:
.L_simem_size_0:
called_computation_lowered:
.L_overlay_start_0:
0x88: {  	s2 =	sld [smem:$0x3FD9]  }
0x89: {  	s3 =	sld [smem:$0x3FFE];
	_ =	sdelay $0x1  }
0x8a: {  	s1 =	srdreg.scid  }
0x8b: {  	s0 =	sand.u32 $0x1, s1  }
0x8c: {  	s17 =	sshll.u32 s0, $0xA;
	s2 =	sadd.s32 s3, s2  }
0x8d: {  	s2 =	sadd.s32 s2, s17  }
0x8e: {  	[smem:$0x3FB3] =	sst s2  }
0x8f: {  	_ = 	snop  }
0x90: {  	s2 =	sld [smem:$0x3FC9];
	(tm) =	ssettm $0x1  }
0x91: {  	s18 =	sld [smem:$0x3FFB];
	_ =	sdelay $0x3  }
0x92: {  	_ =	strace s18  }
0x93: {  	s3 =	sld [smem:$0x3FFC];
	_ =	sdelay $0x3  }
0x94: {  	_ =	strace s3  }
0x95: {  	s3 =	sld [smem:$0x3FFD];
	_ =	sdelay $0x3  }
0x96: {  	_ =	strace s3  }
0x97: {  	_ =	strace $0x8FFFFFFF  }
0x98: {  	s19 =	sld [smem:$0x3FDB];
	_ =	sdelay $0x1  }
0x99: {  	s4 =	simm.s32 $_scs_section_size  }
0x9a: {  	s5 =	simm.s32 $_size__tile_overlayer_lowered;
	s6 =	simm.s32 $_tile_overlayer_lowered  }
0x9b: {  	s22 =	simm.s32 $0x1BFF;
	s21 =	sshll.u32 s6, $0x1;
	s3 =	sadd.s32 s4, s19  }
0x9c: {  	s7 =	simm.s32 $0x0;
	s20 =	sshll.u32 s5, $0x1;
	s5 =	sadd.s32 s21, s3  }
0x9d: {  	[timem:s7], [sflag:s22] =	dma.local [hbm:s5], s20  }
0x9e: {  	_ =	swait.ge [sflag:s22], s20  }
0x9f: {  	s4 =	ssub.s32 $0x0, s20;
	[sflag:s22] =	ssyncset.done $0x0  }
0xa0: {  	[sflag:s22] =	ssyncadd.s32 s4;
	_ =	sdelay $0x1  }
0xa1: {  	s23 =	simm.s32 $0x1B8B  }
0xa2: {  	_ =	swait.ge [sflag:s23], $0x1  }
0xa3: {  	[sflag:s23] =	ssyncset.done $0x0  }
0xa4: {  	s25 =	simm.s32 $0x1B8E;
	s24 =	sld [smem:$0x3FFE];
	[sflag:s23] =	ssyncadd.s32 $0xFFFFFFFF  }
0xa5: {  	s26 =	simm.s32 $execute0_lowered;
	[smem:$0x3FD2] =	sst s25  }
0xa6: {  	s5 =	sshll.u32 s26, $0x1;
	_ =	strace $0x80000046;
	[dreg:$0x1] =	wrdreg $0xFFFFFFFF  }
0xa7: {  	s28 =	simm.s32 $_size_execute0_lowered;
	s3 =	sadd.s32 s3, s5;
	[dreg:$0x0] =	wrdreg $0x0  }
0xa8: {  	s5 =	sshll.u32 s28, $0x1;
	[dreg:$0x2] =	wrdreg s3  }
0xa9: {  	[dreg:$0x3] =	wrdreg s5  }
0xaa: {  	[dreg:$0x4] =	wrdreg $0xC0  }
0xab: {  	_ =	task [dreg:s7], $0x5FFFF  }
0xac: {  	[dreg:$0x1] =	wrdreg $0xFFFFFFFF  }
0xad: {  	[dreg:$0x0] =	wrdreg $0x60  }
0xae: {  	[dreg:$0x2] =	wrdreg s2  }
0xaf: {  	[dreg:$0x3] =	wrdreg s24  }
0xb0: {  	[dreg:$0x4] =	wrdreg $0xA8800  }
0xb1: {  	[dreg:$0x5] =	wrdreg $0x9  }
0xb2: {  	_ =	task.clear_ibuf [dreg:s7], $0x6FFFF;
	_ =	strace $0x90000046  }
0xb3: {  	s29 =	simm.s32 $0x9;
	_ =	strace $0x80000048  }
0xb4: {  	_ =	swait.ge [sflag:s29], $0x1  }
0xb5: {  	[sflag:s29] =	ssyncadd.s32 $0xFFFFFFFF  }
0xb6: {  	_ =	strace $0x90000048  }
0xb7: {  	_ =	sfence  }
0xb8: {  	s30 =	sld [smem:$0x0];
	_ =	sdelay $0x2  }
0xb9: {  	s31 =	sshll.u32 s1, $0xD;
	s1 =	sshrl.u32 s1, $0x2  }
0xba: {  	s3 =	sand.u32 $0x4000, s31;
	s1 =	sadd.s32 s1, s30  }
0xbb: {  	s0 =	sor.u32 s3, s0;
	s1 =	sshll.u32 s1, $0x11  }
0xbc: {  	s0 =	sor.u32 s1, s0  }
0xbd: {  	s0 =	sadd.s32 $0x8F2B, s0  }
0xbe: {  	[sflag:s0] =	ssyncadd.remote.s32 $0x1  }
0xbf: {  	_ =	sfence.sel $0xFFFF  }
0xc0: {  	[dreg:$0x0] =	wrdreg $0xFFFFFFFF;
	(pc) =	sbr.abs _section_cstart, $3  }
0xc1: {  	[dreg:$0x1] =	wrdreg $0xFFFFFFFF  }
0xc2: {  	_ =	task.clear_ibuf [dreg:s7], $0x2FFFF;
	_ =	strace $0x9FFFFFFF  }
0xc3: {  	(tm) =	ssettm $0x7FFFFFFF  }
tec
execute0_lowered:
.L_overlay_start_1:
0x0: {  	(tag) =	ssettag $0x1  }
0x1: {  	s1 =	rddreg [dreg:$0x0]  }
0x2: {  	s0 =	srdreg.scid;
	s2 =	rddreg [dreg:$0x1]  }
0x3: {  	s14 =	stileid.u32;
	s3 =	rddreg [dreg:$0x2];
	s15 =	simm.s32 $0x7  }
0x4: {  	s18 =	simm.s32 $0x40;
	s19 =	simm.s32 $0x2880;
	s21 =	simm.s32 $0x2800  }
0x5: {  	s22 =	simm.s32 $0x4880;
	s23 =	simm.s32 $0x8880;
	s28 =	simm.s32 $0x5  }
0x6: {  	s29 =	simm.s32 $0x2;
	s30 =	simm.s32 $0x4;
	s31 =	simm.s32 $0x6  }
0x7: {  	s0 =	sand.u32 $0x1, s0;
	s9 =	smul.u32 $0x13C00, s14;
	s6 =	sadd.s32 $0x4E4600, s2  }
0x8: {  	s7 =	sadd.s32 $0xEF8600, s2;
	s13 =	sadd.s32 $0x2600, s2;
	s26 =	sshll.u32 s14, $0x6  }
0x9: {  	s4 =	sshll.u32 s0, $0x4;
	s11 =	smul.u32 $0x13C000, s0;
	s0 =	ssub.s32 $0x2, s0  }
0xa: {  	s16 =	sor.u32 $0x1C07, s26;
	s26 =	simm.s32 $0x3;
	s8 =	sor.u32 s14, s4  }
0xb: {  	s4 =	simm.s32 $0x0;
	s24 =	sshrl.u32 s0, $0x1;
	s5 =	smul.u32 $0x2800, s8  }
0xc: {  	[smem:$0x7FF] =	sst s4;
	s11 =	sadd.s32 s9, s11;
	s8 =	smul.u32 $0x140000, s8  }
0xd: {  	s0 =	ssub.s32 s0, s24;
	s9 =	sadd.s32 s9, s3;
	s24 =	simm.s32 $0x2840  }
0xe: {  	_ =	strace $0x80000047;
	[dreg:$0x4] =	wrdreg s13;
	s11 =	sshrl.u32 s11, $0x3  }
0xf: {  	s14 =	smax.u32 s0, $0x1;
	s10 =	sshrl.u32 s5, $0x3;
	s25 =	sshrl.u32 s8, $0x3  }
0x10: {  	s12 =	sadd.s32 s10, s2;
	s2 =	sadd.s32 s11, s2;
	s11 =	sadd.s32 s7, s25  }
0x11: {  	s17 =	sshrl.u32 s9, $0x3;
	s10 =	sadd.s32 s6, s10;
	[dreg:$0x6] =	wrdreg s11  }
0x12: {  	s25 =	simm.s32 $0x1;
	s12 =	sadd.s32 $0x4EE600, s12;
	[dreg:$0x7] =	wrdreg s10  }
0x13: {  	s13 =	sadd.s32 $0x4E00, s2;
	s2 =	simm.s32 $0x0;
	[dreg:$0x5] =	wrdreg s12  }
.LBB2_1:
0x14: {  	s0 =	rddreg [dreg:$0x5]  }
0x15: {  	[tilespmem:s4], [sflag:$0x7] =	stream.linear.gather [hbm4b:s0+s4], $0x2800, $0x38;
	[tilespmem:$0x1E480] =	vst v63  }
0x16: {  	_ =	swait.ge [sflag:s15], $0x2800  }
0x17: {  	[sflag:s15] =	ssyncset.done $0x0  }
0x18: {  	s11 =	rddreg [dreg:$0x4];
	[sflag:s15] =	ssyncadd.s32 $0xFFFFD800  }
0x19: {  	[spmem:s17], [sflag:s16] =	dma.local [hbm:s11], $0x2780  }
0x1a: {  	_ =	swait.ge [sflag:s15], $0x2780  }
0x1b: {  	[sflag:s15] =	ssyncset.done $0x0  }
0x1c: {  	[sflag:s15] =	ssyncadd.s32 $0xFFFFD880  }
0x1d: {  	[bflag:$0x0] =	sbarrier.arrive $0xFFFF  }
0x1e: {  	[tilespmem:s19], [sflag:$0x1] =	stream.indirect.gather [hbm4b:s1+s18], $0x80, s4, s18, $0xb8;
	[tilespmem:$0x1E480] =	vst v63  }
0x1f: {  	s9 =	simm.s32 $0x6880;
	s12 =	rddreg [dreg:$0x6]  }
0x20: {  	[tilespmem:s9], [sflag:$0x3] =	stream.linear.gather [hbm4b:s12+s4], $0x2000, $0x38;
	[tilespmem:$0x1E480] =	vst v63  }
0x21: {  	s0 =	simm.s32 $0x0;
	s20 =	rddreg [dreg:$0x7]  }
0x22: {  	[tilespmem:s21], [sflag:$0x5] =	stream.linear.gather [hbm4b:s20+s4], $0x40, $0x38;
	[tilespmem:$0x1E480] =	vst v63  }
.LBB2_2:
0x23: {  	s9 =	sshllo.u32 s0, $0x1  }
0x24: {  	s10 =	sshll.u32 s9, $0x6;
	s9 =	sshll.u32 s9, $0xD  }
0x25: {  	[tilespmem:s22], [sflag:$0x2] =	stream.indirect.gather [hbm4b:s1+s18], $0x80, s10, s18, $0xb8;
	[tilespmem:$0x1E480] =	vst v63  }
0x26: {  	s9 =	sadd.s32 s8, s9  }
0x27: {  	s9 =	sshrl.u32 s9, $0x3  }
0x28: {  	s20 =	sadd.s32 s5, s10;
	s9 =	sadd.s32 s7, s9  }
0x29: {  	[tilespmem:s23], [sflag:$0x4] =	stream.linear.gather [hbm4b:s9+s4], $0x2000, $0x38;
	[tilespmem:$0x1E480] =	vst v63  }
0x2a: {  	s9 =	sshrl.u32 s20, $0x3  }
0x2b: {  	s9 =	sadd.s32 s6, s9  }
0x2c: {  	[tilespmem:s24], [sflag:$0x6] =	stream.linear.gather [hbm4b:s9+s4], $0x40, $0x38;
	[tilespmem:$0x1E480] =	vst v63  }
0x2d: {  	_ =	swait.ge [sflag:s25], $0x2000  }
0x2e: {  	[sflag:s25] =	ssyncset.done $0x0  }
0x2f: {  	[sflag:s25] =	ssyncadd.s32 $0xFFFFE000  }
0x30: {  	_ =	swait.ge [sflag:s26], $0x2000  }
0x31: {  	[sflag:s26] =	ssyncset.done $0x0  }
0x32: {  	[sflag:s26] =	ssyncadd.s32 $0xFFFFE000  }
0x33: {  	_ =	swait.ge [sflag:s28], $0x40  }
0x34: {  	[sflag:s28] =	ssyncset.done $0x0  }
0x35: {  	s20 =	simm.s32 $0x2980;
	[sflag:s28] =	ssyncadd.s32 $0xFFFFFFC0  }
0x36: {  	s9 =	simm.s32 $0x6980;
	v0 =	vld [tilespmem:s20+$0xFFFFFF00]  }
0x37: {  	v1 =	vld [tilespmem:s9+$0xFFFFFF00];
	_ =	sdelay $0x4  }
0x38: {  	v0 =	vadd.f32 v1, v0;
	_ =	sdelay $0x1  }
0x39: {  	v0 =	vmax.f32 v0, $0.0e+00  }
0x3a: {  	[tilespmem:s20+$0xFFFFFF00] =	vst v0;
	v0 =	vld [tilespmem:s20+$0xFFFFFF10]  }
0x3b: {  	v1 =	vld [tilespmem:s9+$0xFFFFFF10];
	_ =	sdelay $0x4  }
0x3c: {  	v0 =	vadd.f32 v1, v0;
	_ =	sdelay $0x1  }
0x3d: {  	v0 =	vmax.f32 v0, $0.0e+00  }
0x3e: {  	[tilespmem:s20+$0xFFFFFF10] =	vst v0;
	v0 =	vld [tilespmem:s20+$0xFFFFFF20]  }
0x3f: {  	v1 =	vld [tilespmem:s9+$0xFFFFFF20];
	_ =	sdelay $0x4  }
0x40: {  	v0 =	vadd.f32 v1, v0;
	_ =	sdelay $0x1  }
0x41: {  	v0 =	vmax.f32 v0, $0.0e+00  }
0x42: {  	[tilespmem:s20+$0xFFFFFF20] =	vst v0;
	v0 =	vld [tilespmem:s20+$0xFFFFFF30]  }
0x43: {  	v1 =	vld [tilespmem:s9+$0xFFFFFF30];
	_ =	sdelay $0x4  }
0x44: {  	v0 =	vadd.f32 v1, v0;
	_ =	sdelay $0x1  }
0x45: {  	v0 =	vmax.f32 v0, $0.0e+00  }
0x46: {  	[tilespmem:s20+$0xFFFFFF30] =	vst v0;
	v0 =	vld [tilespmem:s20+$0xFFFFFF40]  }
0x47: {  	v1 =	vld [tilespmem:s9+$0xFFFFFF40];
	_ =	sdelay $0x4  }
0x48: {  	v0 =	vadd.f32 v1, v0;
	_ =	sdelay $0x1  }
0x49: {  	v0 =	vmax.f32 v0, $0.0e+00  }
0x4a: {  	[tilespmem:s20+$0xFFFFFF40] =	vst v0;
	v0 =	vld [tilespmem:s20+$0xFFFFFF50]  }
0x4b: {  	v1 =	vld [tilespmem:s9+$0xFFFFFF50];
	_ =	sdelay $0x4  }
0x4c: {  	v0 =	vadd.f32 v1, v0;
	_ =	sdelay $0x1  }
0x4d: {  	v0 =	vmax.f32 v0, $0.0e+00  }
0x4e: {  	[tilespmem:s20+$0xFFFFFF50] =	vst v0;
	v0 =	vld [tilespmem:s20+$0xFFFFFF60]  }
0x4f: {  	v1 =	vld [tilespmem:s9+$0xFFFFFF60];
	_ =	sdelay $0x4  }
0x50: {  	v0 =	vadd.f32 v1, v0;
	_ =	sdelay $0x1  }
0x51: {  	v0 =	vmax.f32 v0, $0.0e+00  }
0x52: {  	[tilespmem:s20+$0xFFFFFF60] =	vst v0;
	v0 =	vld [tilespmem:s20+$0xFFFFFF70]  }
0x53: {  	v1 =	vld [tilespmem:s9+$0xFFFFFF70];
	_ =	sdelay $0x4  }
0x54: {  	v0 =	vadd.f32 v1, v0;
	_ =	sdelay $0x1  }
0x55: {  	v0 =	vmax.f32 v0, $0.0e+00  }
0x56: {  	[tilespmem:s20+$0xFFFFFF70] =	vst v0;
	v0 =	vld [tilespmem:s20+$0xFFFFFF80]  }
0x57: {  	v1 =	vld [tilespmem:s9+$0xFFFFFF80];
	_ =	sdelay $0x4  }
0x58: {  	v0 =	vadd.f32 v1, v0;
	_ =	sdelay $0x1  }
0x59: {  	v0 =	vmax.f32 v0, $0.0e+00  }
0x5a: {  	[tilespmem:s20+$0xFFFFFF80] =	vst v0;
	v0 =	vld [tilespmem:s20+$0xFFFFFF90]  }
0x5b: {  	v1 =	vld [tilespmem:s9+$0xFFFFFF90];
	_ =	sdelay $0x4  }
0x5c: {  	v0 =	vadd.f32 v1, v0;
	_ =	sdelay $0x1  }
0x5d: {  	v0 =	vmax.f32 v0, $0.0e+00  }
0x5e: {  	[tilespmem:s20+$0xFFFFFF90] =	vst v0;
	v0 =	vld [tilespmem:s20+$0xFFFFFFA0]  }
0x5f: {  	v1 =	vld [tilespmem:s9+$0xFFFFFFA0];
	_ =	sdelay $0x4  }
0x60: {  	v0 =	vadd.f32 v1, v0;
	_ =	sdelay $0x1  }
0x61: {  	v0 =	vmax.f32 v0, $0.0e+00  }
0x62: {  	[tilespmem:s20+$0xFFFFFFA0] =	vst v0;
	v0 =	vld [tilespmem:s20+$0xFFFFFFB0]  }
0x63: {  	v1 =	vld [tilespmem:s9+$0xFFFFFFB0];
	_ =	sdelay $0x4  }
0x64: {  	v0 =	vadd.f32 v1, v0;
	_ =	sdelay $0x1  }
0x65: {  	v0 =	vmax.f32 v0, $0.0e+00  }
0x66: {  	[tilespmem:s20+$0xFFFFFFB0] =	vst v0;
	v0 =	vld [tilespmem:s20+$0xFFFFFFC0]  }
0x67: {  	v1 =	vld [tilespmem:s9+$0xFFFFFFC0];
	_ =	sdelay $0x4  }
0x68: {  	v0 =	vadd.f32 v1, v0;
	_ =	sdelay $0x1  }
0x69: {  	v0 =	vmax.f32 v0, $0.0e+00  }
0x6a: {  	[tilespmem:s20+$0xFFFFFFC0] =	vst v0;
	v0 =	vld [tilespmem:s20+$0xFFFFFFD0]  }
0x6b: {  	v1 =	vld [tilespmem:s9+$0xFFFFFFD0];
	_ =	sdelay $0x4  }
0x6c: {  	v0 =	vadd.f32 v1, v0;
	_ =	sdelay $0x1  }
0x6d: {  	v0 =	vmax.f32 v0, $0.0e+00  }
0x6e: {  	[tilespmem:s20+$0xFFFFFFD0] =	vst v0;
	v0 =	vld [tilespmem:s20+$0xFFFFFFE0]  }
0x6f: {  	v1 =	vld [tilespmem:s9+$0xFFFFFFE0];
	_ =	sdelay $0x4  }
0x70: {  	v0 =	vadd.f32 v1, v0;
	_ =	sdelay $0x1  }
0x71: {  	v0 =	vmax.f32 v0, $0.0e+00  }
0x72: {  	[tilespmem:s20+$0xFFFFFFE0] =	vst v0;
	v0 =	vld [tilespmem:s20+$0xFFFFFFF0]  }
0x73: {  	v1 =	vld [tilespmem:s9+$0xFFFFFFF0];
	_ =	sdelay $0x4  }
0x74: {  	v0 =	vadd.f32 v1, v0;
	_ =	sdelay $0x1  }
0x75: {  	v0 =	vmax.f32 v0, $0.0e+00  }
0x76: {  	[tilespmem:s20+$0xFFFFFFF0] =	vst v0;
	v0 =	vld [tilespmem:s20+$0x0]  }
0x77: {  	v1 =	vld [tilespmem:s9+$0x0];
	_ =	sdelay $0x4  }
0x78: {  	v0 =	vadd.f32 v1, v0;
	_ =	sdelay $0x1  }
0x79: {  	v0 =	vmax.f32 v0, $0.0e+00  }
0x7a: {  	[tilespmem:s20+$0x0] =	vst v0;
	v0 =	vld [tilespmem:s20+$0x10]  }
0x7b: {  	v1 =	vld [tilespmem:s9+$0x10];
	_ =	sdelay $0x4  }
0x7c: {  	v0 =	vadd.f32 v1, v0;
	_ =	sdelay $0x1  }
0x7d: {  	v0 =	vmax.f32 v0, $0.0e+00  }
0x7e: {  	[tilespmem:s20+$0x10] =	vst v0;
	v0 =	vld [tilespmem:s20+$0x20]  }
0x7f: {  	v1 =	vld [tilespmem:s9+$0x20];
	_ =	sdelay $0x4  }
0x80: {  	v0 =	vadd.f32 v1, v0;
	_ =	sdelay $0x1  }
0x81: {  	v0 =	vmax.f32 v0, $0.0e+00  }
0x82: {  	[tilespmem:s20+$0x20] =	vst v0;
	v0 =	vld [tilespmem:s20+$0x30]  }
0x83: {  	v1 =	vld [tilespmem:s9+$0x30];
	_ =	sdelay $0x4  }
0x84: {  	v0 =	vadd.f32 v1, v0;
	_ =	sdelay $0x1  }
0x85: {  	v0 =	vmax.f32 v0, $0.0e+00  }
0x86: {  	[tilespmem:s20+$0x30] =	vst v0;
	v0 =	vld [tilespmem:s20+$0x40]  }
0x87: {  	v1 =	vld [tilespmem:s9+$0x40];
	_ =	sdelay $0x4  }
0x88: {  	v0 =	vadd.f32 v1, v0;
	_ =	sdelay $0x1  }
0x89: {  	v0 =	vmax.f32 v0, $0.0e+00  }
0x8a: {  	[tilespmem:s20+$0x40] =	vst v0;
	v0 =	vld [tilespmem:s20+$0x50]  }
0x8b: {  	v1 =	vld [tilespmem:s9+$0x50];
	_ =	sdelay $0x4  }
0x8c: {  	v0 =	vadd.f32 v1, v0;
	_ =	sdelay $0x1  }
0x8d: {  	v0 =	vmax.f32 v0, $0.0e+00  }
0x8e: {  	[tilespmem:s20+$0x50] =	vst v0;
	v0 =	vld [tilespmem:s20+$0x60]  }
0x8f: {  	v1 =	vld [tilespmem:s9+$0x60];
	_ =	sdelay $0x4  }
0x90: {  	v0 =	vadd.f32 v1, v0;
	_ =	sdelay $0x1  }
0x91: {  	v0 =	vmax.f32 v0, $0.0e+00  }
0x92: {  	[tilespmem:s20+$0x60] =	vst v0;
	v0 =	vld [tilespmem:s20+$0x70]  }
0x93: {  	v1 =	vld [tilespmem:s9+$0x70];
	_ =	sdelay $0x4  }
0x94: {  	v0 =	vadd.f32 v1, v0;
	_ =	sdelay $0x1  }
0x95: {  	v0 =	vmax.f32 v0, $0.0e+00  }
0x96: {  	[tilespmem:s20+$0x70] =	vst v0;
	v0 =	vld [tilespmem:s20+$0x80]  }
0x97: {  	v1 =	vld [tilespmem:s9+$0x80];
	_ =	sdelay $0x4  }
0x98: {  	v0 =	vadd.f32 v1, v0;
	_ =	sdelay $0x1  }
0x99: {  	v0 =	vmax.f32 v0, $0.0e+00  }
0x9a: {  	[tilespmem:s20+$0x80] =	vst v0;
	v0 =	vld [tilespmem:s20+$0x90]  }
0x9b: {  	v1 =	vld [tilespmem:s9+$0x90];
	_ =	sdelay $0x4  }
0x9c: {  	v0 =	vadd.f32 v1, v0;
	_ =	sdelay $0x1  }
0x9d: {  	v0 =	vmax.f32 v0, $0.0e+00  }
0x9e: {  	[tilespmem:s20+$0x90] =	vst v0;
	v0 =	vld [tilespmem:s20+$0xA0]  }
0x9f: {  	v1 =	vld [tilespmem:s9+$0xA0];
	_ =	sdelay $0x4  }
0xa0: {  	v0 =	vadd.f32 v1, v0;
	_ =	sdelay $0x1  }
0xa1: {  	v0 =	vmax.f32 v0, $0.0e+00  }
0xa2: {  	[tilespmem:s20+$0xA0] =	vst v0;
	v0 =	vld [tilespmem:s20+$0xB0]  }
0xa3: {  	v1 =	vld [tilespmem:s9+$0xB0];
	_ =	sdelay $0x4  }
0xa4: {  	v0 =	vadd.f32 v1, v0;
	_ =	sdelay $0x1  }
0xa5: {  	v0 =	vmax.f32 v0, $0.0e+00  }
0xa6: {  	[tilespmem:s20+$0xB0] =	vst v0;
	v0 =	vld [tilespmem:s20+$0xC0]  }
0xa7: {  	v1 =	vld [tilespmem:s9+$0xC0];
	_ =	sdelay $0x4  }
0xa8: {  	v0 =	vadd.f32 v1, v0;
	_ =	sdelay $0x1  }
0xa9: {  	v0 =	vmax.f32 v0, $0.0e+00  }
0xaa: {  	[tilespmem:s20+$0xC0] =	vst v0;
	v0 =	vld [tilespmem:s20+$0xD0]  }
0xab: {  	v1 =	vld [tilespmem:s9+$0xD0];
	_ =	sdelay $0x4  }
0xac: {  	v0 =	vadd.f32 v1, v0;
	_ =	sdelay $0x1  }
0xad: {  	v0 =	vmax.f32 v0, $0.0e+00  }
0xae: {  	[tilespmem:s20+$0xD0] =	vst v0;
	v0 =	vld [tilespmem:s20+$0xE0]  }
0xaf: {  	v1 =	vld [tilespmem:s9+$0xE0];
	_ =	sdelay $0x4  }
0xb0: {  	v0 =	vadd.f32 v1, v0;
	_ =	sdelay $0x1  }
0xb1: {  	v0 =	vmax.f32 v0, $0.0e+00  }
0xb2: {  	[tilespmem:s20+$0xE0] =	vst v0;
	v0 =	vld [tilespmem:s20+$0xF0]  }
0xb3: {  	v1 =	vld [tilespmem:s9+$0xF0];
	_ =	sdelay $0x4  }
0xb4: {  	v0 =	vadd.f32 v1, v0;
	_ =	sdelay $0x1  }
0xb5: {  	s11 =	simm.s32 $0x0;
	s12 =	simm.s32 $0x2B80;
	s10 =	sshll.u32 s0, $0x1;
	v0 =	vmax.f32 v0, $0.0e+00  }
.LBB2_3:
0xb6: {  	v1 =	vld [tilespmem:s12+$0xFFFFFF00];
	[tilespmem:s20+$0xF0] =	vst v0;
	s9 =	sadd.s32 $0x200, s9;
	s20 =	smov.u32 s12  }
0xb7: {  	s11 =	sadd.s32 $0x4, s11;
	v0 =	vld [tilespmem:s9+$0xFFFFFF00]  }
0xb8: {  	p0 =	slt.u32 s11, $0x3C;
	_ =	sdelay $0x3  }
0xb9: {  	v0 =	vadd.f32 v0, v1;
	_ =	sdelay $0x1  }
0xba: {  	v0 =	vmax.f32 v0, $0.0e+00  }
0xbb: {  	[tilespmem:s12+$0xFFFFFF00] =	vst v0;
	v0 =	vld [tilespmem:s12+$0xFFFFFF10]  }
0xbc: {  	v1 =	vld [tilespmem:s9+$0xFFFFFF10];
	_ =	sdelay $0x4  }
0xbd: {  	v0 =	vadd.f32 v1, v0;
	_ =	sdelay $0x1  }
0xbe: {  	v0 =	vmax.f32 v0, $0.0e+00  }
0xbf: {  	[tilespmem:s12+$0xFFFFFF10] =	vst v0;
	v0 =	vld [tilespmem:s12+$0xFFFFFF20]  }
0xc0: {  	v1 =	vld [tilespmem:s9+$0xFFFFFF20];
	_ =	sdelay $0x4  }
0xc1: {  	v0 =	vadd.f32 v1, v0;
	_ =	sdelay $0x1  }
0xc2: {  	v0 =	vmax.f32 v0, $0.0e+00  }
0xc3: {  	[tilespmem:s12+$0xFFFFFF20] =	vst v0;
	v0 =	vld [tilespmem:s12+$0xFFFFFF30]  }
0xc4: {  	v1 =	vld [tilespmem:s9+$0xFFFFFF30];
	_ =	sdelay $0x4  }
0xc5: {  	v0 =	vadd.f32 v1, v0;
	_ =	sdelay $0x1  }
0xc6: {  	v0 =	vmax.f32 v0, $0.0e+00  }
0xc7: {  	[tilespmem:s12+$0xFFFFFF30] =	vst v0;
	v0 =	vld [tilespmem:s12+$0xFFFFFF40]  }
0xc8: {  	v1 =	vld [tilespmem:s9+$0xFFFFFF40];
	_ =	sdelay $0x4  }
0xc9: {  	v0 =	vadd.f32 v1, v0;
	_ =	sdelay $0x1  }
0xca: {  	v0 =	vmax.f32 v0, $0.0e+00  }
0xcb: {  	[tilespmem:s12+$0xFFFFFF40] =	vst v0;
	v0 =	vld [tilespmem:s12+$0xFFFFFF50]  }
0xcc: {  	v1 =	vld [tilespmem:s9+$0xFFFFFF50];
	_ =	sdelay $0x4  }
0xcd: {  	v0 =	vadd.f32 v1, v0;
	_ =	sdelay $0x1  }
0xce: {  	v0 =	vmax.f32 v0, $0.0e+00  }
0xcf: {  	[tilespmem:s12+$0xFFFFFF50] =	vst v0;
	v0 =	vld [tilespmem:s12+$0xFFFFFF60]  }
0xd0: {  	v1 =	vld [tilespmem:s9+$0xFFFFFF60];
	_ =	sdelay $0x4  }
0xd1: {  	v0 =	vadd.f32 v1, v0;
	_ =	sdelay $0x1  }
0xd2: {  	v0 =	vmax.f32 v0, $0.0e+00  }
0xd3: {  	[tilespmem:s12+$0xFFFFFF60] =	vst v0;
	v0 =	vld [tilespmem:s12+$0xFFFFFF70]  }
0xd4: {  	v1 =	vld [tilespmem:s9+$0xFFFFFF70];
	_ =	sdelay $0x4  }
0xd5: {  	v0 =	vadd.f32 v1, v0;
	_ =	sdelay $0x1  }
0xd6: {  	v0 =	vmax.f32 v0, $0.0e+00  }
0xd7: {  	[tilespmem:s12+$0xFFFFFF70] =	vst v0;
	v0 =	vld [tilespmem:s12+$0xFFFFFF80]  }
0xd8: {  	v1 =	vld [tilespmem:s9+$0xFFFFFF80];
	_ =	sdelay $0x4  }
0xd9: {  	v0 =	vadd.f32 v1, v0;
	_ =	sdelay $0x1  }
0xda: {  	v0 =	vmax.f32 v0, $0.0e+00  }
0xdb: {  	[tilespmem:s12+$0xFFFFFF80] =	vst v0;
	v0 =	vld [tilespmem:s12+$0xFFFFFF90]  }
0xdc: {  	v1 =	vld [tilespmem:s9+$0xFFFFFF90];
	_ =	sdelay $0x4  }
0xdd: {  	v0 =	vadd.f32 v1, v0;
	_ =	sdelay $0x1  }
0xde: {  	v0 =	vmax.f32 v0, $0.0e+00  }
0xdf: {  	[tilespmem:s12+$0xFFFFFF90] =	vst v0;
	v0 =	vld [tilespmem:s12+$0xFFFFFFA0]  }
0xe0: {  	v1 =	vld [tilespmem:s9+$0xFFFFFFA0];
	_ =	sdelay $0x4  }
0xe1: {  	v0 =	vadd.f32 v1, v0;
	_ =	sdelay $0x1  }
0xe2: {  	v0 =	vmax.f32 v0, $0.0e+00  }
0xe3: {  	[tilespmem:s12+$0xFFFFFFA0] =	vst v0;
	v0 =	vld [tilespmem:s12+$0xFFFFFFB0]  }
0xe4: {  	v1 =	vld [tilespmem:s9+$0xFFFFFFB0];
	_ =	sdelay $0x4  }
0xe5: {  	v0 =	vadd.f32 v1, v0;
	_ =	sdelay $0x1  }
0xe6: {  	v0 =	vmax.f32 v0, $0.0e+00  }
0xe7: {  	[tilespmem:s12+$0xFFFFFFB0] =	vst v0;
	v0 =	vld [tilespmem:s12+$0xFFFFFFC0]  }
0xe8: {  	v1 =	vld [tilespmem:s9+$0xFFFFFFC0];
	_ =	sdelay $0x4  }
0xe9: {  	v0 =	vadd.f32 v1, v0;
	_ =	sdelay $0x1  }
0xea: {  	v0 =	vmax.f32 v0, $0.0e+00  }
0xeb: {  	[tilespmem:s12+$0xFFFFFFC0] =	vst v0;
	v0 =	vld [tilespmem:s12+$0xFFFFFFD0]  }
0xec: {  	v1 =	vld [tilespmem:s9+$0xFFFFFFD0];
	_ =	sdelay $0x4  }
0xed: {  	v0 =	vadd.f32 v1, v0;
	_ =	sdelay $0x1  }
0xee: {  	v0 =	vmax.f32 v0, $0.0e+00  }
0xef: {  	[tilespmem:s12+$0xFFFFFFD0] =	vst v0;
	v0 =	vld [tilespmem:s12+$0xFFFFFFE0]  }
0xf0: {  	v1 =	vld [tilespmem:s9+$0xFFFFFFE0];
	_ =	sdelay $0x4  }
0xf1: {  	v0 =	vadd.f32 v1, v0;
	_ =	sdelay $0x1  }
0xf2: {  	v0 =	vmax.f32 v0, $0.0e+00  }
0xf3: {  	[tilespmem:s12+$0xFFFFFFE0] =	vst v0;
	v0 =	vld [tilespmem:s12+$0xFFFFFFF0]  }
0xf4: {  	v1 =	vld [tilespmem:s9+$0xFFFFFFF0];
	_ =	sdelay $0x4  }
0xf5: {  	v0 =	vadd.f32 v1, v0;
	_ =	sdelay $0x1  }
0xf6: {  	v0 =	vmax.f32 v0, $0.0e+00  }
0xf7: {  	[tilespmem:s12+$0xFFFFFFF0] =	vst v0;
	v0 =	vld [tilespmem:s12+$0x0]  }
0xf8: {  	v1 =	vld [tilespmem:s9+$0x0];
	_ =	sdelay $0x4  }
0xf9: {  	v0 =	vadd.f32 v1, v0;
	_ =	sdelay $0x1  }
0xfa: {  	v0 =	vmax.f32 v0, $0.0e+00  }
0xfb: {  	[tilespmem:s12+$0x0] =	vst v0;
	v0 =	vld [tilespmem:s12+$0x10]  }
0xfc: {  	v1 =	vld [tilespmem:s9+$0x10];
	_ =	sdelay $0x4  }
0xfd: {  	v0 =	vadd.f32 v1, v0;
	_ =	sdelay $0x1  }
0xfe: {  	v0 =	vmax.f32 v0, $0.0e+00  }
0xff: {  	[tilespmem:s12+$0x10] =	vst v0;
	v0 =	vld [tilespmem:s12+$0x20]  }
0x100: {  	v1 =	vld [tilespmem:s9+$0x20];
	_ =	sdelay $0x4  }
0x101: {  	v0 =	vadd.f32 v1, v0;
	_ =	sdelay $0x1  }
0x102: {  	v0 =	vmax.f32 v0, $0.0e+00  }
0x103: {  	[tilespmem:s12+$0x20] =	vst v0;
	v0 =	vld [tilespmem:s12+$0x30]  }
0x104: {  	v1 =	vld [tilespmem:s9+$0x30];
	_ =	sdelay $0x4  }
0x105: {  	v0 =	vadd.f32 v1, v0;
	_ =	sdelay $0x1  }
0x106: {  	v0 =	vmax.f32 v0, $0.0e+00  }
0x107: {  	[tilespmem:s12+$0x30] =	vst v0;
	v0 =	vld [tilespmem:s12+$0x40]  }
0x108: {  	v1 =	vld [tilespmem:s9+$0x40];
	_ =	sdelay $0x4  }
0x109: {  	v0 =	vadd.f32 v1, v0;
	_ =	sdelay $0x1  }
0x10a: {  	v0 =	vmax.f32 v0, $0.0e+00  }
0x10b: {  	[tilespmem:s12+$0x40] =	vst v0;
	v0 =	vld [tilespmem:s12+$0x50]  }
0x10c: {  	v1 =	vld [tilespmem:s9+$0x50];
	_ =	sdelay $0x4  }
0x10d: {  	v0 =	vadd.f32 v1, v0;
	_ =	sdelay $0x1  }
0x10e: {  	v0 =	vmax.f32 v0, $0.0e+00  }
0x10f: {  	[tilespmem:s12+$0x50] =	vst v0;
	v0 =	vld [tilespmem:s12+$0x60]  }
0x110: {  	v1 =	vld [tilespmem:s9+$0x60];
	_ =	sdelay $0x4  }
0x111: {  	v0 =	vadd.f32 v1, v0;
	_ =	sdelay $0x1  }
0x112: {  	v0 =	vmax.f32 v0, $0.0e+00  }
0x113: {  	[tilespmem:s12+$0x60] =	vst v0;
	v0 =	vld [tilespmem:s12+$0x70]  }
0x114: {  	v1 =	vld [tilespmem:s9+$0x70];
	_ =	sdelay $0x4  }
0x115: {  	v0 =	vadd.f32 v1, v0;
	_ =	sdelay $0x1  }
0x116: {  	v0 =	vmax.f32 v0, $0.0e+00  }
0x117: {  	[tilespmem:s12+$0x70] =	vst v0;
	v0 =	vld [tilespmem:s12+$0x80]  }
0x118: {  	v1 =	vld [tilespmem:s9+$0x80];
	_ =	sdelay $0x4  }
0x119: {  	v0 =	vadd.f32 v1, v0;
	_ =	sdelay $0x1  }
0x11a: {  	v0 =	vmax.f32 v0, $0.0e+00  }
0x11b: {  	[tilespmem:s12+$0x80] =	vst v0;
	v0 =	vld [tilespmem:s12+$0x90]  }
0x11c: {  	v1 =	vld [tilespmem:s9+$0x90];
	_ =	sdelay $0x4  }
0x11d: {  	v0 =	vadd.f32 v1, v0;
	_ =	sdelay $0x1  }
0x11e: {  	v0 =	vmax.f32 v0, $0.0e+00  }
0x11f: {  	[tilespmem:s12+$0x90] =	vst v0;
	v0 =	vld [tilespmem:s12+$0xA0]  }
0x120: {  	v1 =	vld [tilespmem:s9+$0xA0];
	_ =	sdelay $0x4  }
0x121: {  	v0 =	vadd.f32 v1, v0;
	_ =	sdelay $0x1  }
0x122: {  	v0 =	vmax.f32 v0, $0.0e+00  }
0x123: {  	[tilespmem:s12+$0xA0] =	vst v0;
	v0 =	vld [tilespmem:s12+$0xB0]  }
0x124: {  	v1 =	vld [tilespmem:s9+$0xB0];
	_ =	sdelay $0x4  }
0x125: {  	v0 =	vadd.f32 v1, v0;
	_ =	sdelay $0x1  }
0x126: {  	v0 =	vmax.f32 v0, $0.0e+00  }
0x127: {  	[tilespmem:s12+$0xB0] =	vst v0;
	v0 =	vld [tilespmem:s12+$0xC0]  }
0x128: {  	v1 =	vld [tilespmem:s9+$0xC0];
	_ =	sdelay $0x4  }
0x129: {  	v0 =	vadd.f32 v1, v0;
	_ =	sdelay $0x1  }
0x12a: {  	v0 =	vmax.f32 v0, $0.0e+00  }
0x12b: {  	[tilespmem:s12+$0xC0] =	vst v0;
	v0 =	vld [tilespmem:s12+$0xD0]  }
0x12c: {  	v1 =	vld [tilespmem:s9+$0xD0];
	_ =	sdelay $0x4  }
0x12d: {  	v0 =	vadd.f32 v1, v0;
	_ =	sdelay $0x1  }
0x12e: {  	v0 =	vmax.f32 v0, $0.0e+00  }
0x12f: {  	[tilespmem:s12+$0xD0] =	vst v0;
	v0 =	vld [tilespmem:s12+$0xE0]  }
0x130: {  	v1 =	vld [tilespmem:s9+$0xE0];
	_ =	sdelay $0x4  }
0x131: {  	v0 =	vadd.f32 v1, v0;
	_ =	sdelay $0x1  }
0x132: {  	v0 =	vmax.f32 v0, $0.0e+00  }
0x133: {  	[tilespmem:s12+$0xE0] =	vst v0;
	v0 =	vld [tilespmem:s12+$0xF0]  }
0x134: {  	v1 =	vld [tilespmem:s9+$0xF0];
	_ =	sdelay $0x2  }
.Ltmp0:
0x135: {  	(pc) =	sbr.rel @p0 .LBB2_3-.Ltmp0, $3  }
0x136: {  	_ = 	snop  }
0x137: {  	v0 =	vadd.f32 v1, v0;
	_ =	sdelay $0x1  }
0x138: {  	s12 =	sadd.s32 $0x200, s12;
	v0 =	vmax.f32 v0, $0.0e+00  }
0x139: {  	[tilespmem:s20+$0xF0] =	vst v0;
	p0 =	seq.s32 s0, $0x4F  }
0x13a: {  	[spmem:s3] =	stream.indirect.scatter.add.f32 [tilespmem:s19], [sflag:$0x7], $0x80, s21, s18, $0xb8;
	[tilespmem:$0x1E480] =	vst v63  }
0x13b: {  	s9 =	sadd.s32 @!p0 $0x2, s10  }
0x13c: {  	_ =	swait.ge [sflag:s15], $0x2000;
	s10 =	sshll.u32 @!p0 s9, $0x6;
	s9 =	sshll.u32 @!p0 s9, $0xD  }
0x13d: {  	s11 =	simm.s32 @!p0 $0x40;
	[sflag:s15] =	ssyncset.done $0x0;
	s9 =	sadd.s32 @!p0 s8, s9  }
0x13e: {  	s12 =	simm.s32 @!p0 $0x2880;
	[sflag:s15] =	ssyncadd.s32 $0xFFFFE000;
	s9 =	sshrl.u32 @!p0 s9, $0x3  }
0x13f: {  	[tilespmem:s12], [sflag:$0x1] =	stream.indirect.gather @!p0 [hbm4b:s1+s11], $0x80, s10, s11, $0xb8;
	[tilespmem:$0x1E480] =	vst v63  }
0x140: {  	s9 =	sadd.s32 @!p0 s7, s9;
	s11 =	simm.s32 @!p0 $0x0;
	s12 =	simm.s32 @!p0 $0x6880  }
0x141: {  	[tilespmem:s12], [sflag:$0x3] =	stream.linear.gather @!p0 [hbm4b:s9+s11], $0x2000, $0x38;
	[tilespmem:$0x1E480] =	vst v63  }
0x142: {  	s9 =	sadd.s32 @!p0 s5, s10  }
0x143: {  	s9 =	sshrl.u32 @!p0 s9, $0x3  }
0x144: {  	s10 =	simm.s32 @!p0 $0x2800;
	s9 =	sadd.s32 @!p0 s6, s9  }
0x145: {  	[tilespmem:s10], [sflag:$0x5] =	stream.linear.gather @!p0 [hbm4b:s9+s11], $0x40, $0x38;
	[tilespmem:$0x1E480] =	vst v63  }
0x146: {  	_ =	swait.ge [sflag:s29], $0x2000  }
0x147: {  	[sflag:s29] =	ssyncset.done $0x0  }
0x148: {  	[sflag:s29] =	ssyncadd.s32 $0xFFFFE000  }
0x149: {  	_ =	swait.ge [sflag:s30], $0x2000  }
0x14a: {  	[sflag:s30] =	ssyncset.done $0x0  }
0x14b: {  	[sflag:s30] =	ssyncadd.s32 $0xFFFFE000  }
0x14c: {  	_ =	swait.ge [sflag:s31], $0x40  }
0x14d: {  	[sflag:s31] =	ssyncset.done $0x0  }
0x14e: {  	s20 =	simm.s32 $0x4980;
	[sflag:s31] =	ssyncadd.s32 $0xFFFFFFC0  }
0x14f: {  	s9 =	simm.s32 $0x8980;
	v0 =	vld [tilespmem:s20+$0xFFFFFF00]  }
0x150: {  	v1 =	vld [tilespmem:s9+$0xFFFFFF00];
	_ =	sdelay $0x4  }
0x151: {  	v0 =	vadd.f32 v1, v0;
	_ =	sdelay $0x1  }
0x152: {  	v0 =	vmax.f32 v0, $0.0e+00  }
0x153: {  	[tilespmem:s20+$0xFFFFFF00] =	vst v0;
	v0 =	vld [tilespmem:s20+$0xFFFFFF10]  }
0x154: {  	v1 =	vld [tilespmem:s9+$0xFFFFFF10];
	_ =	sdelay $0x4  }
0x155: {  	v0 =	vadd.f32 v1, v0;
	_ =	sdelay $0x1  }
0x156: {  	v0 =	vmax.f32 v0, $0.0e+00  }
0x157: {  	[tilespmem:s20+$0xFFFFFF10] =	vst v0;
	v0 =	vld [tilespmem:s20+$0xFFFFFF20]  }
0x158: {  	v1 =	vld [tilespmem:s9+$0xFFFFFF20];
	_ =	sdelay $0x4  }
0x159: {  	v0 =	vadd.f32 v1, v0;
	_ =	sdelay $0x1  }
0x15a: {  	v0 =	vmax.f32 v0, $0.0e+00  }
0x15b: {  	[tilespmem:s20+$0xFFFFFF20] =	vst v0;
	v0 =	vld [tilespmem:s20+$0xFFFFFF30]  }
0x15c: {  	v1 =	vld [tilespmem:s9+$0xFFFFFF30];
	_ =	sdelay $0x4  }
0x15d: {  	v0 =	vadd.f32 v1, v0;
	_ =	sdelay $0x1  }
0x15e: {  	v0 =	vmax.f32 v0, $0.0e+00  }
0x15f: {  	[tilespmem:s20+$0xFFFFFF30] =	vst v0;
	v0 =	vld [tilespmem:s20+$0xFFFFFF40]  }
0x160: {  	v1 =	vld [tilespmem:s9+$0xFFFFFF40];
	_ =	sdelay $0x4  }
0x161: {  	v0 =	vadd.f32 v1, v0;
	_ =	sdelay $0x1  }
0x162: {  	v0 =	vmax.f32 v0, $0.0e+00  }
0x163: {  	[tilespmem:s20+$0xFFFFFF40] =	vst v0;
	v0 =	vld [tilespmem:s20+$0xFFFFFF50]  }
0x164: {  	v1 =	vld [tilespmem:s9+$0xFFFFFF50];
	_ =	sdelay $0x4  }
0x165: {  	v0 =	vadd.f32 v1, v0;
	_ =	sdelay $0x1  }
0x166: {  	v0 =	vmax.f32 v0, $0.0e+00  }
0x167: {  	[tilespmem:s20+$0xFFFFFF50] =	vst v0;
	v0 =	vld [tilespmem:s20+$0xFFFFFF60]  }
0x168: {  	v1 =	vld [tilespmem:s9+$0xFFFFFF60];
	_ =	sdelay $0x4  }
0x169: {  	v0 =	vadd.f32 v1, v0;
	_ =	sdelay $0x1  }
0x16a: {  	v0 =	vmax.f32 v0, $0.0e+00  }
0x16b: {  	[tilespmem:s20+$0xFFFFFF60] =	vst v0;
	v0 =	vld [tilespmem:s20+$0xFFFFFF70]  }
0x16c: {  	v1 =	vld [tilespmem:s9+$0xFFFFFF70];
	_ =	sdelay $0x4  }
0x16d: {  	v0 =	vadd.f32 v1, v0;
	_ =	sdelay $0x1  }
0x16e: {  	v0 =	vmax.f32 v0, $0.0e+00  }
0x16f: {  	[tilespmem:s20+$0xFFFFFF70] =	vst v0;
	v0 =	vld [tilespmem:s20+$0xFFFFFF80]  }
0x170: {  	v1 =	vld [tilespmem:s9+$0xFFFFFF80];
	_ =	sdelay $0x4  }
0x171: {  	v0 =	vadd.f32 v1, v0;
	_ =	sdelay $0x1  }
0x172: {  	v0 =	vmax.f32 v0, $0.0e+00  }
0x173: {  	[tilespmem:s20+$0xFFFFFF80] =	vst v0;
	v0 =	vld [tilespmem:s20+$0xFFFFFF90]  }
0x174: {  	v1 =	vld [tilespmem:s9+$0xFFFFFF90];
	_ =	sdelay $0x4  }
0x175: {  	v0 =	vadd.f32 v1, v0;
	_ =	sdelay $0x1  }
0x176: {  	v0 =	vmax.f32 v0, $0.0e+00  }
0x177: {  	[tilespmem:s20+$0xFFFFFF90] =	vst v0;
	v0 =	vld [tilespmem:s20+$0xFFFFFFA0]  }
0x178: {  	v1 =	vld [tilespmem:s9+$0xFFFFFFA0];
	_ =	sdelay $0x4  }
0x179: {  	v0 =	vadd.f32 v1, v0;
	_ =	sdelay $0x1  }
0x17a: {  	v0 =	vmax.f32 v0, $0.0e+00  }
0x17b: {  	[tilespmem:s20+$0xFFFFFFA0] =	vst v0;
	v0 =	vld [tilespmem:s20+$0xFFFFFFB0]  }
0x17c: {  	v1 =	vld [tilespmem:s9+$0xFFFFFFB0];
	_ =	sdelay $0x4  }
0x17d: {  	v0 =	vadd.f32 v1, v0;
	_ =	sdelay $0x1  }
0x17e: {  	v0 =	vmax.f32 v0, $0.0e+00  }
0x17f: {  	[tilespmem:s20+$0xFFFFFFB0] =	vst v0;
	v0 =	vld [tilespmem:s20+$0xFFFFFFC0]  }
0x180: {  	v1 =	vld [tilespmem:s9+$0xFFFFFFC0];
	_ =	sdelay $0x4  }
0x181: {  	v0 =	vadd.f32 v1, v0;
	_ =	sdelay $0x1  }
0x182: {  	v0 =	vmax.f32 v0, $0.0e+00  }
0x183: {  	[tilespmem:s20+$0xFFFFFFC0] =	vst v0;
	v0 =	vld [tilespmem:s20+$0xFFFFFFD0]  }
0x184: {  	v1 =	vld [tilespmem:s9+$0xFFFFFFD0];
	_ =	sdelay $0x4  }
0x185: {  	v0 =	vadd.f32 v1, v0;
	_ =	sdelay $0x1  }
0x186: {  	v0 =	vmax.f32 v0, $0.0e+00  }
0x187: {  	[tilespmem:s20+$0xFFFFFFD0] =	vst v0;
	v0 =	vld [tilespmem:s20+$0xFFFFFFE0]  }
0x188: {  	v1 =	vld [tilespmem:s9+$0xFFFFFFE0];
	_ =	sdelay $0x4  }
0x189: {  	v0 =	vadd.f32 v1, v0;
	_ =	sdelay $0x1  }
0x18a: {  	v0 =	vmax.f32 v0, $0.0e+00  }
0x18b: {  	[tilespmem:s20+$0xFFFFFFE0] =	vst v0;
	v0 =	vld [tilespmem:s20+$0xFFFFFFF0]  }
0x18c: {  	v1 =	vld [tilespmem:s9+$0xFFFFFFF0];
	_ =	sdelay $0x4  }
0x18d: {  	v0 =	vadd.f32 v1, v0;
	_ =	sdelay $0x1  }
0x18e: {  	v0 =	vmax.f32 v0, $0.0e+00  }
0x18f: {  	[tilespmem:s20+$0xFFFFFFF0] =	vst v0;
	v0 =	vld [tilespmem:s20+$0x0]  }
0x190: {  	v1 =	vld [tilespmem:s9+$0x0];
	_ =	sdelay $0x4  }
0x191: {  	v0 =	vadd.f32 v1, v0;
	_ =	sdelay $0x1  }
0x192: {  	v0 =	vmax.f32 v0, $0.0e+00  }
0x193: {  	[tilespmem:s20+$0x0] =	vst v0;
	v0 =	vld [tilespmem:s20+$0x10]  }
0x194: {  	v1 =	vld [tilespmem:s9+$0x10];
	_ =	sdelay $0x4  }
0x195: {  	v0 =	vadd.f32 v1, v0;
	_ =	sdelay $0x1  }
0x196: {  	v0 =	vmax.f32 v0, $0.0e+00  }
0x197: {  	[tilespmem:s20+$0x10] =	vst v0;
	v0 =	vld [tilespmem:s20+$0x20]  }
0x198: {  	v1 =	vld [tilespmem:s9+$0x20];
	_ =	sdelay $0x4  }
0x199: {  	v0 =	vadd.f32 v1, v0;
	_ =	sdelay $0x1  }
0x19a: {  	v0 =	vmax.f32 v0, $0.0e+00  }
0x19b: {  	[tilespmem:s20+$0x20] =	vst v0;
	v0 =	vld [tilespmem:s20+$0x30]  }
0x19c: {  	v1 =	vld [tilespmem:s9+$0x30];
	_ =	sdelay $0x4  }
0x19d: {  	v0 =	vadd.f32 v1, v0;
	_ =	sdelay $0x1  }
0x19e: {  	v0 =	vmax.f32 v0, $0.0e+00  }
0x19f: {  	[tilespmem:s20+$0x30] =	vst v0;
	v0 =	vld [tilespmem:s20+$0x40]  }
0x1a0: {  	v1 =	vld [tilespmem:s9+$0x40];
	_ =	sdelay $0x4  }
0x1a1: {  	v0 =	vadd.f32 v1, v0;
	_ =	sdelay $0x1  }
0x1a2: {  	v0 =	vmax.f32 v0, $0.0e+00  }
0x1a3: {  	[tilespmem:s20+$0x40] =	vst v0;
	v0 =	vld [tilespmem:s20+$0x50]  }
0x1a4: {  	v1 =	vld [tilespmem:s9+$0x50];
	_ =	sdelay $0x4  }
0x1a5: {  	v0 =	vadd.f32 v1, v0;
	_ =	sdelay $0x1  }
0x1a6: {  	v0 =	vmax.f32 v0, $0.0e+00  }
0x1a7: {  	[tilespmem:s20+$0x50] =	vst v0;
	v0 =	vld [tilespmem:s20+$0x60]  }
0x1a8: {  	v1 =	vld [tilespmem:s9+$0x60];
	_ =	sdelay $0x4  }
0x1a9: {  	v0 =	vadd.f32 v1, v0;
	_ =	sdelay $0x1  }
0x1aa: {  	v0 =	vmax.f32 v0, $0.0e+00  }
0x1ab: {  	[tilespmem:s20+$0x60] =	vst v0;
	v0 =	vld [tilespmem:s20+$0x70]  }
0x1ac: {  	v1 =	vld [tilespmem:s9+$0x70];
	_ =	sdelay $0x4  }
0x1ad: {  	v0 =	vadd.f32 v1, v0;
	_ =	sdelay $0x1  }
0x1ae: {  	v0 =	vmax.f32 v0, $0.0e+00  }
0x1af: {  	[tilespmem:s20+$0x70] =	vst v0;
	v0 =	vld [tilespmem:s20+$0x80]  }
0x1b0: {  	v1 =	vld [tilespmem:s9+$0x80];
	_ =	sdelay $0x4  }
0x1b1: {  	v0 =	vadd.f32 v1, v0;
	_ =	sdelay $0x1  }
0x1b2: {  	v0 =	vmax.f32 v0, $0.0e+00  }
0x1b3: {  	[tilespmem:s20+$0x80] =	vst v0;
	v0 =	vld [tilespmem:s20+$0x90]  }
0x1b4: {  	v1 =	vld [tilespmem:s9+$0x90];
	_ =	sdelay $0x4  }
0x1b5: {  	v0 =	vadd.f32 v1, v0;
	_ =	sdelay $0x1  }
0x1b6: {  	v0 =	vmax.f32 v0, $0.0e+00  }
0x1b7: {  	[tilespmem:s20+$0x90] =	vst v0;
	v0 =	vld [tilespmem:s20+$0xA0]  }
0x1b8: {  	v1 =	vld [tilespmem:s9+$0xA0];
	_ =	sdelay $0x4  }
0x1b9: {  	v0 =	vadd.f32 v1, v0;
	_ =	sdelay $0x1  }
0x1ba: {  	v0 =	vmax.f32 v0, $0.0e+00  }
0x1bb: {  	[tilespmem:s20+$0xA0] =	vst v0;
	v0 =	vld [tilespmem:s20+$0xB0]  }
0x1bc: {  	v1 =	vld [tilespmem:s9+$0xB0];
	_ =	sdelay $0x4  }
0x1bd: {  	v0 =	vadd.f32 v1, v0;
	_ =	sdelay $0x1  }
0x1be: {  	v0 =	vmax.f32 v0, $0.0e+00  }
0x1bf: {  	[tilespmem:s20+$0xB0] =	vst v0;
	v0 =	vld [tilespmem:s20+$0xC0]  }
0x1c0: {  	v1 =	vld [tilespmem:s9+$0xC0];
	_ =	sdelay $0x4  }
0x1c1: {  	v0 =	vadd.f32 v1, v0;
	_ =	sdelay $0x1  }
0x1c2: {  	v0 =	vmax.f32 v0, $0.0e+00  }
0x1c3: {  	[tilespmem:s20+$0xC0] =	vst v0;
	v0 =	vld [tilespmem:s20+$0xD0]  }
0x1c4: {  	v1 =	vld [tilespmem:s9+$0xD0];
	_ =	sdelay $0x4  }
0x1c5: {  	v0 =	vadd.f32 v1, v0;
	_ =	sdelay $0x1  }
0x1c6: {  	v0 =	vmax.f32 v0, $0.0e+00  }
0x1c7: {  	[tilespmem:s20+$0xD0] =	vst v0;
	v0 =	vld [tilespmem:s20+$0xE0]  }
0x1c8: {  	v1 =	vld [tilespmem:s9+$0xE0];
	_ =	sdelay $0x4  }
0x1c9: {  	v0 =	vadd.f32 v1, v0;
	_ =	sdelay $0x1  }
0x1ca: {  	v0 =	vmax.f32 v0, $0.0e+00  }
0x1cb: {  	[tilespmem:s20+$0xE0] =	vst v0;
	v0 =	vld [tilespmem:s20+$0xF0]  }
0x1cc: {  	v1 =	vld [tilespmem:s9+$0xF0];
	_ =	sdelay $0x4  }
0x1cd: {  	v0 =	vadd.f32 v1, v0;
	_ =	sdelay $0x1  }
0x1ce: {  	s0 =	sadd.s32 $0x1, s0;
	s10 =	simm.s32 $0x0;
	s11 =	simm.s32 $0x4B80;
	v0 =	vmax.f32 v0, $0.0e+00  }
.LBB2_5:
0x1cf: {  	v1 =	vld [tilespmem:s11+$0xFFFFFF00];
	[tilespmem:s20+$0xF0] =	vst v0;
	s9 =	sadd.s32 $0x200, s9;
	s20 =	smov.u32 s11  }
0x1d0: {  	s10 =	sadd.s32 $0x4, s10;
	v0 =	vld [tilespmem:s9+$0xFFFFFF00]  }
0x1d1: {  	p0 =	slt.u32 s10, $0x3C;
	_ =	sdelay $0x3  }
0x1d2: {  	v0 =	vadd.f32 v0, v1;
	_ =	sdelay $0x1  }
0x1d3: {  	v0 =	vmax.f32 v0, $0.0e+00  }
0x1d4: {  	[tilespmem:s11+$0xFFFFFF00] =	vst v0;
	v0 =	vld [tilespmem:s11+$0xFFFFFF10]  }
0x1d5: {  	v1 =	vld [tilespmem:s9+$0xFFFFFF10];
	_ =	sdelay $0x4  }
0x1d6: {  	v0 =	vadd.f32 v1, v0;
	_ =	sdelay $0x1  }
0x1d7: {  	v0 =	vmax.f32 v0, $0.0e+00  }
0x1d8: {  	[tilespmem:s11+$0xFFFFFF10] =	vst v0;
	v0 =	vld [tilespmem:s11+$0xFFFFFF20]  }
0x1d9: {  	v1 =	vld [tilespmem:s9+$0xFFFFFF20];
	_ =	sdelay $0x4  }
0x1da: {  	v0 =	vadd.f32 v1, v0;
	_ =	sdelay $0x1  }
0x1db: {  	v0 =	vmax.f32 v0, $0.0e+00  }
0x1dc: {  	[tilespmem:s11+$0xFFFFFF20] =	vst v0;
	v0 =	vld [tilespmem:s11+$0xFFFFFF30]  }
0x1dd: {  	v1 =	vld [tilespmem:s9+$0xFFFFFF30];
	_ =	sdelay $0x4  }
0x1de: {  	v0 =	vadd.f32 v1, v0;
	_ =	sdelay $0x1  }
0x1df: {  	v0 =	vmax.f32 v0, $0.0e+00  }
0x1e0: {  	[tilespmem:s11+$0xFFFFFF30] =	vst v0;
	v0 =	vld [tilespmem:s11+$0xFFFFFF40]  }
0x1e1: {  	v1 =	vld [tilespmem:s9+$0xFFFFFF40];
	_ =	sdelay $0x4  }
0x1e2: {  	v0 =	vadd.f32 v1, v0;
	_ =	sdelay $0x1  }
0x1e3: {  	v0 =	vmax.f32 v0, $0.0e+00  }
0x1e4: {  	[tilespmem:s11+$0xFFFFFF40] =	vst v0;
	v0 =	vld [tilespmem:s11+$0xFFFFFF50]  }
0x1e5: {  	v1 =	vld [tilespmem:s9+$0xFFFFFF50];
	_ =	sdelay $0x4  }
0x1e6: {  	v0 =	vadd.f32 v1, v0;
	_ =	sdelay $0x1  }
0x1e7: {  	v0 =	vmax.f32 v0, $0.0e+00  }
0x1e8: {  	[tilespmem:s11+$0xFFFFFF50] =	vst v0;
	v0 =	vld [tilespmem:s11+$0xFFFFFF60]  }
0x1e9: {  	v1 =	vld [tilespmem:s9+$0xFFFFFF60];
	_ =	sdelay $0x4  }
0x1ea: {  	v0 =	vadd.f32 v1, v0;
	_ =	sdelay $0x1  }
0x1eb: {  	v0 =	vmax.f32 v0, $0.0e+00  }
0x1ec: {  	[tilespmem:s11+$0xFFFFFF60] =	vst v0;
	v0 =	vld [tilespmem:s11+$0xFFFFFF70]  }
0x1ed: {  	v1 =	vld [tilespmem:s9+$0xFFFFFF70];
	_ =	sdelay $0x4  }
0x1ee: {  	v0 =	vadd.f32 v1, v0;
	_ =	sdelay $0x1  }
0x1ef: {  	v0 =	vmax.f32 v0, $0.0e+00  }
0x1f0: {  	[tilespmem:s11+$0xFFFFFF70] =	vst v0;
	v0 =	vld [tilespmem:s11+$0xFFFFFF80]  }
0x1f1: {  	v1 =	vld [tilespmem:s9+$0xFFFFFF80];
	_ =	sdelay $0x4  }
0x1f2: {  	v0 =	vadd.f32 v1, v0;
	_ =	sdelay $0x1  }
0x1f3: {  	v0 =	vmax.f32 v0, $0.0e+00  }
0x1f4: {  	[tilespmem:s11+$0xFFFFFF80] =	vst v0;
	v0 =	vld [tilespmem:s11+$0xFFFFFF90]  }
0x1f5: {  	v1 =	vld [tilespmem:s9+$0xFFFFFF90];
	_ =	sdelay $0x4  }
0x1f6: {  	v0 =	vadd.f32 v1, v0;
	_ =	sdelay $0x1  }
0x1f7: {  	v0 =	vmax.f32 v0, $0.0e+00  }
0x1f8: {  	[tilespmem:s11+$0xFFFFFF90] =	vst v0;
	v0 =	vld [tilespmem:s11+$0xFFFFFFA0]  }
0x1f9: {  	v1 =	vld [tilespmem:s9+$0xFFFFFFA0];
	_ =	sdelay $0x4  }
0x1fa: {  	v0 =	vadd.f32 v1, v0;
	_ =	sdelay $0x1  }
0x1fb: {  	v0 =	vmax.f32 v0, $0.0e+00  }
0x1fc: {  	[tilespmem:s11+$0xFFFFFFA0] =	vst v0;
	v0 =	vld [tilespmem:s11+$0xFFFFFFB0]  }
0x1fd: {  	v1 =	vld [tilespmem:s9+$0xFFFFFFB0];
	_ =	sdelay $0x4  }
0x1fe: {  	v0 =	vadd.f32 v1, v0;
	_ =	sdelay $0x1  }
0x1ff: {  	v0 =	vmax.f32 v0, $0.0e+00  }
0x200: {  	[tilespmem:s11+$0xFFFFFFB0] =	vst v0;
	v0 =	vld [tilespmem:s11+$0xFFFFFFC0]  }
0x201: {  	v1 =	vld [tilespmem:s9+$0xFFFFFFC0];
	_ =	sdelay $0x4  }
0x202: {  	v0 =	vadd.f32 v1, v0;
	_ =	sdelay $0x1  }
0x203: {  	v0 =	vmax.f32 v0, $0.0e+00  }
0x204: {  	[tilespmem:s11+$0xFFFFFFC0] =	vst v0;
	v0 =	vld [tilespmem:s11+$0xFFFFFFD0]  }
0x205: {  	v1 =	vld [tilespmem:s9+$0xFFFFFFD0];
	_ =	sdelay $0x4  }
0x206: {  	v0 =	vadd.f32 v1, v0;
	_ =	sdelay $0x1  }
0x207: {  	v0 =	vmax.f32 v0, $0.0e+00  }
0x208: {  	[tilespmem:s11+$0xFFFFFFD0] =	vst v0;
	v0 =	vld [tilespmem:s11+$0xFFFFFFE0]  }
0x209: {  	v1 =	vld [tilespmem:s9+$0xFFFFFFE0];
	_ =	sdelay $0x4  }
0x20a: {  	v0 =	vadd.f32 v1, v0;
	_ =	sdelay $0x1  }
0x20b: {  	v0 =	vmax.f32 v0, $0.0e+00  }
0x20c: {  	[tilespmem:s11+$0xFFFFFFE0] =	vst v0;
	v0 =	vld [tilespmem:s11+$0xFFFFFFF0]  }
0x20d: {  	v1 =	vld [tilespmem:s9+$0xFFFFFFF0];
	_ =	sdelay $0x4  }
0x20e: {  	v0 =	vadd.f32 v1, v0;
	_ =	sdelay $0x1  }
0x20f: {  	v0 =	vmax.f32 v0, $0.0e+00  }
0x210: {  	[tilespmem:s11+$0xFFFFFFF0] =	vst v0;
	v0 =	vld [tilespmem:s11+$0x0]  }
0x211: {  	v1 =	vld [tilespmem:s9+$0x0];
	_ =	sdelay $0x4  }
0x212: {  	v0 =	vadd.f32 v1, v0;
	_ =	sdelay $0x1  }
0x213: {  	v0 =	vmax.f32 v0, $0.0e+00  }
0x214: {  	[tilespmem:s11+$0x0] =	vst v0;
	v0 =	vld [tilespmem:s11+$0x10]  }
0x215: {  	v1 =	vld [tilespmem:s9+$0x10];
	_ =	sdelay $0x4  }
0x216: {  	v0 =	vadd.f32 v1, v0;
	_ =	sdelay $0x1  }
0x217: {  	v0 =	vmax.f32 v0, $0.0e+00  }
0x218: {  	[tilespmem:s11+$0x10] =	vst v0;
	v0 =	vld [tilespmem:s11+$0x20]  }
0x219: {  	v1 =	vld [tilespmem:s9+$0x20];
	_ =	sdelay $0x4  }
0x21a: {  	v0 =	vadd.f32 v1, v0;
	_ =	sdelay $0x1  }
0x21b: {  	v0 =	vmax.f32 v0, $0.0e+00  }
0x21c: {  	[tilespmem:s11+$0x20] =	vst v0;
	v0 =	vld [tilespmem:s11+$0x30]  }
0x21d: {  	v1 =	vld [tilespmem:s9+$0x30];
	_ =	sdelay $0x4  }
0x21e: {  	v0 =	vadd.f32 v1, v0;
	_ =	sdelay $0x1  }
0x21f: {  	v0 =	vmax.f32 v0, $0.0e+00  }
0x220: {  	[tilespmem:s11+$0x30] =	vst v0;
	v0 =	vld [tilespmem:s11+$0x40]  }
0x221: {  	v1 =	vld [tilespmem:s9+$0x40];
	_ =	sdelay $0x4  }
0x222: {  	v0 =	vadd.f32 v1, v0;
	_ =	sdelay $0x1  }
0x223: {  	v0 =	vmax.f32 v0, $0.0e+00  }
0x224: {  	[tilespmem:s11+$0x40] =	vst v0;
	v0 =	vld [tilespmem:s11+$0x50]  }
0x225: {  	v1 =	vld [tilespmem:s9+$0x50];
	_ =	sdelay $0x4  }
0x226: {  	v0 =	vadd.f32 v1, v0;
	_ =	sdelay $0x1  }
0x227: {  	v0 =	vmax.f32 v0, $0.0e+00  }
0x228: {  	[tilespmem:s11+$0x50] =	vst v0;
	v0 =	vld [tilespmem:s11+$0x60]  }
0x229: {  	v1 =	vld [tilespmem:s9+$0x60];
	_ =	sdelay $0x4  }
0x22a: {  	v0 =	vadd.f32 v1, v0;
	_ =	sdelay $0x1  }
0x22b: {  	v0 =	vmax.f32 v0, $0.0e+00  }
0x22c: {  	[tilespmem:s11+$0x60] =	vst v0;
	v0 =	vld [tilespmem:s11+$0x70]  }
0x22d: {  	v1 =	vld [tilespmem:s9+$0x70];
	_ =	sdelay $0x4  }
0x22e: {  	v0 =	vadd.f32 v1, v0;
	_ =	sdelay $0x1  }
0x22f: {  	v0 =	vmax.f32 v0, $0.0e+00  }
0x230: {  	[tilespmem:s11+$0x70] =	vst v0;
	v0 =	vld [tilespmem:s11+$0x80]  }
0x231: {  	v1 =	vld [tilespmem:s9+$0x80];
	_ =	sdelay $0x4  }
0x232: {  	v0 =	vadd.f32 v1, v0;
	_ =	sdelay $0x1  }
0x233: {  	v0 =	vmax.f32 v0, $0.0e+00  }
0x234: {  	[tilespmem:s11+$0x80] =	vst v0;
	v0 =	vld [tilespmem:s11+$0x90]  }
0x235: {  	v1 =	vld [tilespmem:s9+$0x90];
	_ =	sdelay $0x4  }
0x236: {  	v0 =	vadd.f32 v1, v0;
	_ =	sdelay $0x1  }
0x237: {  	v0 =	vmax.f32 v0, $0.0e+00  }
0x238: {  	[tilespmem:s11+$0x90] =	vst v0;
	v0 =	vld [tilespmem:s11+$0xA0]  }
0x239: {  	v1 =	vld [tilespmem:s9+$0xA0];
	_ =	sdelay $0x4  }
0x23a: {  	v0 =	vadd.f32 v1, v0;
	_ =	sdelay $0x1  }
0x23b: {  	v0 =	vmax.f32 v0, $0.0e+00  }
0x23c: {  	[tilespmem:s11+$0xA0] =	vst v0;
	v0 =	vld [tilespmem:s11+$0xB0]  }
0x23d: {  	v1 =	vld [tilespmem:s9+$0xB0];
	_ =	sdelay $0x4  }
0x23e: {  	v0 =	vadd.f32 v1, v0;
	_ =	sdelay $0x1  }
0x23f: {  	v0 =	vmax.f32 v0, $0.0e+00  }
0x240: {  	[tilespmem:s11+$0xB0] =	vst v0;
	v0 =	vld [tilespmem:s11+$0xC0]  }
0x241: {  	v1 =	vld [tilespmem:s9+$0xC0];
	_ =	sdelay $0x4  }
0x242: {  	v0 =	vadd.f32 v1, v0;
	_ =	sdelay $0x1  }
0x243: {  	v0 =	vmax.f32 v0, $0.0e+00  }
0x244: {  	[tilespmem:s11+$0xC0] =	vst v0;
	v0 =	vld [tilespmem:s11+$0xD0]  }
0x245: {  	v1 =	vld [tilespmem:s9+$0xD0];
	_ =	sdelay $0x4  }
0x246: {  	v0 =	vadd.f32 v1, v0;
	_ =	sdelay $0x1  }
0x247: {  	v0 =	vmax.f32 v0, $0.0e+00  }
0x248: {  	[tilespmem:s11+$0xD0] =	vst v0;
	v0 =	vld [tilespmem:s11+$0xE0]  }
0x249: {  	v1 =	vld [tilespmem:s9+$0xE0];
	_ =	sdelay $0x4  }
0x24a: {  	v0 =	vadd.f32 v1, v0;
	_ =	sdelay $0x1  }
0x24b: {  	v0 =	vmax.f32 v0, $0.0e+00  }
0x24c: {  	[tilespmem:s11+$0xE0] =	vst v0;
	v0 =	vld [tilespmem:s11+$0xF0]  }
0x24d: {  	v1 =	vld [tilespmem:s9+$0xF0];
	_ =	sdelay $0x2  }
.Ltmp1:
0x24e: {  	(pc) =	sbr.rel @p0 .LBB2_5-.Ltmp1, $3  }
0x24f: {  	_ = 	snop  }
0x250: {  	v0 =	vadd.f32 v1, v0;
	_ =	sdelay $0x1  }
0x251: {  	s11 =	sadd.s32 $0x200, s11;
	v0 =	vmax.f32 v0, $0.0e+00  }
0x252: {  	p0 =	sne.s32 s0, $0x50  }
.Ltmp2:
0x253: {  	[tilespmem:s20+$0xF0] =	vst v0;
	(pc) =	sbr.rel @p0 .LBB2_2-.Ltmp2, $4  }
0x254: {  	[spmem:s3] =	stream.indirect.scatter.add.f32 [tilespmem:s22], [sflag:$0x7], $0x80, s24, s18, $0xb8;
	[tilespmem:$0x1E480] =	vst v63  }
0x255: {  	_ =	swait.ge [sflag:s15], $0x2000  }
0x256: {  	[sflag:s15] =	ssyncset.done $0x0  }
0x257: {  	[sflag:s15] =	ssyncadd.s32 $0xFFFFE000  }
0x258: {  	s2 =	sadd.s32 $0x1, s2  }
0x259: {  	p0 =	sne.s32 s2, s14  }
.Ltmp3:
0x25a: {  	[bflag:$0x0] =	sbarrier.arrive $0xFFFF;
	(pc) =	sbr.rel @p0 .LBB2_1-.Ltmp3, $4  }
0x25b: {  	[hbm:s13], [sflag:s16] =	dma.local [spmem:s17], $0x2780  }
0x25c: {  	_ =	swait.ge [sflag:s15], $0x2780  }
0x25d: {  	[sflag:s15] =	ssyncset.done $0x0  }
0x25e: {  	[sflag:s15] =	ssyncadd.s32 $0xFFFFD880  }
0x25f: {  	_ =	sfence.sel $0x180000  }
0x260: {  	[bflag:$0x0] =	sbarrier.arrive $0xFFFF  }
0x261: {  	_ =	strace $0x90000047  }
0x262: {  	s0 =	stileid.u32;
	[bflag:$0x2] =	sbarrier.arrive $0xFFFF  }
0x263: {  	p0 =	sne.s32 s0, $0x0;
	s0 =	rddreg [dreg:$0x3]  }
0x264: {  	s0 =	sadd.s32 @!p0 $0x100000, s0  }
0x265: {  	[sflag:s0] =	ssyncadd.tile.s32 @!p0 $0x1;
	_ =	shalt  }
.Lfunc_end2:
_tile_overlayer_lowered:
.L_overlay_start_2:
0x266: {  	(tag) =	ssettag $0x2  }
0x267: {  	s0 =	rddreg [dreg:$0x0];
	s2 =	stileid.u32  }
0x268: {  	s1 =	rddreg [dreg:$0x1];
	p0 =	sne.s32 s2, $0x0  }
0x269: {  	s3 =	rddreg [dreg:$0x2];
	[bflag:$0x3] =	sbarrier.arrive $0xFFFF;
	s2 =	simm.s32 @!p0 $0x1C07  }
0x26a: {  	[timem:s3], [sflag:s2] =	dma.local @!p0 [hbm:s0], s1  }
0x26b: {  	s0 =	simm.s32 @!p0 $0x7  }
0x26c: {  	_ =	swait.ge @!p0 [sflag:s0], s1  }
0x26d: {  	s1 =	ssub.s32 @!p0 $0x0, s1;
	[sflag:s0] =	ssyncset.done @!p0 $0x0  }
0x26e: {  	[sflag:s0] =	ssyncadd.s32 @!p0 s1  }
0x26f: {  	[bflag:$0x3] =	sbarrier.arrive $0xFFFF  }
0x270: {  	_ =	shalt  }

</sc_bundles>
